<compile_context>
chip_gen: v7x
topology: tpu7x:2x2x1
jax: 0.10.2.dev20260603
libtpu: 0.0.44.dev20260713+nightly
codegen_flags: <defaults>
</compile_context>

<pallas_src>
import functools

import jax
import jax.numpy as jnp
from jax import lax
from jax.experimental import pallas as pl
from jax.experimental.pallas import tpu as pltpu
from jax.experimental.pallas import tpu_sc as plsc

DIM = 128
CAND = 50
CPAD = 64
NC, NS = 2, 16
NW = NC * NS
L = 16
NKK = DIM // L
CH = 32
JU = 5


def _trig_body(t_ref, c_ref, s_ref):
    v = t_ref[...]
    c_ref[...] = jnp.cos(v)
    s_ref[...] = jnp.sin(v)


def _time_trig(emb_time8):
    return pl.pallas_call(
        _trig_body,
        out_shape=(
            jax.ShapeDtypeStruct((8, DIM), jnp.float32),
            jax.ShapeDtypeStruct((8, DIM), jnp.float32),
        ),
    )(emb_time8)


def _sc_score(ct8, st8, h_idx, r_idx, d_idx, t_idx,
              emb_er, emb_ei, emb_rr, emb_ri):
    batch = h_idx.shape[0]
    rows = batch // NW
    mesh = plsc.VectorSubcoreMesh(core_axis_name="c", subcore_axis_name="s")

    @functools.partial(
        pl.kernel,
        out_type=jax.ShapeDtypeStruct((batch, CPAD + L), jnp.float32),
        mesh=mesh,
        scratch_types=[
            pltpu.VMEM((8, DIM), jnp.float32),
            pltpu.VMEM((8, DIM), jnp.float32),
            pltpu.VMEM((rows,), jnp.int32),
            pltpu.VMEM((rows,), jnp.int32),
            pltpu.VMEM((rows, L), jnp.int32),
            pltpu.VMEM((rows, CAND), jnp.int32),
            pltpu.VMEM((CH, DIM), jnp.float32),
            pltpu.VMEM((CH, DIM), jnp.float32),
            pltpu.VMEM((CH, DIM), jnp.float32),
            pltpu.VMEM((CH, DIM), jnp.float32),
            pltpu.VMEM((CAND, DIM), jnp.float32),
            pltpu.VMEM((CAND, DIM), jnp.float32),
            pltpu.VMEM((CAND, DIM), jnp.float32),
            pltpu.VMEM((CAND, DIM), jnp.float32),
            pltpu.VMEM((rows, CPAD + L), jnp.float32),
            pltpu.VMEM((DIM,), jnp.float32),
            pltpu.VMEM((DIM,), jnp.float32),
            pltpu.VMEM((DIM,), jnp.float32),
            pltpu.VMEM((DIM,), jnp.float32),
            pltpu.VMEM((JU * 2 * L,), jnp.float32),
            pltpu.SemaphoreType.DMA,
            pltpu.SemaphoreType.DMA,
            pltpu.SemaphoreType.DMA,
            pltpu.SemaphoreType.DMA,
            pltpu.SemaphoreType.DMA,
        ],
    )
    def k(ct_h, st_h, hidx_h, ridx_h, didx_h, tidx_h, er_h, ei_h, rr_h, ri_h,
          out_h, ct_v, st_v, hidx_v, ridx_v, didx_v, tidx_v,
          her_v, hei_v, relr_v, reli_v, ter_a, tei_a, ter_b, tei_b,
          out_v, av_v, bv_v, cv_v, sv_v, fold_v,
          sem0, sem_ar, sem_ai, sem_br, sem_bi):
        wid = lax.axis_index("s") * NC + lax.axis_index("c")
        base = wid * rows

        pltpu.sync_copy(ct_h, ct_v)
        pltpu.sync_copy(st_h, st_v)
        pltpu.sync_copy(hidx_h.at[pl.ds(base, rows)], hidx_v)
        pltpu.sync_copy(ridx_h.at[pl.ds(base, rows)], ridx_v)
        pltpu.sync_copy(didx_h.at[pl.ds(base, rows)], didx_v)
        pltpu.sync_copy(tidx_h.at[pl.ds(base, rows)], tidx_v)

        lane = lax.iota(jnp.int32, L)
        for u in range(JU):
            fold_v[pl.ds(u * 2 * L + L, L)] = jnp.zeros((L,), jnp.float32)

        def start_tails(b, ter, tei, semr, semi):
            pltpu.async_copy(er_h.at[tidx_v.at[b]], ter, semr)
            pltpu.async_copy(ei_h.at[tidx_v.at[b]], tei, semi)

        def wait_tails(b, ter, tei, semr, semi):
            pltpu.make_async_copy(er_h.at[tidx_v.at[b]], ter, semr).wait()
            pltpu.make_async_copy(ei_h.at[tidx_v.at[b]], tei, semi).wait()

        def compute_row(b, bb, ter_v, tei_v):
            dvec = didx_v[b, :]
            m0 = dvec == 0
            m1 = dvec == 1
            for kk in range(NKK):
                sl = pl.ds(kk * L, L)
                cc = jnp.where(m0, ct_v[0, sl],
                               jnp.where(m1, ct_v[1, sl], ct_v[2, sl]))
                ss = jnp.where(m0, st_v[0, sl],
                               jnp.where(m1, st_v[1, sl], st_v[2, sl]))
                hr = her_v[bb, sl]
                hi = hei_v[bb, sl]
                av_v[sl] = hr * cc - hi * ss + relr_v[bb, sl]
                bv_v[sl] = hr * ss + hi * cc + reli_v[bb, sl]
                cv_v[sl] = cc
                sv_v[sl] = ss

            def jbody(jt, c):
                j0 = jt * JU
                accs = [None] * JU
                for kk in range(NKK):
                    sl = pl.ds(kk * L, L)
                    a = av_v[sl]
                    bb_ = bv_v[sl]
                    cc = cv_v[sl]
                    ss = sv_v[sl]
                    for u in range(JU):
                        j = j0 + u
                        tr = ter_v[j, sl]
                        ti = tei_v[j, sl]
                        t = (jnp.abs(a - (tr * cc - ti * ss))
                             + jnp.abs(bb_ + (tr * ss + ti * cc)))
                        accs[u] = t if kk == 0 else accs[u] + t
                for u in range(JU):
                    acc = accs[u]
                    fb = u * 2 * L
                    for sh in (8, 4, 2, 1):
                        fold_v[pl.ds(fb, L)] = acc
                        acc = acc + fold_v[pl.ds(fb + sh, L)]
                    accs[u] = acc
                for u in range(JU):
                    accz = jnp.where(lane == 0, accs[u], 0.0)
                    out_v[b, pl.ds(j0 + u, L)] = accz
                return c

            lax.fori_loop(0, CAND // JU, jbody, 0)

        start_tails(0, ter_a, tei_a, sem_ar, sem_ai)

        def chunk_body(ci, carry0):
            rb = ci * CH
            sl_rows = pl.ds(rb, CH)
            pltpu.async_copy(er_h.at[hidx_v.at[sl_rows]], her_v, sem0).wait()
            pltpu.async_copy(ei_h.at[hidx_v.at[sl_rows]], hei_v, sem0).wait()
            pltpu.async_copy(rr_h.at[ridx_v.at[sl_rows]], relr_v, sem0).wait()
            pltpu.async_copy(ri_h.at[ridx_v.at[sl_rows]], reli_v, sem0).wait()

            def pair_body(i, carry):
                b0 = rb + 2 * i
                start_tails(b0 + 1, ter_b, tei_b, sem_br, sem_bi)
                wait_tails(b0, ter_a, tei_a, sem_ar, sem_ai)
                compute_row(b0, 2 * i, ter_a, tei_a)
                bn = jnp.minimum(b0 + 2, rows - 1)
                start_tails(bn, ter_a, tei_a, sem_ar, sem_ai)
                wait_tails(b0 + 1, ter_b, tei_b, sem_br, sem_bi)
                compute_row(b0 + 1, 2 * i + 1, ter_b, tei_b)
                return carry

            lax.fori_loop(0, CH // 2, pair_body, 0)
            return carry0

        lax.fori_loop(0, rows // CH, chunk_body, 0)
        wait_tails(rows - 1, ter_a, tei_a, sem_ar, sem_ai)
        pltpu.sync_copy(out_v, out_h.at[pl.ds(base, rows)])

    return k(ct8, st8, h_idx, r_idx, d_idx, t_idx,
             emb_er, emb_ei, emb_rr, emb_ri)


def kernel(x, weight, neg_t, emb_E_real, emb_E_img, emb_R_real, emb_R_img,
           emb_Time):
    del weight
    h_idx = x[:, 0]
    r_idx = x[:, 1]
    d_idx = jnp.tile((x[:, 3] % 3)[:, None], (1, 16))
    t_idx = jnp.concatenate([x[:, 2:3], neg_t], axis=1)
    ct8, st8 = _time_trig(emb_Time[:8])
    out = _sc_score(ct8, st8, h_idx, r_idx, d_idx, t_idx,
                    emb_E_real, emb_E_img, emb_R_real, emb_R_img)
    return out[:, :CAND]

# --- scband reference (transcript-rebuilt; emitter-appended) ---
"""Pipeline reference for scband-te-ro-87084756893795 (READ-ONLY COPY).

The authoritative reference and input builder live on the scoring server;
editing this copy changes nothing except your own understanding.
"""

import jax, jax.numpy as jnp
import numpy as np

N_ENTITY = 100000
N_REL = 50000
N_TIME = 365
DIM = 128
B = 4096
NEG = 49


def setup_inputs(seed: int = 0) -> dict:
    key = jax.random.key(seed)
    ks = jax.random.split(key, 9)
    r = 6.0 / np.sqrt(DIM)
    x = jax.random.randint(ks[0], (B, 4), 0, 100000)
    weight = jax.random.uniform(ks[1], (B,), dtype=jnp.float32)
    neg_t = jax.random.randint(ks[2], (B, NEG), 0, N_ENTITY)
    emb_E_real = jax.random.uniform(ks[3], (N_ENTITY, DIM), minval=-r, maxval=r, dtype=jnp.float32)
    emb_E_img = jax.random.uniform(ks[4], (N_ENTITY, DIM), minval=-r, maxval=r, dtype=jnp.float32)
    emb_R_real = jax.random.uniform(ks[5], (2 * N_REL, DIM), minval=-r, maxval=r, dtype=jnp.float32)
    emb_R_img = jax.random.uniform(ks[6], (2 * N_REL, DIM), minval=-r, maxval=r, dtype=jnp.float32)
    emb_Time = jax.random.uniform(ks[7], (N_TIME, DIM), minval=-r, maxval=r, dtype=jnp.float32)
    return {"x": x, "weight": weight, "neg_t": neg_t,
            "emb_E_real": emb_E_real, "emb_E_img": emb_E_img,
            "emb_R_real": emb_R_real, "emb_R_img": emb_R_img,
            "emb_Time": emb_Time}


def reference(x, weight, neg_t, emb_E_real, emb_E_img, emb_R_real, emb_R_img, emb_Time):
    # type_ == 'o' branch: corrupt the object (tail) with 49 sampled negatives.
    h_i = jnp.repeat(x[:, 0:1], 50, axis=1)
    r_i = jnp.repeat(x[:, 1:2], 50, axis=1)
    t_i = jnp.concatenate([x[:, 2:3], neg_t], axis=-1)
    d_i = jnp.repeat(x[:, 3:4], 50, axis=1) % 3

    d_emb = jnp.take(emb_Time, d_i, axis=0).reshape(-1, DIM)
    d_img = jnp.sin(d_emb)
    d_real = jnp.cos(d_emb)

    her = jnp.take(emb_E_real, h_i, axis=0).reshape(-1, DIM)
    hei = jnp.take(emb_E_img, h_i, axis=0).reshape(-1, DIM)
    ter = jnp.take(emb_E_real, t_i, axis=0).reshape(-1, DIM)
    tei = jnp.take(emb_E_img, t_i, axis=0).reshape(-1, DIM)

    h_real = her * d_real - hei * d_img
    t_real = ter * d_real - tei * d_img
    r_real = jnp.take(emb_R_real, r_i, axis=0).reshape(-1, DIM)
    h_img = her * d_img + hei * d_real
    t_img = ter * d_img + tei * d_real
    r_img = jnp.take(emb_R_img, r_i, axis=0).reshape(-1, DIM)

    out_real = jnp.sum(jnp.abs(h_real + r_real - t_real), axis=1)
    out_img = jnp.sum(jnp.abs(h_img + r_img + t_img), axis=1)
    out = out_real + out_img
    return out.reshape(-1, 50)

if __name__ == "__main__":
    import jax
    _d = setup_inputs()
    print(jax.jit(kernel)(*tuple(_d.values())))

</pallas_src>

<mosaic_0001>
#map = affine_map<(d0, d1) -> (0, 0)>
#map1 = affine_map<(d0, d1) -> (0)>
module attributes {stable_mosaic.version = 14 : i64} {
  func.func @k(%arg0: i32, %arg1: i32, %arg2: memref<8x128xf32, #tpu.memory_space<hbm>>, %arg3: memref<8x128xf32, #tpu.memory_space<hbm>>, %arg4: memref<4096xi32, #tpu.memory_space<hbm>>, %arg5: memref<4096xi32, #tpu.memory_space<hbm>>, %arg6: memref<4096x16xi32, #tpu.memory_space<hbm>>, %arg7: memref<4096x50xi32, #tpu.memory_space<hbm>>, %arg8: memref<100000x128xf32, #tpu.memory_space<hbm>>, %arg9: memref<100000x128xf32, #tpu.memory_space<hbm>>, %arg10: memref<100000x128xf32, #tpu.memory_space<hbm>>, %arg11: memref<100000x128xf32, #tpu.memory_space<hbm>>, %arg12: memref<4096x80xf32, #tpu.memory_space<hbm>>, %arg13: memref<8x128xf32, #tpu.memory_space<vmem>>, %arg14: memref<8x128xf32, #tpu.memory_space<vmem>>, %arg15: memref<128xi32, #tpu.memory_space<vmem>>, %arg16: memref<128xi32, #tpu.memory_space<vmem>>, %arg17: memref<128x16xi32, #tpu.memory_space<vmem>>, %arg18: memref<128x50xi32, #tpu.memory_space<vmem>>, %arg19: memref<32x128xf32, #tpu.memory_space<vmem>>, %arg20: memref<32x128xf32, #tpu.memory_space<vmem>>, %arg21: memref<32x128xf32, #tpu.memory_space<vmem>>, %arg22: memref<32x128xf32, #tpu.memory_space<vmem>>, %arg23: memref<50x128xf32, #tpu.memory_space<vmem>>, %arg24: memref<50x128xf32, #tpu.memory_space<vmem>>, %arg25: memref<50x128xf32, #tpu.memory_space<vmem>>, %arg26: memref<50x128xf32, #tpu.memory_space<vmem>>, %arg27: memref<128x80xf32, #tpu.memory_space<vmem>>, %arg28: memref<128xf32, #tpu.memory_space<vmem>>, %arg29: memref<128xf32, #tpu.memory_space<vmem>>, %arg30: memref<128xf32, #tpu.memory_space<vmem>>, %arg31: memref<128xf32, #tpu.memory_space<vmem>>, %arg32: memref<160xf32, #tpu.memory_space<vmem>>, %arg33: memref<!tpu.dma_semaphore, #tpu.memory_space<semaphore_mem>>, %arg34: memref<!tpu.dma_semaphore, #tpu.memory_space<semaphore_mem>>, %arg35: memref<!tpu.dma_semaphore, #tpu.memory_space<semaphore_mem>>, %arg36: memref<!tpu.dma_semaphore, #tpu.memory_space<semaphore_mem>>, %arg37: memref<!tpu.dma_semaphore, #tpu.memory_space<semaphore_mem>>) attributes {dimension_semantics = [#tpu.dimension_semantics<core_parallel>, #tpu.dimension_semantics<subcore_parallel>], iteration_bounds = array<i64: 2, 16>, scalar_prefetch = 0 : i64, scratch_operands = 25 : i64, tpu.core_type = #tpu.core_type<sc_vector_subcore>, window_params = [{transform_indices = #map}, {transform_indices = #map}, {transform_indices = #map1}, {transform_indices = #map1}, {transform_indices = #map}, {transform_indices = #map}, {transform_indices = #map}, {transform_indices = #map}, {transform_indices = #map}, {transform_indices = #map}, {transform_indices = #map}]} {
    %mul3A = arith.constant 2 : i32
    %mul3A_0 = arith.muli %arg1, %mul3A : i32
    %add3A = arith.addi %mul3A_0, %arg0 : i32
    %mul3A_1 = arith.constant 128 : i32
    %mul3A_2 = arith.muli %add3A, %mul3A_1 : i32
    "tpu.region"() ({
      %run_scoped3A = tpu.sem_alloc : memref<!tpu.dma_semaphore, #tpu.memory_space<semaphore_mem>>
      tpu.enqueue_dma source(%arg2 : memref<8x128xf32, #tpu.memory_space<hbm>>) target(%arg13 : memref<8x128xf32, #tpu.memory_space<vmem>>) target_semaphore(%run_scoped3A : memref<!tpu.dma_semaphore, #tpu.memory_space<semaphore_mem>>)
      tpu.wait_dma2 semaphore(%run_scoped3A : memref<!tpu.dma_semaphore, #tpu.memory_space<semaphore_mem>>) src(%arg2 : memref<8x128xf32, #tpu.memory_space<hbm>>) dst(%arg13 : memref<8x128xf32, #tpu.memory_space<vmem>>)
      tpu.yield
    }) : () -> ()
    "tpu.region"() ({
      %run_scoped3A = tpu.sem_alloc : memref<!tpu.dma_semaphore, #tpu.memory_space<semaphore_mem>>
      tpu.enqueue_dma source(%arg3 : memref<8x128xf32, #tpu.memory_space<hbm>>) target(%arg14 : memref<8x128xf32, #tpu.memory_space<vmem>>) target_semaphore(%run_scoped3A : memref<!tpu.dma_semaphore, #tpu.memory_space<semaphore_mem>>)
      tpu.wait_dma2 semaphore(%run_scoped3A : memref<!tpu.dma_semaphore, #tpu.memory_space<semaphore_mem>>) src(%arg3 : memref<8x128xf32, #tpu.memory_space<hbm>>) dst(%arg14 : memref<8x128xf32, #tpu.memory_space<vmem>>)
      tpu.yield
    }) : () -> ()
    "tpu.region"() ({
      %run_scoped3A = tpu.sem_alloc : memref<!tpu.dma_semaphore, #tpu.memory_space<semaphore_mem>>
      %dma_start3A_62 = tpu.memref_slice %arg4[%mul3A_2] : memref<4096xi32, #tpu.memory_space<hbm>> -> memref<128xi32, #tpu.memory_space<hbm>>
      %dma_start3A_63 = tpu.memref_slice %arg4[%mul3A_2] : memref<4096xi32, #tpu.memory_space<hbm>> -> memref<128xi32, #tpu.memory_space<hbm>>
      tpu.enqueue_dma source(%dma_start3A_63 : memref<128xi32, #tpu.memory_space<hbm>>) target(%arg15 : memref<128xi32, #tpu.memory_space<vmem>>) target_semaphore(%run_scoped3A : memref<!tpu.dma_semaphore, #tpu.memory_space<semaphore_mem>>)
      %dma_wait3A_64 = tpu.memref_slice %arg4[%mul3A_2] : memref<4096xi32, #tpu.memory_space<hbm>> -> memref<128xi32, #tpu.memory_space<hbm>>
      %dma_wait3A_65 = tpu.memref_slice %arg4[%mul3A_2] : memref<4096xi32, #tpu.memory_space<hbm>> -> memref<128xi32, #tpu.memory_space<hbm>>
      tpu.wait_dma2 semaphore(%run_scoped3A : memref<!tpu.dma_semaphore, #tpu.memory_space<semaphore_mem>>) src(%dma_wait3A_65 : memref<128xi32, #tpu.memory_space<hbm>>) dst(%arg15 : memref<128xi32, #tpu.memory_space<vmem>>)
      tpu.yield
    }) : () -> ()
    "tpu.region"() ({
      %run_scoped3A = tpu.sem_alloc : memref<!tpu.dma_semaphore, #tpu.memory_space<semaphore_mem>>
      %dma_start3A_62 = tpu.memref_slice %arg5[%mul3A_2] : memref<4096xi32, #tpu.memory_space<hbm>> -> memref<128xi32, #tpu.memory_space<hbm>>
      %dma_start3A_63 = tpu.memref_slice %arg5[%mul3A_2] : memref<4096xi32, #tpu.memory_space<hbm>> -> memref<128xi32, #tpu.memory_space<hbm>>
      tpu.enqueue_dma source(%dma_start3A_63 : memref<128xi32, #tpu.memory_space<hbm>>) target(%arg16 : memref<128xi32, #tpu.memory_space<vmem>>) target_semaphore(%run_scoped3A : memref<!tpu.dma_semaphore, #tpu.memory_space<semaphore_mem>>)
      %dma_wait3A_64 = tpu.memref_slice %arg5[%mul3A_2] : memref<4096xi32, #tpu.memory_space<hbm>> -> memref<128xi32, #tpu.memory_space<hbm>>
      %dma_wait3A_65 = tpu.memref_slice %arg5[%mul3A_2] : memref<4096xi32, #tpu.memory_space<hbm>> -> memref<128xi32, #tpu.memory_space<hbm>>
      tpu.wait_dma2 semaphore(%run_scoped3A : memref<!tpu.dma_semaphore, #tpu.memory_space<semaphore_mem>>) src(%dma_wait3A_65 : memref<128xi32, #tpu.memory_space<hbm>>) dst(%arg16 : memref<128xi32, #tpu.memory_space<vmem>>)
      tpu.yield
    }) : () -> ()
    "tpu.region"() ({
      %run_scoped3A = tpu.sem_alloc : memref<!tpu.dma_semaphore, #tpu.memory_space<semaphore_mem>>
      %dma_start3A_62 = arith.constant 0 : i32
      %dma_start3A_63 = tpu.memref_slice %arg6[%mul3A_2, %dma_start3A_62] : memref<4096x16xi32, #tpu.memory_space<hbm>> -> memref<128x16xi32, #tpu.memory_space<hbm>>
      %dma_start3A_64 = arith.constant 0 : i32
      %dma_start3A_65 = tpu.memref_slice %arg6[%mul3A_2, %dma_start3A_64] : memref<4096x16xi32, #tpu.memory_space<hbm>> -> memref<128x16xi32, #tpu.memory_space<hbm>>
      tpu.enqueue_dma source(%dma_start3A_65 : memref<128x16xi32, #tpu.memory_space<hbm>>) target(%arg17 : memref<128x16xi32, #tpu.memory_space<vmem>>) target_semaphore(%run_scoped3A : memref<!tpu.dma_semaphore, #tpu.memory_space<semaphore_mem>>)
      %dma_wait3A_66 = arith.constant 0 : i32
      %dma_wait3A_67 = tpu.memref_slice %arg6[%mul3A_2, %dma_wait3A_66] : memref<4096x16xi32, #tpu.memory_space<hbm>> -> memref<128x16xi32, #tpu.memory_space<hbm>>
      %dma_wait3A_68 = arith.constant 0 : i32
      %dma_wait3A_69 = tpu.memref_slice %arg6[%mul3A_2, %dma_wait3A_68] : memref<4096x16xi32, #tpu.memory_space<hbm>> -> memref<128x16xi32, #tpu.memory_space<hbm>>
      tpu.wait_dma2 semaphore(%run_scoped3A : memref<!tpu.dma_semaphore, #tpu.memory_space<semaphore_mem>>) src(%dma_wait3A_69 : memref<128x16xi32, #tpu.memory_space<hbm>>) dst(%arg17 : memref<128x16xi32, #tpu.memory_space<vmem>>)
      tpu.yield
    }) : () -> ()
    "tpu.region"() ({
      %run_scoped3A = tpu.sem_alloc : memref<!tpu.dma_semaphore, #tpu.memory_space<semaphore_mem>>
      %dma_start3A_62 = arith.constant 0 : i32
      %dma_start3A_63 = tpu.memref_slice %arg7[%mul3A_2, %dma_start3A_62] : memref<4096x50xi32, #tpu.memory_space<hbm>> -> memref<128x50xi32, #tpu.memory_space<hbm>>
      %dma_start3A_64 = arith.constant 0 : i32
      %dma_start3A_65 = tpu.memref_slice %arg7[%mul3A_2, %dma_start3A_64] : memref<4096x50xi32, #tpu.memory_space<hbm>> -> memref<128x50xi32, #tpu.memory_space<hbm>>
      tpu.enqueue_dma source(%dma_start3A_65 : memref<128x50xi32, #tpu.memory_space<hbm>>) target(%arg18 : memref<128x50xi32, #tpu.memory_space<vmem>>) target_semaphore(%run_scoped3A : memref<!tpu.dma_semaphore, #tpu.memory_space<semaphore_mem>>)
      %dma_wait3A_66 = arith.constant 0 : i32
      %dma_wait3A_67 = tpu.memref_slice %arg7[%mul3A_2, %dma_wait3A_66] : memref<4096x50xi32, #tpu.memory_space<hbm>> -> memref<128x50xi32, #tpu.memory_space<hbm>>
      %dma_wait3A_68 = arith.constant 0 : i32
      %dma_wait3A_69 = tpu.memref_slice %arg7[%mul3A_2, %dma_wait3A_68] : memref<4096x50xi32, #tpu.memory_space<hbm>> -> memref<128x50xi32, #tpu.memory_space<hbm>>
      tpu.wait_dma2 semaphore(%run_scoped3A : memref<!tpu.dma_semaphore, #tpu.memory_space<semaphore_mem>>) src(%dma_wait3A_69 : memref<128x50xi32, #tpu.memory_space<hbm>>) dst(%arg18 : memref<128x50xi32, #tpu.memory_space<vmem>>)
      tpu.yield
    }) : () -> ()
    %iota3A = tpu.iota {dimensions = array<i32: 0>} : vector<16xi32>
    %broadcast_in_dim3A = arith.constant 0.000000e+00 : f32
    %broadcast_in_dim3A_3 = vector.broadcast %broadcast_in_dim3A : f32 to vector<16xf32>
    %swap3A = arith.constant 16 : index
    %swap3A_4 = tpu.vector_load %arg32[%swap3A] {strides = array<i32>} : memref<160xf32, #tpu.memory_space<vmem>>, vector<16xf32>,
    %swap3A_5 = vector.shape_cast %swap3A_4 : vector<16xf32> to vector<16xf32>
    %swap3A_6 = vector.shape_cast %broadcast_in_dim3A_3 : vector<16xf32> to vector<16xf32>
    tpu.vector_store %arg32[%swap3A], %swap3A_6 {strides = array<i32>} : memref<160xf32, #tpu.memory_space<vmem>>, vector<16xf32>,
    %broadcast_in_dim3A_7 = arith.constant 0.000000e+00 : f32
    %broadcast_in_dim3A_8 = vector.broadcast %broadcast_in_dim3A_7 : f32 to vector<16xf32>
    %swap3A_9 = arith.constant 48 : index
    %swap3A_10 = tpu.vector_load %arg32[%swap3A_9] {strides = array<i32>} : memref<160xf32, #tpu.memory_space<vmem>>, vector<16xf32>,
    %swap3A_11 = vector.shape_cast %swap3A_10 : vector<16xf32> to vector<16xf32>
    %swap3A_12 = vector.shape_cast %broadcast_in_dim3A_8 : vector<16xf32> to vector<16xf32>
    tpu.vector_store %arg32[%swap3A_9], %swap3A_12 {strides = array<i32>} : memref<160xf32, #tpu.memory_space<vmem>>, vector<16xf32>,
    %broadcast_in_dim3A_13 = arith.constant 0.000000e+00 : f32
    %broadcast_in_dim3A_14 = vector.broadcast %broadcast_in_dim3A_13 : f32 to vector<16xf32>
    %swap3A_15 = arith.constant 80 : index
    %swap3A_16 = tpu.vector_load %arg32[%swap3A_15] {strides = array<i32>} : memref<160xf32, #tpu.memory_space<vmem>>, vector<16xf32>,
    %swap3A_17 = vector.shape_cast %swap3A_16 : vector<16xf32> to vector<16xf32>
    %swap3A_18 = vector.shape_cast %broadcast_in_dim3A_14 : vector<16xf32> to vector<16xf32>
    tpu.vector_store %arg32[%swap3A_15], %swap3A_18 {strides = array<i32>} : memref<160xf32, #tpu.memory_space<vmem>>, vector<16xf32>,
    %broadcast_in_dim3A_19 = arith.constant 0.000000e+00 : f32
    %broadcast_in_dim3A_20 = vector.broadcast %broadcast_in_dim3A_19 : f32 to vector<16xf32>
    %swap3A_21 = arith.constant 112 : index
    %swap3A_22 = tpu.vector_load %arg32[%swap3A_21] {strides = array<i32>} : memref<160xf32, #tpu.memory_space<vmem>>, vector<16xf32>,
    %swap3A_23 = vector.shape_cast %swap3A_22 : vector<16xf32> to vector<16xf32>
    %swap3A_24 = vector.shape_cast %broadcast_in_dim3A_20 : vector<16xf32> to vector<16xf32>
    tpu.vector_store %arg32[%swap3A_21], %swap3A_24 {strides = array<i32>} : memref<160xf32, #tpu.memory_space<vmem>>, vector<16xf32>,
    %broadcast_in_dim3A_25 = arith.constant 0.000000e+00 : f32
    %broadcast_in_dim3A_26 = vector.broadcast %broadcast_in_dim3A_25 : f32 to vector<16xf32>
    %swap3A_27 = arith.constant 144 : index
    %swap3A_28 = tpu.vector_load %arg32[%swap3A_27] {strides = array<i32>} : memref<160xf32, #tpu.memory_space<vmem>>, vector<16xf32>,
    %swap3A_29 = vector.shape_cast %swap3A_28 : vector<16xf32> to vector<16xf32>
    %swap3A_30 = vector.shape_cast %broadcast_in_dim3A_26 : vector<16xf32> to vector<16xf32>
    tpu.vector_store %arg32[%swap3A_27], %swap3A_30 {strides = array<i32>} : memref<160xf32, #tpu.memory_space<vmem>>, vector<16xf32>,
    %dma_start3A = arith.constant 0 : i32
    %dma_start3A_31 = arith.constant 0 : i32
    %dma_start3A_32 = tpu.memref_slice %arg18[%dma_start3A, %dma_start3A_31] : memref<128x50xi32, #tpu.memory_space<vmem>> -> memref<1x50xi32, #tpu.memory_space<vmem>>
    %dma_start3A_33 = tpu.memref_squeeze %dma_start3A_32 : memref<1x50xi32, #tpu.memory_space<vmem>> -> memref<50xi32, #tpu.memory_space<vmem>>
    %dma_start3A_34 = arith.constant 0 : i32
    %dma_start3A_35 = arith.constant 0 : i32
    %dma_start3A_36 = tpu.memref_slice %arg8[%dma_start3A_34, %dma_start3A_35] : memref<100000x128xf32, #tpu.memory_space<hbm>> -> memref<100000x128xf32, #tpu.memory_space<hbm>>
    tpu.enqueue_indirect_dma source(%dma_start3A_36 : memref<100000x128xf32, #tpu.memory_space<hbm>>) target(%arg23 : memref<50x128xf32, #tpu.memory_space<vmem>>) offsets(%dma_start3A_33 : memref<50xi32, #tpu.memory_space<vmem>>) semaphore(%arg34 : memref<!tpu.dma_semaphore, #tpu.memory_space<semaphore_mem>>)
    %dma_start3A_37 = arith.constant 0 : i32
    %dma_start3A_38 = arith.constant 0 : i32
    %dma_start3A_39 = tpu.memref_slice %arg18[%dma_start3A_37, %dma_start3A_38] : memref<128x50xi32, #tpu.memory_space<vmem>> -> memref<1x50xi32, #tpu.memory_space<vmem>>
    %dma_start3A_40 = tpu.memref_squeeze %dma_start3A_39 : memref<1x50xi32, #tpu.memory_space<vmem>> -> memref<50xi32, #tpu.memory_space<vmem>>
    %dma_start3A_41 = arith.constant 0 : i32
    %dma_start3A_42 = arith.constant 0 : i32
    %dma_start3A_43 = tpu.memref_slice %arg9[%dma_start3A_41, %dma_start3A_42] : memref<100000x128xf32, #tpu.memory_space<hbm>> -> memref<100000x128xf32, #tpu.memory_space<hbm>>
    tpu.enqueue_indirect_dma source(%dma_start3A_43 : memref<100000x128xf32, #tpu.memory_space<hbm>>) target(%arg24 : memref<50x128xf32, #tpu.memory_space<vmem>>) offsets(%dma_start3A_40 : memref<50xi32, #tpu.memory_space<vmem>>) semaphore(%arg35 : memref<!tpu.dma_semaphore, #tpu.memory_space<semaphore_mem>>)
    %scan3A = arith.constant 0 : i32
    %scan3A_44 = arith.constant 0 : i32
    %scan3A_45 = arith.constant 4 : i32
    %scan3A_46 = arith.addi %scan3A_44, %scan3A_45 : i32
    %scan3A_47 = arith.constant 1 : i32
    scf.for %scan3A_62 = %scan3A_44 to %scan3A_46 step %scan3A_47  : i32 {
      %mul3A_63 = arith.constant 32 : i32
      %mul3A_64 = arith.muli %scan3A_62, %mul3A_63 : i32
      %dma_start3A_65 = tpu.memref_slice %arg15[%mul3A_64] : memref<128xi32, #tpu.memory_space<vmem>> -> memref<32xi32, #tpu.memory_space<vmem>>
      %dma_start3A_66 = arith.constant 0 : i32
      %dma_start3A_67 = arith.constant 0 : i32
      %dma_start3A_68 = tpu.memref_slice %arg8[%dma_start3A_66, %dma_start3A_67] : memref<100000x128xf32, #tpu.memory_space<hbm>> -> memref<100000x128xf32, #tpu.memory_space<hbm>>
      tpu.enqueue_indirect_dma source(%dma_start3A_68 : memref<100000x128xf32, #tpu.memory_space<hbm>>) target(%arg19 : memref<32x128xf32, #tpu.memory_space<vmem>>) offsets(%dma_start3A_65 : memref<32xi32, #tpu.memory_space<vmem>>) semaphore(%arg33 : memref<!tpu.dma_semaphore, #tpu.memory_space<semaphore_mem>>)
      %dma_wait3A_69 = tpu.memref_slice %arg15[%mul3A_64] : memref<128xi32, #tpu.memory_space<vmem>> -> memref<32xi32, #tpu.memory_space<vmem>>
      %dma_wait3A_70 = arith.constant 0 : i32
      %dma_wait3A_71 = arith.constant 0 : i32
      %dma_wait3A_72 = tpu.memref_slice %arg8[%dma_wait3A_70, %dma_wait3A_71] : memref<100000x128xf32, #tpu.memory_space<hbm>> -> memref<100000x128xf32, #tpu.memory_space<hbm>>
      tpu.wait_indirect_dma semaphore(%arg33 : memref<!tpu.dma_semaphore, #tpu.memory_space<semaphore_mem>>) src(%dma_wait3A_72 : memref<100000x128xf32, #tpu.memory_space<hbm>>) dst(%arg19 : memref<32x128xf32, #tpu.memory_space<vmem>>)
      %dma_start3A_73 = tpu.memref_slice %arg15[%mul3A_64] : memref<128xi32, #tpu.memory_space<vmem>> -> memref<32xi32, #tpu.memory_space<vmem>>
      %dma_start3A_74 = arith.constant 0 : i32
      %dma_start3A_75 = arith.constant 0 : i32
      %dma_start3A_76 = tpu.memref_slice %arg9[%dma_start3A_74, %dma_start3A_75] : memref<100000x128xf32, #tpu.memory_space<hbm>> -> memref<100000x128xf32, #tpu.memory_space<hbm>>
      tpu.enqueue_indirect_dma source(%dma_start3A_76 : memref<100000x128xf32, #tpu.memory_space<hbm>>) target(%arg20 : memref<32x128xf32, #tpu.memory_space<vmem>>) offsets(%dma_start3A_73 : memref<32xi32, #tpu.memory_space<vmem>>) semaphore(%arg33 : memref<!tpu.dma_semaphore, #tpu.memory_space<semaphore_mem>>)
      %dma_wait3A_77 = tpu.memref_slice %arg15[%mul3A_64] : memref<128xi32, #tpu.memory_space<vmem>> -> memref<32xi32, #tpu.memory_space<vmem>>
      %dma_wait3A_78 = arith.constant 0 : i32
      %dma_wait3A_79 = arith.constant 0 : i32
      %dma_wait3A_80 = tpu.memref_slice %arg9[%dma_wait3A_78, %dma_wait3A_79] : memref<100000x128xf32, #tpu.memory_space<hbm>> -> memref<100000x128xf32, #tpu.memory_space<hbm>>
      tpu.wait_indirect_dma semaphore(%arg33 : memref<!tpu.dma_semaphore, #tpu.memory_space<semaphore_mem>>) src(%dma_wait3A_80 : memref<100000x128xf32, #tpu.memory_space<hbm>>) dst(%arg20 : memref<32x128xf32, #tpu.memory_space<vmem>>)
      %dma_start3A_81 = tpu.memref_slice %arg16[%mul3A_64] : memref<128xi32, #tpu.memory_space<vmem>> -> memref<32xi32, #tpu.memory_space<vmem>>
      %dma_start3A_82 = arith.constant 0 : i32
      %dma_start3A_83 = arith.constant 0 : i32
      %dma_start3A_84 = tpu.memref_slice %arg10[%dma_start3A_82, %dma_start3A_83] : memref<100000x128xf32, #tpu.memory_space<hbm>> -> memref<100000x128xf32, #tpu.memory_space<hbm>>
      tpu.enqueue_indirect_dma source(%dma_start3A_84 : memref<100000x128xf32, #tpu.memory_space<hbm>>) target(%arg21 : memref<32x128xf32, #tpu.memory_space<vmem>>) offsets(%dma_start3A_81 : memref<32xi32, #tpu.memory_space<vmem>>) semaphore(%arg33 : memref<!tpu.dma_semaphore, #tpu.memory_space<semaphore_mem>>)
      %dma_wait3A_85 = tpu.memref_slice %arg16[%mul3A_64] : memref<128xi32, #tpu.memory_space<vmem>> -> memref<32xi32, #tpu.memory_space<vmem>>
      %dma_wait3A_86 = arith.constant 0 : i32
      %dma_wait3A_87 = arith.constant 0 : i32
      %dma_wait3A_88 = tpu.memref_slice %arg10[%dma_wait3A_86, %dma_wait3A_87] : memref<100000x128xf32, #tpu.memory_space<hbm>> -> memref<100000x128xf32, #tpu.memory_space<hbm>>
      tpu.wait_indirect_dma semaphore(%arg33 : memref<!tpu.dma_semaphore, #tpu.memory_space<semaphore_mem>>) src(%dma_wait3A_88 : memref<100000x128xf32, #tpu.memory_space<hbm>>) dst(%arg21 : memref<32x128xf32, #tpu.memory_space<vmem>>)
      %dma_start3A_89 = tpu.memref_slice %arg16[%mul3A_64] : memref<128xi32, #tpu.memory_space<vmem>> -> memref<32xi32, #tpu.memory_space<vmem>>
      %dma_start3A_90 = arith.constant 0 : i32
      %dma_start3A_91 = arith.constant 0 : i32
      %dma_start3A_92 = tpu.memref_slice %arg11[%dma_start3A_90, %dma_start3A_91] : memref<100000x128xf32, #tpu.memory_space<hbm>> -> memref<100000x128xf32, #tpu.memory_space<hbm>>
      tpu.enqueue_indirect_dma source(%dma_start3A_92 : memref<100000x128xf32, #tpu.memory_space<hbm>>) target(%arg22 : memref<32x128xf32, #tpu.memory_space<vmem>>) offsets(%dma_start3A_89 : memref<32xi32, #tpu.memory_space<vmem>>) semaphore(%arg33 : memref<!tpu.dma_semaphore, #tpu.memory_space<semaphore_mem>>)
      %dma_wait3A_93 = tpu.memref_slice %arg16[%mul3A_64] : memref<128xi32, #tpu.memory_space<vmem>> -> memref<32xi32, #tpu.memory_space<vmem>>
      %dma_wait3A_94 = arith.constant 0 : i32
      %dma_wait3A_95 = arith.constant 0 : i32
      %dma_wait3A_96 = tpu.memref_slice %arg11[%dma_wait3A_94, %dma_wait3A_95] : memref<100000x128xf32, #tpu.memory_space<hbm>> -> memref<100000x128xf32, #tpu.memory_space<hbm>>
      tpu.wait_indirect_dma semaphore(%arg33 : memref<!tpu.dma_semaphore, #tpu.memory_space<semaphore_mem>>) src(%dma_wait3A_96 : memref<100000x128xf32, #tpu.memory_space<hbm>>) dst(%arg22 : memref<32x128xf32, #tpu.memory_space<vmem>>)
      %scan3A_97 = arith.constant 0 : i32
      %scan3A_98 = arith.constant 0 : i32
      %scan3A_99 = arith.constant 16 : i32
      %scan3A_100 = arith.addi %scan3A_98, %scan3A_99 : i32
      %scan3A_101 = arith.constant 1 : i32
      scf.for %scan3A_103 = %scan3A_98 to %scan3A_100 step %scan3A_101  : i32 {
        %mul3A_104 = arith.constant 2 : i32
        %mul3A_105 = arith.muli %mul3A_104, %scan3A_103 : i32
        %add3A_106 = arith.addi %mul3A_64, %mul3A_105 : i32
        %add3A_107 = arith.constant 1 : i32
        %add3A_108 = arith.addi %add3A_106, %add3A_107 : i32
        %dma_start3A_109 = arith.constant 0 : i32
        %dma_start3A_110 = tpu.memref_slice %arg18[%add3A_108, %dma_start3A_109] : memref<128x50xi32, #tpu.memory_space<vmem>> -> memref<1x50xi32, #tpu.memory_space<vmem>>
        %dma_start3A_111 = tpu.memref_squeeze %dma_start3A_110 : memref<1x50xi32, #tpu.memory_space<vmem>> -> memref<50xi32, #tpu.memory_space<vmem>>
        %dma_start3A_112 = arith.constant 0 : i32
        %dma_start3A_113 = arith.constant 0 : i32
        %dma_start3A_114 = tpu.memref_slice %arg8[%dma_start3A_112, %dma_start3A_113] : memref<100000x128xf32, #tpu.memory_space<hbm>> -> memref<100000x128xf32, #tpu.memory_space<hbm>>
        tpu.enqueue_indirect_dma source(%dma_start3A_114 : memref<100000x128xf32, #tpu.memory_space<hbm>>) target(%arg25 : memref<50x128xf32, #tpu.memory_space<vmem>>) offsets(%dma_start3A_111 : memref<50xi32, #tpu.memory_space<vmem>>) semaphore(%arg36 : memref<!tpu.dma_semaphore, #tpu.memory_space<semaphore_mem>>)
        %dma_start3A_115 = arith.constant 0 : i32
        %dma_start3A_116 = tpu.memref_slice %arg18[%add3A_108, %dma_start3A_115] : memref<128x50xi32, #tpu.memory_space<vmem>> -> memref<1x50xi32, #tpu.memory_space<vmem>>
        %dma_start3A_117 = tpu.memref_squeeze %dma_start3A_116 : memref<1x50xi32, #tpu.memory_space<vmem>> -> memref<50xi32, #tpu.memory_space<vmem>>
        %dma_start3A_118 = arith.constant 0 : i32
        %dma_start3A_119 = arith.constant 0 : i32
        %dma_start3A_120 = tpu.memref_slice %arg9[%dma_start3A_118, %dma_start3A_119] : memref<100000x128xf32, #tpu.memory_space<hbm>> -> memref<100000x128xf32, #tpu.memory_space<hbm>>
        tpu.enqueue_indirect_dma source(%dma_start3A_120 : memref<100000x128xf32, #tpu.memory_space<hbm>>) target(%arg26 : memref<50x128xf32, #tpu.memory_space<vmem>>) offsets(%dma_start3A_117 : memref<50xi32, #tpu.memory_space<vmem>>) semaphore(%arg37 : memref<!tpu.dma_semaphore, #tpu.memory_space<semaphore_mem>>)
        %dma_wait3A_121 = arith.constant 0 : i32
        %dma_wait3A_122 = tpu.memref_slice %arg18[%add3A_106, %dma_wait3A_121] : memref<128x50xi32, #tpu.memory_space<vmem>> -> memref<1x50xi32, #tpu.memory_space<vmem>>
        %dma_wait3A_123 = tpu.memref_squeeze %dma_wait3A_122 : memref<1x50xi32, #tpu.memory_space<vmem>> -> memref<50xi32, #tpu.memory_space<vmem>>
        %dma_wait3A_124 = arith.constant 0 : i32
        %dma_wait3A_125 = arith.constant 0 : i32
        %dma_wait3A_126 = tpu.memref_slice %arg8[%dma_wait3A_124, %dma_wait3A_125] : memref<100000x128xf32, #tpu.memory_space<hbm>> -> memref<100000x128xf32, #tpu.memory_space<hbm>>
        tpu.wait_indirect_dma semaphore(%arg34 : memref<!tpu.dma_semaphore, #tpu.memory_space<semaphore_mem>>) src(%dma_wait3A_126 : memref<100000x128xf32, #tpu.memory_space<hbm>>) dst(%arg23 : memref<50x128xf32, #tpu.memory_space<vmem>>)
        %dma_wait3A_127 = arith.constant 0 : i32
        %dma_wait3A_128 = tpu.memref_slice %arg18[%add3A_106, %dma_wait3A_127] : memref<128x50xi32, #tpu.memory_space<vmem>> -> memref<1x50xi32, #tpu.memory_space<vmem>>
        %dma_wait3A_129 = tpu.memref_squeeze %dma_wait3A_128 : memref<1x50xi32, #tpu.memory_space<vmem>> -> memref<50xi32, #tpu.memory_space<vmem>>
        %dma_wait3A_130 = arith.constant 0 : i32
        %dma_wait3A_131 = arith.constant 0 : i32
        %dma_wait3A_132 = tpu.memref_slice %arg9[%dma_wait3A_130, %dma_wait3A_131] : memref<100000x128xf32, #tpu.memory_space<hbm>> -> memref<100000x128xf32, #tpu.memory_space<hbm>>
        tpu.wait_indirect_dma semaphore(%arg35 : memref<!tpu.dma_semaphore, #tpu.memory_space<semaphore_mem>>) src(%dma_wait3A_132 : memref<100000x128xf32, #tpu.memory_space<hbm>>) dst(%arg24 : memref<50x128xf32, #tpu.memory_space<vmem>>)
        %mul3A_133 = arith.constant 2 : i32
        %mul3A_134 = arith.muli %mul3A_133, %scan3A_103 : i32
        %get3A = arith.index_cast %add3A_106 : i32 to index
        %get3A_135 = arith.constant 0 : index
        %get3A_136 = tpu.vector_load %arg17[%get3A, %get3A_135] {strides = array<i32>} : memref<128x16xi32, #tpu.memory_space<vmem>>, vector<1x16xi32>,
        %get3A_137 = vector.shape_cast %get3A_136 : vector<1x16xi32> to vector<16xi32>
        %eq3A = arith.constant 0 : i32
        %eq3A_138 = vector.broadcast %eq3A : i32 to vector<16xi32>
        %eq3A_139 = arith.cmpi eq, %get3A_137, %eq3A_138 : vector<16xi32>
        %eq3A_140 = arith.constant 1 : i32
        %eq3A_141 = vector.broadcast %eq3A_140 : i32 to vector<16xi32>
        %eq3A_142 = arith.cmpi eq, %get3A_137, %eq3A_141 : vector<16xi32>
        %get3A_143 = arith.constant 0 : i32
        %get3A_144 = arith.index_cast %get3A_143 : i32 to index
        %get3A_145 = arith.constant 0 : index
        %get3A_146 = tpu.vector_load %arg13[%get3A_144, %get3A_145] {strides = array<i32>} : memref<8x128xf32, #tpu.memory_space<vmem>>, vector<1x16xf32>,
        %get3A_147 = vector.shape_cast %get3A_146 : vector<1x16xf32> to vector<16xf32>
        %get3A_148 = arith.constant 1 : i32
        %get3A_149 = arith.index_cast %get3A_148 : i32 to index
        %get3A_150 = arith.constant 0 : index
        %get3A_151 = tpu.vector_load %arg13[%get3A_149, %get3A_150] {strides = array<i32>} : memref<8x128xf32, #tpu.memory_space<vmem>>, vector<1x16xf32>,
        %get3A_152 = vector.shape_cast %get3A_151 : vector<1x16xf32> to vector<16xf32>
        %get3A_153 = arith.constant 2 : i32
        %get3A_154 = arith.index_cast %get3A_153 : i32 to index
        %get3A_155 = arith.constant 0 : index
        %get3A_156 = tpu.vector_load %arg13[%get3A_154, %get3A_155] {strides = array<i32>} : memref<8x128xf32, #tpu.memory_space<vmem>>, vector<1x16xf32>,
        %get3A_157 = vector.shape_cast %get3A_156 : vector<1x16xf32> to vector<16xf32>
        %select_n3A = arith.select %eq3A_142, %get3A_152, %get3A_157 : vector<16xi1>, vector<16xf32>
        %select_n3A_158 = arith.select %eq3A_139, %get3A_147, %select_n3A : vector<16xi1>, vector<16xf32>
        %get3A_159 = arith.constant 0 : i32
        %get3A_160 = arith.index_cast %get3A_159 : i32 to index
        %get3A_161 = arith.constant 0 : index
        %get3A_162 = tpu.vector_load %arg14[%get3A_160, %get3A_161] {strides = array<i32>} : memref<8x128xf32, #tpu.memory_space<vmem>>, vector<1x16xf32>,
        %get3A_163 = vector.shape_cast %get3A_162 : vector<1x16xf32> to vector<16xf32>
        %get3A_164 = arith.constant 1 : i32
        %get3A_165 = arith.index_cast %get3A_164 : i32 to index
        %get3A_166 = arith.constant 0 : index
        %get3A_167 = tpu.vector_load %arg14[%get3A_165, %get3A_166] {strides = array<i32>} : memref<8x128xf32, #tpu.memory_space<vmem>>, vector<1x16xf32>,
        %get3A_168 = vector.shape_cast %get3A_167 : vector<1x16xf32> to vector<16xf32>
        %get3A_169 = arith.constant 2 : i32
        %get3A_170 = arith.index_cast %get3A_169 : i32 to index
        %get3A_171 = arith.constant 0 : index
        %get3A_172 = tpu.vector_load %arg14[%get3A_170, %get3A_171] {strides = array<i32>} : memref<8x128xf32, #tpu.memory_space<vmem>>, vector<1x16xf32>,
        %get3A_173 = vector.shape_cast %get3A_172 : vector<1x16xf32> to vector<16xf32>
        %select_n3A_174 = arith.select %eq3A_142, %get3A_168, %get3A_173 : vector<16xi1>, vector<16xf32>
        %select_n3A_175 = arith.select %eq3A_139, %get3A_163, %select_n3A_174 : vector<16xi1>, vector<16xf32>
        %get3A_176 = arith.index_cast %mul3A_134 : i32 to index
        %get3A_177 = arith.constant 0 : index
        %get3A_178 = tpu.vector_load %arg19[%get3A_176, %get3A_177] {strides = array<i32>} : memref<32x128xf32, #tpu.memory_space<vmem>>, vector<1x16xf32>,
        %get3A_179 = vector.shape_cast %get3A_178 : vector<1x16xf32> to vector<16xf32>
        %get3A_180 = arith.index_cast %mul3A_134 : i32 to index
        %get3A_181 = arith.constant 0 : index
        %get3A_182 = tpu.vector_load %arg20[%get3A_180, %get3A_181] {strides = array<i32>} : memref<32x128xf32, #tpu.memory_space<vmem>>, vector<1x16xf32>,
        %get3A_183 = vector.shape_cast %get3A_182 : vector<1x16xf32> to vector<16xf32>
        %mul3A_184 = arith.mulf %get3A_179, %select_n3A_158 : vector<16xf32>
        %mul3A_185 = arith.mulf %get3A_183, %select_n3A_175 : vector<16xf32>
        %sub3A = arith.subf %mul3A_184, %mul3A_185 : vector<16xf32>
        %get3A_186 = arith.index_cast %mul3A_134 : i32 to index
        %get3A_187 = arith.constant 0 : index
        %get3A_188 = tpu.vector_load %arg21[%get3A_186, %get3A_187] {strides = array<i32>} : memref<32x128xf32, #tpu.memory_space<vmem>>, vector<1x16xf32>,
        %get3A_189 = vector.shape_cast %get3A_188 : vector<1x16xf32> to vector<16xf32>
        %add3A_190 = arith.addf %sub3A, %get3A_189 : vector<16xf32>
        %swap3A_191 = arith.constant 0 : index
        %swap3A_192 = tpu.vector_load %arg28[%swap3A_191] {strides = array<i32>} : memref<128xf32, #tpu.memory_space<vmem>>, vector<16xf32>,
        %swap3A_193 = vector.shape_cast %swap3A_192 : vector<16xf32> to vector<16xf32>
        %swap3A_194 = vector.shape_cast %add3A_190 : vector<16xf32> to vector<16xf32>
        tpu.vector_store %arg28[%swap3A_191], %swap3A_194 {strides = array<i32>} : memref<128xf32, #tpu.memory_space<vmem>>, vector<16xf32>,
        %mul3A_195 = arith.mulf %get3A_179, %select_n3A_175 : vector<16xf32>
        %mul3A_196 = arith.mulf %get3A_183, %select_n3A_158 : vector<16xf32>
        %add3A_197 = arith.addf %mul3A_195, %mul3A_196 : vector<16xf32>
        %get3A_198 = arith.index_cast %mul3A_134 : i32 to index
        %get3A_199 = arith.constant 0 : index
        %get3A_200 = tpu.vector_load %arg22[%get3A_198, %get3A_199] {strides = array<i32>} : memref<32x128xf32, #tpu.memory_space<vmem>>, vector<1x16xf32>,
        %get3A_201 = vector.shape_cast %get3A_200 : vector<1x16xf32> to vector<16xf32>
        %add3A_202 = arith.addf %add3A_197, %get3A_201 : vector<16xf32>
        %swap3A_203 = arith.constant 0 : index
        %swap3A_204 = tpu.vector_load %arg29[%swap3A_203] {strides = array<i32>} : memref<128xf32, #tpu.memory_space<vmem>>, vector<16xf32>,
        %swap3A_205 = vector.shape_cast %swap3A_204 : vector<16xf32> to vector<16xf32>
        %swap3A_206 = vector.shape_cast %add3A_202 : vector<16xf32> to vector<16xf32>
        tpu.vector_store %arg29[%swap3A_203], %swap3A_206 {strides = array<i32>} : memref<128xf32, #tpu.memory_space<vmem>>, vector<16xf32>,
        %swap3A_207 = arith.constant 0 : index
        %swap3A_208 = tpu.vector_load %arg30[%swap3A_207] {strides = array<i32>} : memref<128xf32, #tpu.memory_space<vmem>>, vector<16xf32>,
        %swap3A_209 = vector.shape_cast %swap3A_208 : vector<16xf32> to vector<16xf32>
        %swap3A_210 = vector.shape_cast %select_n3A_158 : vector<16xf32> to vector<16xf32>
        tpu.vector_store %arg30[%swap3A_207], %swap3A_210 {strides = array<i32>} : memref<128xf32, #tpu.memory_space<vmem>>, vector<16xf32>,
        %swap3A_211 = arith.constant 0 : index
        %swap3A_212 = tpu.vector_load %arg31[%swap3A_211] {strides = array<i32>} : memref<128xf32, #tpu.memory_space<vmem>>, vector<16xf32>,
        %swap3A_213 = vector.shape_cast %swap3A_212 : vector<16xf32> to vector<16xf32>
        %swap3A_214 = vector.shape_cast %select_n3A_175 : vector<16xf32> to vector<16xf32>
        tpu.vector_store %arg31[%swap3A_211], %swap3A_214 {strides = array<i32>} : memref<128xf32, #tpu.memory_space<vmem>>, vector<16xf32>,
        %get3A_215 = arith.constant 0 : i32
        %get3A_216 = arith.index_cast %get3A_215 : i32 to index
        %get3A_217 = arith.constant 16 : index
        %get3A_218 = tpu.vector_load %arg13[%get3A_216, %get3A_217] {strides = array<i32>} : memref<8x128xf32, #tpu.memory_space<vmem>>, vector<1x16xf32>,
        %get3A_219 = vector.shape_cast %get3A_218 : vector<1x16xf32> to vector<16xf32>
        %get3A_220 = arith.constant 1 : i32
        %get3A_221 = arith.index_cast %get3A_220 : i32 to index
        %get3A_222 = arith.constant 16 : index
        %get3A_223 = tpu.vector_load %arg13[%get3A_221, %get3A_222] {strides = array<i32>} : memref<8x128xf32, #tpu.memory_space<vmem>>, vector<1x16xf32>,
        %get3A_224 = vector.shape_cast %get3A_223 : vector<1x16xf32> to vector<16xf32>
        %get3A_225 = arith.constant 2 : i32
        %get3A_226 = arith.index_cast %get3A_225 : i32 to index
        %get3A_227 = arith.constant 16 : index
        %get3A_228 = tpu.vector_load %arg13[%get3A_226, %get3A_227] {strides = array<i32>} : memref<8x128xf32, #tpu.memory_space<vmem>>, vector<1x16xf32>,
        %get3A_229 = vector.shape_cast %get3A_228 : vector<1x16xf32> to vector<16xf32>
        %select_n3A_230 = arith.select %eq3A_142, %get3A_224, %get3A_229 : vector<16xi1>, vector<16xf32>
        %select_n3A_231 = arith.select %eq3A_139, %get3A_219, %select_n3A_230 : vector<16xi1>, vector<16xf32>
        %get3A_232 = arith.constant 0 : i32
        %get3A_233 = arith.index_cast %get3A_232 : i32 to index
        %get3A_234 = arith.constant 16 : index
        %get3A_235 = tpu.vector_load %arg14[%get3A_233, %get3A_234] {strides = array<i32>} : memref<8x128xf32, #tpu.memory_space<vmem>>, vector<1x16xf32>,
        %get3A_236 = vector.shape_cast %get3A_235 : vector<1x16xf32> to vector<16xf32>
        %get3A_237 = arith.constant 1 : i32
        %get3A_238 = arith.index_cast %get3A_237 : i32 to index
        %get3A_239 = arith.constant 16 : index
        %get3A_240 = tpu.vector_load %arg14[%get3A_238, %get3A_239] {strides = array<i32>} : memref<8x128xf32, #tpu.memory_space<vmem>>, vector<1x16xf32>,
        %get3A_241 = vector.shape_cast %get3A_240 : vector<1x16xf32> to vector<16xf32>
        %get3A_242 = arith.constant 2 : i32
        %get3A_243 = arith.index_cast %get3A_242 : i32 to index
        %get3A_244 = arith.constant 16 : index
        %get3A_245 = tpu.vector_load %arg14[%get3A_243, %get3A_244] {strides = array<i32>} : memref<8x128xf32, #tpu.memory_space<vmem>>, vector<1x16xf32>,
        %get3A_246 = vector.shape_cast %get3A_245 : vector<1x16xf32> to vector<16xf32>
        %select_n3A_247 = arith.select %eq3A_142, %get3A_241, %get3A_246 : vector<16xi1>, vector<16xf32>
        %select_n3A_248 = arith.select %eq3A_139, %get3A_236, %select_n3A_247 : vector<16xi1>, vector<16xf32>
        %get3A_249 = arith.index_cast %mul3A_134 : i32 to index
        %get3A_250 = arith.constant 16 : index
        %get3A_251 = tpu.vector_load %arg19[%get3A_249, %get3A_250] {strides = array<i32>} : memref<32x128xf32, #tpu.memory_space<vmem>>, vector<1x16xf32>,
        %get3A_252 = vector.shape_cast %get3A_251 : vector<1x16xf32> to vector<16xf32>
        %get3A_253 = arith.index_cast %mul3A_134 : i32 to index
        %get3A_254 = arith.constant 16 : index
        %get3A_255 = tpu.vector_load %arg20[%get3A_253, %get3A_254] {strides = array<i32>} : memref<32x128xf32, #tpu.memory_space<vmem>>, vector<1x16xf32>,
        %get3A_256 = vector.shape_cast %get3A_255 : vector<1x16xf32> to vector<16xf32>
        %mul3A_257 = arith.mulf %get3A_252, %select_n3A_231 : vector<16xf32>
        %mul3A_258 = arith.mulf %get3A_256, %select_n3A_248 : vector<16xf32>
        %sub3A_259 = arith.subf %mul3A_257, %mul3A_258 : vector<16xf32>
        %get3A_260 = arith.index_cast %mul3A_134 : i32 to index
        %get3A_261 = arith.constant 16 : index
        %get3A_262 = tpu.vector_load %arg21[%get3A_260, %get3A_261] {strides = array<i32>} : memref<32x128xf32, #tpu.memory_space<vmem>>, vector<1x16xf32>,
        %get3A_263 = vector.shape_cast %get3A_262 : vector<1x16xf32> to vector<16xf32>
        %add3A_264 = arith.addf %sub3A_259, %get3A_263 : vector<16xf32>
        %swap3A_265 = arith.constant 16 : index
        %swap3A_266 = tpu.vector_load %arg28[%swap3A_265] {strides = array<i32>} : memref<128xf32, #tpu.memory_space<vmem>>, vector<16xf32>,
        %swap3A_267 = vector.shape_cast %swap3A_266 : vector<16xf32> to vector<16xf32>
        %swap3A_268 = vector.shape_cast %add3A_264 : vector<16xf32> to vector<16xf32>
        tpu.vector_store %arg28[%swap3A_265], %swap3A_268 {strides = array<i32>} : memref<128xf32, #tpu.memory_space<vmem>>, vector<16xf32>,
        %mul3A_269 = arith.mulf %get3A_252, %select_n3A_248 : vector<16xf32>
        %mul3A_270 = arith.mulf %get3A_256, %select_n3A_231 : vector<16xf32>
        %add3A_271 = arith.addf %mul3A_269, %mul3A_270 : vector<16xf32>
        %get3A_272 = arith.index_cast %mul3A_134 : i32 to index
        %get3A_273 = arith.constant 16 : index
        %get3A_274 = tpu.vector_load %arg22[%get3A_272, %get3A_273] {strides = array<i32>} : memref<32x128xf32, #tpu.memory_space<vmem>>, vector<1x16xf32>,
        %get3A_275 = vector.shape_cast %get3A_274 : vector<1x16xf32> to vector<16xf32>
        %add3A_276 = arith.addf %add3A_271, %get3A_275 : vector<16xf32>
        %swap3A_277 = arith.constant 16 : index
        %swap3A_278 = tpu.vector_load %arg29[%swap3A_277] {strides = array<i32>} : memref<128xf32, #tpu.memory_space<vmem>>, vector<16xf32>,
        %swap3A_279 = vector.shape_cast %swap3A_278 : vector<16xf32> to vector<16xf32>
        %swap3A_280 = vector.shape_cast %add3A_276 : vector<16xf32> to vector<16xf32>
        tpu.vector_store %arg29[%swap3A_277], %swap3A_280 {strides = array<i32>} : memref<128xf32, #tpu.memory_space<vmem>>, vector<16xf32>,
        %swap3A_281 = arith.constant 16 : index
        %swap3A_282 = tpu.vector_load %arg30[%swap3A_281] {strides = array<i32>} : memref<128xf32, #tpu.memory_space<vmem>>, vector<16xf32>,
        %swap3A_283 = vector.shape_cast %swap3A_282 : vector<16xf32> to vector<16xf32>
        %swap3A_284 = vector.shape_cast %select_n3A_231 : vector<16xf32> to vector<16xf32>
        tpu.vector_store %arg30[%swap3A_281], %swap3A_284 {strides = array<i32>} : memref<128xf32, #tpu.memory_space<vmem>>, vector<16xf32>,
        %swap3A_285 = arith.constant 16 : index
        %swap3A_286 = tpu.vector_load %arg31[%swap3A_285] {strides = array<i32>} : memref<128xf32, #tpu.memory_space<vmem>>, vector<16xf32>,
        %swap3A_287 = vector.shape_cast %swap3A_286 : vector<16xf32> to vector<16xf32>
        %swap3A_288 = vector.shape_cast %select_n3A_248 : vector<16xf32> to vector<16xf32>
        tpu.vector_store %arg31[%swap3A_285], %swap3A_288 {strides = array<i32>} : memref<128xf32, #tpu.memory_space<vmem>>, vector<16xf32>,
        %get3A_289 = arith.constant 0 : i32
        %get3A_290 = arith.index_cast %get3A_289 : i32 to index
        %get3A_291 = arith.constant 32 : index
        %get3A_292 = tpu.vector_load %arg13[%get3A_290, %get3A_291] {strides = array<i32>} : memref<8x128xf32, #tpu.memory_space<vmem>>, vector<1x16xf32>,
        %get3A_293 = vector.shape_cast %get3A_292 : vector<1x16xf32> to vector<16xf32>
        %get3A_294 = arith.constant 1 : i32
        %get3A_295 = arith.index_cast %get3A_294 : i32 to index
        %get3A_296 = arith.constant 32 : index
        %get3A_297 = tpu.vector_load %arg13[%get3A_295, %get3A_296] {strides = array<i32>} : memref<8x128xf32, #tpu.memory_space<vmem>>, vector<1x16xf32>,
        %get3A_298 = vector.shape_cast %get3A_297 : vector<1x16xf32> to vector<16xf32>
        %get3A_299 = arith.constant 2 : i32
        %get3A_300 = arith.index_cast %get3A_299 : i32 to index
        %get3A_301 = arith.constant 32 : index
        %get3A_302 = tpu.vector_load %arg13[%get3A_300, %get3A_301] {strides = array<i32>} : memref<8x128xf32, #tpu.memory_space<vmem>>, vector<1x16xf32>,
        %get3A_303 = vector.shape_cast %get3A_302 : vector<1x16xf32> to vector<16xf32>
        %select_n3A_304 = arith.select %eq3A_142, %get3A_298, %get3A_303 : vector<16xi1>, vector<16xf32>
        %select_n3A_305 = arith.select %eq3A_139, %get3A_293, %select_n3A_304 : vector<16xi1>, vector<16xf32>
        %get3A_306 = arith.constant 0 : i32
        %get3A_307 = arith.index_cast %get3A_306 : i32 to index
        %get3A_308 = arith.constant 32 : index
        %get3A_309 = tpu.vector_load %arg14[%get3A_307, %get3A_308] {strides = array<i32>} : memref<8x128xf32, #tpu.memory_space<vmem>>, vector<1x16xf32>,
        %get3A_310 = vector.shape_cast %get3A_309 : vector<1x16xf32> to vector<16xf32>
        %get3A_311 = arith.constant 1 : i32
        %get3A_312 = arith.index_cast %get3A_311 : i32 to index
        %get3A_313 = arith.constant 32 : index
        %get3A_314 = tpu.vector_load %arg14[%get3A_312, %get3A_313] {strides = array<i32>} : memref<8x128xf32, #tpu.memory_space<vmem>>, vector<1x16xf32>,
        %get3A_315 = vector.shape_cast %get3A_314 : vector<1x16xf32> to vector<16xf32>
        %get3A_316 = arith.constant 2 : i32
        %get3A_317 = arith.index_cast %get3A_316 : i32 to index
        %get3A_318 = arith.constant 32 : index
        %get3A_319 = tpu.vector_load %arg14[%get3A_317, %get3A_318] {strides = array<i32>} : memref<8x128xf32, #tpu.memory_space<vmem>>, vector<1x16xf32>,
        %get3A_320 = vector.shape_cast %get3A_319 : vector<1x16xf32> to vector<16xf32>
        %select_n3A_321 = arith.select %eq3A_142, %get3A_315, %get3A_320 : vector<16xi1>, vector<16xf32>
        %select_n3A_322 = arith.select %eq3A_139, %get3A_310, %select_n3A_321 : vector<16xi1>, vector<16xf32>
        %get3A_323 = arith.index_cast %mul3A_134 : i32 to index
        %get3A_324 = arith.constant 32 : index
        %get3A_325 = tpu.vector_load %arg19[%get3A_323, %get3A_324] {strides = array<i32>} : memref<32x128xf32, #tpu.memory_space<vmem>>, vector<1x16xf32>,
        %get3A_326 = vector.shape_cast %get3A_325 : vector<1x16xf32> to vector<16xf32>
        %get3A_327 = arith.index_cast %mul3A_134 : i32 to index
        %get3A_328 = arith.constant 32 : index
        %get3A_329 = tpu.vector_load %arg20[%get3A_327, %get3A_328] {strides = array<i32>} : memref<32x128xf32, #tpu.memory_space<vmem>>, vector<1x16xf32>,
        %get3A_330 = vector.shape_cast %get3A_329 : vector<1x16xf32> to vector<16xf32>
        %mul3A_331 = arith.mulf %get3A_326, %select_n3A_305 : vector<16xf32>
        %mul3A_332 = arith.mulf %get3A_330, %select_n3A_322 : vector<16xf32>
        %sub3A_333 = arith.subf %mul3A_331, %mul3A_332 : vector<16xf32>
        %get3A_334 = arith.index_cast %mul3A_134 : i32 to index
        %get3A_335 = arith.constant 32 : index
        %get3A_336 = tpu.vector_load %arg21[%get3A_334, %get3A_335] {strides = array<i32>} : memref<32x128xf32, #tpu.memory_space<vmem>>, vector<1x16xf32>,
        %get3A_337 = vector.shape_cast %get3A_336 : vector<1x16xf32> to vector<16xf32>
        %add3A_338 = arith.addf %sub3A_333, %get3A_337 : vector<16xf32>
        %swap3A_339 = arith.constant 32 : index
        %swap3A_340 = tpu.vector_load %arg28[%swap3A_339] {strides = array<i32>} : memref<128xf32, #tpu.memory_space<vmem>>, vector<16xf32>,
        %swap3A_341 = vector.shape_cast %swap3A_340 : vector<16xf32> to vector<16xf32>
        %swap3A_342 = vector.shape_cast %add3A_338 : vector<16xf32> to vector<16xf32>
        tpu.vector_store %arg28[%swap3A_339], %swap3A_342 {strides = array<i32>} : memref<128xf32, #tpu.memory_space<vmem>>, vector<16xf32>,
        %mul3A_343 = arith.mulf %get3A_326, %select_n3A_322 : vector<16xf32>
        %mul3A_344 = arith.mulf %get3A_330, %select_n3A_305 : vector<16xf32>
        %add3A_345 = arith.addf %mul3A_343, %mul3A_344 : vector<16xf32>
        %get3A_346 = arith.index_cast %mul3A_134 : i32 to index
        %get3A_347 = arith.constant 32 : index
        %get3A_348 = tpu.vector_load %arg22[%get3A_346, %get3A_347] {strides = array<i32>} : memref<32x128xf32, #tpu.memory_space<vmem>>, vector<1x16xf32>,
        %get3A_349 = vector.shape_cast %get3A_348 : vector<1x16xf32> to vector<16xf32>
        %add3A_350 = arith.addf %add3A_345, %get3A_349 : vector<16xf32>
        %swap3A_351 = arith.constant 32 : index
        %swap3A_352 = tpu.vector_load %arg29[%swap3A_351] {strides = array<i32>} : memref<128xf32, #tpu.memory_space<vmem>>, vector<16xf32>,
        %swap3A_353 = vector.shape_cast %swap3A_352 : vector<16xf32> to vector<16xf32>
        %swap3A_354 = vector.shape_cast %add3A_350 : vector<16xf32> to vector<16xf32>
        tpu.vector_store %arg29[%swap3A_351], %swap3A_354 {strides = array<i32>} : memref<128xf32, #tpu.memory_space<vmem>>, vector<16xf32>,
        %swap3A_355 = arith.constant 32 : index
        %swap3A_356 = tpu.vector_load %arg30[%swap3A_355] {strides = array<i32>} : memref<128xf32, #tpu.memory_space<vmem>>, vector<16xf32>,
        %swap3A_357 = vector.shape_cast %swap3A_356 : vector<16xf32> to vector<16xf32>
        %swap3A_358 = vector.shape_cast %select_n3A_305 : vector<16xf32> to vector<16xf32>
        tpu.vector_store %arg30[%swap3A_355], %swap3A_358 {strides = array<i32>} : memref<128xf32, #tpu.memory_space<vmem>>, vector<16xf32>,
        %swap3A_359 = arith.constant 32 : index
        %swap3A_360 = tpu.vector_load %arg31[%swap3A_359] {strides = array<i32>} : memref<128xf32, #tpu.memory_space<vmem>>, vector<16xf32>,
        %swap3A_361 = vector.shape_cast %swap3A_360 : vector<16xf32> to vector<16xf32>
        %swap3A_362 = vector.shape_cast %select_n3A_322 : vector<16xf32> to vector<16xf32>
        tpu.vector_store %arg31[%swap3A_359], %swap3A_362 {strides = array<i32>} : memref<128xf32, #tpu.memory_space<vmem>>, vector<16xf32>,
        %get3A_363 = arith.constant 0 : i32
        %get3A_364 = arith.index_cast %get3A_363 : i32 to index
        %get3A_365 = arith.constant 48 : index
        %get3A_366 = tpu.vector_load %arg13[%get3A_364, %get3A_365] {strides = array<i32>} : memref<8x128xf32, #tpu.memory_space<vmem>>, vector<1x16xf32>,
        %get3A_367 = vector.shape_cast %get3A_366 : vector<1x16xf32> to vector<16xf32>
        %get3A_368 = arith.constant 1 : i32
        %get3A_369 = arith.index_cast %get3A_368 : i32 to index
        %get3A_370 = arith.constant 48 : index
        %get3A_371 = tpu.vector_load %arg13[%get3A_369, %get3A_370] {strides = array<i32>} : memref<8x128xf32, #tpu.memory_space<vmem>>, vector<1x16xf32>,
        %get3A_372 = vector.shape_cast %get3A_371 : vector<1x16xf32> to vector<16xf32>
        %get3A_373 = arith.constant 2 : i32
        %get3A_374 = arith.index_cast %get3A_373 : i32 to index
        %get3A_375 = arith.constant 48 : index
        %get3A_376 = tpu.vector_load %arg13[%get3A_374, %get3A_375] {strides = array<i32>} : memref<8x128xf32, #tpu.memory_space<vmem>>, vector<1x16xf32>,
        %get3A_377 = vector.shape_cast %get3A_376 : vector<1x16xf32> to vector<16xf32>
        %select_n3A_378 = arith.select %eq3A_142, %get3A_372, %get3A_377 : vector<16xi1>, vector<16xf32>
        %select_n3A_379 = arith.select %eq3A_139, %get3A_367, %select_n3A_378 : vector<16xi1>, vector<16xf32>
        %get3A_380 = arith.constant 0 : i32
        %get3A_381 = arith.index_cast %get3A_380 : i32 to index
        %get3A_382 = arith.constant 48 : index
        %get3A_383 = tpu.vector_load %arg14[%get3A_381, %get3A_382] {strides = array<i32>} : memref<8x128xf32, #tpu.memory_space<vmem>>, vector<1x16xf32>,
        %get3A_384 = vector.shape_cast %get3A_383 : vector<1x16xf32> to vector<16xf32>
        %get3A_385 = arith.constant 1 : i32
        %get3A_386 = arith.index_cast %get3A_385 : i32 to index
        %get3A_387 = arith.constant 48 : index
        %get3A_388 = tpu.vector_load %arg14[%get3A_386, %get3A_387] {strides = array<i32>} : memref<8x128xf32, #tpu.memory_space<vmem>>, vector<1x16xf32>,
        %get3A_389 = vector.shape_cast %get3A_388 : vector<1x16xf32> to vector<16xf32>
        %get3A_390 = arith.constant 2 : i32
        %get3A_391 = arith.index_cast %get3A_390 : i32 to index
        %get3A_392 = arith.constant 48 : index
        %get3A_393 = tpu.vector_load %arg14[%get3A_391, %get3A_392] {strides = array<i32>} : memref<8x128xf32, #tpu.memory_space<vmem>>, vector<1x16xf32>,
        %get3A_394 = vector.shape_cast %get3A_393 : vector<1x16xf32> to vector<16xf32>
        %select_n3A_395 = arith.select %eq3A_142, %get3A_389, %get3A_394 : vector<16xi1>, vector<16xf32>
        %select_n3A_396 = arith.select %eq3A_139, %get3A_384, %select_n3A_395 : vector<16xi1>, vector<16xf32>
        %get3A_397 = arith.index_cast %mul3A_134 : i32 to index
        %get3A_398 = arith.constant 48 : index
        %get3A_399 = tpu.vector_load %arg19[%get3A_397, %get3A_398] {strides = array<i32>} : memref<32x128xf32, #tpu.memory_space<vmem>>, vector<1x16xf32>,
        %get3A_400 = vector.shape_cast %get3A_399 : vector<1x16xf32> to vector<16xf32>
        %get3A_401 = arith.index_cast %mul3A_134 : i32 to index
        %get3A_402 = arith.constant 48 : index
        %get3A_403 = tpu.vector_load %arg20[%get3A_401, %get3A_402] {strides = array<i32>} : memref<32x128xf32, #tpu.memory_space<vmem>>, vector<1x16xf32>,
        %get3A_404 = vector.shape_cast %get3A_403 : vector<1x16xf32> to vector<16xf32>
        %mul3A_405 = arith.mulf %get3A_400, %select_n3A_379 : vector<16xf32>
        %mul3A_406 = arith.mulf %get3A_404, %select_n3A_396 : vector<16xf32>
        %sub3A_407 = arith.subf %mul3A_405, %mul3A_406 : vector<16xf32>
        %get3A_408 = arith.index_cast %mul3A_134 : i32 to index
        %get3A_409 = arith.constant 48 : index
        %get3A_410 = tpu.vector_load %arg21[%get3A_408, %get3A_409] {strides = array<i32>} : memref<32x128xf32, #tpu.memory_space<vmem>>, vector<1x16xf32>,
        %get3A_411 = vector.shape_cast %get3A_410 : vector<1x16xf32> to vector<16xf32>
        %add3A_412 = arith.addf %sub3A_407, %get3A_411 : vector<16xf32>
        %swap3A_413 = arith.constant 48 : index
        %swap3A_414 = tpu.vector_load %arg28[%swap3A_413] {strides = array<i32>} : memref<128xf32, #tpu.memory_space<vmem>>, vector<16xf32>,
        %swap3A_415 = vector.shape_cast %swap3A_414 : vector<16xf32> to vector<16xf32>
        %swap3A_416 = vector.shape_cast %add3A_412 : vector<16xf32> to vector<16xf32>
        tpu.vector_store %arg28[%swap3A_413], %swap3A_416 {strides = array<i32>} : memref<128xf32, #tpu.memory_space<vmem>>, vector<16xf32>,
        %mul3A_417 = arith.mulf %get3A_400, %select_n3A_396 : vector<16xf32>
        %mul3A_418 = arith.mulf %get3A_404, %select_n3A_379 : vector<16xf32>
        %add3A_419 = arith.addf %mul3A_417, %mul3A_418 : vector<16xf32>
        %get3A_420 = arith.index_cast %mul3A_134 : i32 to index
        %get3A_421 = arith.constant 48 : index
        %get3A_422 = tpu.vector_load %arg22[%get3A_420, %get3A_421] {strides = array<i32>} : memref<32x128xf32, #tpu.memory_space<vmem>>, vector<1x16xf32>,
        %get3A_423 = vector.shape_cast %get3A_422 : vector<1x16xf32> to vector<16xf32>
        %add3A_424 = arith.addf %add3A_419, %get3A_423 : vector<16xf32>
        %swap3A_425 = arith.constant 48 : index
        %swap3A_426 = tpu.vector_load %arg29[%swap3A_425] {strides = array<i32>} : memref<128xf32, #tpu.memory_space<vmem>>, vector<16xf32>,
        %swap3A_427 = vector.shape_cast %swap3A_426 : vector<16xf32> to vector<16xf32>
        %swap3A_428 = vector.shape_cast %add3A_424 : vector<16xf32> to vector<16xf32>
        tpu.vector_store %arg29[%swap3A_425], %swap3A_428 {strides = array<i32>} : memref<128xf32, #tpu.memory_space<vmem>>, vector<16xf32>,
        %swap3A_429 = arith.constant 48 : index
        %swap3A_430 = tpu.vector_load %arg30[%swap3A_429] {strides = array<i32>} : memref<128xf32, #tpu.memory_space<vmem>>, vector<16xf32>,
        %swap3A_431 = vector.shape_cast %swap3A_430 : vector<16xf32> to vector<16xf32>
        %swap3A_432 = vector.shape_cast %select_n3A_379 : vector<16xf32> to vector<16xf32>
        tpu.vector_store %arg30[%swap3A_429], %swap3A_432 {strides = array<i32>} : memref<128xf32, #tpu.memory_space<vmem>>, vector<16xf32>,
        %swap3A_433 = arith.constant 48 : index
        %swap3A_434 = tpu.vector_load %arg31[%swap3A_433] {strides = array<i32>} : memref<128xf32, #tpu.memory_space<vmem>>, vector<16xf32>,
        %swap3A_435 = vector.shape_cast %swap3A_434 : vector<16xf32> to vector<16xf32>
        %swap3A_436 = vector.shape_cast %select_n3A_396 : vector<16xf32> to vector<16xf32>
        tpu.vector_store %arg31[%swap3A_433], %swap3A_436 {strides = array<i32>} : memref<128xf32, #tpu.memory_space<vmem>>, vector<16xf32>,
        %get3A_437 = arith.constant 0 : i32
        %get3A_438 = arith.index_cast %get3A_437 : i32 to index
        %get3A_439 = arith.constant 64 : index
        %get3A_440 = tpu.vector_load %arg13[%get3A_438, %get3A_439] {strides = array<i32>} : memref<8x128xf32, #tpu.memory_space<vmem>>, vector<1x16xf32>,
        %get3A_441 = vector.shape_cast %get3A_440 : vector<1x16xf32> to vector<16xf32>
        %get3A_442 = arith.constant 1 : i32
        %get3A_443 = arith.index_cast %get3A_442 : i32 to index
        %get3A_444 = arith.constant 64 : index
        %get3A_445 = tpu.vector_load %arg13[%get3A_443, %get3A_444] {strides = array<i32>} : memref<8x128xf32, #tpu.memory_space<vmem>>, vector<1x16xf32>,
        %get3A_446 = vector.shape_cast %get3A_445 : vector<1x16xf32> to vector<16xf32>
        %get3A_447 = arith.constant 2 : i32
        %get3A_448 = arith.index_cast %get3A_447 : i32 to index
        %get3A_449 = arith.constant 64 : index
        %get3A_450 = tpu.vector_load %arg13[%get3A_448, %get3A_449] {strides = array<i32>} : memref<8x128xf32, #tpu.memory_space<vmem>>, vector<1x16xf32>,
        %get3A_451 = vector.shape_cast %get3A_450 : vector<1x16xf32> to vector<16xf32>
        %select_n3A_452 = arith.select %eq3A_142, %get3A_446, %get3A_451 : vector<16xi1>, vector<16xf32>
        %select_n3A_453 = arith.select %eq3A_139, %get3A_441, %select_n3A_452 : vector<16xi1>, vector<16xf32>
        %get3A_454 = arith.constant 0 : i32
        %get3A_455 = arith.index_cast %get3A_454 : i32 to index
        %get3A_456 = arith.constant 64 : index
        %get3A_457 = tpu.vector_load %arg14[%get3A_455, %get3A_456] {strides = array<i32>} : memref<8x128xf32, #tpu.memory_space<vmem>>, vector<1x16xf32>,
        %get3A_458 = vector.shape_cast %get3A_457 : vector<1x16xf32> to vector<16xf32>
        %get3A_459 = arith.constant 1 : i32
        %get3A_460 = arith.index_cast %get3A_459 : i32 to index
        %get3A_461 = arith.constant 64 : index
        %get3A_462 = tpu.vector_load %arg14[%get3A_460, %get3A_461] {strides = array<i32>} : memref<8x128xf32, #tpu.memory_space<vmem>>, vector<1x16xf32>,
        %get3A_463 = vector.shape_cast %get3A_462 : vector<1x16xf32> to vector<16xf32>
        %get3A_464 = arith.constant 2 : i32
        %get3A_465 = arith.index_cast %get3A_464 : i32 to index
        %get3A_466 = arith.constant 64 : index
        %get3A_467 = tpu.vector_load %arg14[%get3A_465, %get3A_466] {strides = array<i32>} : memref<8x128xf32, #tpu.memory_space<vmem>>, vector<1x16xf32>,
        %get3A_468 = vector.shape_cast %get3A_467 : vector<1x16xf32> to vector<16xf32>
        %select_n3A_469 = arith.select %eq3A_142, %get3A_463, %get3A_468 : vector<16xi1>, vector<16xf32>
        %select_n3A_470 = arith.select %eq3A_139, %get3A_458, %select_n3A_469 : vector<16xi1>, vector<16xf32>
        %get3A_471 = arith.index_cast %mul3A_134 : i32 to index
        %get3A_472 = arith.constant 64 : index
        %get3A_473 = tpu.vector_load %arg19[%get3A_471, %get3A_472] {strides = array<i32>} : memref<32x128xf32, #tpu.memory_space<vmem>>, vector<1x16xf32>,
        %get3A_474 = vector.shape_cast %get3A_473 : vector<1x16xf32> to vector<16xf32>
        %get3A_475 = arith.index_cast %mul3A_134 : i32 to index
        %get3A_476 = arith.constant 64 : index
        %get3A_477 = tpu.vector_load %arg20[%get3A_475, %get3A_476] {strides = array<i32>} : memref<32x128xf32, #tpu.memory_space<vmem>>, vector<1x16xf32>,
        %get3A_478 = vector.shape_cast %get3A_477 : vector<1x16xf32> to vector<16xf32>
        %mul3A_479 = arith.mulf %get3A_474, %select_n3A_453 : vector<16xf32>
        %mul3A_480 = arith.mulf %get3A_478, %select_n3A_470 : vector<16xf32>
        %sub3A_481 = arith.subf %mul3A_479, %mul3A_480 : vector<16xf32>
        %get3A_482 = arith.index_cast %mul3A_134 : i32 to index
        %get3A_483 = arith.constant 64 : index
        %get3A_484 = tpu.vector_load %arg21[%get3A_482, %get3A_483] {strides = array<i32>} : memref<32x128xf32, #tpu.memory_space<vmem>>, vector<1x16xf32>,
        %get3A_485 = vector.shape_cast %get3A_484 : vector<1x16xf32> to vector<16xf32>
        %add3A_486 = arith.addf %sub3A_481, %get3A_485 : vector<16xf32>
        %swap3A_487 = arith.constant 64 : index
        %swap3A_488 = tpu.vector_load %arg28[%swap3A_487] {strides = array<i32>} : memref<128xf32, #tpu.memory_space<vmem>>, vector<16xf32>,
        %swap3A_489 = vector.shape_cast %swap3A_488 : vector<16xf32> to vector<16xf32>
        %swap3A_490 = vector.shape_cast %add3A_486 : vector<16xf32> to vector<16xf32>
        tpu.vector_store %arg28[%swap3A_487], %swap3A_490 {strides = array<i32>} : memref<128xf32, #tpu.memory_space<vmem>>, vector<16xf32>,
        %mul3A_491 = arith.mulf %get3A_474, %select_n3A_470 : vector<16xf32>
        %mul3A_492 = arith.mulf %get3A_478, %select_n3A_453 : vector<16xf32>
        %add3A_493 = arith.addf %mul3A_491, %mul3A_492 : vector<16xf32>
        %get3A_494 = arith.index_cast %mul3A_134 : i32 to index
        %get3A_495 = arith.constant 64 : index
        %get3A_496 = tpu.vector_load %arg22[%get3A_494, %get3A_495] {strides = array<i32>} : memref<32x128xf32, #tpu.memory_space<vmem>>, vector<1x16xf32>,
        %get3A_497 = vector.shape_cast %get3A_496 : vector<1x16xf32> to vector<16xf32>
        %add3A_498 = arith.addf %add3A_493, %get3A_497 : vector<16xf32>
        %swap3A_499 = arith.constant 64 : index
        %swap3A_500 = tpu.vector_load %arg29[%swap3A_499] {strides = array<i32>} : memref<128xf32, #tpu.memory_space<vmem>>, vector<16xf32>,
        %swap3A_501 = vector.shape_cast %swap3A_500 : vector<16xf32> to vector<16xf32>
        %swap3A_502 = vector.shape_cast %add3A_498 : vector<16xf32> to vector<16xf32>
        tpu.vector_store %arg29[%swap3A_499], %swap3A_502 {strides = array<i32>} : memref<128xf32, #tpu.memory_space<vmem>>, vector<16xf32>,
        %swap3A_503 = arith.constant 64 : index
        %swap3A_504 = tpu.vector_load %arg30[%swap3A_503] {strides = array<i32>} : memref<128xf32, #tpu.memory_space<vmem>>, vector<16xf32>,
        %swap3A_505 = vector.shape_cast %swap3A_504 : vector<16xf32> to vector<16xf32>
        %swap3A_506 = vector.shape_cast %select_n3A_453 : vector<16xf32> to vector<16xf32>
        tpu.vector_store %arg30[%swap3A_503], %swap3A_506 {strides = array<i32>} : memref<128xf32, #tpu.memory_space<vmem>>, vector<16xf32>,
        %swap3A_507 = arith.constant 64 : index
        %swap3A_508 = tpu.vector_load %arg31[%swap3A_507] {strides = array<i32>} : memref<128xf32, #tpu.memory_space<vmem>>, vector<16xf32>,
        %swap3A_509 = vector.shape_cast %swap3A_508 : vector<16xf32> to vector<16xf32>
        %swap3A_510 = vector.shape_cast %select_n3A_470 : vector<16xf32> to vector<16xf32>
        tpu.vector_store %arg31[%swap3A_507], %swap3A_510 {strides = array<i32>} : memref<128xf32, #tpu.memory_space<vmem>>, vector<16xf32>,
        %get3A_511 = arith.constant 0 : i32
        %get3A_512 = arith.index_cast %get3A_511 : i32 to index
        %get3A_513 = arith.constant 80 : index
        %get3A_514 = tpu.vector_load %arg13[%get3A_512, %get3A_513] {strides = array<i32>} : memref<8x128xf32, #tpu.memory_space<vmem>>, vector<1x16xf32>,
        %get3A_515 = vector.shape_cast %get3A_514 : vector<1x16xf32> to vector<16xf32>
        %get3A_516 = arith.constant 1 : i32
        %get3A_517 = arith.index_cast %get3A_516 : i32 to index
        %get3A_518 = arith.constant 80 : index
        %get3A_519 = tpu.vector_load %arg13[%get3A_517, %get3A_518] {strides = array<i32>} : memref<8x128xf32, #tpu.memory_space<vmem>>, vector<1x16xf32>,
        %get3A_520 = vector.shape_cast %get3A_519 : vector<1x16xf32> to vector<16xf32>
        %get3A_521 = arith.constant 2 : i32
        %get3A_522 = arith.index_cast %get3A_521 : i32 to index
        %get3A_523 = arith.constant 80 : index
        %get3A_524 = tpu.vector_load %arg13[%get3A_522, %get3A_523] {strides = array<i32>} : memref<8x128xf32, #tpu.memory_space<vmem>>, vector<1x16xf32>,
        %get3A_525 = vector.shape_cast %get3A_524 : vector<1x16xf32> to vector<16xf32>
        %select_n3A_526 = arith.select %eq3A_142, %get3A_520, %get3A_525 : vector<16xi1>, vector<16xf32>
        %select_n3A_527 = arith.select %eq3A_139, %get3A_515, %select_n3A_526 : vector<16xi1>, vector<16xf32>
        %get3A_528 = arith.constant 0 : i32
        %get3A_529 = arith.index_cast %get3A_528 : i32 to index
        %get3A_530 = arith.constant 80 : index
        %get3A_531 = tpu.vector_load %arg14[%get3A_529, %get3A_530] {strides = array<i32>} : memref<8x128xf32, #tpu.memory_space<vmem>>, vector<1x16xf32>,
        %get3A_532 = vector.shape_cast %get3A_531 : vector<1x16xf32> to vector<16xf32>
        %get3A_533 = arith.constant 1 : i32
        %get3A_534 = arith.index_cast %get3A_533 : i32 to index
        %get3A_535 = arith.constant 80 : index
        %get3A_536 = tpu.vector_load %arg14[%get3A_534, %get3A_535] {strides = array<i32>} : memref<8x128xf32, #tpu.memory_space<vmem>>, vector<1x16xf32>,
        %get3A_537 = vector.shape_cast %get3A_536 : vector<1x16xf32> to vector<16xf32>
        %get3A_538 = arith.constant 2 : i32
        %get3A_539 = arith.index_cast %get3A_538 : i32 to index
        %get3A_540 = arith.constant 80 : index
        %get3A_541 = tpu.vector_load %arg14[%get3A_539, %get3A_540] {strides = array<i32>} : memref<8x128xf32, #tpu.memory_space<vmem>>, vector<1x16xf32>,
        %get3A_542 = vector.shape_cast %get3A_541 : vector<1x16xf32> to vector<16xf32>
        %select_n3A_543 = arith.select %eq3A_142, %get3A_537, %get3A_542 : vector<16xi1>, vector<16xf32>
        %select_n3A_544 = arith.select %eq3A_139, %get3A_532, %select_n3A_543 : vector<16xi1>, vector<16xf32>
        %get3A_545 = arith.index_cast %mul3A_134 : i32 to index
        %get3A_546 = arith.constant 80 : index
        %get3A_547 = tpu.vector_load %arg19[%get3A_545, %get3A_546] {strides = array<i32>} : memref<32x128xf32, #tpu.memory_space<vmem>>, vector<1x16xf32>,
        %get3A_548 = vector.shape_cast %get3A_547 : vector<1x16xf32> to vector<16xf32>
        %get3A_549 = arith.index_cast %mul3A_134 : i32 to index
        %get3A_550 = arith.constant 80 : index
        %get3A_551 = tpu.vector_load %arg20[%get3A_549, %get3A_550] {strides = array<i32>} : memref<32x128xf32, #tpu.memory_space<vmem>>, vector<1x16xf32>,
        %get3A_552 = vector.shape_cast %get3A_551 : vector<1x16xf32> to vector<16xf32>
        %mul3A_553 = arith.mulf %get3A_548, %select_n3A_527 : vector<16xf32>
        %mul3A_554 = arith.mulf %get3A_552, %select_n3A_544 : vector<16xf32>
        %sub3A_555 = arith.subf %mul3A_553, %mul3A_554 : vector<16xf32>
        %get3A_556 = arith.index_cast %mul3A_134 : i32 to index
        %get3A_557 = arith.constant 80 : index
        %get3A_558 = tpu.vector_load %arg21[%get3A_556, %get3A_557] {strides = array<i32>} : memref<32x128xf32, #tpu.memory_space<vmem>>, vector<1x16xf32>,
        %get3A_559 = vector.shape_cast %get3A_558 : vector<1x16xf32> to vector<16xf32>
        %add3A_560 = arith.addf %sub3A_555, %get3A_559 : vector<16xf32>
        %swap3A_561 = arith.constant 80 : index
        %swap3A_562 = tpu.vector_load %arg28[%swap3A_561] {strides = array<i32>} : memref<128xf32, #tpu.memory_space<vmem>>, vector<16xf32>,
        %swap3A_563 = vector.shape_cast %swap3A_562 : vector<16xf32> to vector<16xf32>
        %swap3A_564 = vector.shape_cast %add3A_560 : vector<16xf32> to vector<16xf32>
        tpu.vector_store %arg28[%swap3A_561], %swap3A_564 {strides = array<i32>} : memref<128xf32, #tpu.memory_space<vmem>>, vector<16xf32>,
        %mul3A_565 = arith.mulf %get3A_548, %select_n3A_544 : vector<16xf32>
        %mul3A_566 = arith.mulf %get3A_552, %select_n3A_527 : vector<16xf32>
        %add3A_567 = arith.addf %mul3A_565, %mul3A_566 : vector<16xf32>
        %get3A_568 = arith.index_cast %mul3A_134 : i32 to index
        %get3A_569 = arith.constant 80 : index
        %get3A_570 = tpu.vector_load %arg22[%get3A_568, %get3A_569] {strides = array<i32>} : memref<32x128xf32, #tpu.memory_space<vmem>>, vector<1x16xf32>,
        %get3A_571 = vector.shape_cast %get3A_570 : vector<1x16xf32> to vector<16xf32>
        %add3A_572 = arith.addf %add3A_567, %get3A_571 : vector<16xf32>
        %swap3A_573 = arith.constant 80 : index
        %swap3A_574 = tpu.vector_load %arg29[%swap3A_573] {strides = array<i32>} : memref<128xf32, #tpu.memory_space<vmem>>, vector<16xf32>,
        %swap3A_575 = vector.shape_cast %swap3A_574 : vector<16xf32> to vector<16xf32>
        %swap3A_576 = vector.shape_cast %add3A_572 : vector<16xf32> to vector<16xf32>
        tpu.vector_store %arg29[%swap3A_573], %swap3A_576 {strides = array<i32>} : memref<128xf32, #tpu.memory_space<vmem>>, vector<16xf32>,
        %swap3A_577 = arith.constant 80 : index
        %swap3A_578 = tpu.vector_load %arg30[%swap3A_577] {strides = array<i32>} : memref<128xf32, #tpu.memory_space<vmem>>, vector<16xf32>,
        %swap3A_579 = vector.shape_cast %swap3A_578 : vector<16xf32> to vector<16xf32>
        %swap3A_580 = vector.shape_cast %select_n3A_527 : vector<16xf32> to vector<16xf32>
        tpu.vector_store %arg30[%swap3A_577], %swap3A_580 {strides = array<i32>} : memref<128xf32, #tpu.memory_space<vmem>>, vector<16xf32>,
        %swap3A_581 = arith.constant 80 : index
        %swap3A_582 = tpu.vector_load %arg31[%swap3A_581] {strides = array<i32>} : memref<128xf32, #tpu.memory_space<vmem>>, vector<16xf32>,
        %swap3A_583 = vector.shape_cast %swap3A_582 : vector<16xf32> to vector<16xf32>
        %swap3A_584 = vector.shape_cast %select_n3A_544 : vector<16xf32> to vector<16xf32>
        tpu.vector_store %arg31[%swap3A_581], %swap3A_584 {strides = array<i32>} : memref<128xf32, #tpu.memory_space<vmem>>, vector<16xf32>,
        %get3A_585 = arith.constant 0 : i32
        %get3A_586 = arith.index_cast %get3A_585 : i32 to index
        %get3A_587 = arith.constant 96 : index
        %get3A_588 = tpu.vector_load %arg13[%get3A_586, %get3A_587] {strides = array<i32>} : memref<8x128xf32, #tpu.memory_space<vmem>>, vector<1x16xf32>,
        %get3A_589 = vector.shape_cast %get3A_588 : vector<1x16xf32> to vector<16xf32>
        %get3A_590 = arith.constant 1 : i32
        %get3A_591 = arith.index_cast %get3A_590 : i32 to index
        %get3A_592 = arith.constant 96 : index
        %get3A_593 = tpu.vector_load %arg13[%get3A_591, %get3A_592] {strides = array<i32>} : memref<8x128xf32, #tpu.memory_space<vmem>>, vector<1x16xf32>,
        %get3A_594 = vector.shape_cast %get3A_593 : vector<1x16xf32> to vector<16xf32>
        %get3A_595 = arith.constant 2 : i32
        %get3A_596 = arith.index_cast %get3A_595 : i32 to index
        %get3A_597 = arith.constant 96 : index
        %get3A_598 = tpu.vector_load %arg13[%get3A_596, %get3A_597] {strides = array<i32>} : memref<8x128xf32, #tpu.memory_space<vmem>>, vector<1x16xf32>,
        %get3A_599 = vector.shape_cast %get3A_598 : vector<1x16xf32> to vector<16xf32>
        %select_n3A_600 = arith.select %eq3A_142, %get3A_594, %get3A_599 : vector<16xi1>, vector<16xf32>
        %select_n3A_601 = arith.select %eq3A_139, %get3A_589, %select_n3A_600 : vector<16xi1>, vector<16xf32>
        %get3A_602 = arith.constant 0 : i32
        %get3A_603 = arith.index_cast %get3A_602 : i32 to index
        %get3A_604 = arith.constant 96 : index
        %get3A_605 = tpu.vector_load %arg14[%get3A_603, %get3A_604] {strides = array<i32>} : memref<8x128xf32, #tpu.memory_space<vmem>>, vector<1x16xf32>,
        %get3A_606 = vector.shape_cast %get3A_605 : vector<1x16xf32> to vector<16xf32>
        %get3A_607 = arith.constant 1 : i32
        %get3A_608 = arith.index_cast %get3A_607 : i32 to index
        %get3A_609 = arith.constant 96 : index
        %get3A_610 = tpu.vector_load %arg14[%get3A_608, %get3A_609] {strides = array<i32>} : memref<8x128xf32, #tpu.memory_space<vmem>>, vector<1x16xf32>,
        %get3A_611 = vector.shape_cast %get3A_610 : vector<1x16xf32> to vector<16xf32>
        %get3A_612 = arith.constant 2 : i32
        %get3A_613 = arith.index_cast %get3A_612 : i32 to index
        %get3A_614 = arith.constant 96 : index
        %get3A_615 = tpu.vector_load %arg14[%get3A_613, %get3A_614] {strides = array<i32>} : memref<8x128xf32, #tpu.memory_space<vmem>>, vector<1x16xf32>,
        %get3A_616 = vector.shape_cast %get3A_615 : vector<1x16xf32> to vector<16xf32>
        %select_n3A_617 = arith.select %eq3A_142, %get3A_611, %get3A_616 : vector<16xi1>, vector<16xf32>
        %select_n3A_618 = arith.select %eq3A_139, %get3A_606, %select_n3A_617 : vector<16xi1>, vector<16xf32>
        %get3A_619 = arith.index_cast %mul3A_134 : i32 to index
        %get3A_620 = arith.constant 96 : index
        %get3A_621 = tpu.vector_load %arg19[%get3A_619, %get3A_620] {strides = array<i32>} : memref<32x128xf32, #tpu.memory_space<vmem>>, vector<1x16xf32>,
        %get3A_622 = vector.shape_cast %get3A_621 : vector<1x16xf32> to vector<16xf32>
        %get3A_623 = arith.index_cast %mul3A_134 : i32 to index
        %get3A_624 = arith.constant 96 : index
        %get3A_625 = tpu.vector_load %arg20[%get3A_623, %get3A_624] {strides = array<i32>} : memref<32x128xf32, #tpu.memory_space<vmem>>, vector<1x16xf32>,
        %get3A_626 = vector.shape_cast %get3A_625 : vector<1x16xf32> to vector<16xf32>
        %mul3A_627 = arith.mulf %get3A_622, %select_n3A_601 : vector<16xf32>
        %mul3A_628 = arith.mulf %get3A_626, %select_n3A_618 : vector<16xf32>
        %sub3A_629 = arith.subf %mul3A_627, %mul3A_628 : vector<16xf32>
        %get3A_630 = arith.index_cast %mul3A_134 : i32 to index
        %get3A_631 = arith.constant 96 : index
        %get3A_632 = tpu.vector_load %arg21[%get3A_630, %get3A_631] {strides = array<i32>} : memref<32x128xf32, #tpu.memory_space<vmem>>, vector<1x16xf32>,
        %get3A_633 = vector.shape_cast %get3A_632 : vector<1x16xf32> to vector<16xf32>
        %add3A_634 = arith.addf %sub3A_629, %get3A_633 : vector<16xf32>
        %swap3A_635 = arith.constant 96 : index
        %swap3A_636 = tpu.vector_load %arg28[%swap3A_635] {strides = array<i32>} : memref<128xf32, #tpu.memory_space<vmem>>, vector<16xf32>,
        %swap3A_637 = vector.shape_cast %swap3A_636 : vector<16xf32> to vector<16xf32>
        %swap3A_638 = vector.shape_cast %add3A_634 : vector<16xf32> to vector<16xf32>
        tpu.vector_store %arg28[%swap3A_635], %swap3A_638 {strides = array<i32>} : memref<128xf32, #tpu.memory_space<vmem>>, vector<16xf32>,
        %mul3A_639 = arith.mulf %get3A_622, %select_n3A_618 : vector<16xf32>
        %mul3A_640 = arith.mulf %get3A_626, %select_n3A_601 : vector<16xf32>
        %add3A_641 = arith.addf %mul3A_639, %mul3A_640 : vector<16xf32>
        %get3A_642 = arith.index_cast %mul3A_134 : i32 to index
        %get3A_643 = arith.constant 96 : index
        %get3A_644 = tpu.vector_load %arg22[%get3A_642, %get3A_643] {strides = array<i32>} : memref<32x128xf32, #tpu.memory_space<vmem>>, vector<1x16xf32>,
        %get3A_645 = vector.shape_cast %get3A_644 : vector<1x16xf32> to vector<16xf32>
        %add3A_646 = arith.addf %add3A_641, %get3A_645 : vector<16xf32>
        %swap3A_647 = arith.constant 96 : index
        %swap3A_648 = tpu.vector_load %arg29[%swap3A_647] {strides = array<i32>} : memref<128xf32, #tpu.memory_space<vmem>>, vector<16xf32>,
        %swap3A_649 = vector.shape_cast %swap3A_648 : vector<16xf32> to vector<16xf32>
        %swap3A_650 = vector.shape_cast %add3A_646 : vector<16xf32> to vector<16xf32>
        tpu.vector_store %arg29[%swap3A_647], %swap3A_650 {strides = array<i32>} : memref<128xf32, #tpu.memory_space<vmem>>, vector<16xf32>,
        %swap3A_651 = arith.constant 96 : index
        %swap3A_652 = tpu.vector_load %arg30[%swap3A_651] {strides = array<i32>} : memref<128xf32, #tpu.memory_space<vmem>>, vector<16xf32>,
        %swap3A_653 = vector.shape_cast %swap3A_652 : vector<16xf32> to vector<16xf32>
        %swap3A_654 = vector.shape_cast %select_n3A_601 : vector<16xf32> to vector<16xf32>
        tpu.vector_store %arg30[%swap3A_651], %swap3A_654 {strides = array<i32>} : memref<128xf32, #tpu.memory_space<vmem>>, vector<16xf32>,
        %swap3A_655 = arith.constant 96 : index
        %swap3A_656 = tpu.vector_load %arg31[%swap3A_655] {strides = array<i32>} : memref<128xf32, #tpu.memory_space<vmem>>, vector<16xf32>,
        %swap3A_657 = vector.shape_cast %swap3A_656 : vector<16xf32> to vector<16xf32>
        %swap3A_658 = vector.shape_cast %select_n3A_618 : vector<16xf32> to vector<16xf32>
        tpu.vector_store %arg31[%swap3A_655], %swap3A_658 {strides = array<i32>} : memref<128xf32, #tpu.memory_space<vmem>>, vector<16xf32>,
        %get3A_659 = arith.constant 0 : i32
        %get3A_660 = arith.index_cast %get3A_659 : i32 to index
        %get3A_661 = arith.constant 112 : index
        %get3A_662 = tpu.vector_load %arg13[%get3A_660, %get3A_661] {strides = array<i32>} : memref<8x128xf32, #tpu.memory_space<vmem>>, vector<1x16xf32>,
        %get3A_663 = vector.shape_cast %get3A_662 : vector<1x16xf32> to vector<16xf32>
        %get3A_664 = arith.constant 1 : i32
        %get3A_665 = arith.index_cast %get3A_664 : i32 to index
        %get3A_666 = arith.constant 112 : index
        %get3A_667 = tpu.vector_load %arg13[%get3A_665, %get3A_666] {strides = array<i32>} : memref<8x128xf32, #tpu.memory_space<vmem>>, vector<1x16xf32>,
        %get3A_668 = vector.shape_cast %get3A_667 : vector<1x16xf32> to vector<16xf32>
        %get3A_669 = arith.constant 2 : i32
        %get3A_670 = arith.index_cast %get3A_669 : i32 to index
        %get3A_671 = arith.constant 112 : index
        %get3A_672 = tpu.vector_load %arg13[%get3A_670, %get3A_671] {strides = array<i32>} : memref<8x128xf32, #tpu.memory_space<vmem>>, vector<1x16xf32>,
        %get3A_673 = vector.shape_cast %get3A_672 : vector<1x16xf32> to vector<16xf32>
        %select_n3A_674 = arith.select %eq3A_142, %get3A_668, %get3A_673 : vector<16xi1>, vector<16xf32>
        %select_n3A_675 = arith.select %eq3A_139, %get3A_663, %select_n3A_674 : vector<16xi1>, vector<16xf32>
        %get3A_676 = arith.constant 0 : i32
        %get3A_677 = arith.index_cast %get3A_676 : i32 to index
        %get3A_678 = arith.constant 112 : index
        %get3A_679 = tpu.vector_load %arg14[%get3A_677, %get3A_678] {strides = array<i32>} : memref<8x128xf32, #tpu.memory_space<vmem>>, vector<1x16xf32>,
        %get3A_680 = vector.shape_cast %get3A_679 : vector<1x16xf32> to vector<16xf32>
        %get3A_681 = arith.constant 1 : i32
        %get3A_682 = arith.index_cast %get3A_681 : i32 to index
        %get3A_683 = arith.constant 112 : index
        %get3A_684 = tpu.vector_load %arg14[%get3A_682, %get3A_683] {strides = array<i32>} : memref<8x128xf32, #tpu.memory_space<vmem>>, vector<1x16xf32>,
        %get3A_685 = vector.shape_cast %get3A_684 : vector<1x16xf32> to vector<16xf32>
        %get3A_686 = arith.constant 2 : i32
        %get3A_687 = arith.index_cast %get3A_686 : i32 to index
        %get3A_688 = arith.constant 112 : index
        %get3A_689 = tpu.vector_load %arg14[%get3A_687, %get3A_688] {strides = array<i32>} : memref<8x128xf32, #tpu.memory_space<vmem>>, vector<1x16xf32>,
        %get3A_690 = vector.shape_cast %get3A_689 : vector<1x16xf32> to vector<16xf32>
        %select_n3A_691 = arith.select %eq3A_142, %get3A_685, %get3A_690 : vector<16xi1>, vector<16xf32>
        %select_n3A_692 = arith.select %eq3A_139, %get3A_680, %select_n3A_691 : vector<16xi1>, vector<16xf32>
        %get3A_693 = arith.index_cast %mul3A_134 : i32 to index
        %get3A_694 = arith.constant 112 : index
        %get3A_695 = tpu.vector_load %arg19[%get3A_693, %get3A_694] {strides = array<i32>} : memref<32x128xf32, #tpu.memory_space<vmem>>, vector<1x16xf32>,
        %get3A_696 = vector.shape_cast %get3A_695 : vector<1x16xf32> to vector<16xf32>
        %get3A_697 = arith.index_cast %mul3A_134 : i32 to index
        %get3A_698 = arith.constant 112 : index
        %get3A_699 = tpu.vector_load %arg20[%get3A_697, %get3A_698] {strides = array<i32>} : memref<32x128xf32, #tpu.memory_space<vmem>>, vector<1x16xf32>,
        %get3A_700 = vector.shape_cast %get3A_699 : vector<1x16xf32> to vector<16xf32>
        %mul3A_701 = arith.mulf %get3A_696, %select_n3A_675 : vector<16xf32>
        %mul3A_702 = arith.mulf %get3A_700, %select_n3A_692 : vector<16xf32>
        %sub3A_703 = arith.subf %mul3A_701, %mul3A_702 : vector<16xf32>
        %get3A_704 = arith.index_cast %mul3A_134 : i32 to index
        %get3A_705 = arith.constant 112 : index
        %get3A_706 = tpu.vector_load %arg21[%get3A_704, %get3A_705] {strides = array<i32>} : memref<32x128xf32, #tpu.memory_space<vmem>>, vector<1x16xf32>,
        %get3A_707 = vector.shape_cast %get3A_706 : vector<1x16xf32> to vector<16xf32>
        %add3A_708 = arith.addf %sub3A_703, %get3A_707 : vector<16xf32>
        %swap3A_709 = arith.constant 112 : index
        %swap3A_710 = tpu.vector_load %arg28[%swap3A_709] {strides = array<i32>} : memref<128xf32, #tpu.memory_space<vmem>>, vector<16xf32>,
        %swap3A_711 = vector.shape_cast %swap3A_710 : vector<16xf32> to vector<16xf32>
        %swap3A_712 = vector.shape_cast %add3A_708 : vector<16xf32> to vector<16xf32>
        tpu.vector_store %arg28[%swap3A_709], %swap3A_712 {strides = array<i32>} : memref<128xf32, #tpu.memory_space<vmem>>, vector<16xf32>,
        %mul3A_713 = arith.mulf %get3A_696, %select_n3A_692 : vector<16xf32>
        %mul3A_714 = arith.mulf %get3A_700, %select_n3A_675 : vector<16xf32>
        %add3A_715 = arith.addf %mul3A_713, %mul3A_714 : vector<16xf32>
        %get3A_716 = arith.index_cast %mul3A_134 : i32 to index
        %get3A_717 = arith.constant 112 : index
        %get3A_718 = tpu.vector_load %arg22[%get3A_716, %get3A_717] {strides = array<i32>} : memref<32x128xf32, #tpu.memory_space<vmem>>, vector<1x16xf32>,
        %get3A_719 = vector.shape_cast %get3A_718 : vector<1x16xf32> to vector<16xf32>
        %add3A_720 = arith.addf %add3A_715, %get3A_719 : vector<16xf32>
        %swap3A_721 = arith.constant 112 : index
        %swap3A_722 = tpu.vector_load %arg29[%swap3A_721] {strides = array<i32>} : memref<128xf32, #tpu.memory_space<vmem>>, vector<16xf32>,
        %swap3A_723 = vector.shape_cast %swap3A_722 : vector<16xf32> to vector<16xf32>
        %swap3A_724 = vector.shape_cast %add3A_720 : vector<16xf32> to vector<16xf32>
        tpu.vector_store %arg29[%swap3A_721], %swap3A_724 {strides = array<i32>} : memref<128xf32, #tpu.memory_space<vmem>>, vector<16xf32>,
        %swap3A_725 = arith.constant 112 : index
        %swap3A_726 = tpu.vector_load %arg30[%swap3A_725] {strides = array<i32>} : memref<128xf32, #tpu.memory_space<vmem>>, vector<16xf32>,
        %swap3A_727 = vector.shape_cast %swap3A_726 : vector<16xf32> to vector<16xf32>
        %swap3A_728 = vector.shape_cast %select_n3A_675 : vector<16xf32> to vector<16xf32>
        tpu.vector_store %arg30[%swap3A_725], %swap3A_728 {strides = array<i32>} : memref<128xf32, #tpu.memory_space<vmem>>, vector<16xf32>,
        %swap3A_729 = arith.constant 112 : index
        %swap3A_730 = tpu.vector_load %arg31[%swap3A_729] {strides = array<i32>} : memref<128xf32, #tpu.memory_space<vmem>>, vector<16xf32>,
        %swap3A_731 = vector.shape_cast %swap3A_730 : vector<16xf32> to vector<16xf32>
        %swap3A_732 = vector.shape_cast %select_n3A_692 : vector<16xf32> to vector<16xf32>
        tpu.vector_store %arg31[%swap3A_729], %swap3A_732 {strides = array<i32>} : memref<128xf32, #tpu.memory_space<vmem>>, vector<16xf32>,
        %scan3A_733 = arith.constant 0 : i32
        %scan3A_734 = arith.constant 0 : i32
        %scan3A_735 = arith.constant 10 : i32
        %scan3A_736 = arith.addi %scan3A_734, %scan3A_735 : i32
        %scan3A_737 = arith.constant 1 : i32
        scf.for %scan3A_1382 = %scan3A_734 to %scan3A_736 step %scan3A_737  : i32 {
          %mul3A_1383 = arith.constant 5 : i32
          %mul3A_1384 = arith.muli %scan3A_1382, %mul3A_1383 : i32
          %get3A_1385 = arith.constant 0 : index
          %get3A_1386 = tpu.vector_load %arg28[%get3A_1385] {strides = array<i32>} : memref<128xf32, #tpu.memory_space<vmem>>, vector<16xf32>,
          %get3A_1387 = vector.shape_cast %get3A_1386 : vector<16xf32> to vector<16xf32>
          %get3A_1388 = arith.constant 0 : index
          %get3A_1389 = tpu.vector_load %arg29[%get3A_1388] {strides = array<i32>} : memref<128xf32, #tpu.memory_space<vmem>>, vector<16xf32>,
          %get3A_1390 = vector.shape_cast %get3A_1389 : vector<16xf32> to vector<16xf32>
          %get3A_1391 = arith.constant 0 : index
          %get3A_1392 = tpu.vector_load %arg30[%get3A_1391] {strides = array<i32>} : memref<128xf32, #tpu.memory_space<vmem>>, vector<16xf32>,
          %get3A_1393 = vector.shape_cast %get3A_1392 : vector<16xf32> to vector<16xf32>
          %get3A_1394 = arith.constant 0 : index
          %get3A_1395 = tpu.vector_load %arg31[%get3A_1394] {strides = array<i32>} : memref<128xf32, #tpu.memory_space<vmem>>, vector<16xf32>,
          %get3A_1396 = vector.shape_cast %get3A_1395 : vector<16xf32> to vector<16xf32>
          %add3A_1397 = arith.constant 0 : i32
          %add3A_1398 = arith.addi %mul3A_1384, %add3A_1397 : i32
          %get3A_1399 = arith.index_cast %add3A_1398 : i32 to index
          %get3A_1400 = arith.constant 0 : index
          %get3A_1401 = tpu.vector_load %arg23[%get3A_1399, %get3A_1400] {strides = array<i32>} : memref<50x128xf32, #tpu.memory_space<vmem>>, vector<1x16xf32>,
          %get3A_1402 = vector.shape_cast %get3A_1401 : vector<1x16xf32> to vector<16xf32>
          %get3A_1403 = arith.index_cast %add3A_1398 : i32 to index
          %get3A_1404 = arith.constant 0 : index
          %get3A_1405 = tpu.vector_load %arg24[%get3A_1403, %get3A_1404] {strides = array<i32>} : memref<50x128xf32, #tpu.memory_space<vmem>>, vector<1x16xf32>,
          %get3A_1406 = vector.shape_cast %get3A_1405 : vector<1x16xf32> to vector<16xf32>
          %mul3A_1407 = arith.mulf %get3A_1402, %get3A_1393 : vector<16xf32>
          %mul3A_1408 = arith.mulf %get3A_1406, %get3A_1396 : vector<16xf32>
          %sub3A_1409 = arith.subf %mul3A_1407, %mul3A_1408 : vector<16xf32>
          %sub3A_1410 = arith.subf %get3A_1387, %sub3A_1409 : vector<16xf32>
          %abs3A = math.absf %sub3A_1410 : vector<16xf32>
          %mul3A_1411 = arith.mulf %get3A_1402, %get3A_1396 : vector<16xf32>
          %mul3A_1412 = arith.mulf %get3A_1406, %get3A_1393 : vector<16xf32>
          %add3A_1413 = arith.addf %mul3A_1411, %mul3A_1412 : vector<16xf32>
          %add3A_1414 = arith.addf %get3A_1390, %add3A_1413 : vector<16xf32>
          %abs3A_1415 = math.absf %add3A_1414 : vector<16xf32>
          %add3A_1416 = arith.addf %abs3A, %abs3A_1415 : vector<16xf32>
          %add3A_1417 = arith.constant 1 : i32
          %add3A_1418 = arith.addi %mul3A_1384, %add3A_1417 : i32
          %get3A_1419 = arith.index_cast %add3A_1418 : i32 to index
          %get3A_1420 = arith.constant 0 : index
          %get3A_1421 = tpu.vector_load %arg23[%get3A_1419, %get3A_1420] {strides = array<i32>} : memref<50x128xf32, #tpu.memory_space<vmem>>, vector<1x16xf32>,
          %get3A_1422 = vector.shape_cast %get3A_1421 : vector<1x16xf32> to vector<16xf32>
          %get3A_1423 = arith.index_cast %add3A_1418 : i32 to index
          %get3A_1424 = arith.constant 0 : index
          %get3A_1425 = tpu.vector_load %arg24[%get3A_1423, %get3A_1424] {strides = array<i32>} : memref<50x128xf32, #tpu.memory_space<vmem>>, vector<1x16xf32>,
          %get3A_1426 = vector.shape_cast %get3A_1425 : vector<1x16xf32> to vector<16xf32>
          %mul3A_1427 = arith.mulf %get3A_1422, %get3A_1393 : vector<16xf32>
          %mul3A_1428 = arith.mulf %get3A_1426, %get3A_1396 : vector<16xf32>
          %sub3A_1429 = arith.subf %mul3A_1427, %mul3A_1428 : vector<16xf32>
          %sub3A_1430 = arith.subf %get3A_1387, %sub3A_1429 : vector<16xf32>
          %abs3A_1431 = math.absf %sub3A_1430 : vector<16xf32>
          %mul3A_1432 = arith.mulf %get3A_1422, %get3A_1396 : vector<16xf32>
          %mul3A_1433 = arith.mulf %get3A_1426, %get3A_1393 : vector<16xf32>
          %add3A_1434 = arith.addf %mul3A_1432, %mul3A_1433 : vector<16xf32>
          %add3A_1435 = arith.addf %get3A_1390, %add3A_1434 : vector<16xf32>
          %abs3A_1436 = math.absf %add3A_1435 : vector<16xf32>
          %add3A_1437 = arith.addf %abs3A_1431, %abs3A_1436 : vector<16xf32>
          %add3A_1438 = arith.constant 2 : i32
          %add3A_1439 = arith.addi %mul3A_1384, %add3A_1438 : i32
          %get3A_1440 = arith.index_cast %add3A_1439 : i32 to index
          %get3A_1441 = arith.constant 0 : index
          %get3A_1442 = tpu.vector_load %arg23[%get3A_1440, %get3A_1441] {strides = array<i32>} : memref<50x128xf32, #tpu.memory_space<vmem>>, vector<1x16xf32>,
          %get3A_1443 = vector.shape_cast %get3A_1442 : vector<1x16xf32> to vector<16xf32>
          %get3A_1444 = arith.index_cast %add3A_1439 : i32 to index
          %get3A_1445 = arith.constant 0 : index
          %get3A_1446 = tpu.vector_load %arg24[%get3A_1444, %get3A_1445] {strides = array<i32>} : memref<50x128xf32, #tpu.memory_space<vmem>>, vector<1x16xf32>,
          %get3A_1447 = vector.shape_cast %get3A_1446 : vector<1x16xf32> to vector<16xf32>
          %mul3A_1448 = arith.mulf %get3A_1443, %get3A_1393 : vector<16xf32>
          %mul3A_1449 = arith.mulf %get3A_1447, %get3A_1396 : vector<16xf32>
          %sub3A_1450 = arith.subf %mul3A_1448, %mul3A_1449 : vector<16xf32>
          %sub3A_1451 = arith.subf %get3A_1387, %sub3A_1450 : vector<16xf32>
          %abs3A_1452 = math.absf %sub3A_1451 : vector<16xf32>
          %mul3A_1453 = arith.mulf %get3A_1443, %get3A_1396 : vector<16xf32>
          %mul3A_1454 = arith.mulf %get3A_1447, %get3A_1393 : vector<16xf32>
          %add3A_1455 = arith.addf %mul3A_1453, %mul3A_1454 : vector<16xf32>
          %add3A_1456 = arith.addf %get3A_1390, %add3A_1455 : vector<16xf32>
          %abs3A_1457 = math.absf %add3A_1456 : vector<16xf32>
          %add3A_1458 = arith.addf %abs3A_1452, %abs3A_1457 : vector<16xf32>
          %add3A_1459 = arith.constant 3 : i32
          %add3A_1460 = arith.addi %mul3A_1384, %add3A_1459 : i32
          %get3A_1461 = arith.index_cast %add3A_1460 : i32 to index
          %get3A_1462 = arith.constant 0 : index
          %get3A_1463 = tpu.vector_load %arg23[%get3A_1461, %get3A_1462] {strides = array<i32>} : memref<50x128xf32, #tpu.memory_space<vmem>>, vector<1x16xf32>,
          %get3A_1464 = vector.shape_cast %get3A_1463 : vector<1x16xf32> to vector<16xf32>
          %get3A_1465 = arith.index_cast %add3A_1460 : i32 to index
          %get3A_1466 = arith.constant 0 : index
          %get3A_1467 = tpu.vector_load %arg24[%get3A_1465, %get3A_1466] {strides = array<i32>} : memref<50x128xf32, #tpu.memory_space<vmem>>, vector<1x16xf32>,
          %get3A_1468 = vector.shape_cast %get3A_1467 : vector<1x16xf32> to vector<16xf32>
          %mul3A_1469 = arith.mulf %get3A_1464, %get3A_1393 : vector<16xf32>
          %mul3A_1470 = arith.mulf %get3A_1468, %get3A_1396 : vector<16xf32>
          %sub3A_1471 = arith.subf %mul3A_1469, %mul3A_1470 : vector<16xf32>
          %sub3A_1472 = arith.subf %get3A_1387, %sub3A_1471 : vector<16xf32>
          %abs3A_1473 = math.absf %sub3A_1472 : vector<16xf32>
          %mul3A_1474 = arith.mulf %get3A_1464, %get3A_1396 : vector<16xf32>
          %mul3A_1475 = arith.mulf %get3A_1468, %get3A_1393 : vector<16xf32>
          %add3A_1476 = arith.addf %mul3A_1474, %mul3A_1475 : vector<16xf32>
          %add3A_1477 = arith.addf %get3A_1390, %add3A_1476 : vector<16xf32>
          %abs3A_1478 = math.absf %add3A_1477 : vector<16xf32>
          %add3A_1479 = arith.addf %abs3A_1473, %abs3A_1478 : vector<16xf32>
          %add3A_1480 = arith.constant 4 : i32
          %add3A_1481 = arith.addi %mul3A_1384, %add3A_1480 : i32
          %get3A_1482 = arith.index_cast %add3A_1481 : i32 to index
          %get3A_1483 = arith.constant 0 : index
          %get3A_1484 = tpu.vector_load %arg23[%get3A_1482, %get3A_1483] {strides = array<i32>} : memref<50x128xf32, #tpu.memory_space<vmem>>, vector<1x16xf32>,
          %get3A_1485 = vector.shape_cast %get3A_1484 : vector<1x16xf32> to vector<16xf32>
          %get3A_1486 = arith.index_cast %add3A_1481 : i32 to index
          %get3A_1487 = arith.constant 0 : index
          %get3A_1488 = tpu.vector_load %arg24[%get3A_1486, %get3A_1487] {strides = array<i32>} : memref<50x128xf32, #tpu.memory_space<vmem>>, vector<1x16xf32>,
          %get3A_1489 = vector.shape_cast %get3A_1488 : vector<1x16xf32> to vector<16xf32>
          %mul3A_1490 = arith.mulf %get3A_1485, %get3A_1393 : vector<16xf32>
          %mul3A_1491 = arith.mulf %get3A_1489, %get3A_1396 : vector<16xf32>
          %sub3A_1492 = arith.subf %mul3A_1490, %mul3A_1491 : vector<16xf32>
          %sub3A_1493 = arith.subf %get3A_1387, %sub3A_1492 : vector<16xf32>
          %abs3A_1494 = math.absf %sub3A_1493 : vector<16xf32>
          %mul3A_1495 = arith.mulf %get3A_1485, %get3A_1396 : vector<16xf32>
          %mul3A_1496 = arith.mulf %get3A_1489, %get3A_1393 : vector<16xf32>
          %add3A_1497 = arith.addf %mul3A_1495, %mul3A_1496 : vector<16xf32>
          %add3A_1498 = arith.addf %get3A_1390, %add3A_1497 : vector<16xf32>
          %abs3A_1499 = math.absf %add3A_1498 : vector<16xf32>
          %add3A_1500 = arith.addf %abs3A_1494, %abs3A_1499 : vector<16xf32>
          %get3A_1501 = arith.constant 16 : index
          %get3A_1502 = tpu.vector_load %arg28[%get3A_1501] {strides = array<i32>} : memref<128xf32, #tpu.memory_space<vmem>>, vector<16xf32>,
          %get3A_1503 = vector.shape_cast %get3A_1502 : vector<16xf32> to vector<16xf32>
          %get3A_1504 = arith.constant 16 : index
          %get3A_1505 = tpu.vector_load %arg29[%get3A_1504] {strides = array<i32>} : memref<128xf32, #tpu.memory_space<vmem>>, vector<16xf32>,
          %get3A_1506 = vector.shape_cast %get3A_1505 : vector<16xf32> to vector<16xf32>
          %get3A_1507 = arith.constant 16 : index
          %get3A_1508 = tpu.vector_load %arg30[%get3A_1507] {strides = array<i32>} : memref<128xf32, #tpu.memory_space<vmem>>, vector<16xf32>,
          %get3A_1509 = vector.shape_cast %get3A_1508 : vector<16xf32> to vector<16xf32>
          %get3A_1510 = arith.constant 16 : index
          %get3A_1511 = tpu.vector_load %arg31[%get3A_1510] {strides = array<i32>} : memref<128xf32, #tpu.memory_space<vmem>>, vector<16xf32>,
          %get3A_1512 = vector.shape_cast %get3A_1511 : vector<16xf32> to vector<16xf32>
          %add3A_1513 = arith.constant 0 : i32
          %add3A_1514 = arith.addi %mul3A_1384, %add3A_1513 : i32
          %get3A_1515 = arith.index_cast %add3A_1514 : i32 to index
          %get3A_1516 = arith.constant 16 : index
          %get3A_1517 = tpu.vector_load %arg23[%get3A_1515, %get3A_1516] {strides = array<i32>} : memref<50x128xf32, #tpu.memory_space<vmem>>, vector<1x16xf32>,
          %get3A_1518 = vector.shape_cast %get3A_1517 : vector<1x16xf32> to vector<16xf32>
          %get3A_1519 = arith.index_cast %add3A_1514 : i32 to index
          %get3A_1520 = arith.constant 16 : index
          %get3A_1521 = tpu.vector_load %arg24[%get3A_1519, %get3A_1520] {strides = array<i32>} : memref<50x128xf32, #tpu.memory_space<vmem>>, vector<1x16xf32>,
          %get3A_1522 = vector.shape_cast %get3A_1521 : vector<1x16xf32> to vector<16xf32>
          %mul3A_1523 = arith.mulf %get3A_1518, %get3A_1509 : vector<16xf32>
          %mul3A_1524 = arith.mulf %get3A_1522, %get3A_1512 : vector<16xf32>
          %sub3A_1525 = arith.subf %mul3A_1523, %mul3A_1524 : vector<16xf32>
          %sub3A_1526 = arith.subf %get3A_1503, %sub3A_1525 : vector<16xf32>
          %abs3A_1527 = math.absf %sub3A_1526 : vector<16xf32>
          %mul3A_1528 = arith.mulf %get3A_1518, %get3A_1512 : vector<16xf32>
          %mul3A_1529 = arith.mulf %get3A_1522, %get3A_1509 : vector<16xf32>
          %add3A_1530 = arith.addf %mul3A_1528, %mul3A_1529 : vector<16xf32>
          %add3A_1531 = arith.addf %get3A_1506, %add3A_1530 : vector<16xf32>
          %abs3A_1532 = math.absf %add3A_1531 : vector<16xf32>
          %add3A_1533 = arith.addf %abs3A_1527, %abs3A_1532 : vector<16xf32>
          %add3A_1534 = arith.addf %add3A_1416, %add3A_1533 : vector<16xf32>
          %add3A_1535 = arith.constant 1 : i32
          %add3A_1536 = arith.addi %mul3A_1384, %add3A_1535 : i32
          %get3A_1537 = arith.index_cast %add3A_1536 : i32 to index
          %get3A_1538 = arith.constant 16 : index
          %get3A_1539 = tpu.vector_load %arg23[%get3A_1537, %get3A_1538] {strides = array<i32>} : memref<50x128xf32, #tpu.memory_space<vmem>>, vector<1x16xf32>,
          %get3A_1540 = vector.shape_cast %get3A_1539 : vector<1x16xf32> to vector<16xf32>
          %get3A_1541 = arith.index_cast %add3A_1536 : i32 to index
          %get3A_1542 = arith.constant 16 : index
          %get3A_1543 = tpu.vector_load %arg24[%get3A_1541, %get3A_1542] {strides = array<i32>} : memref<50x128xf32, #tpu.memory_space<vmem>>, vector<1x16xf32>,
          %get3A_1544 = vector.shape_cast %get3A_1543 : vector<1x16xf32> to vector<16xf32>
          %mul3A_1545 = arith.mulf %get3A_1540, %get3A_1509 : vector<16xf32>
          %mul3A_1546 = arith.mulf %get3A_1544, %get3A_1512 : vector<16xf32>
          %sub3A_1547 = arith.subf %mul3A_1545, %mul3A_1546 : vector<16xf32>
          %sub3A_1548 = arith.subf %get3A_1503, %sub3A_1547 : vector<16xf32>
          %abs3A_1549 = math.absf %sub3A_1548 : vector<16xf32>
          %mul3A_1550 = arith.mulf %get3A_1540, %get3A_1512 : vector<16xf32>
          %mul3A_1551 = arith.mulf %get3A_1544, %get3A_1509 : vector<16xf32>
          %add3A_1552 = arith.addf %mul3A_1550, %mul3A_1551 : vector<16xf32>
          %add3A_1553 = arith.addf %get3A_1506, %add3A_1552 : vector<16xf32>
          %abs3A_1554 = math.absf %add3A_1553 : vector<16xf32>
          %add3A_1555 = arith.addf %abs3A_1549, %abs3A_1554 : vector<16xf32>
          %add3A_1556 = arith.addf %add3A_1437, %add3A_1555 : vector<16xf32>
          %add3A_1557 = arith.constant 2 : i32
          %add3A_1558 = arith.addi %mul3A_1384, %add3A_1557 : i32
          %get3A_1559 = arith.index_cast %add3A_1558 : i32 to index
          %get3A_1560 = arith.constant 16 : index
          %get3A_1561 = tpu.vector_load %arg23[%get3A_1559, %get3A_1560] {strides = array<i32>} : memref<50x128xf32, #tpu.memory_space<vmem>>, vector<1x16xf32>,
          %get3A_1562 = vector.shape_cast %get3A_1561 : vector<1x16xf32> to vector<16xf32>
          %get3A_1563 = arith.index_cast %add3A_1558 : i32 to index
          %get3A_1564 = arith.constant 16 : index
          %get3A_1565 = tpu.vector_load %arg24[%get3A_1563, %get3A_1564] {strides = array<i32>} : memref<50x128xf32, #tpu.memory_space<vmem>>, vector<1x16xf32>,
          %get3A_1566 = vector.shape_cast %get3A_1565 : vector<1x16xf32> to vector<16xf32>
          %mul3A_1567 = arith.mulf %get3A_1562, %get3A_1509 : vector<16xf32>
          %mul3A_1568 = arith.mulf %get3A_1566, %get3A_1512 : vector<16xf32>
          %sub3A_1569 = arith.subf %mul3A_1567, %mul3A_1568 : vector<16xf32>
          %sub3A_1570 = arith.subf %get3A_1503, %sub3A_1569 : vector<16xf32>
          %abs3A_1571 = math.absf %sub3A_1570 : vector<16xf32>
          %mul3A_1572 = arith.mulf %get3A_1562, %get3A_1512 : vector<16xf32>
          %mul3A_1573 = arith.mulf %get3A_1566, %get3A_1509 : vector<16xf32>
          %add3A_1574 = arith.addf %mul3A_1572, %mul3A_1573 : vector<16xf32>
          %add3A_1575 = arith.addf %get3A_1506, %add3A_1574 : vector<16xf32>
          %abs3A_1576 = math.absf %add3A_1575 : vector<16xf32>
          %add3A_1577 = arith.addf %abs3A_1571, %abs3A_1576 : vector<16xf32>
          %add3A_1578 = arith.addf %add3A_1458, %add3A_1577 : vector<16xf32>
          %add3A_1579 = arith.constant 3 : i32
          %add3A_1580 = arith.addi %mul3A_1384, %add3A_1579 : i32
          %get3A_1581 = arith.index_cast %add3A_1580 : i32 to index
          %get3A_1582 = arith.constant 16 : index
          %get3A_1583 = tpu.vector_load %arg23[%get3A_1581, %get3A_1582] {strides = array<i32>} : memref<50x128xf32, #tpu.memory_space<vmem>>, vector<1x16xf32>,
          %get3A_1584 = vector.shape_cast %get3A_1583 : vector<1x16xf32> to vector<16xf32>
          %get3A_1585 = arith.index_cast %add3A_1580 : i32 to index
          %get3A_1586 = arith.constant 16 : index
          %get3A_1587 = tpu.vector_load %arg24[%get3A_1585, %get3A_1586] {strides = array<i32>} : memref<50x128xf32, #tpu.memory_space<vmem>>, vector<1x16xf32>,
          %get3A_1588 = vector.shape_cast %get3A_1587 : vector<1x16xf32> to vector<16xf32>
          %mul3A_1589 = arith.mulf %get3A_1584, %get3A_1509 : vector<16xf32>
          %mul3A_1590 = arith.mulf %get3A_1588, %get3A_1512 : vector<16xf32>
          %sub3A_1591 = arith.subf %mul3A_1589, %mul3A_1590 : vector<16xf32>
          %sub3A_1592 = arith.subf %get3A_1503, %sub3A_1591 : vector<16xf32>
          %abs3A_1593 = math.absf %sub3A_1592 : vector<16xf32>
          %mul3A_1594 = arith.mulf %get3A_1584, %get3A_1512 : vector<16xf32>
          %mul3A_1595 = arith.mulf %get3A_1588, %get3A_1509 : vector<16xf32>
          %add3A_1596 = arith.addf %mul3A_1594, %mul3A_1595 : vector<16xf32>
          %add3A_1597 = arith.addf %get3A_1506, %add3A_1596 : vector<16xf32>
          %abs3A_1598 = math.absf %add3A_1597 : vector<16xf32>
          %add3A_1599 = arith.addf %abs3A_1593, %abs3A_1598 : vector<16xf32>
          %add3A_1600 = arith.addf %add3A_1479, %add3A_1599 : vector<16xf32>
          %add3A_1601 = arith.constant 4 : i32
          %add3A_1602 = arith.addi %mul3A_1384, %add3A_1601 : i32
          %get3A_1603 = arith.index_cast %add3A_1602 : i32 to index
          %get3A_1604 = arith.constant 16 : index
          %get3A_1605 = tpu.vector_load %arg23[%get3A_1603, %get3A_1604] {strides = array<i32>} : memref<50x128xf32, #tpu.memory_space<vmem>>, vector<1x16xf32>,
          %get3A_1606 = vector.shape_cast %get3A_1605 : vector<1x16xf32> to vector<16xf32>
          %get3A_1607 = arith.index_cast %add3A_1602 : i32 to index
          %get3A_1608 = arith.constant 16 : index
          %get3A_1609 = tpu.vector_load %arg24[%get3A_1607, %get3A_1608] {strides = array<i32>} : memref<50x128xf32, #tpu.memory_space<vmem>>, vector<1x16xf32>,
          %get3A_1610 = vector.shape_cast %get3A_1609 : vector<1x16xf32> to vector<16xf32>
          %mul3A_1611 = arith.mulf %get3A_1606, %get3A_1509 : vector<16xf32>
          %mul3A_1612 = arith.mulf %get3A_1610, %get3A_1512 : vector<16xf32>
          %sub3A_1613 = arith.subf %mul3A_1611, %mul3A_1612 : vector<16xf32>
          %sub3A_1614 = arith.subf %get3A_1503, %sub3A_1613 : vector<16xf32>
          %abs3A_1615 = math.absf %sub3A_1614 : vector<16xf32>
          %mul3A_1616 = arith.mulf %get3A_1606, %get3A_1512 : vector<16xf32>
          %mul3A_1617 = arith.mulf %get3A_1610, %get3A_1509 : vector<16xf32>
          %add3A_1618 = arith.addf %mul3A_1616, %mul3A_1617 : vector<16xf32>
          %add3A_1619 = arith.addf %get3A_1506, %add3A_1618 : vector<16xf32>
          %abs3A_1620 = math.absf %add3A_1619 : vector<16xf32>
          %add3A_1621 = arith.addf %abs3A_1615, %abs3A_1620 : vector<16xf32>
          %add3A_1622 = arith.addf %add3A_1500, %add3A_1621 : vector<16xf32>
          %get3A_1623 = arith.constant 32 : index
          %get3A_1624 = tpu.vector_load %arg28[%get3A_1623] {strides = array<i32>} : memref<128xf32, #tpu.memory_space<vmem>>, vector<16xf32>,
          %get3A_1625 = vector.shape_cast %get3A_1624 : vector<16xf32> to vector<16xf32>
          %get3A_1626 = arith.constant 32 : index
          %get3A_1627 = tpu.vector_load %arg29[%get3A_1626] {strides = array<i32>} : memref<128xf32, #tpu.memory_space<vmem>>, vector<16xf32>,
          %get3A_1628 = vector.shape_cast %get3A_1627 : vector<16xf32> to vector<16xf32>
          %get3A_1629 = arith.constant 32 : index
          %get3A_1630 = tpu.vector_load %arg30[%get3A_1629] {strides = array<i32>} : memref<128xf32, #tpu.memory_space<vmem>>, vector<16xf32>,
          %get3A_1631 = vector.shape_cast %get3A_1630 : vector<16xf32> to vector<16xf32>
          %get3A_1632 = arith.constant 32 : index
          %get3A_1633 = tpu.vector_load %arg31[%get3A_1632] {strides = array<i32>} : memref<128xf32, #tpu.memory_space<vmem>>, vector<16xf32>,
          %get3A_1634 = vector.shape_cast %get3A_1633 : vector<16xf32> to vector<16xf32>
          %add3A_1635 = arith.constant 0 : i32
          %add3A_1636 = arith.addi %mul3A_1384, %add3A_1635 : i32
          %get3A_1637 = arith.index_cast %add3A_1636 : i32 to index
          %get3A_1638 = arith.constant 32 : index
          %get3A_1639 = tpu.vector_load %arg23[%get3A_1637, %get3A_1638] {strides = array<i32>} : memref<50x128xf32, #tpu.memory_space<vmem>>, vector<1x16xf32>,
          %get3A_1640 = vector.shape_cast %get3A_1639 : vector<1x16xf32> to vector<16xf32>
          %get3A_1641 = arith.index_cast %add3A_1636 : i32 to index
          %get3A_1642 = arith.constant 32 : index
          %get3A_1643 = tpu.vector_load %arg24[%get3A_1641, %get3A_1642] {strides = array<i32>} : memref<50x128xf32, #tpu.memory_space<vmem>>, vector<1x16xf32>,
          %get3A_1644 = vector.shape_cast %get3A_1643 : vector<1x16xf32> to vector<16xf32>
          %mul3A_1645 = arith.mulf %get3A_1640, %get3A_1631 : vector<16xf32>
          %mul3A_1646 = arith.mulf %get3A_1644, %get3A_1634 : vector<16xf32>
          %sub3A_1647 = arith.subf %mul3A_1645, %mul3A_1646 : vector<16xf32>
          %sub3A_1648 = arith.subf %get3A_1625, %sub3A_1647 : vector<16xf32>
          %abs3A_1649 = math.absf %sub3A_1648 : vector<16xf32>
          %mul3A_1650 = arith.mulf %get3A_1640, %get3A_1634 : vector<16xf32>
          %mul3A_1651 = arith.mulf %get3A_1644, %get3A_1631 : vector<16xf32>
          %add3A_1652 = arith.addf %mul3A_1650, %mul3A_1651 : vector<16xf32>
          %add3A_1653 = arith.addf %get3A_1628, %add3A_1652 : vector<16xf32>
          %abs3A_1654 = math.absf %add3A_1653 : vector<16xf32>
          %add3A_1655 = arith.addf %abs3A_1649, %abs3A_1654 : vector<16xf32>
          %add3A_1656 = arith.addf %add3A_1534, %add3A_1655 : vector<16xf32>
          %add3A_1657 = arith.constant 1 : i32
          %add3A_1658 = arith.addi %mul3A_1384, %add3A_1657 : i32
          %get3A_1659 = arith.index_cast %add3A_1658 : i32 to index
          %get3A_1660 = arith.constant 32 : index
          %get3A_1661 = tpu.vector_load %arg23[%get3A_1659, %get3A_1660] {strides = array<i32>} : memref<50x128xf32, #tpu.memory_space<vmem>>, vector<1x16xf32>,
          %get3A_1662 = vector.shape_cast %get3A_1661 : vector<1x16xf32> to vector<16xf32>
          %get3A_1663 = arith.index_cast %add3A_1658 : i32 to index
          %get3A_1664 = arith.constant 32 : index
          %get3A_1665 = tpu.vector_load %arg24[%get3A_1663, %get3A_1664] {strides = array<i32>} : memref<50x128xf32, #tpu.memory_space<vmem>>, vector<1x16xf32>,
          %get3A_1666 = vector.shape_cast %get3A_1665 : vector<1x16xf32> to vector<16xf32>
          %mul3A_1667 = arith.mulf %get3A_1662, %get3A_1631 : vector<16xf32>
          %mul3A_1668 = arith.mulf %get3A_1666, %get3A_1634 : vector<16xf32>
          %sub3A_1669 = arith.subf %mul3A_1667, %mul3A_1668 : vector<16xf32>
          %sub3A_1670 = arith.subf %get3A_1625, %sub3A_1669 : vector<16xf32>
          %abs3A_1671 = math.absf %sub3A_1670 : vector<16xf32>
          %mul3A_1672 = arith.mulf %get3A_1662, %get3A_1634 : vector<16xf32>
          %mul3A_1673 = arith.mulf %get3A_1666, %get3A_1631 : vector<16xf32>
          %add3A_1674 = arith.addf %mul3A_1672, %mul3A_1673 : vector<16xf32>
          %add3A_1675 = arith.addf %get3A_1628, %add3A_1674 : vector<16xf32>
          %abs3A_1676 = math.absf %add3A_1675 : vector<16xf32>
          %add3A_1677 = arith.addf %abs3A_1671, %abs3A_1676 : vector<16xf32>
          %add3A_1678 = arith.addf %add3A_1556, %add3A_1677 : vector<16xf32>
          %add3A_1679 = arith.constant 2 : i32
          %add3A_1680 = arith.addi %mul3A_1384, %add3A_1679 : i32
          %get3A_1681 = arith.index_cast %add3A_1680 : i32 to index
          %get3A_1682 = arith.constant 32 : index
          %get3A_1683 = tpu.vector_load %arg23[%get3A_1681, %get3A_1682] {strides = array<i32>} : memref<50x128xf32, #tpu.memory_space<vmem>>, vector<1x16xf32>,
          %get3A_1684 = vector.shape_cast %get3A_1683 : vector<1x16xf32> to vector<16xf32>
          %get3A_1685 = arith.index_cast %add3A_1680 : i32 to index
          %get3A_1686 = arith.constant 32 : index
          %get3A_1687 = tpu.vector_load %arg24[%get3A_1685, %get3A_1686] {strides = array<i32>} : memref<50x128xf32, #tpu.memory_space<vmem>>, vector<1x16xf32>,
          %get3A_1688 = vector.shape_cast %get3A_1687 : vector<1x16xf32> to vector<16xf32>
          %mul3A_1689 = arith.mulf %get3A_1684, %get3A_1631 : vector<16xf32>
          %mul3A_1690 = arith.mulf %get3A_1688, %get3A_1634 : vector<16xf32>
          %sub3A_1691 = arith.subf %mul3A_1689, %mul3A_1690 : vector<16xf32>
          %sub3A_1692 = arith.subf %get3A_1625, %sub3A_1691 : vector<16xf32>
          %abs3A_1693 = math.absf %sub3A_1692 : vector<16xf32>
          %mul3A_1694 = arith.mulf %get3A_1684, %get3A_1634 : vector<16xf32>
          %mul3A_1695 = arith.mulf %get3A_1688, %get3A_1631 : vector<16xf32>
          %add3A_1696 = arith.addf %mul3A_1694, %mul3A_1695 : vector<16xf32>
          %add3A_1697 = arith.addf %get3A_1628, %add3A_1696 : vector<16xf32>
          %abs3A_1698 = math.absf %add3A_1697 : vector<16xf32>
          %add3A_1699 = arith.addf %abs3A_1693, %abs3A_1698 : vector<16xf32>
          %add3A_1700 = arith.addf %add3A_1578, %add3A_1699 : vector<16xf32>
          %add3A_1701 = arith.constant 3 : i32
          %add3A_1702 = arith.addi %mul3A_1384, %add3A_1701 : i32
          %get3A_1703 = arith.index_cast %add3A_1702 : i32 to index
          %get3A_1704 = arith.constant 32 : index
          %get3A_1705 = tpu.vector_load %arg23[%get3A_1703, %get3A_1704] {strides = array<i32>} : memref<50x128xf32, #tpu.memory_space<vmem>>, vector<1x16xf32>,
          %get3A_1706 = vector.shape_cast %get3A_1705 : vector<1x16xf32> to vector<16xf32>
          %get3A_1707 = arith.index_cast %add3A_1702 : i32 to index
          %get3A_1708 = arith.constant 32 : index
          %get3A_1709 = tpu.vector_load %arg24[%get3A_1707, %get3A_1708] {strides = array<i32>} : memref<50x128xf32, #tpu.memory_space<vmem>>, vector<1x16xf32>,
          %get3A_1710 = vector.shape_cast %get3A_1709 : vector<1x16xf32> to vector<16xf32>
          %mul3A_1711 = arith.mulf %get3A_1706, %get3A_1631 : vector<16xf32>
          %mul3A_1712 = arith.mulf %get3A_1710, %get3A_1634 : vector<16xf32>
          %sub3A_1713 = arith.subf %mul3A_1711, %mul3A_1712 : vector<16xf32>
          %sub3A_1714 = arith.subf %get3A_1625, %sub3A_1713 : vector<16xf32>
          %abs3A_1715 = math.absf %sub3A_1714 : vector<16xf32>
          %mul3A_1716 = arith.mulf %get3A_1706, %get3A_1634 : vector<16xf32>
          %mul3A_1717 = arith.mulf %get3A_1710, %get3A_1631 : vector<16xf32>
          %add3A_1718 = arith.addf %mul3A_1716, %mul3A_1717 : vector<16xf32>
          %add3A_1719 = arith.addf %get3A_1628, %add3A_1718 : vector<16xf32>
          %abs3A_1720 = math.absf %add3A_1719 : vector<16xf32>
          %add3A_1721 = arith.addf %abs3A_1715, %abs3A_1720 : vector<16xf32>
          %add3A_1722 = arith.addf %add3A_1600, %add3A_1721 : vector<16xf32>
          %add3A_1723 = arith.constant 4 : i32
          %add3A_1724 = arith.addi %mul3A_1384, %add3A_1723 : i32
          %get3A_1725 = arith.index_cast %add3A_1724 : i32 to index
          %get3A_1726 = arith.constant 32 : index
          %get3A_1727 = tpu.vector_load %arg23[%get3A_1725, %get3A_1726] {strides = array<i32>} : memref<50x128xf32, #tpu.memory_space<vmem>>, vector<1x16xf32>,
          %get3A_1728 = vector.shape_cast %get3A_1727 : vector<1x16xf32> to vector<16xf32>
          %get3A_1729 = arith.index_cast %add3A_1724 : i32 to index
          %get3A_1730 = arith.constant 32 : index
          %get3A_1731 = tpu.vector_load %arg24[%get3A_1729, %get3A_1730] {strides = array<i32>} : memref<50x128xf32, #tpu.memory_space<vmem>>, vector<1x16xf32>,
          %get3A_1732 = vector.shape_cast %get3A_1731 : vector<1x16xf32> to vector<16xf32>
          %mul3A_1733 = arith.mulf %get3A_1728, %get3A_1631 : vector<16xf32>
          %mul3A_1734 = arith.mulf %get3A_1732, %get3A_1634 : vector<16xf32>
          %sub3A_1735 = arith.subf %mul3A_1733, %mul3A_1734 : vector<16xf32>
          %sub3A_1736 = arith.subf %get3A_1625, %sub3A_1735 : vector<16xf32>
          %abs3A_1737 = math.absf %sub3A_1736 : vector<16xf32>
          %mul3A_1738 = arith.mulf %get3A_1728, %get3A_1634 : vector<16xf32>
          %mul3A_1739 = arith.mulf %get3A_1732, %get3A_1631 : vector<16xf32>
          %add3A_1740 = arith.addf %mul3A_1738, %mul3A_1739 : vector<16xf32>
          %add3A_1741 = arith.addf %get3A_1628, %add3A_1740 : vector<16xf32>
          %abs3A_1742 = math.absf %add3A_1741 : vector<16xf32>
          %add3A_1743 = arith.addf %abs3A_1737, %abs3A_1742 : vector<16xf32>
          %add3A_1744 = arith.addf %add3A_1622, %add3A_1743 : vector<16xf32>
          %get3A_1745 = arith.constant 48 : index
          %get3A_1746 = tpu.vector_load %arg28[%get3A_1745] {strides = array<i32>} : memref<128xf32, #tpu.memory_space<vmem>>, vector<16xf32>,
          %get3A_1747 = vector.shape_cast %get3A_1746 : vector<16xf32> to vector<16xf32>
          %get3A_1748 = arith.constant 48 : index
          %get3A_1749 = tpu.vector_load %arg29[%get3A_1748] {strides = array<i32>} : memref<128xf32, #tpu.memory_space<vmem>>, vector<16xf32>,
          %get3A_1750 = vector.shape_cast %get3A_1749 : vector<16xf32> to vector<16xf32>
          %get3A_1751 = arith.constant 48 : index
          %get3A_1752 = tpu.vector_load %arg30[%get3A_1751] {strides = array<i32>} : memref<128xf32, #tpu.memory_space<vmem>>, vector<16xf32>,
          %get3A_1753 = vector.shape_cast %get3A_1752 : vector<16xf32> to vector<16xf32>
          %get3A_1754 = arith.constant 48 : index
          %get3A_1755 = tpu.vector_load %arg31[%get3A_1754] {strides = array<i32>} : memref<128xf32, #tpu.memory_space<vmem>>, vector<16xf32>,
          %get3A_1756 = vector.shape_cast %get3A_1755 : vector<16xf32> to vector<16xf32>
          %add3A_1757 = arith.constant 0 : i32
          %add3A_1758 = arith.addi %mul3A_1384, %add3A_1757 : i32
          %get3A_1759 = arith.index_cast %add3A_1758 : i32 to index
          %get3A_1760 = arith.constant 48 : index
          %get3A_1761 = tpu.vector_load %arg23[%get3A_1759, %get3A_1760] {strides = array<i32>} : memref<50x128xf32, #tpu.memory_space<vmem>>, vector<1x16xf32>,
          %get3A_1762 = vector.shape_cast %get3A_1761 : vector<1x16xf32> to vector<16xf32>
          %get3A_1763 = arith.index_cast %add3A_1758 : i32 to index
          %get3A_1764 = arith.constant 48 : index
          %get3A_1765 = tpu.vector_load %arg24[%get3A_1763, %get3A_1764] {strides = array<i32>} : memref<50x128xf32, #tpu.memory_space<vmem>>, vector<1x16xf32>,
          %get3A_1766 = vector.shape_cast %get3A_1765 : vector<1x16xf32> to vector<16xf32>
          %mul3A_1767 = arith.mulf %get3A_1762, %get3A_1753 : vector<16xf32>
          %mul3A_1768 = arith.mulf %get3A_1766, %get3A_1756 : vector<16xf32>
          %sub3A_1769 = arith.subf %mul3A_1767, %mul3A_1768 : vector<16xf32>
          %sub3A_1770 = arith.subf %get3A_1747, %sub3A_1769 : vector<16xf32>
          %abs3A_1771 = math.absf %sub3A_1770 : vector<16xf32>
          %mul3A_1772 = arith.mulf %get3A_1762, %get3A_1756 : vector<16xf32>
          %mul3A_1773 = arith.mulf %get3A_1766, %get3A_1753 : vector<16xf32>
          %add3A_1774 = arith.addf %mul3A_1772, %mul3A_1773 : vector<16xf32>
          %add3A_1775 = arith.addf %get3A_1750, %add3A_1774 : vector<16xf32>
          %abs3A_1776 = math.absf %add3A_1775 : vector<16xf32>
          %add3A_1777 = arith.addf %abs3A_1771, %abs3A_1776 : vector<16xf32>
          %add3A_1778 = arith.addf %add3A_1656, %add3A_1777 : vector<16xf32>
          %add3A_1779 = arith.constant 1 : i32
          %add3A_1780 = arith.addi %mul3A_1384, %add3A_1779 : i32
          %get3A_1781 = arith.index_cast %add3A_1780 : i32 to index
          %get3A_1782 = arith.constant 48 : index
          %get3A_1783 = tpu.vector_load %arg23[%get3A_1781, %get3A_1782] {strides = array<i32>} : memref<50x128xf32, #tpu.memory_space<vmem>>, vector<1x16xf32>,
          %get3A_1784 = vector.shape_cast %get3A_1783 : vector<1x16xf32> to vector<16xf32>
          %get3A_1785 = arith.index_cast %add3A_1780 : i32 to index
          %get3A_1786 = arith.constant 48 : index
          %get3A_1787 = tpu.vector_load %arg24[%get3A_1785, %get3A_1786] {strides = array<i32>} : memref<50x128xf32, #tpu.memory_space<vmem>>, vector<1x16xf32>,
          %get3A_1788 = vector.shape_cast %get3A_1787 : vector<1x16xf32> to vector<16xf32>
          %mul3A_1789 = arith.mulf %get3A_1784, %get3A_1753 : vector<16xf32>
          %mul3A_1790 = arith.mulf %get3A_1788, %get3A_1756 : vector<16xf32>
          %sub3A_1791 = arith.subf %mul3A_1789, %mul3A_1790 : vector<16xf32>
          %sub3A_1792 = arith.subf %get3A_1747, %sub3A_1791 : vector<16xf32>
          %abs3A_1793 = math.absf %sub3A_1792 : vector<16xf32>
          %mul3A_1794 = arith.mulf %get3A_1784, %get3A_1756 : vector<16xf32>
          %mul3A_1795 = arith.mulf %get3A_1788, %get3A_1753 : vector<16xf32>
          %add3A_1796 = arith.addf %mul3A_1794, %mul3A_1795 : vector<16xf32>
          %add3A_1797 = arith.addf %get3A_1750, %add3A_1796 : vector<16xf32>
          %abs3A_1798 = math.absf %add3A_1797 : vector<16xf32>
          %add3A_1799 = arith.addf %abs3A_1793, %abs3A_1798 : vector<16xf32>
          %add3A_1800 = arith.addf %add3A_1678, %add3A_1799 : vector<16xf32>
          %add3A_1801 = arith.constant 2 : i32
          %add3A_1802 = arith.addi %mul3A_1384, %add3A_1801 : i32
          %get3A_1803 = arith.index_cast %add3A_1802 : i32 to index
          %get3A_1804 = arith.constant 48 : index
          %get3A_1805 = tpu.vector_load %arg23[%get3A_1803, %get3A_1804] {strides = array<i32>} : memref<50x128xf32, #tpu.memory_space<vmem>>, vector<1x16xf32>,
          %get3A_1806 = vector.shape_cast %get3A_1805 : vector<1x16xf32> to vector<16xf32>
          %get3A_1807 = arith.index_cast %add3A_1802 : i32 to index
          %get3A_1808 = arith.constant 48 : index
          %get3A_1809 = tpu.vector_load %arg24[%get3A_1807, %get3A_1808] {strides = array<i32>} : memref<50x128xf32, #tpu.memory_space<vmem>>, vector<1x16xf32>,
          %get3A_1810 = vector.shape_cast %get3A_1809 : vector<1x16xf32> to vector<16xf32>
          %mul3A_1811 = arith.mulf %get3A_1806, %get3A_1753 : vector<16xf32>
          %mul3A_1812 = arith.mulf %get3A_1810, %get3A_1756 : vector<16xf32>
          %sub3A_1813 = arith.subf %mul3A_1811, %mul3A_1812 : vector<16xf32>
          %sub3A_1814 = arith.subf %get3A_1747, %sub3A_1813 : vector<16xf32>
          %abs3A_1815 = math.absf %sub3A_1814 : vector<16xf32>
          %mul3A_1816 = arith.mulf %get3A_1806, %get3A_1756 : vector<16xf32>
          %mul3A_1817 = arith.mulf %get3A_1810, %get3A_1753 : vector<16xf32>
          %add3A_1818 = arith.addf %mul3A_1816, %mul3A_1817 : vector<16xf32>
          %add3A_1819 = arith.addf %get3A_1750, %add3A_1818 : vector<16xf32>
          %abs3A_1820 = math.absf %add3A_1819 : vector<16xf32>
          %add3A_1821 = arith.addf %abs3A_1815, %abs3A_1820 : vector<16xf32>
          %add3A_1822 = arith.addf %add3A_1700, %add3A_1821 : vector<16xf32>
          %add3A_1823 = arith.constant 3 : i32
          %add3A_1824 = arith.addi %mul3A_1384, %add3A_1823 : i32
          %get3A_1825 = arith.index_cast %add3A_1824 : i32 to index
          %get3A_1826 = arith.constant 48 : index
          %get3A_1827 = tpu.vector_load %arg23[%get3A_1825, %get3A_1826] {strides = array<i32>} : memref<50x128xf32, #tpu.memory_space<vmem>>, vector<1x16xf32>,
          %get3A_1828 = vector.shape_cast %get3A_1827 : vector<1x16xf32> to vector<16xf32>
          %get3A_1829 = arith.index_cast %add3A_1824 : i32 to index
          %get3A_1830 = arith.constant 48 : index
          %get3A_1831 = tpu.vector_load %arg24[%get3A_1829, %get3A_1830] {strides = array<i32>} : memref<50x128xf32, #tpu.memory_space<vmem>>, vector<1x16xf32>,
          %get3A_1832 = vector.shape_cast %get3A_1831 : vector<1x16xf32> to vector<16xf32>
          %mul3A_1833 = arith.mulf %get3A_1828, %get3A_1753 : vector<16xf32>
          %mul3A_1834 = arith.mulf %get3A_1832, %get3A_1756 : vector<16xf32>
          %sub3A_1835 = arith.subf %mul3A_1833, %mul3A_1834 : vector<16xf32>
          %sub3A_1836 = arith.subf %get3A_1747, %sub3A_1835 : vector<16xf32>
          %abs3A_1837 = math.absf %sub3A_1836 : vector<16xf32>
          %mul3A_1838 = arith.mulf %get3A_1828, %get3A_1756 : vector<16xf32>
          %mul3A_1839 = arith.mulf %get3A_1832, %get3A_1753 : vector<16xf32>
          %add3A_1840 = arith.addf %mul3A_1838, %mul3A_1839 : vector<16xf32>
          %add3A_1841 = arith.addf %get3A_1750, %add3A_1840 : vector<16xf32>
          %abs3A_1842 = math.absf %add3A_1841 : vector<16xf32>
          %add3A_1843 = arith.addf %abs3A_1837, %abs3A_1842 : vector<16xf32>
          %add3A_1844 = arith.addf %add3A_1722, %add3A_1843 : vector<16xf32>
          %add3A_1845 = arith.constant 4 : i32
          %add3A_1846 = arith.addi %mul3A_1384, %add3A_1845 : i32
          %get3A_1847 = arith.index_cast %add3A_1846 : i32 to index
          %get3A_1848 = arith.constant 48 : index
          %get3A_1849 = tpu.vector_load %arg23[%get3A_1847, %get3A_1848] {strides = array<i32>} : memref<50x128xf32, #tpu.memory_space<vmem>>, vector<1x16xf32>,
          %get3A_1850 = vector.shape_cast %get3A_1849 : vector<1x16xf32> to vector<16xf32>
          %get3A_1851 = arith.index_cast %add3A_1846 : i32 to index
          %get3A_1852 = arith.constant 48 : index
          %get3A_1853 = tpu.vector_load %arg24[%get3A_1851, %get3A_1852] {strides = array<i32>} : memref<50x128xf32, #tpu.memory_space<vmem>>, vector<1x16xf32>,
          %get3A_1854 = vector.shape_cast %get3A_1853 : vector<1x16xf32> to vector<16xf32>
          %mul3A_1855 = arith.mulf %get3A_1850, %get3A_1753 : vector<16xf32>
          %mul3A_1856 = arith.mulf %get3A_1854, %get3A_1756 : vector<16xf32>
          %sub3A_1857 = arith.subf %mul3A_1855, %mul3A_1856 : vector<16xf32>
          %sub3A_1858 = arith.subf %get3A_1747, %sub3A_1857 : vector<16xf32>
          %abs3A_1859 = math.absf %sub3A_1858 : vector<16xf32>
          %mul3A_1860 = arith.mulf %get3A_1850, %get3A_1756 : vector<16xf32>
          %mul3A_1861 = arith.mulf %get3A_1854, %get3A_1753 : vector<16xf32>
          %add3A_1862 = arith.addf %mul3A_1860, %mul3A_1861 : vector<16xf32>
          %add3A_1863 = arith.addf %get3A_1750, %add3A_1862 : vector<16xf32>
          %abs3A_1864 = math.absf %add3A_1863 : vector<16xf32>
          %add3A_1865 = arith.addf %abs3A_1859, %abs3A_1864 : vector<16xf32>
          %add3A_1866 = arith.addf %add3A_1744, %add3A_1865 : vector<16xf32>
          %get3A_1867 = arith.constant 64 : index
          %get3A_1868 = tpu.vector_load %arg28[%get3A_1867] {strides = array<i32>} : memref<128xf32, #tpu.memory_space<vmem>>, vector<16xf32>,
          %get3A_1869 = vector.shape_cast %get3A_1868 : vector<16xf32> to vector<16xf32>
          %get3A_1870 = arith.constant 64 : index
          %get3A_1871 = tpu.vector_load %arg29[%get3A_1870] {strides = array<i32>} : memref<128xf32, #tpu.memory_space<vmem>>, vector<16xf32>,
          %get3A_1872 = vector.shape_cast %get3A_1871 : vector<16xf32> to vector<16xf32>
          %get3A_1873 = arith.constant 64 : index
          %get3A_1874 = tpu.vector_load %arg30[%get3A_1873] {strides = array<i32>} : memref<128xf32, #tpu.memory_space<vmem>>, vector<16xf32>,
          %get3A_1875 = vector.shape_cast %get3A_1874 : vector<16xf32> to vector<16xf32>
          %get3A_1876 = arith.constant 64 : index
          %get3A_1877 = tpu.vector_load %arg31[%get3A_1876] {strides = array<i32>} : memref<128xf32, #tpu.memory_space<vmem>>, vector<16xf32>,
          %get3A_1878 = vector.shape_cast %get3A_1877 : vector<16xf32> to vector<16xf32>
          %add3A_1879 = arith.constant 0 : i32
          %add3A_1880 = arith.addi %mul3A_1384, %add3A_1879 : i32
          %get3A_1881 = arith.index_cast %add3A_1880 : i32 to index
          %get3A_1882 = arith.constant 64 : index
          %get3A_1883 = tpu.vector_load %arg23[%get3A_1881, %get3A_1882] {strides = array<i32>} : memref<50x128xf32, #tpu.memory_space<vmem>>, vector<1x16xf32>,
          %get3A_1884 = vector.shape_cast %get3A_1883 : vector<1x16xf32> to vector<16xf32>
          %get3A_1885 = arith.index_cast %add3A_1880 : i32 to index
          %get3A_1886 = arith.constant 64 : index
          %get3A_1887 = tpu.vector_load %arg24[%get3A_1885, %get3A_1886] {strides = array<i32>} : memref<50x128xf32, #tpu.memory_space<vmem>>, vector<1x16xf32>,
          %get3A_1888 = vector.shape_cast %get3A_1887 : vector<1x16xf32> to vector<16xf32>
          %mul3A_1889 = arith.mulf %get3A_1884, %get3A_1875 : vector<16xf32>
          %mul3A_1890 = arith.mulf %get3A_1888, %get3A_1878 : vector<16xf32>
          %sub3A_1891 = arith.subf %mul3A_1889, %mul3A_1890 : vector<16xf32>
          %sub3A_1892 = arith.subf %get3A_1869, %sub3A_1891 : vector<16xf32>
          %abs3A_1893 = math.absf %sub3A_1892 : vector<16xf32>
          %mul3A_1894 = arith.mulf %get3A_1884, %get3A_1878 : vector<16xf32>
          %mul3A_1895 = arith.mulf %get3A_1888, %get3A_1875 : vector<16xf32>
          %add3A_1896 = arith.addf %mul3A_1894, %mul3A_1895 : vector<16xf32>
          %add3A_1897 = arith.addf %get3A_1872, %add3A_1896 : vector<16xf32>
          %abs3A_1898 = math.absf %add3A_1897 : vector<16xf32>
          %add3A_1899 = arith.addf %abs3A_1893, %abs3A_1898 : vector<16xf32>
          %add3A_1900 = arith.addf %add3A_1778, %add3A_1899 : vector<16xf32>
          %add3A_1901 = arith.constant 1 : i32
          %add3A_1902 = arith.addi %mul3A_1384, %add3A_1901 : i32
          %get3A_1903 = arith.index_cast %add3A_1902 : i32 to index
          %get3A_1904 = arith.constant 64 : index
          %get3A_1905 = tpu.vector_load %arg23[%get3A_1903, %get3A_1904] {strides = array<i32>} : memref<50x128xf32, #tpu.memory_space<vmem>>, vector<1x16xf32>,
          %get3A_1906 = vector.shape_cast %get3A_1905 : vector<1x16xf32> to vector<16xf32>
          %get3A_1907 = arith.index_cast %add3A_1902 : i32 to index
          %get3A_1908 = arith.constant 64 : index
          %get3A_1909 = tpu.vector_load %arg24[%get3A_1907, %get3A_1908] {strides = array<i32>} : memref<50x128xf32, #tpu.memory_space<vmem>>, vector<1x16xf32>,
          %get3A_1910 = vector.shape_cast %get3A_1909 : vector<1x16xf32> to vector<16xf32>
          %mul3A_1911 = arith.mulf %get3A_1906, %get3A_1875 : vector<16xf32>
          %mul3A_1912 = arith.mulf %get3A_1910, %get3A_1878 : vector<16xf32>
          %sub3A_1913 = arith.subf %mul3A_1911, %mul3A_1912 : vector<16xf32>
          %sub3A_1914 = arith.subf %get3A_1869, %sub3A_1913 : vector<16xf32>
          %abs3A_1915 = math.absf %sub3A_1914 : vector<16xf32>
          %mul3A_1916 = arith.mulf %get3A_1906, %get3A_1878 : vector<16xf32>
          %mul3A_1917 = arith.mulf %get3A_1910, %get3A_1875 : vector<16xf32>
          %add3A_1918 = arith.addf %mul3A_1916, %mul3A_1917 : vector<16xf32>
          %add3A_1919 = arith.addf %get3A_1872, %add3A_1918 : vector<16xf32>
          %abs3A_1920 = math.absf %add3A_1919 : vector<16xf32>
          %add3A_1921 = arith.addf %abs3A_1915, %abs3A_1920 : vector<16xf32>
          %add3A_1922 = arith.addf %add3A_1800, %add3A_1921 : vector<16xf32>
          %add3A_1923 = arith.constant 2 : i32
          %add3A_1924 = arith.addi %mul3A_1384, %add3A_1923 : i32
          %get3A_1925 = arith.index_cast %add3A_1924 : i32 to index
          %get3A_1926 = arith.constant 64 : index
          %get3A_1927 = tpu.vector_load %arg23[%get3A_1925, %get3A_1926] {strides = array<i32>} : memref<50x128xf32, #tpu.memory_space<vmem>>, vector<1x16xf32>,
          %get3A_1928 = vector.shape_cast %get3A_1927 : vector<1x16xf32> to vector<16xf32>
          %get3A_1929 = arith.index_cast %add3A_1924 : i32 to index
          %get3A_1930 = arith.constant 64 : index
          %get3A_1931 = tpu.vector_load %arg24[%get3A_1929, %get3A_1930] {strides = array<i32>} : memref<50x128xf32, #tpu.memory_space<vmem>>, vector<1x16xf32>,
          %get3A_1932 = vector.shape_cast %get3A_1931 : vector<1x16xf32> to vector<16xf32>
          %mul3A_1933 = arith.mulf %get3A_1928, %get3A_1875 : vector<16xf32>
          %mul3A_1934 = arith.mulf %get3A_1932, %get3A_1878 : vector<16xf32>
          %sub3A_1935 = arith.subf %mul3A_1933, %mul3A_1934 : vector<16xf32>
          %sub3A_1936 = arith.subf %get3A_1869, %sub3A_1935 : vector<16xf32>
          %abs3A_1937 = math.absf %sub3A_1936 : vector<16xf32>
          %mul3A_1938 = arith.mulf %get3A_1928, %get3A_1878 : vector<16xf32>
          %mul3A_1939 = arith.mulf %get3A_1932, %get3A_1875 : vector<16xf32>
          %add3A_1940 = arith.addf %mul3A_1938, %mul3A_1939 : vector<16xf32>
          %add3A_1941 = arith.addf %get3A_1872, %add3A_1940 : vector<16xf32>
          %abs3A_1942 = math.absf %add3A_1941 : vector<16xf32>
          %add3A_1943 = arith.addf %abs3A_1937, %abs3A_1942 : vector<16xf32>
          %add3A_1944 = arith.addf %add3A_1822, %add3A_1943 : vector<16xf32>
          %add3A_1945 = arith.constant 3 : i32
          %add3A_1946 = arith.addi %mul3A_1384, %add3A_1945 : i32
          %get3A_1947 = arith.index_cast %add3A_1946 : i32 to index
          %get3A_1948 = arith.constant 64 : index
          %get3A_1949 = tpu.vector_load %arg23[%get3A_1947, %get3A_1948] {strides = array<i32>} : memref<50x128xf32, #tpu.memory_space<vmem>>, vector<1x16xf32>,
          %get3A_1950 = vector.shape_cast %get3A_1949 : vector<1x16xf32> to vector<16xf32>
          %get3A_1951 = arith.index_cast %add3A_1946 : i32 to index
          %get3A_1952 = arith.constant 64 : index
          %get3A_1953 = tpu.vector_load %arg24[%get3A_1951, %get3A_1952] {strides = array<i32>} : memref<50x128xf32, #tpu.memory_space<vmem>>, vector<1x16xf32>,
          %get3A_1954 = vector.shape_cast %get3A_1953 : vector<1x16xf32> to vector<16xf32>
          %mul3A_1955 = arith.mulf %get3A_1950, %get3A_1875 : vector<16xf32>
          %mul3A_1956 = arith.mulf %get3A_1954, %get3A_1878 : vector<16xf32>
          %sub3A_1957 = arith.subf %mul3A_1955, %mul3A_1956 : vector<16xf32>
          %sub3A_1958 = arith.subf %get3A_1869, %sub3A_1957 : vector<16xf32>
          %abs3A_1959 = math.absf %sub3A_1958 : vector<16xf32>
          %mul3A_1960 = arith.mulf %get3A_1950, %get3A_1878 : vector<16xf32>
          %mul3A_1961 = arith.mulf %get3A_1954, %get3A_1875 : vector<16xf32>
          %add3A_1962 = arith.addf %mul3A_1960, %mul3A_1961 : vector<16xf32>
          %add3A_1963 = arith.addf %get3A_1872, %add3A_1962 : vector<16xf32>
          %abs3A_1964 = math.absf %add3A_1963 : vector<16xf32>
          %add3A_1965 = arith.addf %abs3A_1959, %abs3A_1964 : vector<16xf32>
          %add3A_1966 = arith.addf %add3A_1844, %add3A_1965 : vector<16xf32>
          %add3A_1967 = arith.constant 4 : i32
          %add3A_1968 = arith.addi %mul3A_1384, %add3A_1967 : i32
          %get3A_1969 = arith.index_cast %add3A_1968 : i32 to index
          %get3A_1970 = arith.constant 64 : index
          %get3A_1971 = tpu.vector_load %arg23[%get3A_1969, %get3A_1970] {strides = array<i32>} : memref<50x128xf32, #tpu.memory_space<vmem>>, vector<1x16xf32>,
          %get3A_1972 = vector.shape_cast %get3A_1971 : vector<1x16xf32> to vector<16xf32>
          %get3A_1973 = arith.index_cast %add3A_1968 : i32 to index
          %get3A_1974 = arith.constant 64 : index
          %get3A_1975 = tpu.vector_load %arg24[%get3A_1973, %get3A_1974] {strides = array<i32>} : memref<50x128xf32, #tpu.memory_space<vmem>>, vector<1x16xf32>,
          %get3A_1976 = vector.shape_cast %get3A_1975 : vector<1x16xf32> to vector<16xf32>
          %mul3A_1977 = arith.mulf %get3A_1972, %get3A_1875 : vector<16xf32>
          %mul3A_1978 = arith.mulf %get3A_1976, %get3A_1878 : vector<16xf32>
          %sub3A_1979 = arith.subf %mul3A_1977, %mul3A_1978 : vector<16xf32>
          %sub3A_1980 = arith.subf %get3A_1869, %sub3A_1979 : vector<16xf32>
          %abs3A_1981 = math.absf %sub3A_1980 : vector<16xf32>
          %mul3A_1982 = arith.mulf %get3A_1972, %get3A_1878 : vector<16xf32>
          %mul3A_1983 = arith.mulf %get3A_1976, %get3A_1875 : vector<16xf32>
          %add3A_1984 = arith.addf %mul3A_1982, %mul3A_1983 : vector<16xf32>
          %add3A_1985 = arith.addf %get3A_1872, %add3A_1984 : vector<16xf32>
          %abs3A_1986 = math.absf %add3A_1985 : vector<16xf32>
          %add3A_1987 = arith.addf %abs3A_1981, %abs3A_1986 : vector<16xf32>
          %add3A_1988 = arith.addf %add3A_1866, %add3A_1987 : vector<16xf32>
          %get3A_1989 = arith.constant 80 : index
          %get3A_1990 = tpu.vector_load %arg28[%get3A_1989] {strides = array<i32>} : memref<128xf32, #tpu.memory_space<vmem>>, vector<16xf32>,
          %get3A_1991 = vector.shape_cast %get3A_1990 : vector<16xf32> to vector<16xf32>
          %get3A_1992 = arith.constant 80 : index
          %get3A_1993 = tpu.vector_load %arg29[%get3A_1992] {strides = array<i32>} : memref<128xf32, #tpu.memory_space<vmem>>, vector<16xf32>,
          %get3A_1994 = vector.shape_cast %get3A_1993 : vector<16xf32> to vector<16xf32>
          %get3A_1995 = arith.constant 80 : index
          %get3A_1996 = tpu.vector_load %arg30[%get3A_1995] {strides = array<i32>} : memref<128xf32, #tpu.memory_space<vmem>>, vector<16xf32>,
          %get3A_1997 = vector.shape_cast %get3A_1996 : vector<16xf32> to vector<16xf32>
          %get3A_1998 = arith.constant 80 : index
          %get3A_1999 = tpu.vector_load %arg31[%get3A_1998] {strides = array<i32>} : memref<128xf32, #tpu.memory_space<vmem>>, vector<16xf32>,
          %get3A_2000 = vector.shape_cast %get3A_1999 : vector<16xf32> to vector<16xf32>
          %add3A_2001 = arith.constant 0 : i32
          %add3A_2002 = arith.addi %mul3A_1384, %add3A_2001 : i32
          %get3A_2003 = arith.index_cast %add3A_2002 : i32 to index
          %get3A_2004 = arith.constant 80 : index
          %get3A_2005 = tpu.vector_load %arg23[%get3A_2003, %get3A_2004] {strides = array<i32>} : memref<50x128xf32, #tpu.memory_space<vmem>>, vector<1x16xf32>,
          %get3A_2006 = vector.shape_cast %get3A_2005 : vector<1x16xf32> to vector<16xf32>
          %get3A_2007 = arith.index_cast %add3A_2002 : i32 to index
          %get3A_2008 = arith.constant 80 : index
          %get3A_2009 = tpu.vector_load %arg24[%get3A_2007, %get3A_2008] {strides = array<i32>} : memref<50x128xf32, #tpu.memory_space<vmem>>, vector<1x16xf32>,
          %get3A_2010 = vector.shape_cast %get3A_2009 : vector<1x16xf32> to vector<16xf32>
          %mul3A_2011 = arith.mulf %get3A_2006, %get3A_1997 : vector<16xf32>
          %mul3A_2012 = arith.mulf %get3A_2010, %get3A_2000 : vector<16xf32>
          %sub3A_2013 = arith.subf %mul3A_2011, %mul3A_2012 : vector<16xf32>
          %sub3A_2014 = arith.subf %get3A_1991, %sub3A_2013 : vector<16xf32>
          %abs3A_2015 = math.absf %sub3A_2014 : vector<16xf32>
          %mul3A_2016 = arith.mulf %get3A_2006, %get3A_2000 : vector<16xf32>
          %mul3A_2017 = arith.mulf %get3A_2010, %get3A_1997 : vector<16xf32>
          %add3A_2018 = arith.addf %mul3A_2016, %mul3A_2017 : vector<16xf32>
          %add3A_2019 = arith.addf %get3A_1994, %add3A_2018 : vector<16xf32>
          %abs3A_2020 = math.absf %add3A_2019 : vector<16xf32>
          %add3A_2021 = arith.addf %abs3A_2015, %abs3A_2020 : vector<16xf32>
          %add3A_2022 = arith.addf %add3A_1900, %add3A_2021 : vector<16xf32>
          %add3A_2023 = arith.constant 1 : i32
          %add3A_2024 = arith.addi %mul3A_1384, %add3A_2023 : i32
          %get3A_2025 = arith.index_cast %add3A_2024 : i32 to index
          %get3A_2026 = arith.constant 80 : index
          %get3A_2027 = tpu.vector_load %arg23[%get3A_2025, %get3A_2026] {strides = array<i32>} : memref<50x128xf32, #tpu.memory_space<vmem>>, vector<1x16xf32>,
          %get3A_2028 = vector.shape_cast %get3A_2027 : vector<1x16xf32> to vector<16xf32>
          %get3A_2029 = arith.index_cast %add3A_2024 : i32 to index
          %get3A_2030 = arith.constant 80 : index
          %get3A_2031 = tpu.vector_load %arg24[%get3A_2029, %get3A_2030] {strides = array<i32>} : memref<50x128xf32, #tpu.memory_space<vmem>>, vector<1x16xf32>,
          %get3A_2032 = vector.shape_cast %get3A_2031 : vector<1x16xf32> to vector<16xf32>
          %mul3A_2033 = arith.mulf %get3A_2028, %get3A_1997 : vector<16xf32>
          %mul3A_2034 = arith.mulf %get3A_2032, %get3A_2000 : vector<16xf32>
          %sub3A_2035 = arith.subf %mul3A_2033, %mul3A_2034 : vector<16xf32>
          %sub3A_2036 = arith.subf %get3A_1991, %sub3A_2035 : vector<16xf32>
          %abs3A_2037 = math.absf %sub3A_2036 : vector<16xf32>
          %mul3A_2038 = arith.mulf %get3A_2028, %get3A_2000 : vector<16xf32>
          %mul3A_2039 = arith.mulf %get3A_2032, %get3A_1997 : vector<16xf32>
          %add3A_2040 = arith.addf %mul3A_2038, %mul3A_2039 : vector<16xf32>
          %add3A_2041 = arith.addf %get3A_1994, %add3A_2040 : vector<16xf32>
          %abs3A_2042 = math.absf %add3A_2041 : vector<16xf32>
          %add3A_2043 = arith.addf %abs3A_2037, %abs3A_2042 : vector<16xf32>
          %add3A_2044 = arith.addf %add3A_1922, %add3A_2043 : vector<16xf32>
          %add3A_2045 = arith.constant 2 : i32
          %add3A_2046 = arith.addi %mul3A_1384, %add3A_2045 : i32
          %get3A_2047 = arith.index_cast %add3A_2046 : i32 to index
          %get3A_2048 = arith.constant 80 : index
          %get3A_2049 = tpu.vector_load %arg23[%get3A_2047, %get3A_2048] {strides = array<i32>} : memref<50x128xf32, #tpu.memory_space<vmem>>, vector<1x16xf32>,
          %get3A_2050 = vector.shape_cast %get3A_2049 : vector<1x16xf32> to vector<16xf32>
          %get3A_2051 = arith.index_cast %add3A_2046 : i32 to index
          %get3A_2052 = arith.constant 80 : index
          %get3A_2053 = tpu.vector_load %arg24[%get3A_2051, %get3A_2052] {strides = array<i32>} : memref<50x128xf32, #tpu.memory_space<vmem>>, vector<1x16xf32>,
          %get3A_2054 = vector.shape_cast %get3A_2053 : vector<1x16xf32> to vector<16xf32>
          %mul3A_2055 = arith.mulf %get3A_2050, %get3A_1997 : vector<16xf32>
          %mul3A_2056 = arith.mulf %get3A_2054, %get3A_2000 : vector<16xf32>
          %sub3A_2057 = arith.subf %mul3A_2055, %mul3A_2056 : vector<16xf32>
          %sub3A_2058 = arith.subf %get3A_1991, %sub3A_2057 : vector<16xf32>
          %abs3A_2059 = math.absf %sub3A_2058 : vector<16xf32>
          %mul3A_2060 = arith.mulf %get3A_2050, %get3A_2000 : vector<16xf32>
          %mul3A_2061 = arith.mulf %get3A_2054, %get3A_1997 : vector<16xf32>
          %add3A_2062 = arith.addf %mul3A_2060, %mul3A_2061 : vector<16xf32>
          %add3A_2063 = arith.addf %get3A_1994, %add3A_2062 : vector<16xf32>
          %abs3A_2064 = math.absf %add3A_2063 : vector<16xf32>
          %add3A_2065 = arith.addf %abs3A_2059, %abs3A_2064 : vector<16xf32>
          %add3A_2066 = arith.addf %add3A_1944, %add3A_2065 : vector<16xf32>
          %add3A_2067 = arith.constant 3 : i32
          %add3A_2068 = arith.addi %mul3A_1384, %add3A_2067 : i32
          %get3A_2069 = arith.index_cast %add3A_2068 : i32 to index
          %get3A_2070 = arith.constant 80 : index
          %get3A_2071 = tpu.vector_load %arg23[%get3A_2069, %get3A_2070] {strides = array<i32>} : memref<50x128xf32, #tpu.memory_space<vmem>>, vector<1x16xf32>,
          %get3A_2072 = vector.shape_cast %get3A_2071 : vector<1x16xf32> to vector<16xf32>
          %get3A_2073 = arith.index_cast %add3A_2068 : i32 to index
          %get3A_2074 = arith.constant 80 : index
          %get3A_2075 = tpu.vector_load %arg24[%get3A_2073, %get3A_2074] {strides = array<i32>} : memref<50x128xf32, #tpu.memory_space<vmem>>, vector<1x16xf32>,
          %get3A_2076 = vector.shape_cast %get3A_2075 : vector<1x16xf32> to vector<16xf32>
          %mul3A_2077 = arith.mulf %get3A_2072, %get3A_1997 : vector<16xf32>
          %mul3A_2078 = arith.mulf %get3A_2076, %get3A_2000 : vector<16xf32>
          %sub3A_2079 = arith.subf %mul3A_2077, %mul3A_2078 : vector<16xf32>
          %sub3A_2080 = arith.subf %get3A_1991, %sub3A_2079 : vector<16xf32>
          %abs3A_2081 = math.absf %sub3A_2080 : vector<16xf32>
          %mul3A_2082 = arith.mulf %get3A_2072, %get3A_2000 : vector<16xf32>
          %mul3A_2083 = arith.mulf %get3A_2076, %get3A_1997 : vector<16xf32>
          %add3A_2084 = arith.addf %mul3A_2082, %mul3A_2083 : vector<16xf32>
          %add3A_2085 = arith.addf %get3A_1994, %add3A_2084 : vector<16xf32>
          %abs3A_2086 = math.absf %add3A_2085 : vector<16xf32>
          %add3A_2087 = arith.addf %abs3A_2081, %abs3A_2086 : vector<16xf32>
          %add3A_2088 = arith.addf %add3A_1966, %add3A_2087 : vector<16xf32>
          %add3A_2089 = arith.constant 4 : i32
          %add3A_2090 = arith.addi %mul3A_1384, %add3A_2089 : i32
          %get3A_2091 = arith.index_cast %add3A_2090 : i32 to index
          %get3A_2092 = arith.constant 80 : index
          %get3A_2093 = tpu.vector_load %arg23[%get3A_2091, %get3A_2092] {strides = array<i32>} : memref<50x128xf32, #tpu.memory_space<vmem>>, vector<1x16xf32>,
          %get3A_2094 = vector.shape_cast %get3A_2093 : vector<1x16xf32> to vector<16xf32>
          %get3A_2095 = arith.index_cast %add3A_2090 : i32 to index
          %get3A_2096 = arith.constant 80 : index
          %get3A_2097 = tpu.vector_load %arg24[%get3A_2095, %get3A_2096] {strides = array<i32>} : memref<50x128xf32, #tpu.memory_space<vmem>>, vector<1x16xf32>,
          %get3A_2098 = vector.shape_cast %get3A_2097 : vector<1x16xf32> to vector<16xf32>
          %mul3A_2099 = arith.mulf %get3A_2094, %get3A_1997 : vector<16xf32>
          %mul3A_2100 = arith.mulf %get3A_2098, %get3A_2000 : vector<16xf32>
          %sub3A_2101 = arith.subf %mul3A_2099, %mul3A_2100 : vector<16xf32>
          %sub3A_2102 = arith.subf %get3A_1991, %sub3A_2101 : vector<16xf32>
          %abs3A_2103 = math.absf %sub3A_2102 : vector<16xf32>
          %mul3A_2104 = arith.mulf %get3A_2094, %get3A_2000 : vector<16xf32>
          %mul3A_2105 = arith.mulf %get3A_2098, %get3A_1997 : vector<16xf32>
          %add3A_2106 = arith.addf %mul3A_2104, %mul3A_2105 : vector<16xf32>
          %add3A_2107 = arith.addf %get3A_1994, %add3A_2106 : vector<16xf32>
          %abs3A_2108 = math.absf %add3A_2107 : vector<16xf32>
          %add3A_2109 = arith.addf %abs3A_2103, %abs3A_2108 : vector<16xf32>
          %add3A_2110 = arith.addf %add3A_1988, %add3A_2109 : vector<16xf32>
          %get3A_2111 = arith.constant 96 : index
          %get3A_2112 = tpu.vector_load %arg28[%get3A_2111] {strides = array<i32>} : memref<128xf32, #tpu.memory_space<vmem>>, vector<16xf32>,
          %get3A_2113 = vector.shape_cast %get3A_2112 : vector<16xf32> to vector<16xf32>
          %get3A_2114 = arith.constant 96 : index
          %get3A_2115 = tpu.vector_load %arg29[%get3A_2114] {strides = array<i32>} : memref<128xf32, #tpu.memory_space<vmem>>, vector<16xf32>,
          %get3A_2116 = vector.shape_cast %get3A_2115 : vector<16xf32> to vector<16xf32>
          %get3A_2117 = arith.constant 96 : index
          %get3A_2118 = tpu.vector_load %arg30[%get3A_2117] {strides = array<i32>} : memref<128xf32, #tpu.memory_space<vmem>>, vector<16xf32>,
          %get3A_2119 = vector.shape_cast %get3A_2118 : vector<16xf32> to vector<16xf32>
          %get3A_2120 = arith.constant 96 : index
          %get3A_2121 = tpu.vector_load %arg31[%get3A_2120] {strides = array<i32>} : memref<128xf32, #tpu.memory_space<vmem>>, vector<16xf32>,
          %get3A_2122 = vector.shape_cast %get3A_2121 : vector<16xf32> to vector<16xf32>
          %add3A_2123 = arith.constant 0 : i32
          %add3A_2124 = arith.addi %mul3A_1384, %add3A_2123 : i32
          %get3A_2125 = arith.index_cast %add3A_2124 : i32 to index
          %get3A_2126 = arith.constant 96 : index
          %get3A_2127 = tpu.vector_load %arg23[%get3A_2125, %get3A_2126] {strides = array<i32>} : memref<50x128xf32, #tpu.memory_space<vmem>>, vector<1x16xf32>,
          %get3A_2128 = vector.shape_cast %get3A_2127 : vector<1x16xf32> to vector<16xf32>
          %get3A_2129 = arith.index_cast %add3A_2124 : i32 to index
          %get3A_2130 = arith.constant 96 : index
          %get3A_2131 = tpu.vector_load %arg24[%get3A_2129, %get3A_2130] {strides = array<i32>} : memref<50x128xf32, #tpu.memory_space<vmem>>, vector<1x16xf32>,
          %get3A_2132 = vector.shape_cast %get3A_2131 : vector<1x16xf32> to vector<16xf32>
          %mul3A_2133 = arith.mulf %get3A_2128, %get3A_2119 : vector<16xf32>
          %mul3A_2134 = arith.mulf %get3A_2132, %get3A_2122 : vector<16xf32>
          %sub3A_2135 = arith.subf %mul3A_2133, %mul3A_2134 : vector<16xf32>
          %sub3A_2136 = arith.subf %get3A_2113, %sub3A_2135 : vector<16xf32>
          %abs3A_2137 = math.absf %sub3A_2136 : vector<16xf32>
          %mul3A_2138 = arith.mulf %get3A_2128, %get3A_2122 : vector<16xf32>
          %mul3A_2139 = arith.mulf %get3A_2132, %get3A_2119 : vector<16xf32>
          %add3A_2140 = arith.addf %mul3A_2138, %mul3A_2139 : vector<16xf32>
          %add3A_2141 = arith.addf %get3A_2116, %add3A_2140 : vector<16xf32>
          %abs3A_2142 = math.absf %add3A_2141 : vector<16xf32>
          %add3A_2143 = arith.addf %abs3A_2137, %abs3A_2142 : vector<16xf32>
          %add3A_2144 = arith.addf %add3A_2022, %add3A_2143 : vector<16xf32>
          %add3A_2145 = arith.constant 1 : i32
          %add3A_2146 = arith.addi %mul3A_1384, %add3A_2145 : i32
          %get3A_2147 = arith.index_cast %add3A_2146 : i32 to index
          %get3A_2148 = arith.constant 96 : index
          %get3A_2149 = tpu.vector_load %arg23[%get3A_2147, %get3A_2148] {strides = array<i32>} : memref<50x128xf32, #tpu.memory_space<vmem>>, vector<1x16xf32>,
          %get3A_2150 = vector.shape_cast %get3A_2149 : vector<1x16xf32> to vector<16xf32>
          %get3A_2151 = arith.index_cast %add3A_2146 : i32 to index
          %get3A_2152 = arith.constant 96 : index
          %get3A_2153 = tpu.vector_load %arg24[%get3A_2151, %get3A_2152] {strides = array<i32>} : memref<50x128xf32, #tpu.memory_space<vmem>>, vector<1x16xf32>,
          %get3A_2154 = vector.shape_cast %get3A_2153 : vector<1x16xf32> to vector<16xf32>
          %mul3A_2155 = arith.mulf %get3A_2150, %get3A_2119 : vector<16xf32>
          %mul3A_2156 = arith.mulf %get3A_2154, %get3A_2122 : vector<16xf32>
          %sub3A_2157 = arith.subf %mul3A_2155, %mul3A_2156 : vector<16xf32>
          %sub3A_2158 = arith.subf %get3A_2113, %sub3A_2157 : vector<16xf32>
          %abs3A_2159 = math.absf %sub3A_2158 : vector<16xf32>
          %mul3A_2160 = arith.mulf %get3A_2150, %get3A_2122 : vector<16xf32>
          %mul3A_2161 = arith.mulf %get3A_2154, %get3A_2119 : vector<16xf32>
          %add3A_2162 = arith.addf %mul3A_2160, %mul3A_2161 : vector<16xf32>
          %add3A_2163 = arith.addf %get3A_2116, %add3A_2162 : vector<16xf32>
          %abs3A_2164 = math.absf %add3A_2163 : vector<16xf32>
          %add3A_2165 = arith.addf %abs3A_2159, %abs3A_2164 : vector<16xf32>
          %add3A_2166 = arith.addf %add3A_2044, %add3A_2165 : vector<16xf32>
          %add3A_2167 = arith.constant 2 : i32
          %add3A_2168 = arith.addi %mul3A_1384, %add3A_2167 : i32
          %get3A_2169 = arith.index_cast %add3A_2168 : i32 to index
          %get3A_2170 = arith.constant 96 : index
          %get3A_2171 = tpu.vector_load %arg23[%get3A_2169, %get3A_2170] {strides = array<i32>} : memref<50x128xf32, #tpu.memory_space<vmem>>, vector<1x16xf32>,
          %get3A_2172 = vector.shape_cast %get3A_2171 : vector<1x16xf32> to vector<16xf32>
          %get3A_2173 = arith.index_cast %add3A_2168 : i32 to index
          %get3A_2174 = arith.constant 96 : index
          %get3A_2175 = tpu.vector_load %arg24[%get3A_2173, %get3A_2174] {strides = array<i32>} : memref<50x128xf32, #tpu.memory_space<vmem>>, vector<1x16xf32>,
          %get3A_2176 = vector.shape_cast %get3A_2175 : vector<1x16xf32> to vector<16xf32>
          %mul3A_2177 = arith.mulf %get3A_2172, %get3A_2119 : vector<16xf32>
          %mul3A_2178 = arith.mulf %get3A_2176, %get3A_2122 : vector<16xf32>
          %sub3A_2179 = arith.subf %mul3A_2177, %mul3A_2178 : vector<16xf32>
          %sub3A_2180 = arith.subf %get3A_2113, %sub3A_2179 : vector<16xf32>
          %abs3A_2181 = math.absf %sub3A_2180 : vector<16xf32>
          %mul3A_2182 = arith.mulf %get3A_2172, %get3A_2122 : vector<16xf32>
          %mul3A_2183 = arith.mulf %get3A_2176, %get3A_2119 : vector<16xf32>
          %add3A_2184 = arith.addf %mul3A_2182, %mul3A_2183 : vector<16xf32>
          %add3A_2185 = arith.addf %get3A_2116, %add3A_2184 : vector<16xf32>
          %abs3A_2186 = math.absf %add3A_2185 : vector<16xf32>
          %add3A_2187 = arith.addf %abs3A_2181, %abs3A_2186 : vector<16xf32>
          %add3A_2188 = arith.addf %add3A_2066, %add3A_2187 : vector<16xf32>
          %add3A_2189 = arith.constant 3 : i32
          %add3A_2190 = arith.addi %mul3A_1384, %add3A_2189 : i32
          %get3A_2191 = arith.index_cast %add3A_2190 : i32 to index
          %get3A_2192 = arith.constant 96 : index
          %get3A_2193 = tpu.vector_load %arg23[%get3A_2191, %get3A_2192] {strides = array<i32>} : memref<50x128xf32, #tpu.memory_space<vmem>>, vector<1x16xf32>,
          %get3A_2194 = vector.shape_cast %get3A_2193 : vector<1x16xf32> to vector<16xf32>
          %get3A_2195 = arith.index_cast %add3A_2190 : i32 to index
          %get3A_2196 = arith.constant 96 : index
          %get3A_2197 = tpu.vector_load %arg24[%get3A_2195, %get3A_2196] {strides = array<i32>} : memref<50x128xf32, #tpu.memory_space<vmem>>, vector<1x16xf32>,
          %get3A_2198 = vector.shape_cast %get3A_2197 : vector<1x16xf32> to vector<16xf32>
          %mul3A_2199 = arith.mulf %get3A_2194, %get3A_2119 : vector<16xf32>
          %mul3A_2200 = arith.mulf %get3A_2198, %get3A_2122 : vector<16xf32>
          %sub3A_2201 = arith.subf %mul3A_2199, %mul3A_2200 : vector<16xf32>
          %sub3A_2202 = arith.subf %get3A_2113, %sub3A_2201 : vector<16xf32>
          %abs3A_2203 = math.absf %sub3A_2202 : vector<16xf32>
          %mul3A_2204 = arith.mulf %get3A_2194, %get3A_2122 : vector<16xf32>
          %mul3A_2205 = arith.mulf %get3A_2198, %get3A_2119 : vector<16xf32>
          %add3A_2206 = arith.addf %mul3A_2204, %mul3A_2205 : vector<16xf32>
          %add3A_2207 = arith.addf %get3A_2116, %add3A_2206 : vector<16xf32>
          %abs3A_2208 = math.absf %add3A_2207 : vector<16xf32>
          %add3A_2209 = arith.addf %abs3A_2203, %abs3A_2208 : vector<16xf32>
          %add3A_2210 = arith.addf %add3A_2088, %add3A_2209 : vector<16xf32>
          %add3A_2211 = arith.constant 4 : i32
          %add3A_2212 = arith.addi %mul3A_1384, %add3A_2211 : i32
          %get3A_2213 = arith.index_cast %add3A_2212 : i32 to index
          %get3A_2214 = arith.constant 96 : index
          %get3A_2215 = tpu.vector_load %arg23[%get3A_2213, %get3A_2214] {strides = array<i32>} : memref<50x128xf32, #tpu.memory_space<vmem>>, vector<1x16xf32>,
          %get3A_2216 = vector.shape_cast %get3A_2215 : vector<1x16xf32> to vector<16xf32>
          %get3A_2217 = arith.index_cast %add3A_2212 : i32 to index
          %get3A_2218 = arith.constant 96 : index
          %get3A_2219 = tpu.vector_load %arg24[%get3A_2217, %get3A_2218] {strides = array<i32>} : memref<50x128xf32, #tpu.memory_space<vmem>>, vector<1x16xf32>,
          %get3A_2220 = vector.shape_cast %get3A_2219 : vector<1x16xf32> to vector<16xf32>
          %mul3A_2221 = arith.mulf %get3A_2216, %get3A_2119 : vector<16xf32>
          %mul3A_2222 = arith.mulf %get3A_2220, %get3A_2122 : vector<16xf32>
          %sub3A_2223 = arith.subf %mul3A_2221, %mul3A_2222 : vector<16xf32>
          %sub3A_2224 = arith.subf %get3A_2113, %sub3A_2223 : vector<16xf32>
          %abs3A_2225 = math.absf %sub3A_2224 : vector<16xf32>
          %mul3A_2226 = arith.mulf %get3A_2216, %get3A_2122 : vector<16xf32>
          %mul3A_2227 = arith.mulf %get3A_2220, %get3A_2119 : vector<16xf32>
          %add3A_2228 = arith.addf %mul3A_2226, %mul3A_2227 : vector<16xf32>
          %add3A_2229 = arith.addf %get3A_2116, %add3A_2228 : vector<16xf32>
          %abs3A_2230 = math.absf %add3A_2229 : vector<16xf32>
          %add3A_2231 = arith.addf %abs3A_2225, %abs3A_2230 : vector<16xf32>
          %add3A_2232 = arith.addf %add3A_2110, %add3A_2231 : vector<16xf32>
          %get3A_2233 = arith.constant 112 : index
          %get3A_2234 = tpu.vector_load %arg28[%get3A_2233] {strides = array<i32>} : memref<128xf32, #tpu.memory_space<vmem>>, vector<16xf32>,
          %get3A_2235 = vector.shape_cast %get3A_2234 : vector<16xf32> to vector<16xf32>
          %get3A_2236 = arith.constant 112 : index
          %get3A_2237 = tpu.vector_load %arg29[%get3A_2236] {strides = array<i32>} : memref<128xf32, #tpu.memory_space<vmem>>, vector<16xf32>,
          %get3A_2238 = vector.shape_cast %get3A_2237 : vector<16xf32> to vector<16xf32>
          %get3A_2239 = arith.constant 112 : index
          %get3A_2240 = tpu.vector_load %arg30[%get3A_2239] {strides = array<i32>} : memref<128xf32, #tpu.memory_space<vmem>>, vector<16xf32>,
          %get3A_2241 = vector.shape_cast %get3A_2240 : vector<16xf32> to vector<16xf32>
          %get3A_2242 = arith.constant 112 : index
          %get3A_2243 = tpu.vector_load %arg31[%get3A_2242] {strides = array<i32>} : memref<128xf32, #tpu.memory_space<vmem>>, vector<16xf32>,
          %get3A_2244 = vector.shape_cast %get3A_2243 : vector<16xf32> to vector<16xf32>
          %add3A_2245 = arith.constant 0 : i32
          %add3A_2246 = arith.addi %mul3A_1384, %add3A_2245 : i32
          %get3A_2247 = arith.index_cast %add3A_2246 : i32 to index
          %get3A_2248 = arith.constant 112 : index
          %get3A_2249 = tpu.vector_load %arg23[%get3A_2247, %get3A_2248] {strides = array<i32>} : memref<50x128xf32, #tpu.memory_space<vmem>>, vector<1x16xf32>,
          %get3A_2250 = vector.shape_cast %get3A_2249 : vector<1x16xf32> to vector<16xf32>
          %get3A_2251 = arith.index_cast %add3A_2246 : i32 to index
          %get3A_2252 = arith.constant 112 : index
          %get3A_2253 = tpu.vector_load %arg24[%get3A_2251, %get3A_2252] {strides = array<i32>} : memref<50x128xf32, #tpu.memory_space<vmem>>, vector<1x16xf32>,
          %get3A_2254 = vector.shape_cast %get3A_2253 : vector<1x16xf32> to vector<16xf32>
          %mul3A_2255 = arith.mulf %get3A_2250, %get3A_2241 : vector<16xf32>
          %mul3A_2256 = arith.mulf %get3A_2254, %get3A_2244 : vector<16xf32>
          %sub3A_2257 = arith.subf %mul3A_2255, %mul3A_2256 : vector<16xf32>
          %sub3A_2258 = arith.subf %get3A_2235, %sub3A_2257 : vector<16xf32>
          %abs3A_2259 = math.absf %sub3A_2258 : vector<16xf32>
          %mul3A_2260 = arith.mulf %get3A_2250, %get3A_2244 : vector<16xf32>
          %mul3A_2261 = arith.mulf %get3A_2254, %get3A_2241 : vector<16xf32>
          %add3A_2262 = arith.addf %mul3A_2260, %mul3A_2261 : vector<16xf32>
          %add3A_2263 = arith.addf %get3A_2238, %add3A_2262 : vector<16xf32>
          %abs3A_2264 = math.absf %add3A_2263 : vector<16xf32>
          %add3A_2265 = arith.addf %abs3A_2259, %abs3A_2264 : vector<16xf32>
          %add3A_2266 = arith.addf %add3A_2144, %add3A_2265 : vector<16xf32>
          %add3A_2267 = arith.constant 1 : i32
          %add3A_2268 = arith.addi %mul3A_1384, %add3A_2267 : i32
          %get3A_2269 = arith.index_cast %add3A_2268 : i32 to index
          %get3A_2270 = arith.constant 112 : index
          %get3A_2271 = tpu.vector_load %arg23[%get3A_2269, %get3A_2270] {strides = array<i32>} : memref<50x128xf32, #tpu.memory_space<vmem>>, vector<1x16xf32>,
          %get3A_2272 = vector.shape_cast %get3A_2271 : vector<1x16xf32> to vector<16xf32>
          %get3A_2273 = arith.index_cast %add3A_2268 : i32 to index
          %get3A_2274 = arith.constant 112 : index
          %get3A_2275 = tpu.vector_load %arg24[%get3A_2273, %get3A_2274] {strides = array<i32>} : memref<50x128xf32, #tpu.memory_space<vmem>>, vector<1x16xf32>,
          %get3A_2276 = vector.shape_cast %get3A_2275 : vector<1x16xf32> to vector<16xf32>
          %mul3A_2277 = arith.mulf %get3A_2272, %get3A_2241 : vector<16xf32>
          %mul3A_2278 = arith.mulf %get3A_2276, %get3A_2244 : vector<16xf32>
          %sub3A_2279 = arith.subf %mul3A_2277, %mul3A_2278 : vector<16xf32>
          %sub3A_2280 = arith.subf %get3A_2235, %sub3A_2279 : vector<16xf32>
          %abs3A_2281 = math.absf %sub3A_2280 : vector<16xf32>
          %mul3A_2282 = arith.mulf %get3A_2272, %get3A_2244 : vector<16xf32>
          %mul3A_2283 = arith.mulf %get3A_2276, %get3A_2241 : vector<16xf32>
          %add3A_2284 = arith.addf %mul3A_2282, %mul3A_2283 : vector<16xf32>
          %add3A_2285 = arith.addf %get3A_2238, %add3A_2284 : vector<16xf32>
          %abs3A_2286 = math.absf %add3A_2285 : vector<16xf32>
          %add3A_2287 = arith.addf %abs3A_2281, %abs3A_2286 : vector<16xf32>
          %add3A_2288 = arith.addf %add3A_2166, %add3A_2287 : vector<16xf32>
          %add3A_2289 = arith.constant 2 : i32
          %add3A_2290 = arith.addi %mul3A_1384, %add3A_2289 : i32
          %get3A_2291 = arith.index_cast %add3A_2290 : i32 to index
          %get3A_2292 = arith.constant 112 : index
          %get3A_2293 = tpu.vector_load %arg23[%get3A_2291, %get3A_2292] {strides = array<i32>} : memref<50x128xf32, #tpu.memory_space<vmem>>, vector<1x16xf32>,
          %get3A_2294 = vector.shape_cast %get3A_2293 : vector<1x16xf32> to vector<16xf32>
          %get3A_2295 = arith.index_cast %add3A_2290 : i32 to index
          %get3A_2296 = arith.constant 112 : index
          %get3A_2297 = tpu.vector_load %arg24[%get3A_2295, %get3A_2296] {strides = array<i32>} : memref<50x128xf32, #tpu.memory_space<vmem>>, vector<1x16xf32>,
          %get3A_2298 = vector.shape_cast %get3A_2297 : vector<1x16xf32> to vector<16xf32>
          %mul3A_2299 = arith.mulf %get3A_2294, %get3A_2241 : vector<16xf32>
          %mul3A_2300 = arith.mulf %get3A_2298, %get3A_2244 : vector<16xf32>
          %sub3A_2301 = arith.subf %mul3A_2299, %mul3A_2300 : vector<16xf32>
          %sub3A_2302 = arith.subf %get3A_2235, %sub3A_2301 : vector<16xf32>
          %abs3A_2303 = math.absf %sub3A_2302 : vector<16xf32>
          %mul3A_2304 = arith.mulf %get3A_2294, %get3A_2244 : vector<16xf32>
          %mul3A_2305 = arith.mulf %get3A_2298, %get3A_2241 : vector<16xf32>
          %add3A_2306 = arith.addf %mul3A_2304, %mul3A_2305 : vector<16xf32>
          %add3A_2307 = arith.addf %get3A_2238, %add3A_2306 : vector<16xf32>
          %abs3A_2308 = math.absf %add3A_2307 : vector<16xf32>
          %add3A_2309 = arith.addf %abs3A_2303, %abs3A_2308 : vector<16xf32>
          %add3A_2310 = arith.addf %add3A_2188, %add3A_2309 : vector<16xf32>
          %add3A_2311 = arith.constant 3 : i32
          %add3A_2312 = arith.addi %mul3A_1384, %add3A_2311 : i32
          %get3A_2313 = arith.index_cast %add3A_2312 : i32 to index
          %get3A_2314 = arith.constant 112 : index
          %get3A_2315 = tpu.vector_load %arg23[%get3A_2313, %get3A_2314] {strides = array<i32>} : memref<50x128xf32, #tpu.memory_space<vmem>>, vector<1x16xf32>,
          %get3A_2316 = vector.shape_cast %get3A_2315 : vector<1x16xf32> to vector<16xf32>
          %get3A_2317 = arith.index_cast %add3A_2312 : i32 to index
          %get3A_2318 = arith.constant 112 : index
          %get3A_2319 = tpu.vector_load %arg24[%get3A_2317, %get3A_2318] {strides = array<i32>} : memref<50x128xf32, #tpu.memory_space<vmem>>, vector<1x16xf32>,
          %get3A_2320 = vector.shape_cast %get3A_2319 : vector<1x16xf32> to vector<16xf32>
          %mul3A_2321 = arith.mulf %get3A_2316, %get3A_2241 : vector<16xf32>
          %mul3A_2322 = arith.mulf %get3A_2320, %get3A_2244 : vector<16xf32>
          %sub3A_2323 = arith.subf %mul3A_2321, %mul3A_2322 : vector<16xf32>
          %sub3A_2324 = arith.subf %get3A_2235, %sub3A_2323 : vector<16xf32>
          %abs3A_2325 = math.absf %sub3A_2324 : vector<16xf32>
          %mul3A_2326 = arith.mulf %get3A_2316, %get3A_2244 : vector<16xf32>
          %mul3A_2327 = arith.mulf %get3A_2320, %get3A_2241 : vector<16xf32>
          %add3A_2328 = arith.addf %mul3A_2326, %mul3A_2327 : vector<16xf32>
          %add3A_2329 = arith.addf %get3A_2238, %add3A_2328 : vector<16xf32>
          %abs3A_2330 = math.absf %add3A_2329 : vector<16xf32>
          %add3A_2331 = arith.addf %abs3A_2325, %abs3A_2330 : vector<16xf32>
          %add3A_2332 = arith.addf %add3A_2210, %add3A_2331 : vector<16xf32>
          %add3A_2333 = arith.constant 4 : i32
          %add3A_2334 = arith.addi %mul3A_1384, %add3A_2333 : i32
          %get3A_2335 = arith.index_cast %add3A_2334 : i32 to index
          %get3A_2336 = arith.constant 112 : index
          %get3A_2337 = tpu.vector_load %arg23[%get3A_2335, %get3A_2336] {strides = array<i32>} : memref<50x128xf32, #tpu.memory_space<vmem>>, vector<1x16xf32>,
          %get3A_2338 = vector.shape_cast %get3A_2337 : vector<1x16xf32> to vector<16xf32>
          %get3A_2339 = arith.index_cast %add3A_2334 : i32 to index
          %get3A_2340 = arith.constant 112 : index
          %get3A_2341 = tpu.vector_load %arg24[%get3A_2339, %get3A_2340] {strides = array<i32>} : memref<50x128xf32, #tpu.memory_space<vmem>>, vector<1x16xf32>,
          %get3A_2342 = vector.shape_cast %get3A_2341 : vector<1x16xf32> to vector<16xf32>
          %mul3A_2343 = arith.mulf %get3A_2338, %get3A_2241 : vector<16xf32>
          %mul3A_2344 = arith.mulf %get3A_2342, %get3A_2244 : vector<16xf32>
          %sub3A_2345 = arith.subf %mul3A_2343, %mul3A_2344 : vector<16xf32>
          %sub3A_2346 = arith.subf %get3A_2235, %sub3A_2345 : vector<16xf32>
          %abs3A_2347 = math.absf %sub3A_2346 : vector<16xf32>
          %mul3A_2348 = arith.mulf %get3A_2338, %get3A_2244 : vector<16xf32>
          %mul3A_2349 = arith.mulf %get3A_2342, %get3A_2241 : vector<16xf32>
          %add3A_2350 = arith.addf %mul3A_2348, %mul3A_2349 : vector<16xf32>
          %add3A_2351 = arith.addf %get3A_2238, %add3A_2350 : vector<16xf32>
          %abs3A_2352 = math.absf %add3A_2351 : vector<16xf32>
          %add3A_2353 = arith.addf %abs3A_2347, %abs3A_2352 : vector<16xf32>
          %add3A_2354 = arith.addf %add3A_2232, %add3A_2353 : vector<16xf32>
          %swap3A_2355 = arith.constant 0 : index
          %swap3A_2356 = tpu.vector_load %arg32[%swap3A_2355] {strides = array<i32>} : memref<160xf32, #tpu.memory_space<vmem>>, vector<16xf32>,
          %swap3A_2357 = vector.shape_cast %swap3A_2356 : vector<16xf32> to vector<16xf32>
          %swap3A_2358 = vector.shape_cast %add3A_2266 : vector<16xf32> to vector<16xf32>
          tpu.vector_store %arg32[%swap3A_2355], %swap3A_2358 {strides = array<i32>} : memref<160xf32, #tpu.memory_space<vmem>>, vector<16xf32>,
          %get3A_2359 = arith.constant 8 : index
          %get3A_2360 = tpu.vector_load %arg32[%get3A_2359] {strides = array<i32>} : memref<160xf32, #tpu.memory_space<vmem>>, vector<16xf32>,
          %get3A_2361 = vector.shape_cast %get3A_2360 : vector<16xf32> to vector<16xf32>
          %add3A_2362 = arith.addf %add3A_2266, %get3A_2361 : vector<16xf32>
          %swap3A_2363 = arith.constant 0 : index
          %swap3A_2364 = tpu.vector_load %arg32[%swap3A_2363] {strides = array<i32>} : memref<160xf32, #tpu.memory_space<vmem>>, vector<16xf32>,
          %swap3A_2365 = vector.shape_cast %swap3A_2364 : vector<16xf32> to vector<16xf32>
          %swap3A_2366 = vector.shape_cast %add3A_2362 : vector<16xf32> to vector<16xf32>
          tpu.vector_store %arg32[%swap3A_2363], %swap3A_2366 {strides = array<i32>} : memref<160xf32, #tpu.memory_space<vmem>>, vector<16xf32>,
          %get3A_2367 = arith.constant 4 : index
          %get3A_2368 = tpu.vector_load %arg32[%get3A_2367] {strides = array<i32>} : memref<160xf32, #tpu.memory_space<vmem>>, vector<16xf32>,
          %get3A_2369 = vector.shape_cast %get3A_2368 : vector<16xf32> to vector<16xf32>
          %add3A_2370 = arith.addf %add3A_2362, %get3A_2369 : vector<16xf32>
          %swap3A_2371 = arith.constant 0 : index
          %swap3A_2372 = tpu.vector_load %arg32[%swap3A_2371] {strides = array<i32>} : memref<160xf32, #tpu.memory_space<vmem>>, vector<16xf32>,
          %swap3A_2373 = vector.shape_cast %swap3A_2372 : vector<16xf32> to vector<16xf32>
          %swap3A_2374 = vector.shape_cast %add3A_2370 : vector<16xf32> to vector<16xf32>
          tpu.vector_store %arg32[%swap3A_2371], %swap3A_2374 {strides = array<i32>} : memref<160xf32, #tpu.memory_space<vmem>>, vector<16xf32>,
          %get3A_2375 = arith.constant 2 : index
          %get3A_2376 = tpu.vector_load %arg32[%get3A_2375] {strides = array<i32>} : memref<160xf32, #tpu.memory_space<vmem>>, vector<16xf32>,
          %get3A_2377 = vector.shape_cast %get3A_2376 : vector<16xf32> to vector<16xf32>
          %add3A_2378 = arith.addf %add3A_2370, %get3A_2377 : vector<16xf32>
          %swap3A_2379 = arith.constant 0 : index
          %swap3A_2380 = tpu.vector_load %arg32[%swap3A_2379] {strides = array<i32>} : memref<160xf32, #tpu.memory_space<vmem>>, vector<16xf32>,
          %swap3A_2381 = vector.shape_cast %swap3A_2380 : vector<16xf32> to vector<16xf32>
          %swap3A_2382 = vector.shape_cast %add3A_2378 : vector<16xf32> to vector<16xf32>
          tpu.vector_store %arg32[%swap3A_2379], %swap3A_2382 {strides = array<i32>} : memref<160xf32, #tpu.memory_space<vmem>>, vector<16xf32>,
          %get3A_2383 = arith.constant 1 : index
          %get3A_2384 = tpu.vector_load %arg32[%get3A_2383] {strides = array<i32>} : memref<160xf32, #tpu.memory_space<vmem>>, vector<16xf32>,
          %get3A_2385 = vector.shape_cast %get3A_2384 : vector<16xf32> to vector<16xf32>
          %add3A_2386 = arith.addf %add3A_2378, %get3A_2385 : vector<16xf32>
          %swap3A_2387 = arith.constant 32 : index
          %swap3A_2388 = tpu.vector_load %arg32[%swap3A_2387] {strides = array<i32>} : memref<160xf32, #tpu.memory_space<vmem>>, vector<16xf32>,
          %swap3A_2389 = vector.shape_cast %swap3A_2388 : vector<16xf32> to vector<16xf32>
          %swap3A_2390 = vector.shape_cast %add3A_2288 : vector<16xf32> to vector<16xf32>
          tpu.vector_store %arg32[%swap3A_2387], %swap3A_2390 {strides = array<i32>} : memref<160xf32, #tpu.memory_space<vmem>>, vector<16xf32>,
          %get3A_2391 = arith.constant 40 : index
          %get3A_2392 = tpu.vector_load %arg32[%get3A_2391] {strides = array<i32>} : memref<160xf32, #tpu.memory_space<vmem>>, vector<16xf32>,
          %get3A_2393 = vector.shape_cast %get3A_2392 : vector<16xf32> to vector<16xf32>
          %add3A_2394 = arith.addf %add3A_2288, %get3A_2393 : vector<16xf32>
          %swap3A_2395 = arith.constant 32 : index
          %swap3A_2396 = tpu.vector_load %arg32[%swap3A_2395] {strides = array<i32>} : memref<160xf32, #tpu.memory_space<vmem>>, vector<16xf32>,
          %swap3A_2397 = vector.shape_cast %swap3A_2396 : vector<16xf32> to vector<16xf32>
          %swap3A_2398 = vector.shape_cast %add3A_2394 : vector<16xf32> to vector<16xf32>
          tpu.vector_store %arg32[%swap3A_2395], %swap3A_2398 {strides = array<i32>} : memref<160xf32, #tpu.memory_space<vmem>>, vector<16xf32>,
          %get3A_2399 = arith.constant 36 : index
          %get3A_2400 = tpu.vector_load %arg32[%get3A_2399] {strides = array<i32>} : memref<160xf32, #tpu.memory_space<vmem>>, vector<16xf32>,
          %get3A_2401 = vector.shape_cast %get3A_2400 : vector<16xf32> to vector<16xf32>
          %add3A_2402 = arith.addf %add3A_2394, %get3A_2401 : vector<16xf32>
          %swap3A_2403 = arith.constant 32 : index
          %swap3A_2404 = tpu.vector_load %arg32[%swap3A_2403] {strides = array<i32>} : memref<160xf32, #tpu.memory_space<vmem>>, vector<16xf32>,
          %swap3A_2405 = vector.shape_cast %swap3A_2404 : vector<16xf32> to vector<16xf32>
          %swap3A_2406 = vector.shape_cast %add3A_2402 : vector<16xf32> to vector<16xf32>
          tpu.vector_store %arg32[%swap3A_2403], %swap3A_2406 {strides = array<i32>} : memref<160xf32, #tpu.memory_space<vmem>>, vector<16xf32>,
          %get3A_2407 = arith.constant 34 : index
          %get3A_2408 = tpu.vector_load %arg32[%get3A_2407] {strides = array<i32>} : memref<160xf32, #tpu.memory_space<vmem>>, vector<16xf32>,
          %get3A_2409 = vector.shape_cast %get3A_2408 : vector<16xf32> to vector<16xf32>
          %add3A_2410 = arith.addf %add3A_2402, %get3A_2409 : vector<16xf32>
          %swap3A_2411 = arith.constant 32 : index
          %swap3A_2412 = tpu.vector_load %arg32[%swap3A_2411] {strides = array<i32>} : memref<160xf32, #tpu.memory_space<vmem>>, vector<16xf32>,
          %swap3A_2413 = vector.shape_cast %swap3A_2412 : vector<16xf32> to vector<16xf32>
          %swap3A_2414 = vector.shape_cast %add3A_2410 : vector<16xf32> to vector<16xf32>
          tpu.vector_store %arg32[%swap3A_2411], %swap3A_2414 {strides = array<i32>} : memref<160xf32, #tpu.memory_space<vmem>>, vector<16xf32>,
          %get3A_2415 = arith.constant 33 : index
          %get3A_2416 = tpu.vector_load %arg32[%get3A_2415] {strides = array<i32>} : memref<160xf32, #tpu.memory_space<vmem>>, vector<16xf32>,
          %get3A_2417 = vector.shape_cast %get3A_2416 : vector<16xf32> to vector<16xf32>
          %add3A_2418 = arith.addf %add3A_2410, %get3A_2417 : vector<16xf32>
          %swap3A_2419 = arith.constant 64 : index
          %swap3A_2420 = tpu.vector_load %arg32[%swap3A_2419] {strides = array<i32>} : memref<160xf32, #tpu.memory_space<vmem>>, vector<16xf32>,
          %swap3A_2421 = vector.shape_cast %swap3A_2420 : vector<16xf32> to vector<16xf32>
          %swap3A_2422 = vector.shape_cast %add3A_2310 : vector<16xf32> to vector<16xf32>
          tpu.vector_store %arg32[%swap3A_2419], %swap3A_2422 {strides = array<i32>} : memref<160xf32, #tpu.memory_space<vmem>>, vector<16xf32>,
          %get3A_2423 = arith.constant 72 : index
          %get3A_2424 = tpu.vector_load %arg32[%get3A_2423] {strides = array<i32>} : memref<160xf32, #tpu.memory_space<vmem>>, vector<16xf32>,
          %get3A_2425 = vector.shape_cast %get3A_2424 : vector<16xf32> to vector<16xf32>
          %add3A_2426 = arith.addf %add3A_2310, %get3A_2425 : vector<16xf32>
          %swap3A_2427 = arith.constant 64 : index
          %swap3A_2428 = tpu.vector_load %arg32[%swap3A_2427] {strides = array<i32>} : memref<160xf32, #tpu.memory_space<vmem>>, vector<16xf32>,
          %swap3A_2429 = vector.shape_cast %swap3A_2428 : vector<16xf32> to vector<16xf32>
          %swap3A_2430 = vector.shape_cast %add3A_2426 : vector<16xf32> to vector<16xf32>
          tpu.vector_store %arg32[%swap3A_2427], %swap3A_2430 {strides = array<i32>} : memref<160xf32, #tpu.memory_space<vmem>>, vector<16xf32>,
          %get3A_2431 = arith.constant 68 : index
          %get3A_2432 = tpu.vector_load %arg32[%get3A_2431] {strides = array<i32>} : memref<160xf32, #tpu.memory_space<vmem>>, vector<16xf32>,
          %get3A_2433 = vector.shape_cast %get3A_2432 : vector<16xf32> to vector<16xf32>
          %add3A_2434 = arith.addf %add3A_2426, %get3A_2433 : vector<16xf32>
          %swap3A_2435 = arith.constant 64 : index
          %swap3A_2436 = tpu.vector_load %arg32[%swap3A_2435] {strides = array<i32>} : memref<160xf32, #tpu.memory_space<vmem>>, vector<16xf32>,
          %swap3A_2437 = vector.shape_cast %swap3A_2436 : vector<16xf32> to vector<16xf32>
          %swap3A_2438 = vector.shape_cast %add3A_2434 : vector<16xf32> to vector<16xf32>
          tpu.vector_store %arg32[%swap3A_2435], %swap3A_2438 {strides = array<i32>} : memref<160xf32, #tpu.memory_space<vmem>>, vector<16xf32>,
          %get3A_2439 = arith.constant 66 : index
          %get3A_2440 = tpu.vector_load %arg32[%get3A_2439] {strides = array<i32>} : memref<160xf32, #tpu.memory_space<vmem>>, vector<16xf32>,
          %get3A_2441 = vector.shape_cast %get3A_2440 : vector<16xf32> to vector<16xf32>
          %add3A_2442 = arith.addf %add3A_2434, %get3A_2441 : vector<16xf32>
          %swap3A_2443 = arith.constant 64 : index
          %swap3A_2444 = tpu.vector_load %arg32[%swap3A_2443] {strides = array<i32>} : memref<160xf32, #tpu.memory_space<vmem>>, vector<16xf32>,
          %swap3A_2445 = vector.shape_cast %swap3A_2444 : vector<16xf32> to vector<16xf32>
          %swap3A_2446 = vector.shape_cast %add3A_2442 : vector<16xf32> to vector<16xf32>
          tpu.vector_store %arg32[%swap3A_2443], %swap3A_2446 {strides = array<i32>} : memref<160xf32, #tpu.memory_space<vmem>>, vector<16xf32>,
          %get3A_2447 = arith.constant 65 : index
          %get3A_2448 = tpu.vector_load %arg32[%get3A_2447] {strides = array<i32>} : memref<160xf32, #tpu.memory_space<vmem>>, vector<16xf32>,
          %get3A_2449 = vector.shape_cast %get3A_2448 : vector<16xf32> to vector<16xf32>
          %add3A_2450 = arith.addf %add3A_2442, %get3A_2449 : vector<16xf32>
          %swap3A_2451 = arith.constant 96 : index
          %swap3A_2452 = tpu.vector_load %arg32[%swap3A_2451] {strides = array<i32>} : memref<160xf32, #tpu.memory_space<vmem>>, vector<16xf32>,
          %swap3A_2453 = vector.shape_cast %swap3A_2452 : vector<16xf32> to vector<16xf32>
          %swap3A_2454 = vector.shape_cast %add3A_2332 : vector<16xf32> to vector<16xf32>
          tpu.vector_store %arg32[%swap3A_2451], %swap3A_2454 {strides = array<i32>} : memref<160xf32, #tpu.memory_space<vmem>>, vector<16xf32>,
          %get3A_2455 = arith.constant 104 : index
          %get3A_2456 = tpu.vector_load %arg32[%get3A_2455] {strides = array<i32>} : memref<160xf32, #tpu.memory_space<vmem>>, vector<16xf32>,
          %get3A_2457 = vector.shape_cast %get3A_2456 : vector<16xf32> to vector<16xf32>
          %add3A_2458 = arith.addf %add3A_2332, %get3A_2457 : vector<16xf32>
          %swap3A_2459 = arith.constant 96 : index
          %swap3A_2460 = tpu.vector_load %arg32[%swap3A_2459] {strides = array<i32>} : memref<160xf32, #tpu.memory_space<vmem>>, vector<16xf32>,
          %swap3A_2461 = vector.shape_cast %swap3A_2460 : vector<16xf32> to vector<16xf32>
          %swap3A_2462 = vector.shape_cast %add3A_2458 : vector<16xf32> to vector<16xf32>
          tpu.vector_store %arg32[%swap3A_2459], %swap3A_2462 {strides = array<i32>} : memref<160xf32, #tpu.memory_space<vmem>>, vector<16xf32>,
          %get3A_2463 = arith.constant 100 : index
          %get3A_2464 = tpu.vector_load %arg32[%get3A_2463] {strides = array<i32>} : memref<160xf32, #tpu.memory_space<vmem>>, vector<16xf32>,
          %get3A_2465 = vector.shape_cast %get3A_2464 : vector<16xf32> to vector<16xf32>
          %add3A_2466 = arith.addf %add3A_2458, %get3A_2465 : vector<16xf32>
          %swap3A_2467 = arith.constant 96 : index
          %swap3A_2468 = tpu.vector_load %arg32[%swap3A_2467] {strides = array<i32>} : memref<160xf32, #tpu.memory_space<vmem>>, vector<16xf32>,
          %swap3A_2469 = vector.shape_cast %swap3A_2468 : vector<16xf32> to vector<16xf32>
          %swap3A_2470 = vector.shape_cast %add3A_2466 : vector<16xf32> to vector<16xf32>
          tpu.vector_store %arg32[%swap3A_2467], %swap3A_2470 {strides = array<i32>} : memref<160xf32, #tpu.memory_space<vmem>>, vector<16xf32>,
          %get3A_2471 = arith.constant 98 : index
          %get3A_2472 = tpu.vector_load %arg32[%get3A_2471] {strides = array<i32>} : memref<160xf32, #tpu.memory_space<vmem>>, vector<16xf32>,
          %get3A_2473 = vector.shape_cast %get3A_2472 : vector<16xf32> to vector<16xf32>
          %add3A_2474 = arith.addf %add3A_2466, %get3A_2473 : vector<16xf32>
          %swap3A_2475 = arith.constant 96 : index
          %swap3A_2476 = tpu.vector_load %arg32[%swap3A_2475] {strides = array<i32>} : memref<160xf32, #tpu.memory_space<vmem>>, vector<16xf32>,
          %swap3A_2477 = vector.shape_cast %swap3A_2476 : vector<16xf32> to vector<16xf32>
          %swap3A_2478 = vector.shape_cast %add3A_2474 : vector<16xf32> to vector<16xf32>
          tpu.vector_store %arg32[%swap3A_2475], %swap3A_2478 {strides = array<i32>} : memref<160xf32, #tpu.memory_space<vmem>>, vector<16xf32>,
          %get3A_2479 = arith.constant 97 : index
          %get3A_2480 = tpu.vector_load %arg32[%get3A_2479] {strides = array<i32>} : memref<160xf32, #tpu.memory_space<vmem>>, vector<16xf32>,
          %get3A_2481 = vector.shape_cast %get3A_2480 : vector<16xf32> to vector<16xf32>
          %add3A_2482 = arith.addf %add3A_2474, %get3A_2481 : vector<16xf32>
          %swap3A_2483 = arith.constant 128 : index
          %swap3A_2484 = tpu.vector_load %arg32[%swap3A_2483] {strides = array<i32>} : memref<160xf32, #tpu.memory_space<vmem>>, vector<16xf32>,
          %swap3A_2485 = vector.shape_cast %swap3A_2484 : vector<16xf32> to vector<16xf32>
          %swap3A_2486 = vector.shape_cast %add3A_2354 : vector<16xf32> to vector<16xf32>
          tpu.vector_store %arg32[%swap3A_2483], %swap3A_2486 {strides = array<i32>} : memref<160xf32, #tpu.memory_space<vmem>>, vector<16xf32>,
          %get3A_2487 = arith.constant 136 : index
          %get3A_2488 = tpu.vector_load %arg32[%get3A_2487] {strides = array<i32>} : memref<160xf32, #tpu.memory_space<vmem>>, vector<16xf32>,
          %get3A_2489 = vector.shape_cast %get3A_2488 : vector<16xf32> to vector<16xf32>
          %add3A_2490 = arith.addf %add3A_2354, %get3A_2489 : vector<16xf32>
          %swap3A_2491 = arith.constant 128 : index
          %swap3A_2492 = tpu.vector_load %arg32[%swap3A_2491] {strides = array<i32>} : memref<160xf32, #tpu.memory_space<vmem>>, vector<16xf32>,
          %swap3A_2493 = vector.shape_cast %swap3A_2492 : vector<16xf32> to vector<16xf32>
          %swap3A_2494 = vector.shape_cast %add3A_2490 : vector<16xf32> to vector<16xf32>
          tpu.vector_store %arg32[%swap3A_2491], %swap3A_2494 {strides = array<i32>} : memref<160xf32, #tpu.memory_space<vmem>>, vector<16xf32>,
          %get3A_2495 = arith.constant 132 : index
          %get3A_2496 = tpu.vector_load %arg32[%get3A_2495] {strides = array<i32>} : memref<160xf32, #tpu.memory_space<vmem>>, vector<16xf32>,
          %get3A_2497 = vector.shape_cast %get3A_2496 : vector<16xf32> to vector<16xf32>
          %add3A_2498 = arith.addf %add3A_2490, %get3A_2497 : vector<16xf32>
          %swap3A_2499 = arith.constant 128 : index
          %swap3A_2500 = tpu.vector_load %arg32[%swap3A_2499] {strides = array<i32>} : memref<160xf32, #tpu.memory_space<vmem>>, vector<16xf32>,
          %swap3A_2501 = vector.shape_cast %swap3A_2500 : vector<16xf32> to vector<16xf32>
          %swap3A_2502 = vector.shape_cast %add3A_2498 : vector<16xf32> to vector<16xf32>
          tpu.vector_store %arg32[%swap3A_2499], %swap3A_2502 {strides = array<i32>} : memref<160xf32, #tpu.memory_space<vmem>>, vector<16xf32>,
          %get3A_2503 = arith.constant 130 : index
          %get3A_2504 = tpu.vector_load %arg32[%get3A_2503] {strides = array<i32>} : memref<160xf32, #tpu.memory_space<vmem>>, vector<16xf32>,
          %get3A_2505 = vector.shape_cast %get3A_2504 : vector<16xf32> to vector<16xf32>
          %add3A_2506 = arith.addf %add3A_2498, %get3A_2505 : vector<16xf32>
          %swap3A_2507 = arith.constant 128 : index
          %swap3A_2508 = tpu.vector_load %arg32[%swap3A_2507] {strides = array<i32>} : memref<160xf32, #tpu.memory_space<vmem>>, vector<16xf32>,
          %swap3A_2509 = vector.shape_cast %swap3A_2508 : vector<16xf32> to vector<16xf32>
          %swap3A_2510 = vector.shape_cast %add3A_2506 : vector<16xf32> to vector<16xf32>
          tpu.vector_store %arg32[%swap3A_2507], %swap3A_2510 {strides = array<i32>} : memref<160xf32, #tpu.memory_space<vmem>>, vector<16xf32>,
          %get3A_2511 = arith.constant 129 : index
          %get3A_2512 = tpu.vector_load %arg32[%get3A_2511] {strides = array<i32>} : memref<160xf32, #tpu.memory_space<vmem>>, vector<16xf32>,
          %get3A_2513 = vector.shape_cast %get3A_2512 : vector<16xf32> to vector<16xf32>
          %add3A_2514 = arith.addf %add3A_2506, %get3A_2513 : vector<16xf32>
          %eq3A_2515 = arith.constant 0 : i32
          %eq3A_2516 = vector.broadcast %eq3A_2515 : i32 to vector<16xi32>
          %eq3A_2517 = arith.cmpi eq, %iota3A, %eq3A_2516 : vector<16xi32>
          %jit3A = arith.constant 0.000000e+00 : f32
          %broadcast_in_dim3A_2518 = vector.broadcast %jit3A : f32 to vector<16xf32>
          %select_n3A_2519 = arith.select %eq3A_2517, %add3A_2386, %broadcast_in_dim3A_2518 : vector<16xi1>, vector<16xf32>
          %add3A_2520 = arith.constant 0 : i32
          %add3A_2521 = arith.addi %mul3A_1384, %add3A_2520 : i32
          %swap3A_2522 = arith.index_cast %add3A_106 : i32 to index
          %swap3A_2523 = arith.index_cast %add3A_2521 : i32 to index
          %swap3A_2524 = tpu.vector_load %arg27[%swap3A_2522, %swap3A_2523] {strides = array<i32>} : memref<128x80xf32, #tpu.memory_space<vmem>>, vector<1x16xf32>,
          %swap3A_2525 = vector.shape_cast %swap3A_2524 : vector<1x16xf32> to vector<16xf32>
          %swap3A_2526 = vector.shape_cast %select_n3A_2519 : vector<16xf32> to vector<1x16xf32>
          tpu.vector_store %arg27[%swap3A_2522, %swap3A_2523], %swap3A_2526 {strides = array<i32>} : memref<128x80xf32, #tpu.memory_space<vmem>>, vector<1x16xf32>,
          %eq3A_2527 = arith.constant 0 : i32
          %eq3A_2528 = vector.broadcast %eq3A_2527 : i32 to vector<16xi32>
          %eq3A_2529 = arith.cmpi eq, %iota3A, %eq3A_2528 : vector<16xi32>
          %jit3A_2530 = arith.constant 0.000000e+00 : f32
          %broadcast_in_dim3A_2531 = vector.broadcast %jit3A_2530 : f32 to vector<16xf32>
          %select_n3A_2532 = arith.select %eq3A_2529, %add3A_2418, %broadcast_in_dim3A_2531 : vector<16xi1>, vector<16xf32>
          %add3A_2533 = arith.constant 1 : i32
          %add3A_2534 = arith.addi %mul3A_1384, %add3A_2533 : i32
          %swap3A_2535 = arith.index_cast %add3A_106 : i32 to index
          %swap3A_2536 = arith.index_cast %add3A_2534 : i32 to index
          %swap3A_2537 = tpu.vector_load %arg27[%swap3A_2535, %swap3A_2536] {strides = array<i32>} : memref<128x80xf32, #tpu.memory_space<vmem>>, vector<1x16xf32>,
          %swap3A_2538 = vector.shape_cast %swap3A_2537 : vector<1x16xf32> to vector<16xf32>
          %swap3A_2539 = vector.shape_cast %select_n3A_2532 : vector<16xf32> to vector<1x16xf32>
          tpu.vector_store %arg27[%swap3A_2535, %swap3A_2536], %swap3A_2539 {strides = array<i32>} : memref<128x80xf32, #tpu.memory_space<vmem>>, vector<1x16xf32>,
          %eq3A_2540 = arith.constant 0 : i32
          %eq3A_2541 = vector.broadcast %eq3A_2540 : i32 to vector<16xi32>
          %eq3A_2542 = arith.cmpi eq, %iota3A, %eq3A_2541 : vector<16xi32>
          %jit3A_2543 = arith.constant 0.000000e+00 : f32
          %broadcast_in_dim3A_2544 = vector.broadcast %jit3A_2543 : f32 to vector<16xf32>
          %select_n3A_2545 = arith.select %eq3A_2542, %add3A_2450, %broadcast_in_dim3A_2544 : vector<16xi1>, vector<16xf32>
          %add3A_2546 = arith.constant 2 : i32
          %add3A_2547 = arith.addi %mul3A_1384, %add3A_2546 : i32
          %swap3A_2548 = arith.index_cast %add3A_106 : i32 to index
          %swap3A_2549 = arith.index_cast %add3A_2547 : i32 to index
          %swap3A_2550 = tpu.vector_load %arg27[%swap3A_2548, %swap3A_2549] {strides = array<i32>} : memref<128x80xf32, #tpu.memory_space<vmem>>, vector<1x16xf32>,
          %swap3A_2551 = vector.shape_cast %swap3A_2550 : vector<1x16xf32> to vector<16xf32>
          %swap3A_2552 = vector.shape_cast %select_n3A_2545 : vector<16xf32> to vector<1x16xf32>
          tpu.vector_store %arg27[%swap3A_2548, %swap3A_2549], %swap3A_2552 {strides = array<i32>} : memref<128x80xf32, #tpu.memory_space<vmem>>, vector<1x16xf32>,
          %eq3A_2553 = arith.constant 0 : i32
          %eq3A_2554 = vector.broadcast %eq3A_2553 : i32 to vector<16xi32>
          %eq3A_2555 = arith.cmpi eq, %iota3A, %eq3A_2554 : vector<16xi32>
          %jit3A_2556 = arith.constant 0.000000e+00 : f32
          %broadcast_in_dim3A_2557 = vector.broadcast %jit3A_2556 : f32 to vector<16xf32>
          %select_n3A_2558 = arith.select %eq3A_2555, %add3A_2482, %broadcast_in_dim3A_2557 : vector<16xi1>, vector<16xf32>
          %add3A_2559 = arith.constant 3 : i32
          %add3A_2560 = arith.addi %mul3A_1384, %add3A_2559 : i32
          %swap3A_2561 = arith.index_cast %add3A_106 : i32 to index
          %swap3A_2562 = arith.index_cast %add3A_2560 : i32 to index
          %swap3A_2563 = tpu.vector_load %arg27[%swap3A_2561, %swap3A_2562] {strides = array<i32>} : memref<128x80xf32, #tpu.memory_space<vmem>>, vector<1x16xf32>,
          %swap3A_2564 = vector.shape_cast %swap3A_2563 : vector<1x16xf32> to vector<16xf32>
          %swap3A_2565 = vector.shape_cast %select_n3A_2558 : vector<16xf32> to vector<1x16xf32>
          tpu.vector_store %arg27[%swap3A_2561, %swap3A_2562], %swap3A_2565 {strides = array<i32>} : memref<128x80xf32, #tpu.memory_space<vmem>>, vector<1x16xf32>,
          %eq3A_2566 = arith.constant 0 : i32
          %eq3A_2567 = vector.broadcast %eq3A_2566 : i32 to vector<16xi32>
          %eq3A_2568 = arith.cmpi eq, %iota3A, %eq3A_2567 : vector<16xi32>
          %jit3A_2569 = arith.constant 0.000000e+00 : f32
          %broadcast_in_dim3A_2570 = vector.broadcast %jit3A_2569 : f32 to vector<16xf32>
          %select_n3A_2571 = arith.select %eq3A_2568, %add3A_2514, %broadcast_in_dim3A_2570 : vector<16xi1>, vector<16xf32>
          %add3A_2572 = arith.constant 4 : i32
          %add3A_2573 = arith.addi %mul3A_1384, %add3A_2572 : i32
          %swap3A_2574 = arith.index_cast %add3A_106 : i32 to index
          %swap3A_2575 = arith.index_cast %add3A_2573 : i32 to index
          %swap3A_2576 = tpu.vector_load %arg27[%swap3A_2574, %swap3A_2575] {strides = array<i32>} : memref<128x80xf32, #tpu.memory_space<vmem>>, vector<1x16xf32>,
          %swap3A_2577 = vector.shape_cast %swap3A_2576 : vector<1x16xf32> to vector<16xf32>
          %swap3A_2578 = vector.shape_cast %select_n3A_2571 : vector<16xf32> to vector<1x16xf32>
          tpu.vector_store %arg27[%swap3A_2574, %swap3A_2575], %swap3A_2578 {strides = array<i32>} : memref<128x80xf32, #tpu.memory_space<vmem>>, vector<1x16xf32>,
        }
        %scan3A_738 = arith.constant 10 : i32
        %add3A_739 = arith.constant 2 : i32
        %add3A_740 = arith.addi %add3A_106, %add3A_739 : i32
        %min3A = arith.constant 127 : i32
        %min3A_741 = arith.minsi %add3A_740, %min3A : i32
        %dma_start3A_742 = arith.constant 0 : i32
        %dma_start3A_743 = tpu.memref_slice %arg18[%min3A_741, %dma_start3A_742] : memref<128x50xi32, #tpu.memory_space<vmem>> -> memref<1x50xi32, #tpu.memory_space<vmem>>
        %dma_start3A_744 = tpu.memref_squeeze %dma_start3A_743 : memref<1x50xi32, #tpu.memory_space<vmem>> -> memref<50xi32, #tpu.memory_space<vmem>>
        %dma_start3A_745 = arith.constant 0 : i32
        %dma_start3A_746 = arith.constant 0 : i32
        %dma_start3A_747 = tpu.memref_slice %arg8[%dma_start3A_745, %dma_start3A_746] : memref<100000x128xf32, #tpu.memory_space<hbm>> -> memref<100000x128xf32, #tpu.memory_space<hbm>>
        tpu.enqueue_indirect_dma source(%dma_start3A_747 : memref<100000x128xf32, #tpu.memory_space<hbm>>) target(%arg23 : memref<50x128xf32, #tpu.memory_space<vmem>>) offsets(%dma_start3A_744 : memref<50xi32, #tpu.memory_space<vmem>>) semaphore(%arg34 : memref<!tpu.dma_semaphore, #tpu.memory_space<semaphore_mem>>)
        %dma_start3A_748 = arith.constant 0 : i32
        %dma_start3A_749 = tpu.memref_slice %arg18[%min3A_741, %dma_start3A_748] : memref<128x50xi32, #tpu.memory_space<vmem>> -> memref<1x50xi32, #tpu.memory_space<vmem>>
        %dma_start3A_750 = tpu.memref_squeeze %dma_start3A_749 : memref<1x50xi32, #tpu.memory_space<vmem>> -> memref<50xi32, #tpu.memory_space<vmem>>
        %dma_start3A_751 = arith.constant 0 : i32
        %dma_start3A_752 = arith.constant 0 : i32
        %dma_start3A_753 = tpu.memref_slice %arg9[%dma_start3A_751, %dma_start3A_752] : memref<100000x128xf32, #tpu.memory_space<hbm>> -> memref<100000x128xf32, #tpu.memory_space<hbm>>
        tpu.enqueue_indirect_dma source(%dma_start3A_753 : memref<100000x128xf32, #tpu.memory_space<hbm>>) target(%arg24 : memref<50x128xf32, #tpu.memory_space<vmem>>) offsets(%dma_start3A_750 : memref<50xi32, #tpu.memory_space<vmem>>) semaphore(%arg35 : memref<!tpu.dma_semaphore, #tpu.memory_space<semaphore_mem>>)
        %add3A_754 = arith.constant 1 : i32
        %add3A_755 = arith.addi %add3A_106, %add3A_754 : i32
        %dma_wait3A_756 = arith.constant 0 : i32
        %dma_wait3A_757 = tpu.memref_slice %arg18[%add3A_755, %dma_wait3A_756] : memref<128x50xi32, #tpu.memory_space<vmem>> -> memref<1x50xi32, #tpu.memory_space<vmem>>
        %dma_wait3A_758 = tpu.memref_squeeze %dma_wait3A_757 : memref<1x50xi32, #tpu.memory_space<vmem>> -> memref<50xi32, #tpu.memory_space<vmem>>
        %dma_wait3A_759 = arith.constant 0 : i32
        %dma_wait3A_760 = arith.constant 0 : i32
        %dma_wait3A_761 = tpu.memref_slice %arg8[%dma_wait3A_759, %dma_wait3A_760] : memref<100000x128xf32, #tpu.memory_space<hbm>> -> memref<100000x128xf32, #tpu.memory_space<hbm>>
        tpu.wait_indirect_dma semaphore(%arg36 : memref<!tpu.dma_semaphore, #tpu.memory_space<semaphore_mem>>) src(%dma_wait3A_761 : memref<100000x128xf32, #tpu.memory_space<hbm>>) dst(%arg25 : memref<50x128xf32, #tpu.memory_space<vmem>>)
        %dma_wait3A_762 = arith.constant 0 : i32
        %dma_wait3A_763 = tpu.memref_slice %arg18[%add3A_755, %dma_wait3A_762] : memref<128x50xi32, #tpu.memory_space<vmem>> -> memref<1x50xi32, #tpu.memory_space<vmem>>
        %dma_wait3A_764 = tpu.memref_squeeze %dma_wait3A_763 : memref<1x50xi32, #tpu.memory_space<vmem>> -> memref<50xi32, #tpu.memory_space<vmem>>
        %dma_wait3A_765 = arith.constant 0 : i32
        %dma_wait3A_766 = arith.constant 0 : i32
        %dma_wait3A_767 = tpu.memref_slice %arg9[%dma_wait3A_765, %dma_wait3A_766] : memref<100000x128xf32, #tpu.memory_space<hbm>> -> memref<100000x128xf32, #tpu.memory_space<hbm>>
        tpu.wait_indirect_dma semaphore(%arg37 : memref<!tpu.dma_semaphore, #tpu.memory_space<semaphore_mem>>) src(%dma_wait3A_767 : memref<100000x128xf32, #tpu.memory_space<hbm>>) dst(%arg26 : memref<50x128xf32, #tpu.memory_space<vmem>>)
        %add3A_768 = arith.constant 1 : i32
        %add3A_769 = arith.addi %add3A_106, %add3A_768 : i32
        %mul3A_770 = arith.constant 2 : i32
        %mul3A_771 = arith.muli %mul3A_770, %scan3A_103 : i32
        %add3A_772 = arith.constant 1 : i32
        %add3A_773 = arith.addi %mul3A_771, %add3A_772 : i32
        %get3A_774 = arith.index_cast %add3A_769 : i32 to index
        %get3A_775 = arith.constant 0 : index
        %get3A_776 = tpu.vector_load %arg17[%get3A_774, %get3A_775] {strides = array<i32>} : memref<128x16xi32, #tpu.memory_space<vmem>>, vector<1x16xi32>,
        %get3A_777 = vector.shape_cast %get3A_776 : vector<1x16xi32> to vector<16xi32>
        %eq3A_778 = arith.constant 0 : i32
        %eq3A_779 = vector.broadcast %eq3A_778 : i32 to vector<16xi32>
        %eq3A_780 = arith.cmpi eq, %get3A_777, %eq3A_779 : vector<16xi32>
        %eq3A_781 = arith.constant 1 : i32
        %eq3A_782 = vector.broadcast %eq3A_781 : i32 to vector<16xi32>
        %eq3A_783 = arith.cmpi eq, %get3A_777, %eq3A_782 : vector<16xi32>
        %get3A_784 = arith.constant 0 : i32
        %get3A_785 = arith.index_cast %get3A_784 : i32 to index
        %get3A_786 = arith.constant 0 : index
        %get3A_787 = tpu.vector_load %arg13[%get3A_785, %get3A_786] {strides = array<i32>} : memref<8x128xf32, #tpu.memory_space<vmem>>, vector<1x16xf32>,
        %get3A_788 = vector.shape_cast %get3A_787 : vector<1x16xf32> to vector<16xf32>
        %get3A_789 = arith.constant 1 : i32
        %get3A_790 = arith.index_cast %get3A_789 : i32 to index
        %get3A_791 = arith.constant 0 : index
        %get3A_792 = tpu.vector_load %arg13[%get3A_790, %get3A_791] {strides = array<i32>} : memref<8x128xf32, #tpu.memory_space<vmem>>, vector<1x16xf32>,
        %get3A_793 = vector.shape_cast %get3A_792 : vector<1x16xf32> to vector<16xf32>
        %get3A_794 = arith.constant 2 : i32
        %get3A_795 = arith.index_cast %get3A_794 : i32 to index
        %get3A_796 = arith.constant 0 : index
        %get3A_797 = tpu.vector_load %arg13[%get3A_795, %get3A_796] {strides = array<i32>} : memref<8x128xf32, #tpu.memory_space<vmem>>, vector<1x16xf32>,
        %get3A_798 = vector.shape_cast %get3A_797 : vector<1x16xf32> to vector<16xf32>
        %select_n3A_799 = arith.select %eq3A_783, %get3A_793, %get3A_798 : vector<16xi1>, vector<16xf32>
        %select_n3A_800 = arith.select %eq3A_780, %get3A_788, %select_n3A_799 : vector<16xi1>, vector<16xf32>
        %get3A_801 = arith.constant 0 : i32
        %get3A_802 = arith.index_cast %get3A_801 : i32 to index
        %get3A_803 = arith.constant 0 : index
        %get3A_804 = tpu.vector_load %arg14[%get3A_802, %get3A_803] {strides = array<i32>} : memref<8x128xf32, #tpu.memory_space<vmem>>, vector<1x16xf32>,
        %get3A_805 = vector.shape_cast %get3A_804 : vector<1x16xf32> to vector<16xf32>
        %get3A_806 = arith.constant 1 : i32
        %get3A_807 = arith.index_cast %get3A_806 : i32 to index
        %get3A_808 = arith.constant 0 : index
        %get3A_809 = tpu.vector_load %arg14[%get3A_807, %get3A_808] {strides = array<i32>} : memref<8x128xf32, #tpu.memory_space<vmem>>, vector<1x16xf32>,
        %get3A_810 = vector.shape_cast %get3A_809 : vector<1x16xf32> to vector<16xf32>
        %get3A_811 = arith.constant 2 : i32
        %get3A_812 = arith.index_cast %get3A_811 : i32 to index
        %get3A_813 = arith.constant 0 : index
        %get3A_814 = tpu.vector_load %arg14[%get3A_812, %get3A_813] {strides = array<i32>} : memref<8x128xf32, #tpu.memory_space<vmem>>, vector<1x16xf32>,
        %get3A_815 = vector.shape_cast %get3A_814 : vector<1x16xf32> to vector<16xf32>
        %select_n3A_816 = arith.select %eq3A_783, %get3A_810, %get3A_815 : vector<16xi1>, vector<16xf32>
        %select_n3A_817 = arith.select %eq3A_780, %get3A_805, %select_n3A_816 : vector<16xi1>, vector<16xf32>
        %get3A_818 = arith.index_cast %add3A_773 : i32 to index
        %get3A_819 = arith.constant 0 : index
        %get3A_820 = tpu.vector_load %arg19[%get3A_818, %get3A_819] {strides = array<i32>} : memref<32x128xf32, #tpu.memory_space<vmem>>, vector<1x16xf32>,
        %get3A_821 = vector.shape_cast %get3A_820 : vector<1x16xf32> to vector<16xf32>
        %get3A_822 = arith.index_cast %add3A_773 : i32 to index
        %get3A_823 = arith.constant 0 : index
        %get3A_824 = tpu.vector_load %arg20[%get3A_822, %get3A_823] {strides = array<i32>} : memref<32x128xf32, #tpu.memory_space<vmem>>, vector<1x16xf32>,
        %get3A_825 = vector.shape_cast %get3A_824 : vector<1x16xf32> to vector<16xf32>
        %mul3A_826 = arith.mulf %get3A_821, %select_n3A_800 : vector<16xf32>
        %mul3A_827 = arith.mulf %get3A_825, %select_n3A_817 : vector<16xf32>
        %sub3A_828 = arith.subf %mul3A_826, %mul3A_827 : vector<16xf32>
        %get3A_829 = arith.index_cast %add3A_773 : i32 to index
        %get3A_830 = arith.constant 0 : index
        %get3A_831 = tpu.vector_load %arg21[%get3A_829, %get3A_830] {strides = array<i32>} : memref<32x128xf32, #tpu.memory_space<vmem>>, vector<1x16xf32>,
        %get3A_832 = vector.shape_cast %get3A_831 : vector<1x16xf32> to vector<16xf32>
        %add3A_833 = arith.addf %sub3A_828, %get3A_832 : vector<16xf32>
        %swap3A_834 = arith.constant 0 : index
        %swap3A_835 = tpu.vector_load %arg28[%swap3A_834] {strides = array<i32>} : memref<128xf32, #tpu.memory_space<vmem>>, vector<16xf32>,
        %swap3A_836 = vector.shape_cast %swap3A_835 : vector<16xf32> to vector<16xf32>
        %swap3A_837 = vector.shape_cast %add3A_833 : vector<16xf32> to vector<16xf32>
        tpu.vector_store %arg28[%swap3A_834], %swap3A_837 {strides = array<i32>} : memref<128xf32, #tpu.memory_space<vmem>>, vector<16xf32>,
        %mul3A_838 = arith.mulf %get3A_821, %select_n3A_817 : vector<16xf32>
        %mul3A_839 = arith.mulf %get3A_825, %select_n3A_800 : vector<16xf32>
        %add3A_840 = arith.addf %mul3A_838, %mul3A_839 : vector<16xf32>
        %get3A_841 = arith.index_cast %add3A_773 : i32 to index
        %get3A_842 = arith.constant 0 : index
        %get3A_843 = tpu.vector_load %arg22[%get3A_841, %get3A_842] {strides = array<i32>} : memref<32x128xf32, #tpu.memory_space<vmem>>, vector<1x16xf32>,
        %get3A_844 = vector.shape_cast %get3A_843 : vector<1x16xf32> to vector<16xf32>
        %add3A_845 = arith.addf %add3A_840, %get3A_844 : vector<16xf32>
        %swap3A_846 = arith.constant 0 : index
        %swap3A_847 = tpu.vector_load %arg29[%swap3A_846] {strides = array<i32>} : memref<128xf32, #tpu.memory_space<vmem>>, vector<16xf32>,
        %swap3A_848 = vector.shape_cast %swap3A_847 : vector<16xf32> to vector<16xf32>
        %swap3A_849 = vector.shape_cast %add3A_845 : vector<16xf32> to vector<16xf32>
        tpu.vector_store %arg29[%swap3A_846], %swap3A_849 {strides = array<i32>} : memref<128xf32, #tpu.memory_space<vmem>>, vector<16xf32>,
        %swap3A_850 = arith.constant 0 : index
        %swap3A_851 = tpu.vector_load %arg30[%swap3A_850] {strides = array<i32>} : memref<128xf32, #tpu.memory_space<vmem>>, vector<16xf32>,
        %swap3A_852 = vector.shape_cast %swap3A_851 : vector<16xf32> to vector<16xf32>
        %swap3A_853 = vector.shape_cast %select_n3A_800 : vector<16xf32> to vector<16xf32>
        tpu.vector_store %arg30[%swap3A_850], %swap3A_853 {strides = array<i32>} : memref<128xf32, #tpu.memory_space<vmem>>, vector<16xf32>,
        %swap3A_854 = arith.constant 0 : index
        %swap3A_855 = tpu.vector_load %arg31[%swap3A_854] {strides = array<i32>} : memref<128xf32, #tpu.memory_space<vmem>>, vector<16xf32>,
        %swap3A_856 = vector.shape_cast %swap3A_855 : vector<16xf32> to vector<16xf32>
        %swap3A_857 = vector.shape_cast %select_n3A_817 : vector<16xf32> to vector<16xf32>
        tpu.vector_store %arg31[%swap3A_854], %swap3A_857 {strides = array<i32>} : memref<128xf32, #tpu.memory_space<vmem>>, vector<16xf32>,
        %get3A_858 = arith.constant 0 : i32
        %get3A_859 = arith.index_cast %get3A_858 : i32 to index
        %get3A_860 = arith.constant 16 : index
        %get3A_861 = tpu.vector_load %arg13[%get3A_859, %get3A_860] {strides = array<i32>} : memref<8x128xf32, #tpu.memory_space<vmem>>, vector<1x16xf32>,
        %get3A_862 = vector.shape_cast %get3A_861 : vector<1x16xf32> to vector<16xf32>
        %get3A_863 = arith.constant 1 : i32
        %get3A_864 = arith.index_cast %get3A_863 : i32 to index
        %get3A_865 = arith.constant 16 : index
        %get3A_866 = tpu.vector_load %arg13[%get3A_864, %get3A_865] {strides = array<i32>} : memref<8x128xf32, #tpu.memory_space<vmem>>, vector<1x16xf32>,
        %get3A_867 = vector.shape_cast %get3A_866 : vector<1x16xf32> to vector<16xf32>
        %get3A_868 = arith.constant 2 : i32
        %get3A_869 = arith.index_cast %get3A_868 : i32 to index
        %get3A_870 = arith.constant 16 : index
        %get3A_871 = tpu.vector_load %arg13[%get3A_869, %get3A_870] {strides = array<i32>} : memref<8x128xf32, #tpu.memory_space<vmem>>, vector<1x16xf32>,
        %get3A_872 = vector.shape_cast %get3A_871 : vector<1x16xf32> to vector<16xf32>
        %select_n3A_873 = arith.select %eq3A_783, %get3A_867, %get3A_872 : vector<16xi1>, vector<16xf32>
        %select_n3A_874 = arith.select %eq3A_780, %get3A_862, %select_n3A_873 : vector<16xi1>, vector<16xf32>
        %get3A_875 = arith.constant 0 : i32
        %get3A_876 = arith.index_cast %get3A_875 : i32 to index
        %get3A_877 = arith.constant 16 : index
        %get3A_878 = tpu.vector_load %arg14[%get3A_876, %get3A_877] {strides = array<i32>} : memref<8x128xf32, #tpu.memory_space<vmem>>, vector<1x16xf32>,
        %get3A_879 = vector.shape_cast %get3A_878 : vector<1x16xf32> to vector<16xf32>
        %get3A_880 = arith.constant 1 : i32
        %get3A_881 = arith.index_cast %get3A_880 : i32 to index
        %get3A_882 = arith.constant 16 : index
        %get3A_883 = tpu.vector_load %arg14[%get3A_881, %get3A_882] {strides = array<i32>} : memref<8x128xf32, #tpu.memory_space<vmem>>, vector<1x16xf32>,
        %get3A_884 = vector.shape_cast %get3A_883 : vector<1x16xf32> to vector<16xf32>
        %get3A_885 = arith.constant 2 : i32
        %get3A_886 = arith.index_cast %get3A_885 : i32 to index
        %get3A_887 = arith.constant 16 : index
        %get3A_888 = tpu.vector_load %arg14[%get3A_886, %get3A_887] {strides = array<i32>} : memref<8x128xf32, #tpu.memory_space<vmem>>, vector<1x16xf32>,
        %get3A_889 = vector.shape_cast %get3A_888 : vector<1x16xf32> to vector<16xf32>
        %select_n3A_890 = arith.select %eq3A_783, %get3A_884, %get3A_889 : vector<16xi1>, vector<16xf32>
        %select_n3A_891 = arith.select %eq3A_780, %get3A_879, %select_n3A_890 : vector<16xi1>, vector<16xf32>
        %get3A_892 = arith.index_cast %add3A_773 : i32 to index
        %get3A_893 = arith.constant 16 : index
        %get3A_894 = tpu.vector_load %arg19[%get3A_892, %get3A_893] {strides = array<i32>} : memref<32x128xf32, #tpu.memory_space<vmem>>, vector<1x16xf32>,
        %get3A_895 = vector.shape_cast %get3A_894 : vector<1x16xf32> to vector<16xf32>
        %get3A_896 = arith.index_cast %add3A_773 : i32 to index
        %get3A_897 = arith.constant 16 : index
        %get3A_898 = tpu.vector_load %arg20[%get3A_896, %get3A_897] {strides = array<i32>} : memref<32x128xf32, #tpu.memory_space<vmem>>, vector<1x16xf32>,
        %get3A_899 = vector.shape_cast %get3A_898 : vector<1x16xf32> to vector<16xf32>
        %mul3A_900 = arith.mulf %get3A_895, %select_n3A_874 : vector<16xf32>
        %mul3A_901 = arith.mulf %get3A_899, %select_n3A_891 : vector<16xf32>
        %sub3A_902 = arith.subf %mul3A_900, %mul3A_901 : vector<16xf32>
        %get3A_903 = arith.index_cast %add3A_773 : i32 to index
        %get3A_904 = arith.constant 16 : index
        %get3A_905 = tpu.vector_load %arg21[%get3A_903, %get3A_904] {strides = array<i32>} : memref<32x128xf32, #tpu.memory_space<vmem>>, vector<1x16xf32>,
        %get3A_906 = vector.shape_cast %get3A_905 : vector<1x16xf32> to vector<16xf32>
        %add3A_907 = arith.addf %sub3A_902, %get3A_906 : vector<16xf32>
        %swap3A_908 = arith.constant 16 : index
        %swap3A_909 = tpu.vector_load %arg28[%swap3A_908] {strides = array<i32>} : memref<128xf32, #tpu.memory_space<vmem>>, vector<16xf32>,
        %swap3A_910 = vector.shape_cast %swap3A_909 : vector<16xf32> to vector<16xf32>
        %swap3A_911 = vector.shape_cast %add3A_907 : vector<16xf32> to vector<16xf32>
        tpu.vector_store %arg28[%swap3A_908], %swap3A_911 {strides = array<i32>} : memref<128xf32, #tpu.memory_space<vmem>>, vector<16xf32>,
        %mul3A_912 = arith.mulf %get3A_895, %select_n3A_891 : vector<16xf32>
        %mul3A_913 = arith.mulf %get3A_899, %select_n3A_874 : vector<16xf32>
        %add3A_914 = arith.addf %mul3A_912, %mul3A_913 : vector<16xf32>
        %get3A_915 = arith.index_cast %add3A_773 : i32 to index
        %get3A_916 = arith.constant 16 : index
        %get3A_917 = tpu.vector_load %arg22[%get3A_915, %get3A_916] {strides = array<i32>} : memref<32x128xf32, #tpu.memory_space<vmem>>, vector<1x16xf32>,
        %get3A_918 = vector.shape_cast %get3A_917 : vector<1x16xf32> to vector<16xf32>
        %add3A_919 = arith.addf %add3A_914, %get3A_918 : vector<16xf32>
        %swap3A_920 = arith.constant 16 : index
        %swap3A_921 = tpu.vector_load %arg29[%swap3A_920] {strides = array<i32>} : memref<128xf32, #tpu.memory_space<vmem>>, vector<16xf32>,
        %swap3A_922 = vector.shape_cast %swap3A_921 : vector<16xf32> to vector<16xf32>
        %swap3A_923 = vector.shape_cast %add3A_919 : vector<16xf32> to vector<16xf32>
        tpu.vector_store %arg29[%swap3A_920], %swap3A_923 {strides = array<i32>} : memref<128xf32, #tpu.memory_space<vmem>>, vector<16xf32>,
        %swap3A_924 = arith.constant 16 : index
        %swap3A_925 = tpu.vector_load %arg30[%swap3A_924] {strides = array<i32>} : memref<128xf32, #tpu.memory_space<vmem>>, vector<16xf32>,
        %swap3A_926 = vector.shape_cast %swap3A_925 : vector<16xf32> to vector<16xf32>
        %swap3A_927 = vector.shape_cast %select_n3A_874 : vector<16xf32> to vector<16xf32>
        tpu.vector_store %arg30[%swap3A_924], %swap3A_927 {strides = array<i32>} : memref<128xf32, #tpu.memory_space<vmem>>, vector<16xf32>,
        %swap3A_928 = arith.constant 16 : index
        %swap3A_929 = tpu.vector_load %arg31[%swap3A_928] {strides = array<i32>} : memref<128xf32, #tpu.memory_space<vmem>>, vector<16xf32>,
        %swap3A_930 = vector.shape_cast %swap3A_929 : vector<16xf32> to vector<16xf32>
        %swap3A_931 = vector.shape_cast %select_n3A_891 : vector<16xf32> to vector<16xf32>
        tpu.vector_store %arg31[%swap3A_928], %swap3A_931 {strides = array<i32>} : memref<128xf32, #tpu.memory_space<vmem>>, vector<16xf32>,
        %get3A_932 = arith.constant 0 : i32
        %get3A_933 = arith.index_cast %get3A_932 : i32 to index
        %get3A_934 = arith.constant 32 : index
        %get3A_935 = tpu.vector_load %arg13[%get3A_933, %get3A_934] {strides = array<i32>} : memref<8x128xf32, #tpu.memory_space<vmem>>, vector<1x16xf32>,
        %get3A_936 = vector.shape_cast %get3A_935 : vector<1x16xf32> to vector<16xf32>
        %get3A_937 = arith.constant 1 : i32
        %get3A_938 = arith.index_cast %get3A_937 : i32 to index
        %get3A_939 = arith.constant 32 : index
        %get3A_940 = tpu.vector_load %arg13[%get3A_938, %get3A_939] {strides = array<i32>} : memref<8x128xf32, #tpu.memory_space<vmem>>, vector<1x16xf32>,
        %get3A_941 = vector.shape_cast %get3A_940 : vector<1x16xf32> to vector<16xf32>
        %get3A_942 = arith.constant 2 : i32
        %get3A_943 = arith.index_cast %get3A_942 : i32 to index
        %get3A_944 = arith.constant 32 : index
        %get3A_945 = tpu.vector_load %arg13[%get3A_943, %get3A_944] {strides = array<i32>} : memref<8x128xf32, #tpu.memory_space<vmem>>, vector<1x16xf32>,
        %get3A_946 = vector.shape_cast %get3A_945 : vector<1x16xf32> to vector<16xf32>
        %select_n3A_947 = arith.select %eq3A_783, %get3A_941, %get3A_946 : vector<16xi1>, vector<16xf32>
        %select_n3A_948 = arith.select %eq3A_780, %get3A_936, %select_n3A_947 : vector<16xi1>, vector<16xf32>
        %get3A_949 = arith.constant 0 : i32
        %get3A_950 = arith.index_cast %get3A_949 : i32 to index
        %get3A_951 = arith.constant 32 : index
        %get3A_952 = tpu.vector_load %arg14[%get3A_950, %get3A_951] {strides = array<i32>} : memref<8x128xf32, #tpu.memory_space<vmem>>, vector<1x16xf32>,
        %get3A_953 = vector.shape_cast %get3A_952 : vector<1x16xf32> to vector<16xf32>
        %get3A_954 = arith.constant 1 : i32
        %get3A_955 = arith.index_cast %get3A_954 : i32 to index
        %get3A_956 = arith.constant 32 : index
        %get3A_957 = tpu.vector_load %arg14[%get3A_955, %get3A_956] {strides = array<i32>} : memref<8x128xf32, #tpu.memory_space<vmem>>, vector<1x16xf32>,
        %get3A_958 = vector.shape_cast %get3A_957 : vector<1x16xf32> to vector<16xf32>
        %get3A_959 = arith.constant 2 : i32
        %get3A_960 = arith.index_cast %get3A_959 : i32 to index
        %get3A_961 = arith.constant 32 : index
        %get3A_962 = tpu.vector_load %arg14[%get3A_960, %get3A_961] {strides = array<i32>} : memref<8x128xf32, #tpu.memory_space<vmem>>, vector<1x16xf32>,
        %get3A_963 = vector.shape_cast %get3A_962 : vector<1x16xf32> to vector<16xf32>
        %select_n3A_964 = arith.select %eq3A_783, %get3A_958, %get3A_963 : vector<16xi1>, vector<16xf32>
        %select_n3A_965 = arith.select %eq3A_780, %get3A_953, %select_n3A_964 : vector<16xi1>, vector<16xf32>
        %get3A_966 = arith.index_cast %add3A_773 : i32 to index
        %get3A_967 = arith.constant 32 : index
        %get3A_968 = tpu.vector_load %arg19[%get3A_966, %get3A_967] {strides = array<i32>} : memref<32x128xf32, #tpu.memory_space<vmem>>, vector<1x16xf32>,
        %get3A_969 = vector.shape_cast %get3A_968 : vector<1x16xf32> to vector<16xf32>
        %get3A_970 = arith.index_cast %add3A_773 : i32 to index
        %get3A_971 = arith.constant 32 : index
        %get3A_972 = tpu.vector_load %arg20[%get3A_970, %get3A_971] {strides = array<i32>} : memref<32x128xf32, #tpu.memory_space<vmem>>, vector<1x16xf32>,
        %get3A_973 = vector.shape_cast %get3A_972 : vector<1x16xf32> to vector<16xf32>
        %mul3A_974 = arith.mulf %get3A_969, %select_n3A_948 : vector<16xf32>
        %mul3A_975 = arith.mulf %get3A_973, %select_n3A_965 : vector<16xf32>
        %sub3A_976 = arith.subf %mul3A_974, %mul3A_975 : vector<16xf32>
        %get3A_977 = arith.index_cast %add3A_773 : i32 to index
        %get3A_978 = arith.constant 32 : index
        %get3A_979 = tpu.vector_load %arg21[%get3A_977, %get3A_978] {strides = array<i32>} : memref<32x128xf32, #tpu.memory_space<vmem>>, vector<1x16xf32>,
        %get3A_980 = vector.shape_cast %get3A_979 : vector<1x16xf32> to vector<16xf32>
        %add3A_981 = arith.addf %sub3A_976, %get3A_980 : vector<16xf32>
        %swap3A_982 = arith.constant 32 : index
        %swap3A_983 = tpu.vector_load %arg28[%swap3A_982] {strides = array<i32>} : memref<128xf32, #tpu.memory_space<vmem>>, vector<16xf32>,
        %swap3A_984 = vector.shape_cast %swap3A_983 : vector<16xf32> to vector<16xf32>
        %swap3A_985 = vector.shape_cast %add3A_981 : vector<16xf32> to vector<16xf32>
        tpu.vector_store %arg28[%swap3A_982], %swap3A_985 {strides = array<i32>} : memref<128xf32, #tpu.memory_space<vmem>>, vector<16xf32>,
        %mul3A_986 = arith.mulf %get3A_969, %select_n3A_965 : vector<16xf32>
        %mul3A_987 = arith.mulf %get3A_973, %select_n3A_948 : vector<16xf32>
        %add3A_988 = arith.addf %mul3A_986, %mul3A_987 : vector<16xf32>
        %get3A_989 = arith.index_cast %add3A_773 : i32 to index
        %get3A_990 = arith.constant 32 : index
        %get3A_991 = tpu.vector_load %arg22[%get3A_989, %get3A_990] {strides = array<i32>} : memref<32x128xf32, #tpu.memory_space<vmem>>, vector<1x16xf32>,
        %get3A_992 = vector.shape_cast %get3A_991 : vector<1x16xf32> to vector<16xf32>
        %add3A_993 = arith.addf %add3A_988, %get3A_992 : vector<16xf32>
        %swap3A_994 = arith.constant 32 : index
        %swap3A_995 = tpu.vector_load %arg29[%swap3A_994] {strides = array<i32>} : memref<128xf32, #tpu.memory_space<vmem>>, vector<16xf32>,
        %swap3A_996 = vector.shape_cast %swap3A_995 : vector<16xf32> to vector<16xf32>
        %swap3A_997 = vector.shape_cast %add3A_993 : vector<16xf32> to vector<16xf32>
        tpu.vector_store %arg29[%swap3A_994], %swap3A_997 {strides = array<i32>} : memref<128xf32, #tpu.memory_space<vmem>>, vector<16xf32>,
        %swap3A_998 = arith.constant 32 : index
        %swap3A_999 = tpu.vector_load %arg30[%swap3A_998] {strides = array<i32>} : memref<128xf32, #tpu.memory_space<vmem>>, vector<16xf32>,
        %swap3A_1000 = vector.shape_cast %swap3A_999 : vector<16xf32> to vector<16xf32>
        %swap3A_1001 = vector.shape_cast %select_n3A_948 : vector<16xf32> to vector<16xf32>
        tpu.vector_store %arg30[%swap3A_998], %swap3A_1001 {strides = array<i32>} : memref<128xf32, #tpu.memory_space<vmem>>, vector<16xf32>,
        %swap3A_1002 = arith.constant 32 : index
        %swap3A_1003 = tpu.vector_load %arg31[%swap3A_1002] {strides = array<i32>} : memref<128xf32, #tpu.memory_space<vmem>>, vector<16xf32>,
        %swap3A_1004 = vector.shape_cast %swap3A_1003 : vector<16xf32> to vector<16xf32>
        %swap3A_1005 = vector.shape_cast %select_n3A_965 : vector<16xf32> to vector<16xf32>
        tpu.vector_store %arg31[%swap3A_1002], %swap3A_1005 {strides = array<i32>} : memref<128xf32, #tpu.memory_space<vmem>>, vector<16xf32>,
        %get3A_1006 = arith.constant 0 : i32
        %get3A_1007 = arith.index_cast %get3A_1006 : i32 to index
        %get3A_1008 = arith.constant 48 : index
        %get3A_1009 = tpu.vector_load %arg13[%get3A_1007, %get3A_1008] {strides = array<i32>} : memref<8x128xf32, #tpu.memory_space<vmem>>, vector<1x16xf32>,
        %get3A_1010 = vector.shape_cast %get3A_1009 : vector<1x16xf32> to vector<16xf32>
        %get3A_1011 = arith.constant 1 : i32
        %get3A_1012 = arith.index_cast %get3A_1011 : i32 to index
        %get3A_1013 = arith.constant 48 : index
        %get3A_1014 = tpu.vector_load %arg13[%get3A_1012, %get3A_1013] {strides = array<i32>} : memref<8x128xf32, #tpu.memory_space<vmem>>, vector<1x16xf32>,
        %get3A_1015 = vector.shape_cast %get3A_1014 : vector<1x16xf32> to vector<16xf32>
        %get3A_1016 = arith.constant 2 : i32
        %get3A_1017 = arith.index_cast %get3A_1016 : i32 to index
        %get3A_1018 = arith.constant 48 : index
        %get3A_1019 = tpu.vector_load %arg13[%get3A_1017, %get3A_1018] {strides = array<i32>} : memref<8x128xf32, #tpu.memory_space<vmem>>, vector<1x16xf32>,
        %get3A_1020 = vector.shape_cast %get3A_1019 : vector<1x16xf32> to vector<16xf32>
        %select_n3A_1021 = arith.select %eq3A_783, %get3A_1015, %get3A_1020 : vector<16xi1>, vector<16xf32>
        %select_n3A_1022 = arith.select %eq3A_780, %get3A_1010, %select_n3A_1021 : vector<16xi1>, vector<16xf32>
        %get3A_1023 = arith.constant 0 : i32
        %get3A_1024 = arith.index_cast %get3A_1023 : i32 to index
        %get3A_1025 = arith.constant 48 : index
        %get3A_1026 = tpu.vector_load %arg14[%get3A_1024, %get3A_1025] {strides = array<i32>} : memref<8x128xf32, #tpu.memory_space<vmem>>, vector<1x16xf32>,
        %get3A_1027 = vector.shape_cast %get3A_1026 : vector<1x16xf32> to vector<16xf32>
        %get3A_1028 = arith.constant 1 : i32
        %get3A_1029 = arith.index_cast %get3A_1028 : i32 to index
        %get3A_1030 = arith.constant 48 : index
        %get3A_1031 = tpu.vector_load %arg14[%get3A_1029, %get3A_1030] {strides = array<i32>} : memref<8x128xf32, #tpu.memory_space<vmem>>, vector<1x16xf32>,
        %get3A_1032 = vector.shape_cast %get3A_1031 : vector<1x16xf32> to vector<16xf32>
        %get3A_1033 = arith.constant 2 : i32
        %get3A_1034 = arith.index_cast %get3A_1033 : i32 to index
        %get3A_1035 = arith.constant 48 : index
        %get3A_1036 = tpu.vector_load %arg14[%get3A_1034, %get3A_1035] {strides = array<i32>} : memref<8x128xf32, #tpu.memory_space<vmem>>, vector<1x16xf32>,
        %get3A_1037 = vector.shape_cast %get3A_1036 : vector<1x16xf32> to vector<16xf32>
        %select_n3A_1038 = arith.select %eq3A_783, %get3A_1032, %get3A_1037 : vector<16xi1>, vector<16xf32>
        %select_n3A_1039 = arith.select %eq3A_780, %get3A_1027, %select_n3A_1038 : vector<16xi1>, vector<16xf32>
        %get3A_1040 = arith.index_cast %add3A_773 : i32 to index
        %get3A_1041 = arith.constant 48 : index
        %get3A_1042 = tpu.vector_load %arg19[%get3A_1040, %get3A_1041] {strides = array<i32>} : memref<32x128xf32, #tpu.memory_space<vmem>>, vector<1x16xf32>,
        %get3A_1043 = vector.shape_cast %get3A_1042 : vector<1x16xf32> to vector<16xf32>
        %get3A_1044 = arith.index_cast %add3A_773 : i32 to index
        %get3A_1045 = arith.constant 48 : index
        %get3A_1046 = tpu.vector_load %arg20[%get3A_1044, %get3A_1045] {strides = array<i32>} : memref<32x128xf32, #tpu.memory_space<vmem>>, vector<1x16xf32>,
        %get3A_1047 = vector.shape_cast %get3A_1046 : vector<1x16xf32> to vector<16xf32>
        %mul3A_1048 = arith.mulf %get3A_1043, %select_n3A_1022 : vector<16xf32>
        %mul3A_1049 = arith.mulf %get3A_1047, %select_n3A_1039 : vector<16xf32>
        %sub3A_1050 = arith.subf %mul3A_1048, %mul3A_1049 : vector<16xf32>
        %get3A_1051 = arith.index_cast %add3A_773 : i32 to index
        %get3A_1052 = arith.constant 48 : index
        %get3A_1053 = tpu.vector_load %arg21[%get3A_1051, %get3A_1052] {strides = array<i32>} : memref<32x128xf32, #tpu.memory_space<vmem>>, vector<1x16xf32>,
        %get3A_1054 = vector.shape_cast %get3A_1053 : vector<1x16xf32> to vector<16xf32>
        %add3A_1055 = arith.addf %sub3A_1050, %get3A_1054 : vector<16xf32>
        %swap3A_1056 = arith.constant 48 : index
        %swap3A_1057 = tpu.vector_load %arg28[%swap3A_1056] {strides = array<i32>} : memref<128xf32, #tpu.memory_space<vmem>>, vector<16xf32>,
        %swap3A_1058 = vector.shape_cast %swap3A_1057 : vector<16xf32> to vector<16xf32>
        %swap3A_1059 = vector.shape_cast %add3A_1055 : vector<16xf32> to vector<16xf32>
        tpu.vector_store %arg28[%swap3A_1056], %swap3A_1059 {strides = array<i32>} : memref<128xf32, #tpu.memory_space<vmem>>, vector<16xf32>,
        %mul3A_1060 = arith.mulf %get3A_1043, %select_n3A_1039 : vector<16xf32>
        %mul3A_1061 = arith.mulf %get3A_1047, %select_n3A_1022 : vector<16xf32>
        %add3A_1062 = arith.addf %mul3A_1060, %mul3A_1061 : vector<16xf32>
        %get3A_1063 = arith.index_cast %add3A_773 : i32 to index
        %get3A_1064 = arith.constant 48 : index
        %get3A_1065 = tpu.vector_load %arg22[%get3A_1063, %get3A_1064] {strides = array<i32>} : memref<32x128xf32, #tpu.memory_space<vmem>>, vector<1x16xf32>,
        %get3A_1066 = vector.shape_cast %get3A_1065 : vector<1x16xf32> to vector<16xf32>
        %add3A_1067 = arith.addf %add3A_1062, %get3A_1066 : vector<16xf32>
        %swap3A_1068 = arith.constant 48 : index
        %swap3A_1069 = tpu.vector_load %arg29[%swap3A_1068] {strides = array<i32>} : memref<128xf32, #tpu.memory_space<vmem>>, vector<16xf32>,
        %swap3A_1070 = vector.shape_cast %swap3A_1069 : vector<16xf32> to vector<16xf32>
        %swap3A_1071 = vector.shape_cast %add3A_1067 : vector<16xf32> to vector<16xf32>
        tpu.vector_store %arg29[%swap3A_1068], %swap3A_1071 {strides = array<i32>} : memref<128xf32, #tpu.memory_space<vmem>>, vector<16xf32>,
        %swap3A_1072 = arith.constant 48 : index
        %swap3A_1073 = tpu.vector_load %arg30[%swap3A_1072] {strides = array<i32>} : memref<128xf32, #tpu.memory_space<vmem>>, vector<16xf32>,
        %swap3A_1074 = vector.shape_cast %swap3A_1073 : vector<16xf32> to vector<16xf32>
        %swap3A_1075 = vector.shape_cast %select_n3A_1022 : vector<16xf32> to vector<16xf32>
        tpu.vector_store %arg30[%swap3A_1072], %swap3A_1075 {strides = array<i32>} : memref<128xf32, #tpu.memory_space<vmem>>, vector<16xf32>,
        %swap3A_1076 = arith.constant 48 : index
        %swap3A_1077 = tpu.vector_load %arg31[%swap3A_1076] {strides = array<i32>} : memref<128xf32, #tpu.memory_space<vmem>>, vector<16xf32>,
        %swap3A_1078 = vector.shape_cast %swap3A_1077 : vector<16xf32> to vector<16xf32>
        %swap3A_1079 = vector.shape_cast %select_n3A_1039 : vector<16xf32> to vector<16xf32>
        tpu.vector_store %arg31[%swap3A_1076], %swap3A_1079 {strides = array<i32>} : memref<128xf32, #tpu.memory_space<vmem>>, vector<16xf32>,
        %get3A_1080 = arith.constant 0 : i32
        %get3A_1081 = arith.index_cast %get3A_1080 : i32 to index
        %get3A_1082 = arith.constant 64 : index
        %get3A_1083 = tpu.vector_load %arg13[%get3A_1081, %get3A_1082] {strides = array<i32>} : memref<8x128xf32, #tpu.memory_space<vmem>>, vector<1x16xf32>,
        %get3A_1084 = vector.shape_cast %get3A_1083 : vector<1x16xf32> to vector<16xf32>
        %get3A_1085 = arith.constant 1 : i32
        %get3A_1086 = arith.index_cast %get3A_1085 : i32 to index
        %get3A_1087 = arith.constant 64 : index
        %get3A_1088 = tpu.vector_load %arg13[%get3A_1086, %get3A_1087] {strides = array<i32>} : memref<8x128xf32, #tpu.memory_space<vmem>>, vector<1x16xf32>,
        %get3A_1089 = vector.shape_cast %get3A_1088 : vector<1x16xf32> to vector<16xf32>
        %get3A_1090 = arith.constant 2 : i32
        %get3A_1091 = arith.index_cast %get3A_1090 : i32 to index
        %get3A_1092 = arith.constant 64 : index
        %get3A_1093 = tpu.vector_load %arg13[%get3A_1091, %get3A_1092] {strides = array<i32>} : memref<8x128xf32, #tpu.memory_space<vmem>>, vector<1x16xf32>,
        %get3A_1094 = vector.shape_cast %get3A_1093 : vector<1x16xf32> to vector<16xf32>
        %select_n3A_1095 = arith.select %eq3A_783, %get3A_1089, %get3A_1094 : vector<16xi1>, vector<16xf32>
        %select_n3A_1096 = arith.select %eq3A_780, %get3A_1084, %select_n3A_1095 : vector<16xi1>, vector<16xf32>
        %get3A_1097 = arith.constant 0 : i32
        %get3A_1098 = arith.index_cast %get3A_1097 : i32 to index
        %get3A_1099 = arith.constant 64 : index
        %get3A_1100 = tpu.vector_load %arg14[%get3A_1098, %get3A_1099] {strides = array<i32>} : memref<8x128xf32, #tpu.memory_space<vmem>>, vector<1x16xf32>,
        %get3A_1101 = vector.shape_cast %get3A_1100 : vector<1x16xf32> to vector<16xf32>
        %get3A_1102 = arith.constant 1 : i32
        %get3A_1103 = arith.index_cast %get3A_1102 : i32 to index
        %get3A_1104 = arith.constant 64 : index
        %get3A_1105 = tpu.vector_load %arg14[%get3A_1103, %get3A_1104] {strides = array<i32>} : memref<8x128xf32, #tpu.memory_space<vmem>>, vector<1x16xf32>,
        %get3A_1106 = vector.shape_cast %get3A_1105 : vector<1x16xf32> to vector<16xf32>
        %get3A_1107 = arith.constant 2 : i32
        %get3A_1108 = arith.index_cast %get3A_1107 : i32 to index
        %get3A_1109 = arith.constant 64 : index
        %get3A_1110 = tpu.vector_load %arg14[%get3A_1108, %get3A_1109] {strides = array<i32>} : memref<8x128xf32, #tpu.memory_space<vmem>>, vector<1x16xf32>,
        %get3A_1111 = vector.shape_cast %get3A_1110 : vector<1x16xf32> to vector<16xf32>
        %select_n3A_1112 = arith.select %eq3A_783, %get3A_1106, %get3A_1111 : vector<16xi1>, vector<16xf32>
        %select_n3A_1113 = arith.select %eq3A_780, %get3A_1101, %select_n3A_1112 : vector<16xi1>, vector<16xf32>
        %get3A_1114 = arith.index_cast %add3A_773 : i32 to index
        %get3A_1115 = arith.constant 64 : index
        %get3A_1116 = tpu.vector_load %arg19[%get3A_1114, %get3A_1115] {strides = array<i32>} : memref<32x128xf32, #tpu.memory_space<vmem>>, vector<1x16xf32>,
        %get3A_1117 = vector.shape_cast %get3A_1116 : vector<1x16xf32> to vector<16xf32>
        %get3A_1118 = arith.index_cast %add3A_773 : i32 to index
        %get3A_1119 = arith.constant 64 : index
        %get3A_1120 = tpu.vector_load %arg20[%get3A_1118, %get3A_1119] {strides = array<i32>} : memref<32x128xf32, #tpu.memory_space<vmem>>, vector<1x16xf32>,
        %get3A_1121 = vector.shape_cast %get3A_1120 : vector<1x16xf32> to vector<16xf32>
        %mul3A_1122 = arith.mulf %get3A_1117, %select_n3A_1096 : vector<16xf32>
        %mul3A_1123 = arith.mulf %get3A_1121, %select_n3A_1113 : vector<16xf32>
        %sub3A_1124 = arith.subf %mul3A_1122, %mul3A_1123 : vector<16xf32>
        %get3A_1125 = arith.index_cast %add3A_773 : i32 to index
        %get3A_1126 = arith.constant 64 : index
        %get3A_1127 = tpu.vector_load %arg21[%get3A_1125, %get3A_1126] {strides = array<i32>} : memref<32x128xf32, #tpu.memory_space<vmem>>, vector<1x16xf32>,
        %get3A_1128 = vector.shape_cast %get3A_1127 : vector<1x16xf32> to vector<16xf32>
        %add3A_1129 = arith.addf %sub3A_1124, %get3A_1128 : vector<16xf32>
        %swap3A_1130 = arith.constant 64 : index
        %swap3A_1131 = tpu.vector_load %arg28[%swap3A_1130] {strides = array<i32>} : memref<128xf32, #tpu.memory_space<vmem>>, vector<16xf32>,
        %swap3A_1132 = vector.shape_cast %swap3A_1131 : vector<16xf32> to vector<16xf32>
        %swap3A_1133 = vector.shape_cast %add3A_1129 : vector<16xf32> to vector<16xf32>
        tpu.vector_store %arg28[%swap3A_1130], %swap3A_1133 {strides = array<i32>} : memref<128xf32, #tpu.memory_space<vmem>>, vector<16xf32>,
        %mul3A_1134 = arith.mulf %get3A_1117, %select_n3A_1113 : vector<16xf32>
        %mul3A_1135 = arith.mulf %get3A_1121, %select_n3A_1096 : vector<16xf32>
        %add3A_1136 = arith.addf %mul3A_1134, %mul3A_1135 : vector<16xf32>
        %get3A_1137 = arith.index_cast %add3A_773 : i32 to index
        %get3A_1138 = arith.constant 64 : index
        %get3A_1139 = tpu.vector_load %arg22[%get3A_1137, %get3A_1138] {strides = array<i32>} : memref<32x128xf32, #tpu.memory_space<vmem>>, vector<1x16xf32>,
        %get3A_1140 = vector.shape_cast %get3A_1139 : vector<1x16xf32> to vector<16xf32>
        %add3A_1141 = arith.addf %add3A_1136, %get3A_1140 : vector<16xf32>
        %swap3A_1142 = arith.constant 64 : index
        %swap3A_1143 = tpu.vector_load %arg29[%swap3A_1142] {strides = array<i32>} : memref<128xf32, #tpu.memory_space<vmem>>, vector<16xf32>,
        %swap3A_1144 = vector.shape_cast %swap3A_1143 : vector<16xf32> to vector<16xf32>
        %swap3A_1145 = vector.shape_cast %add3A_1141 : vector<16xf32> to vector<16xf32>
        tpu.vector_store %arg29[%swap3A_1142], %swap3A_1145 {strides = array<i32>} : memref<128xf32, #tpu.memory_space<vmem>>, vector<16xf32>,
        %swap3A_1146 = arith.constant 64 : index
        %swap3A_1147 = tpu.vector_load %arg30[%swap3A_1146] {strides = array<i32>} : memref<128xf32, #tpu.memory_space<vmem>>, vector<16xf32>,
        %swap3A_1148 = vector.shape_cast %swap3A_1147 : vector<16xf32> to vector<16xf32>
        %swap3A_1149 = vector.shape_cast %select_n3A_1096 : vector<16xf32> to vector<16xf32>
        tpu.vector_store %arg30[%swap3A_1146], %swap3A_1149 {strides = array<i32>} : memref<128xf32, #tpu.memory_space<vmem>>, vector<16xf32>,
        %swap3A_1150 = arith.constant 64 : index
        %swap3A_1151 = tpu.vector_load %arg31[%swap3A_1150] {strides = array<i32>} : memref<128xf32, #tpu.memory_space<vmem>>, vector<16xf32>,
        %swap3A_1152 = vector.shape_cast %swap3A_1151 : vector<16xf32> to vector<16xf32>
        %swap3A_1153 = vector.shape_cast %select_n3A_1113 : vector<16xf32> to vector<16xf32>
        tpu.vector_store %arg31[%swap3A_1150], %swap3A_1153 {strides = array<i32>} : memref<128xf32, #tpu.memory_space<vmem>>, vector<16xf32>,
        %get3A_1154 = arith.constant 0 : i32
        %get3A_1155 = arith.index_cast %get3A_1154 : i32 to index
        %get3A_1156 = arith.constant 80 : index
        %get3A_1157 = tpu.vector_load %arg13[%get3A_1155, %get3A_1156] {strides = array<i32>} : memref<8x128xf32, #tpu.memory_space<vmem>>, vector<1x16xf32>,
        %get3A_1158 = vector.shape_cast %get3A_1157 : vector<1x16xf32> to vector<16xf32>
        %get3A_1159 = arith.constant 1 : i32
        %get3A_1160 = arith.index_cast %get3A_1159 : i32 to index
        %get3A_1161 = arith.constant 80 : index
        %get3A_1162 = tpu.vector_load %arg13[%get3A_1160, %get3A_1161] {strides = array<i32>} : memref<8x128xf32, #tpu.memory_space<vmem>>, vector<1x16xf32>,
        %get3A_1163 = vector.shape_cast %get3A_1162 : vector<1x16xf32> to vector<16xf32>
        %get3A_1164 = arith.constant 2 : i32
        %get3A_1165 = arith.index_cast %get3A_1164 : i32 to index
        %get3A_1166 = arith.constant 80 : index
        %get3A_1167 = tpu.vector_load %arg13[%get3A_1165, %get3A_1166] {strides = array<i32>} : memref<8x128xf32, #tpu.memory_space<vmem>>, vector<1x16xf32>,
        %get3A_1168 = vector.shape_cast %get3A_1167 : vector<1x16xf32> to vector<16xf32>
        %select_n3A_1169 = arith.select %eq3A_783, %get3A_1163, %get3A_1168 : vector<16xi1>, vector<16xf32>
        %select_n3A_1170 = arith.select %eq3A_780, %get3A_1158, %select_n3A_1169 : vector<16xi1>, vector<16xf32>
        %get3A_1171 = arith.constant 0 : i32
        %get3A_1172 = arith.index_cast %get3A_1171 : i32 to index
        %get3A_1173 = arith.constant 80 : index
        %get3A_1174 = tpu.vector_load %arg14[%get3A_1172, %get3A_1173] {strides = array<i32>} : memref<8x128xf32, #tpu.memory_space<vmem>>, vector<1x16xf32>,
        %get3A_1175 = vector.shape_cast %get3A_1174 : vector<1x16xf32> to vector<16xf32>
        %get3A_1176 = arith.constant 1 : i32
        %get3A_1177 = arith.index_cast %get3A_1176 : i32 to index
        %get3A_1178 = arith.constant 80 : index
        %get3A_1179 = tpu.vector_load %arg14[%get3A_1177, %get3A_1178] {strides = array<i32>} : memref<8x128xf32, #tpu.memory_space<vmem>>, vector<1x16xf32>,
        %get3A_1180 = vector.shape_cast %get3A_1179 : vector<1x16xf32> to vector<16xf32>
        %get3A_1181 = arith.constant 2 : i32
        %get3A_1182 = arith.index_cast %get3A_1181 : i32 to index
        %get3A_1183 = arith.constant 80 : index
        %get3A_1184 = tpu.vector_load %arg14[%get3A_1182, %get3A_1183] {strides = array<i32>} : memref<8x128xf32, #tpu.memory_space<vmem>>, vector<1x16xf32>,
        %get3A_1185 = vector.shape_cast %get3A_1184 : vector<1x16xf32> to vector<16xf32>
        %select_n3A_1186 = arith.select %eq3A_783, %get3A_1180, %get3A_1185 : vector<16xi1>, vector<16xf32>
        %select_n3A_1187 = arith.select %eq3A_780, %get3A_1175, %select_n3A_1186 : vector<16xi1>, vector<16xf32>
        %get3A_1188 = arith.index_cast %add3A_773 : i32 to index
        %get3A_1189 = arith.constant 80 : index
        %get3A_1190 = tpu.vector_load %arg19[%get3A_1188, %get3A_1189] {strides = array<i32>} : memref<32x128xf32, #tpu.memory_space<vmem>>, vector<1x16xf32>,
        %get3A_1191 = vector.shape_cast %get3A_1190 : vector<1x16xf32> to vector<16xf32>
        %get3A_1192 = arith.index_cast %add3A_773 : i32 to index
        %get3A_1193 = arith.constant 80 : index
        %get3A_1194 = tpu.vector_load %arg20[%get3A_1192, %get3A_1193] {strides = array<i32>} : memref<32x128xf32, #tpu.memory_space<vmem>>, vector<1x16xf32>,
        %get3A_1195 = vector.shape_cast %get3A_1194 : vector<1x16xf32> to vector<16xf32>
        %mul3A_1196 = arith.mulf %get3A_1191, %select_n3A_1170 : vector<16xf32>
        %mul3A_1197 = arith.mulf %get3A_1195, %select_n3A_1187 : vector<16xf32>
        %sub3A_1198 = arith.subf %mul3A_1196, %mul3A_1197 : vector<16xf32>
        %get3A_1199 = arith.index_cast %add3A_773 : i32 to index
        %get3A_1200 = arith.constant 80 : index
        %get3A_1201 = tpu.vector_load %arg21[%get3A_1199, %get3A_1200] {strides = array<i32>} : memref<32x128xf32, #tpu.memory_space<vmem>>, vector<1x16xf32>,
        %get3A_1202 = vector.shape_cast %get3A_1201 : vector<1x16xf32> to vector<16xf32>
        %add3A_1203 = arith.addf %sub3A_1198, %get3A_1202 : vector<16xf32>
        %swap3A_1204 = arith.constant 80 : index
        %swap3A_1205 = tpu.vector_load %arg28[%swap3A_1204] {strides = array<i32>} : memref<128xf32, #tpu.memory_space<vmem>>, vector<16xf32>,
        %swap3A_1206 = vector.shape_cast %swap3A_1205 : vector<16xf32> to vector<16xf32>
        %swap3A_1207 = vector.shape_cast %add3A_1203 : vector<16xf32> to vector<16xf32>
        tpu.vector_store %arg28[%swap3A_1204], %swap3A_1207 {strides = array<i32>} : memref<128xf32, #tpu.memory_space<vmem>>, vector<16xf32>,
        %mul3A_1208 = arith.mulf %get3A_1191, %select_n3A_1187 : vector<16xf32>
        %mul3A_1209 = arith.mulf %get3A_1195, %select_n3A_1170 : vector<16xf32>
        %add3A_1210 = arith.addf %mul3A_1208, %mul3A_1209 : vector<16xf32>
        %get3A_1211 = arith.index_cast %add3A_773 : i32 to index
        %get3A_1212 = arith.constant 80 : index
        %get3A_1213 = tpu.vector_load %arg22[%get3A_1211, %get3A_1212] {strides = array<i32>} : memref<32x128xf32, #tpu.memory_space<vmem>>, vector<1x16xf32>,
        %get3A_1214 = vector.shape_cast %get3A_1213 : vector<1x16xf32> to vector<16xf32>
        %add3A_1215 = arith.addf %add3A_1210, %get3A_1214 : vector<16xf32>
        %swap3A_1216 = arith.constant 80 : index
        %swap3A_1217 = tpu.vector_load %arg29[%swap3A_1216] {strides = array<i32>} : memref<128xf32, #tpu.memory_space<vmem>>, vector<16xf32>,
        %swap3A_1218 = vector.shape_cast %swap3A_1217 : vector<16xf32> to vector<16xf32>
        %swap3A_1219 = vector.shape_cast %add3A_1215 : vector<16xf32> to vector<16xf32>
        tpu.vector_store %arg29[%swap3A_1216], %swap3A_1219 {strides = array<i32>} : memref<128xf32, #tpu.memory_space<vmem>>, vector<16xf32>,
        %swap3A_1220 = arith.constant 80 : index
        %swap3A_1221 = tpu.vector_load %arg30[%swap3A_1220] {strides = array<i32>} : memref<128xf32, #tpu.memory_space<vmem>>, vector<16xf32>,
        %swap3A_1222 = vector.shape_cast %swap3A_1221 : vector<16xf32> to vector<16xf32>
        %swap3A_1223 = vector.shape_cast %select_n3A_1170 : vector<16xf32> to vector<16xf32>
        tpu.vector_store %arg30[%swap3A_1220], %swap3A_1223 {strides = array<i32>} : memref<128xf32, #tpu.memory_space<vmem>>, vector<16xf32>,
        %swap3A_1224 = arith.constant 80 : index
        %swap3A_1225 = tpu.vector_load %arg31[%swap3A_1224] {strides = array<i32>} : memref<128xf32, #tpu.memory_space<vmem>>, vector<16xf32>,
        %swap3A_1226 = vector.shape_cast %swap3A_1225 : vector<16xf32> to vector<16xf32>
        %swap3A_1227 = vector.shape_cast %select_n3A_1187 : vector<16xf32> to vector<16xf32>
        tpu.vector_store %arg31[%swap3A_1224], %swap3A_1227 {strides = array<i32>} : memref<128xf32, #tpu.memory_space<vmem>>, vector<16xf32>,
        %get3A_1228 = arith.constant 0 : i32
        %get3A_1229 = arith.index_cast %get3A_1228 : i32 to index
        %get3A_1230 = arith.constant 96 : index
        %get3A_1231 = tpu.vector_load %arg13[%get3A_1229, %get3A_1230] {strides = array<i32>} : memref<8x128xf32, #tpu.memory_space<vmem>>, vector<1x16xf32>,
        %get3A_1232 = vector.shape_cast %get3A_1231 : vector<1x16xf32> to vector<16xf32>
        %get3A_1233 = arith.constant 1 : i32
        %get3A_1234 = arith.index_cast %get3A_1233 : i32 to index
        %get3A_1235 = arith.constant 96 : index
        %get3A_1236 = tpu.vector_load %arg13[%get3A_1234, %get3A_1235] {strides = array<i32>} : memref<8x128xf32, #tpu.memory_space<vmem>>, vector<1x16xf32>,
        %get3A_1237 = vector.shape_cast %get3A_1236 : vector<1x16xf32> to vector<16xf32>
        %get3A_1238 = arith.constant 2 : i32
        %get3A_1239 = arith.index_cast %get3A_1238 : i32 to index
        %get3A_1240 = arith.constant 96 : index
        %get3A_1241 = tpu.vector_load %arg13[%get3A_1239, %get3A_1240] {strides = array<i32>} : memref<8x128xf32, #tpu.memory_space<vmem>>, vector<1x16xf32>,
        %get3A_1242 = vector.shape_cast %get3A_1241 : vector<1x16xf32> to vector<16xf32>
        %select_n3A_1243 = arith.select %eq3A_783, %get3A_1237, %get3A_1242 : vector<16xi1>, vector<16xf32>
        %select_n3A_1244 = arith.select %eq3A_780, %get3A_1232, %select_n3A_1243 : vector<16xi1>, vector<16xf32>
        %get3A_1245 = arith.constant 0 : i32
        %get3A_1246 = arith.index_cast %get3A_1245 : i32 to index
        %get3A_1247 = arith.constant 96 : index
        %get3A_1248 = tpu.vector_load %arg14[%get3A_1246, %get3A_1247] {strides = array<i32>} : memref<8x128xf32, #tpu.memory_space<vmem>>, vector<1x16xf32>,
        %get3A_1249 = vector.shape_cast %get3A_1248 : vector<1x16xf32> to vector<16xf32>
        %get3A_1250 = arith.constant 1 : i32
        %get3A_1251 = arith.index_cast %get3A_1250 : i32 to index
        %get3A_1252 = arith.constant 96 : index
        %get3A_1253 = tpu.vector_load %arg14[%get3A_1251, %get3A_1252] {strides = array<i32>} : memref<8x128xf32, #tpu.memory_space<vmem>>, vector<1x16xf32>,
        %get3A_1254 = vector.shape_cast %get3A_1253 : vector<1x16xf32> to vector<16xf32>
        %get3A_1255 = arith.constant 2 : i32
        %get3A_1256 = arith.index_cast %get3A_1255 : i32 to index
        %get3A_1257 = arith.constant 96 : index
        %get3A_1258 = tpu.vector_load %arg14[%get3A_1256, %get3A_1257] {strides = array<i32>} : memref<8x128xf32, #tpu.memory_space<vmem>>, vector<1x16xf32>,
        %get3A_1259 = vector.shape_cast %get3A_1258 : vector<1x16xf32> to vector<16xf32>
        %select_n3A_1260 = arith.select %eq3A_783, %get3A_1254, %get3A_1259 : vector<16xi1>, vector<16xf32>
        %select_n3A_1261 = arith.select %eq3A_780, %get3A_1249, %select_n3A_1260 : vector<16xi1>, vector<16xf32>
        %get3A_1262 = arith.index_cast %add3A_773 : i32 to index
        %get3A_1263 = arith.constant 96 : index
        %get3A_1264 = tpu.vector_load %arg19[%get3A_1262, %get3A_1263] {strides = array<i32>} : memref<32x128xf32, #tpu.memory_space<vmem>>, vector<1x16xf32>,
        %get3A_1265 = vector.shape_cast %get3A_1264 : vector<1x16xf32> to vector<16xf32>
        %get3A_1266 = arith.index_cast %add3A_773 : i32 to index
        %get3A_1267 = arith.constant 96 : index
        %get3A_1268 = tpu.vector_load %arg20[%get3A_1266, %get3A_1267] {strides = array<i32>} : memref<32x128xf32, #tpu.memory_space<vmem>>, vector<1x16xf32>,
        %get3A_1269 = vector.shape_cast %get3A_1268 : vector<1x16xf32> to vector<16xf32>
        %mul3A_1270 = arith.mulf %get3A_1265, %select_n3A_1244 : vector<16xf32>
        %mul3A_1271 = arith.mulf %get3A_1269, %select_n3A_1261 : vector<16xf32>
        %sub3A_1272 = arith.subf %mul3A_1270, %mul3A_1271 : vector<16xf32>
        %get3A_1273 = arith.index_cast %add3A_773 : i32 to index
        %get3A_1274 = arith.constant 96 : index
        %get3A_1275 = tpu.vector_load %arg21[%get3A_1273, %get3A_1274] {strides = array<i32>} : memref<32x128xf32, #tpu.memory_space<vmem>>, vector<1x16xf32>,
        %get3A_1276 = vector.shape_cast %get3A_1275 : vector<1x16xf32> to vector<16xf32>
        %add3A_1277 = arith.addf %sub3A_1272, %get3A_1276 : vector<16xf32>
        %swap3A_1278 = arith.constant 96 : index
        %swap3A_1279 = tpu.vector_load %arg28[%swap3A_1278] {strides = array<i32>} : memref<128xf32, #tpu.memory_space<vmem>>, vector<16xf32>,
        %swap3A_1280 = vector.shape_cast %swap3A_1279 : vector<16xf32> to vector<16xf32>
        %swap3A_1281 = vector.shape_cast %add3A_1277 : vector<16xf32> to vector<16xf32>
        tpu.vector_store %arg28[%swap3A_1278], %swap3A_1281 {strides = array<i32>} : memref<128xf32, #tpu.memory_space<vmem>>, vector<16xf32>,
        %mul3A_1282 = arith.mulf %get3A_1265, %select_n3A_1261 : vector<16xf32>
        %mul3A_1283 = arith.mulf %get3A_1269, %select_n3A_1244 : vector<16xf32>
        %add3A_1284 = arith.addf %mul3A_1282, %mul3A_1283 : vector<16xf32>
        %get3A_1285 = arith.index_cast %add3A_773 : i32 to index
        %get3A_1286 = arith.constant 96 : index
        %get3A_1287 = tpu.vector_load %arg22[%get3A_1285, %get3A_1286] {strides = array<i32>} : memref<32x128xf32, #tpu.memory_space<vmem>>, vector<1x16xf32>,
        %get3A_1288 = vector.shape_cast %get3A_1287 : vector<1x16xf32> to vector<16xf32>
        %add3A_1289 = arith.addf %add3A_1284, %get3A_1288 : vector<16xf32>
        %swap3A_1290 = arith.constant 96 : index
        %swap3A_1291 = tpu.vector_load %arg29[%swap3A_1290] {strides = array<i32>} : memref<128xf32, #tpu.memory_space<vmem>>, vector<16xf32>,
        %swap3A_1292 = vector.shape_cast %swap3A_1291 : vector<16xf32> to vector<16xf32>
        %swap3A_1293 = vector.shape_cast %add3A_1289 : vector<16xf32> to vector<16xf32>
        tpu.vector_store %arg29[%swap3A_1290], %swap3A_1293 {strides = array<i32>} : memref<128xf32, #tpu.memory_space<vmem>>, vector<16xf32>,
        %swap3A_1294 = arith.constant 96 : index
        %swap3A_1295 = tpu.vector_load %arg30[%swap3A_1294] {strides = array<i32>} : memref<128xf32, #tpu.memory_space<vmem>>, vector<16xf32>,
        %swap3A_1296 = vector.shape_cast %swap3A_1295 : vector<16xf32> to vector<16xf32>
        %swap3A_1297 = vector.shape_cast %select_n3A_1244 : vector<16xf32> to vector<16xf32>
        tpu.vector_store %arg30[%swap3A_1294], %swap3A_1297 {strides = array<i32>} : memref<128xf32, #tpu.memory_space<vmem>>, vector<16xf32>,
        %swap3A_1298 = arith.constant 96 : index
        %swap3A_1299 = tpu.vector_load %arg31[%swap3A_1298] {strides = array<i32>} : memref<128xf32, #tpu.memory_space<vmem>>, vector<16xf32>,
        %swap3A_1300 = vector.shape_cast %swap3A_1299 : vector<16xf32> to vector<16xf32>
        %swap3A_1301 = vector.shape_cast %select_n3A_1261 : vector<16xf32> to vector<16xf32>
        tpu.vector_store %arg31[%swap3A_1298], %swap3A_1301 {strides = array<i32>} : memref<128xf32, #tpu.memory_space<vmem>>, vector<16xf32>,
        %get3A_1302 = arith.constant 0 : i32
        %get3A_1303 = arith.index_cast %get3A_1302 : i32 to index
        %get3A_1304 = arith.constant 112 : index
        %get3A_1305 = tpu.vector_load %arg13[%get3A_1303, %get3A_1304] {strides = array<i32>} : memref<8x128xf32, #tpu.memory_space<vmem>>, vector<1x16xf32>,
        %get3A_1306 = vector.shape_cast %get3A_1305 : vector<1x16xf32> to vector<16xf32>
        %get3A_1307 = arith.constant 1 : i32
        %get3A_1308 = arith.index_cast %get3A_1307 : i32 to index
        %get3A_1309 = arith.constant 112 : index
        %get3A_1310 = tpu.vector_load %arg13[%get3A_1308, %get3A_1309] {strides = array<i32>} : memref<8x128xf32, #tpu.memory_space<vmem>>, vector<1x16xf32>,
        %get3A_1311 = vector.shape_cast %get3A_1310 : vector<1x16xf32> to vector<16xf32>
        %get3A_1312 = arith.constant 2 : i32
        %get3A_1313 = arith.index_cast %get3A_1312 : i32 to index
        %get3A_1314 = arith.constant 112 : index
        %get3A_1315 = tpu.vector_load %arg13[%get3A_1313, %get3A_1314] {strides = array<i32>} : memref<8x128xf32, #tpu.memory_space<vmem>>, vector<1x16xf32>,
        %get3A_1316 = vector.shape_cast %get3A_1315 : vector<1x16xf32> to vector<16xf32>
        %select_n3A_1317 = arith.select %eq3A_783, %get3A_1311, %get3A_1316 : vector<16xi1>, vector<16xf32>
        %select_n3A_1318 = arith.select %eq3A_780, %get3A_1306, %select_n3A_1317 : vector<16xi1>, vector<16xf32>
        %get3A_1319 = arith.constant 0 : i32
        %get3A_1320 = arith.index_cast %get3A_1319 : i32 to index
        %get3A_1321 = arith.constant 112 : index
        %get3A_1322 = tpu.vector_load %arg14[%get3A_1320, %get3A_1321] {strides = array<i32>} : memref<8x128xf32, #tpu.memory_space<vmem>>, vector<1x16xf32>,
        %get3A_1323 = vector.shape_cast %get3A_1322 : vector<1x16xf32> to vector<16xf32>
        %get3A_1324 = arith.constant 1 : i32
        %get3A_1325 = arith.index_cast %get3A_1324 : i32 to index
        %get3A_1326 = arith.constant 112 : index
        %get3A_1327 = tpu.vector_load %arg14[%get3A_1325, %get3A_1326] {strides = array<i32>} : memref<8x128xf32, #tpu.memory_space<vmem>>, vector<1x16xf32>,
        %get3A_1328 = vector.shape_cast %get3A_1327 : vector<1x16xf32> to vector<16xf32>
        %get3A_1329 = arith.constant 2 : i32
        %get3A_1330 = arith.index_cast %get3A_1329 : i32 to index
        %get3A_1331 = arith.constant 112 : index
        %get3A_1332 = tpu.vector_load %arg14[%get3A_1330, %get3A_1331] {strides = array<i32>} : memref<8x128xf32, #tpu.memory_space<vmem>>, vector<1x16xf32>,
        %get3A_1333 = vector.shape_cast %get3A_1332 : vector<1x16xf32> to vector<16xf32>
        %select_n3A_1334 = arith.select %eq3A_783, %get3A_1328, %get3A_1333 : vector<16xi1>, vector<16xf32>
        %select_n3A_1335 = arith.select %eq3A_780, %get3A_1323, %select_n3A_1334 : vector<16xi1>, vector<16xf32>
        %get3A_1336 = arith.index_cast %add3A_773 : i32 to index
        %get3A_1337 = arith.constant 112 : index
        %get3A_1338 = tpu.vector_load %arg19[%get3A_1336, %get3A_1337] {strides = array<i32>} : memref<32x128xf32, #tpu.memory_space<vmem>>, vector<1x16xf32>,
        %get3A_1339 = vector.shape_cast %get3A_1338 : vector<1x16xf32> to vector<16xf32>
        %get3A_1340 = arith.index_cast %add3A_773 : i32 to index
        %get3A_1341 = arith.constant 112 : index
        %get3A_1342 = tpu.vector_load %arg20[%get3A_1340, %get3A_1341] {strides = array<i32>} : memref<32x128xf32, #tpu.memory_space<vmem>>, vector<1x16xf32>,
        %get3A_1343 = vector.shape_cast %get3A_1342 : vector<1x16xf32> to vector<16xf32>
        %mul3A_1344 = arith.mulf %get3A_1339, %select_n3A_1318 : vector<16xf32>
        %mul3A_1345 = arith.mulf %get3A_1343, %select_n3A_1335 : vector<16xf32>
        %sub3A_1346 = arith.subf %mul3A_1344, %mul3A_1345 : vector<16xf32>
        %get3A_1347 = arith.index_cast %add3A_773 : i32 to index
        %get3A_1348 = arith.constant 112 : index
        %get3A_1349 = tpu.vector_load %arg21[%get3A_1347, %get3A_1348] {strides = array<i32>} : memref<32x128xf32, #tpu.memory_space<vmem>>, vector<1x16xf32>,
        %get3A_1350 = vector.shape_cast %get3A_1349 : vector<1x16xf32> to vector<16xf32>
        %add3A_1351 = arith.addf %sub3A_1346, %get3A_1350 : vector<16xf32>
        %swap3A_1352 = arith.constant 112 : index
        %swap3A_1353 = tpu.vector_load %arg28[%swap3A_1352] {strides = array<i32>} : memref<128xf32, #tpu.memory_space<vmem>>, vector<16xf32>,
        %swap3A_1354 = vector.shape_cast %swap3A_1353 : vector<16xf32> to vector<16xf32>
        %swap3A_1355 = vector.shape_cast %add3A_1351 : vector<16xf32> to vector<16xf32>
        tpu.vector_store %arg28[%swap3A_1352], %swap3A_1355 {strides = array<i32>} : memref<128xf32, #tpu.memory_space<vmem>>, vector<16xf32>,
        %mul3A_1356 = arith.mulf %get3A_1339, %select_n3A_1335 : vector<16xf32>
        %mul3A_1357 = arith.mulf %get3A_1343, %select_n3A_1318 : vector<16xf32>
        %add3A_1358 = arith.addf %mul3A_1356, %mul3A_1357 : vector<16xf32>
        %get3A_1359 = arith.index_cast %add3A_773 : i32 to index
        %get3A_1360 = arith.constant 112 : index
        %get3A_1361 = tpu.vector_load %arg22[%get3A_1359, %get3A_1360] {strides = array<i32>} : memref<32x128xf32, #tpu.memory_space<vmem>>, vector<1x16xf32>,
        %get3A_1362 = vector.shape_cast %get3A_1361 : vector<1x16xf32> to vector<16xf32>
        %add3A_1363 = arith.addf %add3A_1358, %get3A_1362 : vector<16xf32>
        %swap3A_1364 = arith.constant 112 : index
        %swap3A_1365 = tpu.vector_load %arg29[%swap3A_1364] {strides = array<i32>} : memref<128xf32, #tpu.memory_space<vmem>>, vector<16xf32>,
        %swap3A_1366 = vector.shape_cast %swap3A_1365 : vector<16xf32> to vector<16xf32>
        %swap3A_1367 = vector.shape_cast %add3A_1363 : vector<16xf32> to vector<16xf32>
        tpu.vector_store %arg29[%swap3A_1364], %swap3A_1367 {strides = array<i32>} : memref<128xf32, #tpu.memory_space<vmem>>, vector<16xf32>,
        %swap3A_1368 = arith.constant 112 : index
        %swap3A_1369 = tpu.vector_load %arg30[%swap3A_1368] {strides = array<i32>} : memref<128xf32, #tpu.memory_space<vmem>>, vector<16xf32>,
        %swap3A_1370 = vector.shape_cast %swap3A_1369 : vector<16xf32> to vector<16xf32>
        %swap3A_1371 = vector.shape_cast %select_n3A_1318 : vector<16xf32> to vector<16xf32>
        tpu.vector_store %arg30[%swap3A_1368], %swap3A_1371 {strides = array<i32>} : memref<128xf32, #tpu.memory_space<vmem>>, vector<16xf32>,
        %swap3A_1372 = arith.constant 112 : index
        %swap3A_1373 = tpu.vector_load %arg31[%swap3A_1372] {strides = array<i32>} : memref<128xf32, #tpu.memory_space<vmem>>, vector<16xf32>,
        %swap3A_1374 = vector.shape_cast %swap3A_1373 : vector<16xf32> to vector<16xf32>
        %swap3A_1375 = vector.shape_cast %select_n3A_1335 : vector<16xf32> to vector<16xf32>
        tpu.vector_store %arg31[%swap3A_1372], %swap3A_1375 {strides = array<i32>} : memref<128xf32, #tpu.memory_space<vmem>>, vector<16xf32>,
        %scan3A_1376 = arith.constant 0 : i32
        %scan3A_1377 = arith.constant 0 : i32
        %scan3A_1378 = arith.constant 10 : i32
        %scan3A_1379 = arith.addi %scan3A_1377, %scan3A_1378 : i32
        %scan3A_1380 = arith.constant 1 : i32
        scf.for %scan3A_1382 = %scan3A_1377 to %scan3A_1379 step %scan3A_1380  : i32 {
          %mul3A_1383 = arith.constant 5 : i32
          %mul3A_1384 = arith.muli %scan3A_1382, %mul3A_1383 : i32
          %get3A_1385 = arith.constant 0 : index
          %get3A_1386 = tpu.vector_load %arg28[%get3A_1385] {strides = array<i32>} : memref<128xf32, #tpu.memory_space<vmem>>, vector<16xf32>,
          %get3A_1387 = vector.shape_cast %get3A_1386 : vector<16xf32> to vector<16xf32>
          %get3A_1388 = arith.constant 0 : index
          %get3A_1389 = tpu.vector_load %arg29[%get3A_1388] {strides = array<i32>} : memref<128xf32, #tpu.memory_space<vmem>>, vector<16xf32>,
          %get3A_1390 = vector.shape_cast %get3A_1389 : vector<16xf32> to vector<16xf32>
          %get3A_1391 = arith.constant 0 : index
          %get3A_1392 = tpu.vector_load %arg30[%get3A_1391] {strides = array<i32>} : memref<128xf32, #tpu.memory_space<vmem>>, vector<16xf32>,
          %get3A_1393 = vector.shape_cast %get3A_1392 : vector<16xf32> to vector<16xf32>
          %get3A_1394 = arith.constant 0 : index
          %get3A_1395 = tpu.vector_load %arg31[%get3A_1394] {strides = array<i32>} : memref<128xf32, #tpu.memory_space<vmem>>, vector<16xf32>,
          %get3A_1396 = vector.shape_cast %get3A_1395 : vector<16xf32> to vector<16xf32>
          %add3A_1397 = arith.constant 0 : i32
          %add3A_1398 = arith.addi %mul3A_1384, %add3A_1397 : i32
          %get3A_1399 = arith.index_cast %add3A_1398 : i32 to index
          %get3A_1400 = arith.constant 0 : index
          %get3A_1401 = tpu.vector_load %arg25[%get3A_1399, %get3A_1400] {strides = array<i32>} : memref<50x128xf32, #tpu.memory_space<vmem>>, vector<1x16xf32>,
          %get3A_1402 = vector.shape_cast %get3A_1401 : vector<1x16xf32> to vector<16xf32>
          %get3A_1403 = arith.index_cast %add3A_1398 : i32 to index
          %get3A_1404 = arith.constant 0 : index
          %get3A_1405 = tpu.vector_load %arg26[%get3A_1403, %get3A_1404] {strides = array<i32>} : memref<50x128xf32, #tpu.memory_space<vmem>>, vector<1x16xf32>,
          %get3A_1406 = vector.shape_cast %get3A_1405 : vector<1x16xf32> to vector<16xf32>
          %mul3A_1407 = arith.mulf %get3A_1402, %get3A_1393 : vector<16xf32>
          %mul3A_1408 = arith.mulf %get3A_1406, %get3A_1396 : vector<16xf32>
          %sub3A_1409 = arith.subf %mul3A_1407, %mul3A_1408 : vector<16xf32>
          %sub3A_1410 = arith.subf %get3A_1387, %sub3A_1409 : vector<16xf32>
          %abs3A = math.absf %sub3A_1410 : vector<16xf32>
          %mul3A_1411 = arith.mulf %get3A_1402, %get3A_1396 : vector<16xf32>
          %mul3A_1412 = arith.mulf %get3A_1406, %get3A_1393 : vector<16xf32>
          %add3A_1413 = arith.addf %mul3A_1411, %mul3A_1412 : vector<16xf32>
          %add3A_1414 = arith.addf %get3A_1390, %add3A_1413 : vector<16xf32>
          %abs3A_1415 = math.absf %add3A_1414 : vector<16xf32>
          %add3A_1416 = arith.addf %abs3A, %abs3A_1415 : vector<16xf32>
          %add3A_1417 = arith.constant 1 : i32
          %add3A_1418 = arith.addi %mul3A_1384, %add3A_1417 : i32
          %get3A_1419 = arith.index_cast %add3A_1418 : i32 to index
          %get3A_1420 = arith.constant 0 : index
          %get3A_1421 = tpu.vector_load %arg25[%get3A_1419, %get3A_1420] {strides = array<i32>} : memref<50x128xf32, #tpu.memory_space<vmem>>, vector<1x16xf32>,
          %get3A_1422 = vector.shape_cast %get3A_1421 : vector<1x16xf32> to vector<16xf32>
          %get3A_1423 = arith.index_cast %add3A_1418 : i32 to index
          %get3A_1424 = arith.constant 0 : index
          %get3A_1425 = tpu.vector_load %arg26[%get3A_1423, %get3A_1424] {strides = array<i32>} : memref<50x128xf32, #tpu.memory_space<vmem>>, vector<1x16xf32>,
          %get3A_1426 = vector.shape_cast %get3A_1425 : vector<1x16xf32> to vector<16xf32>
          %mul3A_1427 = arith.mulf %get3A_1422, %get3A_1393 : vector<16xf32>
          %mul3A_1428 = arith.mulf %get3A_1426, %get3A_1396 : vector<16xf32>
          %sub3A_1429 = arith.subf %mul3A_1427, %mul3A_1428 : vector<16xf32>
          %sub3A_1430 = arith.subf %get3A_1387, %sub3A_1429 : vector<16xf32>
          %abs3A_1431 = math.absf %sub3A_1430 : vector<16xf32>
          %mul3A_1432 = arith.mulf %get3A_1422, %get3A_1396 : vector<16xf32>
          %mul3A_1433 = arith.mulf %get3A_1426, %get3A_1393 : vector<16xf32>
          %add3A_1434 = arith.addf %mul3A_1432, %mul3A_1433 : vector<16xf32>
          %add3A_1435 = arith.addf %get3A_1390, %add3A_1434 : vector<16xf32>
          %abs3A_1436 = math.absf %add3A_1435 : vector<16xf32>
          %add3A_1437 = arith.addf %abs3A_1431, %abs3A_1436 : vector<16xf32>
          %add3A_1438 = arith.constant 2 : i32
          %add3A_1439 = arith.addi %mul3A_1384, %add3A_1438 : i32
          %get3A_1440 = arith.index_cast %add3A_1439 : i32 to index
          %get3A_1441 = arith.constant 0 : index
          %get3A_1442 = tpu.vector_load %arg25[%get3A_1440, %get3A_1441] {strides = array<i32>} : memref<50x128xf32, #tpu.memory_space<vmem>>, vector<1x16xf32>,
          %get3A_1443 = vector.shape_cast %get3A_1442 : vector<1x16xf32> to vector<16xf32>
          %get3A_1444 = arith.index_cast %add3A_1439 : i32 to index
          %get3A_1445 = arith.constant 0 : index
          %get3A_1446 = tpu.vector_load %arg26[%get3A_1444, %get3A_1445] {strides = array<i32>} : memref<50x128xf32, #tpu.memory_space<vmem>>, vector<1x16xf32>,
          %get3A_1447 = vector.shape_cast %get3A_1446 : vector<1x16xf32> to vector<16xf32>
          %mul3A_1448 = arith.mulf %get3A_1443, %get3A_1393 : vector<16xf32>
          %mul3A_1449 = arith.mulf %get3A_1447, %get3A_1396 : vector<16xf32>
          %sub3A_1450 = arith.subf %mul3A_1448, %mul3A_1449 : vector<16xf32>
          %sub3A_1451 = arith.subf %get3A_1387, %sub3A_1450 : vector<16xf32>
          %abs3A_1452 = math.absf %sub3A_1451 : vector<16xf32>
          %mul3A_1453 = arith.mulf %get3A_1443, %get3A_1396 : vector<16xf32>
          %mul3A_1454 = arith.mulf %get3A_1447, %get3A_1393 : vector<16xf32>
          %add3A_1455 = arith.addf %mul3A_1453, %mul3A_1454 : vector<16xf32>
          %add3A_1456 = arith.addf %get3A_1390, %add3A_1455 : vector<16xf32>
          %abs3A_1457 = math.absf %add3A_1456 : vector<16xf32>
          %add3A_1458 = arith.addf %abs3A_1452, %abs3A_1457 : vector<16xf32>
          %add3A_1459 = arith.constant 3 : i32
          %add3A_1460 = arith.addi %mul3A_1384, %add3A_1459 : i32
          %get3A_1461 = arith.index_cast %add3A_1460 : i32 to index
          %get3A_1462 = arith.constant 0 : index
          %get3A_1463 = tpu.vector_load %arg25[%get3A_1461, %get3A_1462] {strides = array<i32>} : memref<50x128xf32, #tpu.memory_space<vmem>>, vector<1x16xf32>,
          %get3A_1464 = vector.shape_cast %get3A_1463 : vector<1x16xf32> to vector<16xf32>
          %get3A_1465 = arith.index_cast %add3A_1460 : i32 to index
          %get3A_1466 = arith.constant 0 : index
          %get3A_1467 = tpu.vector_load %arg26[%get3A_1465, %get3A_1466] {strides = array<i32>} : memref<50x128xf32, #tpu.memory_space<vmem>>, vector<1x16xf32>,
          %get3A_1468 = vector.shape_cast %get3A_1467 : vector<1x16xf32> to vector<16xf32>
          %mul3A_1469 = arith.mulf %get3A_1464, %get3A_1393 : vector<16xf32>
          %mul3A_1470 = arith.mulf %get3A_1468, %get3A_1396 : vector<16xf32>
          %sub3A_1471 = arith.subf %mul3A_1469, %mul3A_1470 : vector<16xf32>
          %sub3A_1472 = arith.subf %get3A_1387, %sub3A_1471 : vector<16xf32>
          %abs3A_1473 = math.absf %sub3A_1472 : vector<16xf32>
          %mul3A_1474 = arith.mulf %get3A_1464, %get3A_1396 : vector<16xf32>
          %mul3A_1475 = arith.mulf %get3A_1468, %get3A_1393 : vector<16xf32>
          %add3A_1476 = arith.addf %mul3A_1474, %mul3A_1475 : vector<16xf32>
          %add3A_1477 = arith.addf %get3A_1390, %add3A_1476 : vector<16xf32>
          %abs3A_1478 = math.absf %add3A_1477 : vector<16xf32>
          %add3A_1479 = arith.addf %abs3A_1473, %abs3A_1478 : vector<16xf32>
          %add3A_1480 = arith.constant 4 : i32
          %add3A_1481 = arith.addi %mul3A_1384, %add3A_1480 : i32
          %get3A_1482 = arith.index_cast %add3A_1481 : i32 to index
          %get3A_1483 = arith.constant 0 : index
          %get3A_1484 = tpu.vector_load %arg25[%get3A_1482, %get3A_1483] {strides = array<i32>} : memref<50x128xf32, #tpu.memory_space<vmem>>, vector<1x16xf32>,
          %get3A_1485 = vector.shape_cast %get3A_1484 : vector<1x16xf32> to vector<16xf32>
          %get3A_1486 = arith.index_cast %add3A_1481 : i32 to index
          %get3A_1487 = arith.constant 0 : index
          %get3A_1488 = tpu.vector_load %arg26[%get3A_1486, %get3A_1487] {strides = array<i32>} : memref<50x128xf32, #tpu.memory_space<vmem>>, vector<1x16xf32>,
          %get3A_1489 = vector.shape_cast %get3A_1488 : vector<1x16xf32> to vector<16xf32>
          %mul3A_1490 = arith.mulf %get3A_1485, %get3A_1393 : vector<16xf32>
          %mul3A_1491 = arith.mulf %get3A_1489, %get3A_1396 : vector<16xf32>
          %sub3A_1492 = arith.subf %mul3A_1490, %mul3A_1491 : vector<16xf32>
          %sub3A_1493 = arith.subf %get3A_1387, %sub3A_1492 : vector<16xf32>
          %abs3A_1494 = math.absf %sub3A_1493 : vector<16xf32>
          %mul3A_1495 = arith.mulf %get3A_1485, %get3A_1396 : vector<16xf32>
          %mul3A_1496 = arith.mulf %get3A_1489, %get3A_1393 : vector<16xf32>
          %add3A_1497 = arith.addf %mul3A_1495, %mul3A_1496 : vector<16xf32>
          %add3A_1498 = arith.addf %get3A_1390, %add3A_1497 : vector<16xf32>
          %abs3A_1499 = math.absf %add3A_1498 : vector<16xf32>
          %add3A_1500 = arith.addf %abs3A_1494, %abs3A_1499 : vector<16xf32>
          %get3A_1501 = arith.constant 16 : index
          %get3A_1502 = tpu.vector_load %arg28[%get3A_1501] {strides = array<i32>} : memref<128xf32, #tpu.memory_space<vmem>>, vector<16xf32>,
          %get3A_1503 = vector.shape_cast %get3A_1502 : vector<16xf32> to vector<16xf32>
          %get3A_1504 = arith.constant 16 : index
          %get3A_1505 = tpu.vector_load %arg29[%get3A_1504] {strides = array<i32>} : memref<128xf32, #tpu.memory_space<vmem>>, vector<16xf32>,
          %get3A_1506 = vector.shape_cast %get3A_1505 : vector<16xf32> to vector<16xf32>
          %get3A_1507 = arith.constant 16 : index
          %get3A_1508 = tpu.vector_load %arg30[%get3A_1507] {strides = array<i32>} : memref<128xf32, #tpu.memory_space<vmem>>, vector<16xf32>,
          %get3A_1509 = vector.shape_cast %get3A_1508 : vector<16xf32> to vector<16xf32>
          %get3A_1510 = arith.constant 16 : index
          %get3A_1511 = tpu.vector_load %arg31[%get3A_1510] {strides = array<i32>} : memref<128xf32, #tpu.memory_space<vmem>>, vector<16xf32>,
          %get3A_1512 = vector.shape_cast %get3A_1511 : vector<16xf32> to vector<16xf32>
          %add3A_1513 = arith.constant 0 : i32
          %add3A_1514 = arith.addi %mul3A_1384, %add3A_1513 : i32
          %get3A_1515 = arith.index_cast %add3A_1514 : i32 to index
          %get3A_1516 = arith.constant 16 : index
          %get3A_1517 = tpu.vector_load %arg25[%get3A_1515, %get3A_1516] {strides = array<i32>} : memref<50x128xf32, #tpu.memory_space<vmem>>, vector<1x16xf32>,
          %get3A_1518 = vector.shape_cast %get3A_1517 : vector<1x16xf32> to vector<16xf32>
          %get3A_1519 = arith.index_cast %add3A_1514 : i32 to index
          %get3A_1520 = arith.constant 16 : index
          %get3A_1521 = tpu.vector_load %arg26[%get3A_1519, %get3A_1520] {strides = array<i32>} : memref<50x128xf32, #tpu.memory_space<vmem>>, vector<1x16xf32>,
          %get3A_1522 = vector.shape_cast %get3A_1521 : vector<1x16xf32> to vector<16xf32>
          %mul3A_1523 = arith.mulf %get3A_1518, %get3A_1509 : vector<16xf32>
          %mul3A_1524 = arith.mulf %get3A_1522, %get3A_1512 : vector<16xf32>
          %sub3A_1525 = arith.subf %mul3A_1523, %mul3A_1524 : vector<16xf32>
          %sub3A_1526 = arith.subf %get3A_1503, %sub3A_1525 : vector<16xf32>
          %abs3A_1527 = math.absf %sub3A_1526 : vector<16xf32>
          %mul3A_1528 = arith.mulf %get3A_1518, %get3A_1512 : vector<16xf32>
          %mul3A_1529 = arith.mulf %get3A_1522, %get3A_1509 : vector<16xf32>
          %add3A_1530 = arith.addf %mul3A_1528, %mul3A_1529 : vector<16xf32>
          %add3A_1531 = arith.addf %get3A_1506, %add3A_1530 : vector<16xf32>
          %abs3A_1532 = math.absf %add3A_1531 : vector<16xf32>
          %add3A_1533 = arith.addf %abs3A_1527, %abs3A_1532 : vector<16xf32>
          %add3A_1534 = arith.addf %add3A_1416, %add3A_1533 : vector<16xf32>
          %add3A_1535 = arith.constant 1 : i32
          %add3A_1536 = arith.addi %mul3A_1384, %add3A_1535 : i32
          %get3A_1537 = arith.index_cast %add3A_1536 : i32 to index
          %get3A_1538 = arith.constant 16 : index
          %get3A_1539 = tpu.vector_load %arg25[%get3A_1537, %get3A_1538] {strides = array<i32>} : memref<50x128xf32, #tpu.memory_space<vmem>>, vector<1x16xf32>,
          %get3A_1540 = vector.shape_cast %get3A_1539 : vector<1x16xf32> to vector<16xf32>
          %get3A_1541 = arith.index_cast %add3A_1536 : i32 to index
          %get3A_1542 = arith.constant 16 : index
          %get3A_1543 = tpu.vector_load %arg26[%get3A_1541, %get3A_1542] {strides = array<i32>} : memref<50x128xf32, #tpu.memory_space<vmem>>, vector<1x16xf32>,
          %get3A_1544 = vector.shape_cast %get3A_1543 : vector<1x16xf32> to vector<16xf32>
          %mul3A_1545 = arith.mulf %get3A_1540, %get3A_1509 : vector<16xf32>
          %mul3A_1546 = arith.mulf %get3A_1544, %get3A_1512 : vector<16xf32>
          %sub3A_1547 = arith.subf %mul3A_1545, %mul3A_1546 : vector<16xf32>
          %sub3A_1548 = arith.subf %get3A_1503, %sub3A_1547 : vector<16xf32>
          %abs3A_1549 = math.absf %sub3A_1548 : vector<16xf32>
          %mul3A_1550 = arith.mulf %get3A_1540, %get3A_1512 : vector<16xf32>
          %mul3A_1551 = arith.mulf %get3A_1544, %get3A_1509 : vector<16xf32>
          %add3A_1552 = arith.addf %mul3A_1550, %mul3A_1551 : vector<16xf32>
          %add3A_1553 = arith.addf %get3A_1506, %add3A_1552 : vector<16xf32>
          %abs3A_1554 = math.absf %add3A_1553 : vector<16xf32>
          %add3A_1555 = arith.addf %abs3A_1549, %abs3A_1554 : vector<16xf32>
          %add3A_1556 = arith.addf %add3A_1437, %add3A_1555 : vector<16xf32>
          %add3A_1557 = arith.constant 2 : i32
          %add3A_1558 = arith.addi %mul3A_1384, %add3A_1557 : i32
          %get3A_1559 = arith.index_cast %add3A_1558 : i32 to index
          %get3A_1560 = arith.constant 16 : index
          %get3A_1561 = tpu.vector_load %arg25[%get3A_1559, %get3A_1560] {strides = array<i32>} : memref<50x128xf32, #tpu.memory_space<vmem>>, vector<1x16xf32>,
          %get3A_1562 = vector.shape_cast %get3A_1561 : vector<1x16xf32> to vector<16xf32>
          %get3A_1563 = arith.index_cast %add3A_1558 : i32 to index
          %get3A_1564 = arith.constant 16 : index
          %get3A_1565 = tpu.vector_load %arg26[%get3A_1563, %get3A_1564] {strides = array<i32>} : memref<50x128xf32, #tpu.memory_space<vmem>>, vector<1x16xf32>,
          %get3A_1566 = vector.shape_cast %get3A_1565 : vector<1x16xf32> to vector<16xf32>
          %mul3A_1567 = arith.mulf %get3A_1562, %get3A_1509 : vector<16xf32>
          %mul3A_1568 = arith.mulf %get3A_1566, %get3A_1512 : vector<16xf32>
          %sub3A_1569 = arith.subf %mul3A_1567, %mul3A_1568 : vector<16xf32>
          %sub3A_1570 = arith.subf %get3A_1503, %sub3A_1569 : vector<16xf32>
          %abs3A_1571 = math.absf %sub3A_1570 : vector<16xf32>
          %mul3A_1572 = arith.mulf %get3A_1562, %get3A_1512 : vector<16xf32>
          %mul3A_1573 = arith.mulf %get3A_1566, %get3A_1509 : vector<16xf32>
          %add3A_1574 = arith.addf %mul3A_1572, %mul3A_1573 : vector<16xf32>
          %add3A_1575 = arith.addf %get3A_1506, %add3A_1574 : vector<16xf32>
          %abs3A_1576 = math.absf %add3A_1575 : vector<16xf32>
          %add3A_1577 = arith.addf %abs3A_1571, %abs3A_1576 : vector<16xf32>
          %add3A_1578 = arith.addf %add3A_1458, %add3A_1577 : vector<16xf32>
          %add3A_1579 = arith.constant 3 : i32
          %add3A_1580 = arith.addi %mul3A_1384, %add3A_1579 : i32
          %get3A_1581 = arith.index_cast %add3A_1580 : i32 to index
          %get3A_1582 = arith.constant 16 : index
          %get3A_1583 = tpu.vector_load %arg25[%get3A_1581, %get3A_1582] {strides = array<i32>} : memref<50x128xf32, #tpu.memory_space<vmem>>, vector<1x16xf32>,
          %get3A_1584 = vector.shape_cast %get3A_1583 : vector<1x16xf32> to vector<16xf32>
          %get3A_1585 = arith.index_cast %add3A_1580 : i32 to index
          %get3A_1586 = arith.constant 16 : index
          %get3A_1587 = tpu.vector_load %arg26[%get3A_1585, %get3A_1586] {strides = array<i32>} : memref<50x128xf32, #tpu.memory_space<vmem>>, vector<1x16xf32>,
          %get3A_1588 = vector.shape_cast %get3A_1587 : vector<1x16xf32> to vector<16xf32>
          %mul3A_1589 = arith.mulf %get3A_1584, %get3A_1509 : vector<16xf32>
          %mul3A_1590 = arith.mulf %get3A_1588, %get3A_1512 : vector<16xf32>
          %sub3A_1591 = arith.subf %mul3A_1589, %mul3A_1590 : vector<16xf32>
          %sub3A_1592 = arith.subf %get3A_1503, %sub3A_1591 : vector<16xf32>
          %abs3A_1593 = math.absf %sub3A_1592 : vector<16xf32>
          %mul3A_1594 = arith.mulf %get3A_1584, %get3A_1512 : vector<16xf32>
          %mul3A_1595 = arith.mulf %get3A_1588, %get3A_1509 : vector<16xf32>
          %add3A_1596 = arith.addf %mul3A_1594, %mul3A_1595 : vector<16xf32>
          %add3A_1597 = arith.addf %get3A_1506, %add3A_1596 : vector<16xf32>
          %abs3A_1598 = math.absf %add3A_1597 : vector<16xf32>
          %add3A_1599 = arith.addf %abs3A_1593, %abs3A_1598 : vector<16xf32>
          %add3A_1600 = arith.addf %add3A_1479, %add3A_1599 : vector<16xf32>
          %add3A_1601 = arith.constant 4 : i32
          %add3A_1602 = arith.addi %mul3A_1384, %add3A_1601 : i32
          %get3A_1603 = arith.index_cast %add3A_1602 : i32 to index
          %get3A_1604 = arith.constant 16 : index
          %get3A_1605 = tpu.vector_load %arg25[%get3A_1603, %get3A_1604] {strides = array<i32>} : memref<50x128xf32, #tpu.memory_space<vmem>>, vector<1x16xf32>,
          %get3A_1606 = vector.shape_cast %get3A_1605 : vector<1x16xf32> to vector<16xf32>
          %get3A_1607 = arith.index_cast %add3A_1602 : i32 to index
          %get3A_1608 = arith.constant 16 : index
          %get3A_1609 = tpu.vector_load %arg26[%get3A_1607, %get3A_1608] {strides = array<i32>} : memref<50x128xf32, #tpu.memory_space<vmem>>, vector<1x16xf32>,
          %get3A_1610 = vector.shape_cast %get3A_1609 : vector<1x16xf32> to vector<16xf32>
          %mul3A_1611 = arith.mulf %get3A_1606, %get3A_1509 : vector<16xf32>
          %mul3A_1612 = arith.mulf %get3A_1610, %get3A_1512 : vector<16xf32>
          %sub3A_1613 = arith.subf %mul3A_1611, %mul3A_1612 : vector<16xf32>
          %sub3A_1614 = arith.subf %get3A_1503, %sub3A_1613 : vector<16xf32>
          %abs3A_1615 = math.absf %sub3A_1614 : vector<16xf32>
          %mul3A_1616 = arith.mulf %get3A_1606, %get3A_1512 : vector<16xf32>
          %mul3A_1617 = arith.mulf %get3A_1610, %get3A_1509 : vector<16xf32>
          %add3A_1618 = arith.addf %mul3A_1616, %mul3A_1617 : vector<16xf32>
          %add3A_1619 = arith.addf %get3A_1506, %add3A_1618 : vector<16xf32>
          %abs3A_1620 = math.absf %add3A_1619 : vector<16xf32>
          %add3A_1621 = arith.addf %abs3A_1615, %abs3A_1620 : vector<16xf32>
          %add3A_1622 = arith.addf %add3A_1500, %add3A_1621 : vector<16xf32>
          %get3A_1623 = arith.constant 32 : index
          %get3A_1624 = tpu.vector_load %arg28[%get3A_1623] {strides = array<i32>} : memref<128xf32, #tpu.memory_space<vmem>>, vector<16xf32>,
          %get3A_1625 = vector.shape_cast %get3A_1624 : vector<16xf32> to vector<16xf32>
          %get3A_1626 = arith.constant 32 : index
          %get3A_1627 = tpu.vector_load %arg29[%get3A_1626] {strides = array<i32>} : memref<128xf32, #tpu.memory_space<vmem>>, vector<16xf32>,
          %get3A_1628 = vector.shape_cast %get3A_1627 : vector<16xf32> to vector<16xf32>
          %get3A_1629 = arith.constant 32 : index
          %get3A_1630 = tpu.vector_load %arg30[%get3A_1629] {strides = array<i32>} : memref<128xf32, #tpu.memory_space<vmem>>, vector<16xf32>,
          %get3A_1631 = vector.shape_cast %get3A_1630 : vector<16xf32> to vector<16xf32>
          %get3A_1632 = arith.constant 32 : index
          %get3A_1633 = tpu.vector_load %arg31[%get3A_1632] {strides = array<i32>} : memref<128xf32, #tpu.memory_space<vmem>>, vector<16xf32>,
          %get3A_1634 = vector.shape_cast %get3A_1633 : vector<16xf32> to vector<16xf32>
          %add3A_1635 = arith.constant 0 : i32
          %add3A_1636 = arith.addi %mul3A_1384, %add3A_1635 : i32
          %get3A_1637 = arith.index_cast %add3A_1636 : i32 to index
          %get3A_1638 = arith.constant 32 : index
          %get3A_1639 = tpu.vector_load %arg25[%get3A_1637, %get3A_1638] {strides = array<i32>} : memref<50x128xf32, #tpu.memory_space<vmem>>, vector<1x16xf32>,
          %get3A_1640 = vector.shape_cast %get3A_1639 : vector<1x16xf32> to vector<16xf32>
          %get3A_1641 = arith.index_cast %add3A_1636 : i32 to index
          %get3A_1642 = arith.constant 32 : index
          %get3A_1643 = tpu.vector_load %arg26[%get3A_1641, %get3A_1642] {strides = array<i32>} : memref<50x128xf32, #tpu.memory_space<vmem>>, vector<1x16xf32>,
          %get3A_1644 = vector.shape_cast %get3A_1643 : vector<1x16xf32> to vector<16xf32>
          %mul3A_1645 = arith.mulf %get3A_1640, %get3A_1631 : vector<16xf32>
          %mul3A_1646 = arith.mulf %get3A_1644, %get3A_1634 : vector<16xf32>
          %sub3A_1647 = arith.subf %mul3A_1645, %mul3A_1646 : vector<16xf32>
          %sub3A_1648 = arith.subf %get3A_1625, %sub3A_1647 : vector<16xf32>
          %abs3A_1649 = math.absf %sub3A_1648 : vector<16xf32>
          %mul3A_1650 = arith.mulf %get3A_1640, %get3A_1634 : vector<16xf32>
          %mul3A_1651 = arith.mulf %get3A_1644, %get3A_1631 : vector<16xf32>
          %add3A_1652 = arith.addf %mul3A_1650, %mul3A_1651 : vector<16xf32>
          %add3A_1653 = arith.addf %get3A_1628, %add3A_1652 : vector<16xf32>
          %abs3A_1654 = math.absf %add3A_1653 : vector<16xf32>
          %add3A_1655 = arith.addf %abs3A_1649, %abs3A_1654 : vector<16xf32>
          %add3A_1656 = arith.addf %add3A_1534, %add3A_1655 : vector<16xf32>
          %add3A_1657 = arith.constant 1 : i32
          %add3A_1658 = arith.addi %mul3A_1384, %add3A_1657 : i32
          %get3A_1659 = arith.index_cast %add3A_1658 : i32 to index
          %get3A_1660 = arith.constant 32 : index
          %get3A_1661 = tpu.vector_load %arg25[%get3A_1659, %get3A_1660] {strides = array<i32>} : memref<50x128xf32, #tpu.memory_space<vmem>>, vector<1x16xf32>,
          %get3A_1662 = vector.shape_cast %get3A_1661 : vector<1x16xf32> to vector<16xf32>
          %get3A_1663 = arith.index_cast %add3A_1658 : i32 to index
          %get3A_1664 = arith.constant 32 : index
          %get3A_1665 = tpu.vector_load %arg26[%get3A_1663, %get3A_1664] {strides = array<i32>} : memref<50x128xf32, #tpu.memory_space<vmem>>, vector<1x16xf32>,
          %get3A_1666 = vector.shape_cast %get3A_1665 : vector<1x16xf32> to vector<16xf32>
          %mul3A_1667 = arith.mulf %get3A_1662, %get3A_1631 : vector<16xf32>
          %mul3A_1668 = arith.mulf %get3A_1666, %get3A_1634 : vector<16xf32>
          %sub3A_1669 = arith.subf %mul3A_1667, %mul3A_1668 : vector<16xf32>
          %sub3A_1670 = arith.subf %get3A_1625, %sub3A_1669 : vector<16xf32>
          %abs3A_1671 = math.absf %sub3A_1670 : vector<16xf32>
          %mul3A_1672 = arith.mulf %get3A_1662, %get3A_1634 : vector<16xf32>
          %mul3A_1673 = arith.mulf %get3A_1666, %get3A_1631 : vector<16xf32>
          %add3A_1674 = arith.addf %mul3A_1672, %mul3A_1673 : vector<16xf32>
          %add3A_1675 = arith.addf %get3A_1628, %add3A_1674 : vector<16xf32>
          %abs3A_1676 = math.absf %add3A_1675 : vector<16xf32>
          %add3A_1677 = arith.addf %abs3A_1671, %abs3A_1676 : vector<16xf32>
          %add3A_1678 = arith.addf %add3A_1556, %add3A_1677 : vector<16xf32>
          %add3A_1679 = arith.constant 2 : i32
          %add3A_1680 = arith.addi %mul3A_1384, %add3A_1679 : i32
          %get3A_1681 = arith.index_cast %add3A_1680 : i32 to index
          %get3A_1682 = arith.constant 32 : index
          %get3A_1683 = tpu.vector_load %arg25[%get3A_1681, %get3A_1682] {strides = array<i32>} : memref<50x128xf32, #tpu.memory_space<vmem>>, vector<1x16xf32>,
          %get3A_1684 = vector.shape_cast %get3A_1683 : vector<1x16xf32> to vector<16xf32>
          %get3A_1685 = arith.index_cast %add3A_1680 : i32 to index
          %get3A_1686 = arith.constant 32 : index
          %get3A_1687 = tpu.vector_load %arg26[%get3A_1685, %get3A_1686] {strides = array<i32>} : memref<50x128xf32, #tpu.memory_space<vmem>>, vector<1x16xf32>,
          %get3A_1688 = vector.shape_cast %get3A_1687 : vector<1x16xf32> to vector<16xf32>
          %mul3A_1689 = arith.mulf %get3A_1684, %get3A_1631 : vector<16xf32>
          %mul3A_1690 = arith.mulf %get3A_1688, %get3A_1634 : vector<16xf32>
          %sub3A_1691 = arith.subf %mul3A_1689, %mul3A_1690 : vector<16xf32>
          %sub3A_1692 = arith.subf %get3A_1625, %sub3A_1691 : vector<16xf32>
          %abs3A_1693 = math.absf %sub3A_1692 : vector<16xf32>
          %mul3A_1694 = arith.mulf %get3A_1684, %get3A_1634 : vector<16xf32>
          %mul3A_1695 = arith.mulf %get3A_1688, %get3A_1631 : vector<16xf32>
          %add3A_1696 = arith.addf %mul3A_1694, %mul3A_1695 : vector<16xf32>
          %add3A_1697 = arith.addf %get3A_1628, %add3A_1696 : vector<16xf32>
          %abs3A_1698 = math.absf %add3A_1697 : vector<16xf32>
          %add3A_1699 = arith.addf %abs3A_1693, %abs3A_1698 : vector<16xf32>
          %add3A_1700 = arith.addf %add3A_1578, %add3A_1699 : vector<16xf32>
          %add3A_1701 = arith.constant 3 : i32
          %add3A_1702 = arith.addi %mul3A_1384, %add3A_1701 : i32
          %get3A_1703 = arith.index_cast %add3A_1702 : i32 to index
          %get3A_1704 = arith.constant 32 : index
          %get3A_1705 = tpu.vector_load %arg25[%get3A_1703, %get3A_1704] {strides = array<i32>} : memref<50x128xf32, #tpu.memory_space<vmem>>, vector<1x16xf32>,
          %get3A_1706 = vector.shape_cast %get3A_1705 : vector<1x16xf32> to vector<16xf32>
          %get3A_1707 = arith.index_cast %add3A_1702 : i32 to index
          %get3A_1708 = arith.constant 32 : index
          %get3A_1709 = tpu.vector_load %arg26[%get3A_1707, %get3A_1708] {strides = array<i32>} : memref<50x128xf32, #tpu.memory_space<vmem>>, vector<1x16xf32>,
          %get3A_1710 = vector.shape_cast %get3A_1709 : vector<1x16xf32> to vector<16xf32>
          %mul3A_1711 = arith.mulf %get3A_1706, %get3A_1631 : vector<16xf32>
          %mul3A_1712 = arith.mulf %get3A_1710, %get3A_1634 : vector<16xf32>
          %sub3A_1713 = arith.subf %mul3A_1711, %mul3A_1712 : vector<16xf32>
          %sub3A_1714 = arith.subf %get3A_1625, %sub3A_1713 : vector<16xf32>
          %abs3A_1715 = math.absf %sub3A_1714 : vector<16xf32>
          %mul3A_1716 = arith.mulf %get3A_1706, %get3A_1634 : vector<16xf32>
          %mul3A_1717 = arith.mulf %get3A_1710, %get3A_1631 : vector<16xf32>
          %add3A_1718 = arith.addf %mul3A_1716, %mul3A_1717 : vector<16xf32>
          %add3A_1719 = arith.addf %get3A_1628, %add3A_1718 : vector<16xf32>
          %abs3A_1720 = math.absf %add3A_1719 : vector<16xf32>
          %add3A_1721 = arith.addf %abs3A_1715, %abs3A_1720 : vector<16xf32>
          %add3A_1722 = arith.addf %add3A_1600, %add3A_1721 : vector<16xf32>
          %add3A_1723 = arith.constant 4 : i32
          %add3A_1724 = arith.addi %mul3A_1384, %add3A_1723 : i32
          %get3A_1725 = arith.index_cast %add3A_1724 : i32 to index
          %get3A_1726 = arith.constant 32 : index
          %get3A_1727 = tpu.vector_load %arg25[%get3A_1725, %get3A_1726] {strides = array<i32>} : memref<50x128xf32, #tpu.memory_space<vmem>>, vector<1x16xf32>,
          %get3A_1728 = vector.shape_cast %get3A_1727 : vector<1x16xf32> to vector<16xf32>
          %get3A_1729 = arith.index_cast %add3A_1724 : i32 to index
          %get3A_1730 = arith.constant 32 : index
          %get3A_1731 = tpu.vector_load %arg26[%get3A_1729, %get3A_1730] {strides = array<i32>} : memref<50x128xf32, #tpu.memory_space<vmem>>, vector<1x16xf32>,
          %get3A_1732 = vector.shape_cast %get3A_1731 : vector<1x16xf32> to vector<16xf32>
          %mul3A_1733 = arith.mulf %get3A_1728, %get3A_1631 : vector<16xf32>
          %mul3A_1734 = arith.mulf %get3A_1732, %get3A_1634 : vector<16xf32>
          %sub3A_1735 = arith.subf %mul3A_1733, %mul3A_1734 : vector<16xf32>
          %sub3A_1736 = arith.subf %get3A_1625, %sub3A_1735 : vector<16xf32>
          %abs3A_1737 = math.absf %sub3A_1736 : vector<16xf32>
          %mul3A_1738 = arith.mulf %get3A_1728, %get3A_1634 : vector<16xf32>
          %mul3A_1739 = arith.mulf %get3A_1732, %get3A_1631 : vector<16xf32>
          %add3A_1740 = arith.addf %mul3A_1738, %mul3A_1739 : vector<16xf32>
          %add3A_1741 = arith.addf %get3A_1628, %add3A_1740 : vector<16xf32>
          %abs3A_1742 = math.absf %add3A_1741 : vector<16xf32>
          %add3A_1743 = arith.addf %abs3A_1737, %abs3A_1742 : vector<16xf32>
          %add3A_1744 = arith.addf %add3A_1622, %add3A_1743 : vector<16xf32>
          %get3A_1745 = arith.constant 48 : index
          %get3A_1746 = tpu.vector_load %arg28[%get3A_1745] {strides = array<i32>} : memref<128xf32, #tpu.memory_space<vmem>>, vector<16xf32>,
          %get3A_1747 = vector.shape_cast %get3A_1746 : vector<16xf32> to vector<16xf32>
          %get3A_1748 = arith.constant 48 : index
          %get3A_1749 = tpu.vector_load %arg29[%get3A_1748] {strides = array<i32>} : memref<128xf32, #tpu.memory_space<vmem>>, vector<16xf32>,
          %get3A_1750 = vector.shape_cast %get3A_1749 : vector<16xf32> to vector<16xf32>
          %get3A_1751 = arith.constant 48 : index
          %get3A_1752 = tpu.vector_load %arg30[%get3A_1751] {strides = array<i32>} : memref<128xf32, #tpu.memory_space<vmem>>, vector<16xf32>,
          %get3A_1753 = vector.shape_cast %get3A_1752 : vector<16xf32> to vector<16xf32>
          %get3A_1754 = arith.constant 48 : index
          %get3A_1755 = tpu.vector_load %arg31[%get3A_1754] {strides = array<i32>} : memref<128xf32, #tpu.memory_space<vmem>>, vector<16xf32>,
          %get3A_1756 = vector.shape_cast %get3A_1755 : vector<16xf32> to vector<16xf32>
          %add3A_1757 = arith.constant 0 : i32
          %add3A_1758 = arith.addi %mul3A_1384, %add3A_1757 : i32
          %get3A_1759 = arith.index_cast %add3A_1758 : i32 to index
          %get3A_1760 = arith.constant 48 : index
          %get3A_1761 = tpu.vector_load %arg25[%get3A_1759, %get3A_1760] {strides = array<i32>} : memref<50x128xf32, #tpu.memory_space<vmem>>, vector<1x16xf32>,
          %get3A_1762 = vector.shape_cast %get3A_1761 : vector<1x16xf32> to vector<16xf32>
          %get3A_1763 = arith.index_cast %add3A_1758 : i32 to index
          %get3A_1764 = arith.constant 48 : index
          %get3A_1765 = tpu.vector_load %arg26[%get3A_1763, %get3A_1764] {strides = array<i32>} : memref<50x128xf32, #tpu.memory_space<vmem>>, vector<1x16xf32>,
          %get3A_1766 = vector.shape_cast %get3A_1765 : vector<1x16xf32> to vector<16xf32>
          %mul3A_1767 = arith.mulf %get3A_1762, %get3A_1753 : vector<16xf32>
          %mul3A_1768 = arith.mulf %get3A_1766, %get3A_1756 : vector<16xf32>
          %sub3A_1769 = arith.subf %mul3A_1767, %mul3A_1768 : vector<16xf32>
          %sub3A_1770 = arith.subf %get3A_1747, %sub3A_1769 : vector<16xf32>
          %abs3A_1771 = math.absf %sub3A_1770 : vector<16xf32>
          %mul3A_1772 = arith.mulf %get3A_1762, %get3A_1756 : vector<16xf32>
          %mul3A_1773 = arith.mulf %get3A_1766, %get3A_1753 : vector<16xf32>
          %add3A_1774 = arith.addf %mul3A_1772, %mul3A_1773 : vector<16xf32>
          %add3A_1775 = arith.addf %get3A_1750, %add3A_1774 : vector<16xf32>
          %abs3A_1776 = math.absf %add3A_1775 : vector<16xf32>
          %add3A_1777 = arith.addf %abs3A_1771, %abs3A_1776 : vector<16xf32>
          %add3A_1778 = arith.addf %add3A_1656, %add3A_1777 : vector<16xf32>
          %add3A_1779 = arith.constant 1 : i32
          %add3A_1780 = arith.addi %mul3A_1384, %add3A_1779 : i32
          %get3A_1781 = arith.index_cast %add3A_1780 : i32 to index
          %get3A_1782 = arith.constant 48 : index
          %get3A_1783 = tpu.vector_load %arg25[%get3A_1781, %get3A_1782] {strides = array<i32>} : memref<50x128xf32, #tpu.memory_space<vmem>>, vector<1x16xf32>,
          %get3A_1784 = vector.shape_cast %get3A_1783 : vector<1x16xf32> to vector<16xf32>
          %get3A_1785 = arith.index_cast %add3A_1780 : i32 to index
          %get3A_1786 = arith.constant 48 : index
          %get3A_1787 = tpu.vector_load %arg26[%get3A_1785, %get3A_1786] {strides = array<i32>} : memref<50x128xf32, #tpu.memory_space<vmem>>, vector<1x16xf32>,
          %get3A_1788 = vector.shape_cast %get3A_1787 : vector<1x16xf32> to vector<16xf32>
          %mul3A_1789 = arith.mulf %get3A_1784, %get3A_1753 : vector<16xf32>
          %mul3A_1790 = arith.mulf %get3A_1788, %get3A_1756 : vector<16xf32>
          %sub3A_1791 = arith.subf %mul3A_1789, %mul3A_1790 : vector<16xf32>
          %sub3A_1792 = arith.subf %get3A_1747, %sub3A_1791 : vector<16xf32>
          %abs3A_1793 = math.absf %sub3A_1792 : vector<16xf32>
          %mul3A_1794 = arith.mulf %get3A_1784, %get3A_1756 : vector<16xf32>
          %mul3A_1795 = arith.mulf %get3A_1788, %get3A_1753 : vector<16xf32>
          %add3A_1796 = arith.addf %mul3A_1794, %mul3A_1795 : vector<16xf32>
          %add3A_1797 = arith.addf %get3A_1750, %add3A_1796 : vector<16xf32>
          %abs3A_1798 = math.absf %add3A_1797 : vector<16xf32>
          %add3A_1799 = arith.addf %abs3A_1793, %abs3A_1798 : vector<16xf32>
          %add3A_1800 = arith.addf %add3A_1678, %add3A_1799 : vector<16xf32>
          %add3A_1801 = arith.constant 2 : i32
          %add3A_1802 = arith.addi %mul3A_1384, %add3A_1801 : i32
          %get3A_1803 = arith.index_cast %add3A_1802 : i32 to index
          %get3A_1804 = arith.constant 48 : index
          %get3A_1805 = tpu.vector_load %arg25[%get3A_1803, %get3A_1804] {strides = array<i32>} : memref<50x128xf32, #tpu.memory_space<vmem>>, vector<1x16xf32>,
          %get3A_1806 = vector.shape_cast %get3A_1805 : vector<1x16xf32> to vector<16xf32>
          %get3A_1807 = arith.index_cast %add3A_1802 : i32 to index
          %get3A_1808 = arith.constant 48 : index
          %get3A_1809 = tpu.vector_load %arg26[%get3A_1807, %get3A_1808] {strides = array<i32>} : memref<50x128xf32, #tpu.memory_space<vmem>>, vector<1x16xf32>,
          %get3A_1810 = vector.shape_cast %get3A_1809 : vector<1x16xf32> to vector<16xf32>
          %mul3A_1811 = arith.mulf %get3A_1806, %get3A_1753 : vector<16xf32>
          %mul3A_1812 = arith.mulf %get3A_1810, %get3A_1756 : vector<16xf32>
          %sub3A_1813 = arith.subf %mul3A_1811, %mul3A_1812 : vector<16xf32>
          %sub3A_1814 = arith.subf %get3A_1747, %sub3A_1813 : vector<16xf32>
          %abs3A_1815 = math.absf %sub3A_1814 : vector<16xf32>
          %mul3A_1816 = arith.mulf %get3A_1806, %get3A_1756 : vector<16xf32>
          %mul3A_1817 = arith.mulf %get3A_1810, %get3A_1753 : vector<16xf32>
          %add3A_1818 = arith.addf %mul3A_1816, %mul3A_1817 : vector<16xf32>
          %add3A_1819 = arith.addf %get3A_1750, %add3A_1818 : vector<16xf32>
          %abs3A_1820 = math.absf %add3A_1819 : vector<16xf32>
          %add3A_1821 = arith.addf %abs3A_1815, %abs3A_1820 : vector<16xf32>
          %add3A_1822 = arith.addf %add3A_1700, %add3A_1821 : vector<16xf32>
          %add3A_1823 = arith.constant 3 : i32
          %add3A_1824 = arith.addi %mul3A_1384, %add3A_1823 : i32
          %get3A_1825 = arith.index_cast %add3A_1824 : i32 to index
          %get3A_1826 = arith.constant 48 : index
          %get3A_1827 = tpu.vector_load %arg25[%get3A_1825, %get3A_1826] {strides = array<i32>} : memref<50x128xf32, #tpu.memory_space<vmem>>, vector<1x16xf32>,
          %get3A_1828 = vector.shape_cast %get3A_1827 : vector<1x16xf32> to vector<16xf32>
          %get3A_1829 = arith.index_cast %add3A_1824 : i32 to index
          %get3A_1830 = arith.constant 48 : index
          %get3A_1831 = tpu.vector_load %arg26[%get3A_1829, %get3A_1830] {strides = array<i32>} : memref<50x128xf32, #tpu.memory_space<vmem>>, vector<1x16xf32>,
          %get3A_1832 = vector.shape_cast %get3A_1831 : vector<1x16xf32> to vector<16xf32>
          %mul3A_1833 = arith.mulf %get3A_1828, %get3A_1753 : vector<16xf32>
          %mul3A_1834 = arith.mulf %get3A_1832, %get3A_1756 : vector<16xf32>
          %sub3A_1835 = arith.subf %mul3A_1833, %mul3A_1834 : vector<16xf32>
          %sub3A_1836 = arith.subf %get3A_1747, %sub3A_1835 : vector<16xf32>
          %abs3A_1837 = math.absf %sub3A_1836 : vector<16xf32>
          %mul3A_1838 = arith.mulf %get3A_1828, %get3A_1756 : vector<16xf32>
          %mul3A_1839 = arith.mulf %get3A_1832, %get3A_1753 : vector<16xf32>
          %add3A_1840 = arith.addf %mul3A_1838, %mul3A_1839 : vector<16xf32>
          %add3A_1841 = arith.addf %get3A_1750, %add3A_1840 : vector<16xf32>
          %abs3A_1842 = math.absf %add3A_1841 : vector<16xf32>
          %add3A_1843 = arith.addf %abs3A_1837, %abs3A_1842 : vector<16xf32>
          %add3A_1844 = arith.addf %add3A_1722, %add3A_1843 : vector<16xf32>
          %add3A_1845 = arith.constant 4 : i32
          %add3A_1846 = arith.addi %mul3A_1384, %add3A_1845 : i32
          %get3A_1847 = arith.index_cast %add3A_1846 : i32 to index
          %get3A_1848 = arith.constant 48 : index
          %get3A_1849 = tpu.vector_load %arg25[%get3A_1847, %get3A_1848] {strides = array<i32>} : memref<50x128xf32, #tpu.memory_space<vmem>>, vector<1x16xf32>,
          %get3A_1850 = vector.shape_cast %get3A_1849 : vector<1x16xf32> to vector<16xf32>
          %get3A_1851 = arith.index_cast %add3A_1846 : i32 to index
          %get3A_1852 = arith.constant 48 : index
          %get3A_1853 = tpu.vector_load %arg26[%get3A_1851, %get3A_1852] {strides = array<i32>} : memref<50x128xf32, #tpu.memory_space<vmem>>, vector<1x16xf32>,
          %get3A_1854 = vector.shape_cast %get3A_1853 : vector<1x16xf32> to vector<16xf32>
          %mul3A_1855 = arith.mulf %get3A_1850, %get3A_1753 : vector<16xf32>
          %mul3A_1856 = arith.mulf %get3A_1854, %get3A_1756 : vector<16xf32>
          %sub3A_1857 = arith.subf %mul3A_1855, %mul3A_1856 : vector<16xf32>
          %sub3A_1858 = arith.subf %get3A_1747, %sub3A_1857 : vector<16xf32>
          %abs3A_1859 = math.absf %sub3A_1858 : vector<16xf32>
          %mul3A_1860 = arith.mulf %get3A_1850, %get3A_1756 : vector<16xf32>
          %mul3A_1861 = arith.mulf %get3A_1854, %get3A_1753 : vector<16xf32>
          %add3A_1862 = arith.addf %mul3A_1860, %mul3A_1861 : vector<16xf32>
          %add3A_1863 = arith.addf %get3A_1750, %add3A_1862 : vector<16xf32>
          %abs3A_1864 = math.absf %add3A_1863 : vector<16xf32>
          %add3A_1865 = arith.addf %abs3A_1859, %abs3A_1864 : vector<16xf32>
          %add3A_1866 = arith.addf %add3A_1744, %add3A_1865 : vector<16xf32>
          %get3A_1867 = arith.constant 64 : index
          %get3A_1868 = tpu.vector_load %arg28[%get3A_1867] {strides = array<i32>} : memref<128xf32, #tpu.memory_space<vmem>>, vector<16xf32>,
          %get3A_1869 = vector.shape_cast %get3A_1868 : vector<16xf32> to vector<16xf32>
          %get3A_1870 = arith.constant 64 : index
          %get3A_1871 = tpu.vector_load %arg29[%get3A_1870] {strides = array<i32>} : memref<128xf32, #tpu.memory_space<vmem>>, vector<16xf32>,
          %get3A_1872 = vector.shape_cast %get3A_1871 : vector<16xf32> to vector<16xf32>
          %get3A_1873 = arith.constant 64 : index
          %get3A_1874 = tpu.vector_load %arg30[%get3A_1873] {strides = array<i32>} : memref<128xf32, #tpu.memory_space<vmem>>, vector<16xf32>,
          %get3A_1875 = vector.shape_cast %get3A_1874 : vector<16xf32> to vector<16xf32>
          %get3A_1876 = arith.constant 64 : index
          %get3A_1877 = tpu.vector_load %arg31[%get3A_1876] {strides = array<i32>} : memref<128xf32, #tpu.memory_space<vmem>>, vector<16xf32>,
          %get3A_1878 = vector.shape_cast %get3A_1877 : vector<16xf32> to vector<16xf32>
          %add3A_1879 = arith.constant 0 : i32
          %add3A_1880 = arith.addi %mul3A_1384, %add3A_1879 : i32
          %get3A_1881 = arith.index_cast %add3A_1880 : i32 to index
          %get3A_1882 = arith.constant 64 : index
          %get3A_1883 = tpu.vector_load %arg25[%get3A_1881, %get3A_1882] {strides = array<i32>} : memref<50x128xf32, #tpu.memory_space<vmem>>, vector<1x16xf32>,
          %get3A_1884 = vector.shape_cast %get3A_1883 : vector<1x16xf32> to vector<16xf32>
          %get3A_1885 = arith.index_cast %add3A_1880 : i32 to index
          %get3A_1886 = arith.constant 64 : index
          %get3A_1887 = tpu.vector_load %arg26[%get3A_1885, %get3A_1886] {strides = array<i32>} : memref<50x128xf32, #tpu.memory_space<vmem>>, vector<1x16xf32>,
          %get3A_1888 = vector.shape_cast %get3A_1887 : vector<1x16xf32> to vector<16xf32>
          %mul3A_1889 = arith.mulf %get3A_1884, %get3A_1875 : vector<16xf32>
          %mul3A_1890 = arith.mulf %get3A_1888, %get3A_1878 : vector<16xf32>
          %sub3A_1891 = arith.subf %mul3A_1889, %mul3A_1890 : vector<16xf32>
          %sub3A_1892 = arith.subf %get3A_1869, %sub3A_1891 : vector<16xf32>
          %abs3A_1893 = math.absf %sub3A_1892 : vector<16xf32>
          %mul3A_1894 = arith.mulf %get3A_1884, %get3A_1878 : vector<16xf32>
          %mul3A_1895 = arith.mulf %get3A_1888, %get3A_1875 : vector<16xf32>
          %add3A_1896 = arith.addf %mul3A_1894, %mul3A_1895 : vector<16xf32>
          %add3A_1897 = arith.addf %get3A_1872, %add3A_1896 : vector<16xf32>
          %abs3A_1898 = math.absf %add3A_1897 : vector<16xf32>
          %add3A_1899 = arith.addf %abs3A_1893, %abs3A_1898 : vector<16xf32>
          %add3A_1900 = arith.addf %add3A_1778, %add3A_1899 : vector<16xf32>
          %add3A_1901 = arith.constant 1 : i32
          %add3A_1902 = arith.addi %mul3A_1384, %add3A_1901 : i32
          %get3A_1903 = arith.index_cast %add3A_1902 : i32 to index
          %get3A_1904 = arith.constant 64 : index
          %get3A_1905 = tpu.vector_load %arg25[%get3A_1903, %get3A_1904] {strides = array<i32>} : memref<50x128xf32, #tpu.memory_space<vmem>>, vector<1x16xf32>,
          %get3A_1906 = vector.shape_cast %get3A_1905 : vector<1x16xf32> to vector<16xf32>
          %get3A_1907 = arith.index_cast %add3A_1902 : i32 to index
          %get3A_1908 = arith.constant 64 : index
          %get3A_1909 = tpu.vector_load %arg26[%get3A_1907, %get3A_1908] {strides = array<i32>} : memref<50x128xf32, #tpu.memory_space<vmem>>, vector<1x16xf32>,
          %get3A_1910 = vector.shape_cast %get3A_1909 : vector<1x16xf32> to vector<16xf32>
          %mul3A_1911 = arith.mulf %get3A_1906, %get3A_1875 : vector<16xf32>
          %mul3A_1912 = arith.mulf %get3A_1910, %get3A_1878 : vector<16xf32>
          %sub3A_1913 = arith.subf %mul3A_1911, %mul3A_1912 : vector<16xf32>
          %sub3A_1914 = arith.subf %get3A_1869, %sub3A_1913 : vector<16xf32>
          %abs3A_1915 = math.absf %sub3A_1914 : vector<16xf32>
          %mul3A_1916 = arith.mulf %get3A_1906, %get3A_1878 : vector<16xf32>
          %mul3A_1917 = arith.mulf %get3A_1910, %get3A_1875 : vector<16xf32>
          %add3A_1918 = arith.addf %mul3A_1916, %mul3A_1917 : vector<16xf32>
          %add3A_1919 = arith.addf %get3A_1872, %add3A_1918 : vector<16xf32>
          %abs3A_1920 = math.absf %add3A_1919 : vector<16xf32>
          %add3A_1921 = arith.addf %abs3A_1915, %abs3A_1920 : vector<16xf32>
          %add3A_1922 = arith.addf %add3A_1800, %add3A_1921 : vector<16xf32>
          %add3A_1923 = arith.constant 2 : i32
          %add3A_1924 = arith.addi %mul3A_1384, %add3A_1923 : i32
          %get3A_1925 = arith.index_cast %add3A_1924 : i32 to index
          %get3A_1926 = arith.constant 64 : index
          %get3A_1927 = tpu.vector_load %arg25[%get3A_1925, %get3A_1926] {strides = array<i32>} : memref<50x128xf32, #tpu.memory_space<vmem>>, vector<1x16xf32>,
          %get3A_1928 = vector.shape_cast %get3A_1927 : vector<1x16xf32> to vector<16xf32>
          %get3A_1929 = arith.index_cast %add3A_1924 : i32 to index
          %get3A_1930 = arith.constant 64 : index
          %get3A_1931 = tpu.vector_load %arg26[%get3A_1929, %get3A_1930] {strides = array<i32>} : memref<50x128xf32, #tpu.memory_space<vmem>>, vector<1x16xf32>,
          %get3A_1932 = vector.shape_cast %get3A_1931 : vector<1x16xf32> to vector<16xf32>
          %mul3A_1933 = arith.mulf %get3A_1928, %get3A_1875 : vector<16xf32>
          %mul3A_1934 = arith.mulf %get3A_1932, %get3A_1878 : vector<16xf32>
          %sub3A_1935 = arith.subf %mul3A_1933, %mul3A_1934 : vector<16xf32>
          %sub3A_1936 = arith.subf %get3A_1869, %sub3A_1935 : vector<16xf32>
          %abs3A_1937 = math.absf %sub3A_1936 : vector<16xf32>
          %mul3A_1938 = arith.mulf %get3A_1928, %get3A_1878 : vector<16xf32>
          %mul3A_1939 = arith.mulf %get3A_1932, %get3A_1875 : vector<16xf32>
          %add3A_1940 = arith.addf %mul3A_1938, %mul3A_1939 : vector<16xf32>
          %add3A_1941 = arith.addf %get3A_1872, %add3A_1940 : vector<16xf32>
          %abs3A_1942 = math.absf %add3A_1941 : vector<16xf32>
          %add3A_1943 = arith.addf %abs3A_1937, %abs3A_1942 : vector<16xf32>
          %add3A_1944 = arith.addf %add3A_1822, %add3A_1943 : vector<16xf32>
          %add3A_1945 = arith.constant 3 : i32
          %add3A_1946 = arith.addi %mul3A_1384, %add3A_1945 : i32
          %get3A_1947 = arith.index_cast %add3A_1946 : i32 to index
          %get3A_1948 = arith.constant 64 : index
          %get3A_1949 = tpu.vector_load %arg25[%get3A_1947, %get3A_1948] {strides = array<i32>} : memref<50x128xf32, #tpu.memory_space<vmem>>, vector<1x16xf32>,
          %get3A_1950 = vector.shape_cast %get3A_1949 : vector<1x16xf32> to vector<16xf32>
          %get3A_1951 = arith.index_cast %add3A_1946 : i32 to index
          %get3A_1952 = arith.constant 64 : index
          %get3A_1953 = tpu.vector_load %arg26[%get3A_1951, %get3A_1952] {strides = array<i32>} : memref<50x128xf32, #tpu.memory_space<vmem>>, vector<1x16xf32>,
          %get3A_1954 = vector.shape_cast %get3A_1953 : vector<1x16xf32> to vector<16xf32>
          %mul3A_1955 = arith.mulf %get3A_1950, %get3A_1875 : vector<16xf32>
          %mul3A_1956 = arith.mulf %get3A_1954, %get3A_1878 : vector<16xf32>
          %sub3A_1957 = arith.subf %mul3A_1955, %mul3A_1956 : vector<16xf32>
          %sub3A_1958 = arith.subf %get3A_1869, %sub3A_1957 : vector<16xf32>
          %abs3A_1959 = math.absf %sub3A_1958 : vector<16xf32>
          %mul3A_1960 = arith.mulf %get3A_1950, %get3A_1878 : vector<16xf32>
          %mul3A_1961 = arith.mulf %get3A_1954, %get3A_1875 : vector<16xf32>
          %add3A_1962 = arith.addf %mul3A_1960, %mul3A_1961 : vector<16xf32>
          %add3A_1963 = arith.addf %get3A_1872, %add3A_1962 : vector<16xf32>
          %abs3A_1964 = math.absf %add3A_1963 : vector<16xf32>
          %add3A_1965 = arith.addf %abs3A_1959, %abs3A_1964 : vector<16xf32>
          %add3A_1966 = arith.addf %add3A_1844, %add3A_1965 : vector<16xf32>
          %add3A_1967 = arith.constant 4 : i32
          %add3A_1968 = arith.addi %mul3A_1384, %add3A_1967 : i32
          %get3A_1969 = arith.index_cast %add3A_1968 : i32 to index
          %get3A_1970 = arith.constant 64 : index
          %get3A_1971 = tpu.vector_load %arg25[%get3A_1969, %get3A_1970] {strides = array<i32>} : memref<50x128xf32, #tpu.memory_space<vmem>>, vector<1x16xf32>,
          %get3A_1972 = vector.shape_cast %get3A_1971 : vector<1x16xf32> to vector<16xf32>
          %get3A_1973 = arith.index_cast %add3A_1968 : i32 to index
          %get3A_1974 = arith.constant 64 : index
          %get3A_1975 = tpu.vector_load %arg26[%get3A_1973, %get3A_1974] {strides = array<i32>} : memref<50x128xf32, #tpu.memory_space<vmem>>, vector<1x16xf32>,
          %get3A_1976 = vector.shape_cast %get3A_1975 : vector<1x16xf32> to vector<16xf32>
          %mul3A_1977 = arith.mulf %get3A_1972, %get3A_1875 : vector<16xf32>
          %mul3A_1978 = arith.mulf %get3A_1976, %get3A_1878 : vector<16xf32>
          %sub3A_1979 = arith.subf %mul3A_1977, %mul3A_1978 : vector<16xf32>
          %sub3A_1980 = arith.subf %get3A_1869, %sub3A_1979 : vector<16xf32>
          %abs3A_1981 = math.absf %sub3A_1980 : vector<16xf32>
          %mul3A_1982 = arith.mulf %get3A_1972, %get3A_1878 : vector<16xf32>
          %mul3A_1983 = arith.mulf %get3A_1976, %get3A_1875 : vector<16xf32>
          %add3A_1984 = arith.addf %mul3A_1982, %mul3A_1983 : vector<16xf32>
          %add3A_1985 = arith.addf %get3A_1872, %add3A_1984 : vector<16xf32>
          %abs3A_1986 = math.absf %add3A_1985 : vector<16xf32>
          %add3A_1987 = arith.addf %abs3A_1981, %abs3A_1986 : vector<16xf32>
          %add3A_1988 = arith.addf %add3A_1866, %add3A_1987 : vector<16xf32>
          %get3A_1989 = arith.constant 80 : index
          %get3A_1990 = tpu.vector_load %arg28[%get3A_1989] {strides = array<i32>} : memref<128xf32, #tpu.memory_space<vmem>>, vector<16xf32>,
          %get3A_1991 = vector.shape_cast %get3A_1990 : vector<16xf32> to vector<16xf32>
          %get3A_1992 = arith.constant 80 : index
          %get3A_1993 = tpu.vector_load %arg29[%get3A_1992] {strides = array<i32>} : memref<128xf32, #tpu.memory_space<vmem>>, vector<16xf32>,
          %get3A_1994 = vector.shape_cast %get3A_1993 : vector<16xf32> to vector<16xf32>
          %get3A_1995 = arith.constant 80 : index
          %get3A_1996 = tpu.vector_load %arg30[%get3A_1995] {strides = array<i32>} : memref<128xf32, #tpu.memory_space<vmem>>, vector<16xf32>,
          %get3A_1997 = vector.shape_cast %get3A_1996 : vector<16xf32> to vector<16xf32>
          %get3A_1998 = arith.constant 80 : index
          %get3A_1999 = tpu.vector_load %arg31[%get3A_1998] {strides = array<i32>} : memref<128xf32, #tpu.memory_space<vmem>>, vector<16xf32>,
          %get3A_2000 = vector.shape_cast %get3A_1999 : vector<16xf32> to vector<16xf32>
          %add3A_2001 = arith.constant 0 : i32
          %add3A_2002 = arith.addi %mul3A_1384, %add3A_2001 : i32
          %get3A_2003 = arith.index_cast %add3A_2002 : i32 to index
          %get3A_2004 = arith.constant 80 : index
          %get3A_2005 = tpu.vector_load %arg25[%get3A_2003, %get3A_2004] {strides = array<i32>} : memref<50x128xf32, #tpu.memory_space<vmem>>, vector<1x16xf32>,
          %get3A_2006 = vector.shape_cast %get3A_2005 : vector<1x16xf32> to vector<16xf32>
          %get3A_2007 = arith.index_cast %add3A_2002 : i32 to index
          %get3A_2008 = arith.constant 80 : index
          %get3A_2009 = tpu.vector_load %arg26[%get3A_2007, %get3A_2008] {strides = array<i32>} : memref<50x128xf32, #tpu.memory_space<vmem>>, vector<1x16xf32>,
          %get3A_2010 = vector.shape_cast %get3A_2009 : vector<1x16xf32> to vector<16xf32>
          %mul3A_2011 = arith.mulf %get3A_2006, %get3A_1997 : vector<16xf32>
          %mul3A_2012 = arith.mulf %get3A_2010, %get3A_2000 : vector<16xf32>
          %sub3A_2013 = arith.subf %mul3A_2011, %mul3A_2012 : vector<16xf32>
          %sub3A_2014 = arith.subf %get3A_1991, %sub3A_2013 : vector<16xf32>
          %abs3A_2015 = math.absf %sub3A_2014 : vector<16xf32>
          %mul3A_2016 = arith.mulf %get3A_2006, %get3A_2000 : vector<16xf32>
          %mul3A_2017 = arith.mulf %get3A_2010, %get3A_1997 : vector<16xf32>
          %add3A_2018 = arith.addf %mul3A_2016, %mul3A_2017 : vector<16xf32>
          %add3A_2019 = arith.addf %get3A_1994, %add3A_2018 : vector<16xf32>
          %abs3A_2020 = math.absf %add3A_2019 : vector<16xf32>
          %add3A_2021 = arith.addf %abs3A_2015, %abs3A_2020 : vector<16xf32>
          %add3A_2022 = arith.addf %add3A_1900, %add3A_2021 : vector<16xf32>
          %add3A_2023 = arith.constant 1 : i32
          %add3A_2024 = arith.addi %mul3A_1384, %add3A_2023 : i32
          %get3A_2025 = arith.index_cast %add3A_2024 : i32 to index
          %get3A_2026 = arith.constant 80 : index
          %get3A_2027 = tpu.vector_load %arg25[%get3A_2025, %get3A_2026] {strides = array<i32>} : memref<50x128xf32, #tpu.memory_space<vmem>>, vector<1x16xf32>,
          %get3A_2028 = vector.shape_cast %get3A_2027 : vector<1x16xf32> to vector<16xf32>
          %get3A_2029 = arith.index_cast %add3A_2024 : i32 to index
          %get3A_2030 = arith.constant 80 : index
          %get3A_2031 = tpu.vector_load %arg26[%get3A_2029, %get3A_2030] {strides = array<i32>} : memref<50x128xf32, #tpu.memory_space<vmem>>, vector<1x16xf32>,
          %get3A_2032 = vector.shape_cast %get3A_2031 : vector<1x16xf32> to vector<16xf32>
          %mul3A_2033 = arith.mulf %get3A_2028, %get3A_1997 : vector<16xf32>
          %mul3A_2034 = arith.mulf %get3A_2032, %get3A_2000 : vector<16xf32>
          %sub3A_2035 = arith.subf %mul3A_2033, %mul3A_2034 : vector<16xf32>
          %sub3A_2036 = arith.subf %get3A_1991, %sub3A_2035 : vector<16xf32>
          %abs3A_2037 = math.absf %sub3A_2036 : vector<16xf32>
          %mul3A_2038 = arith.mulf %get3A_2028, %get3A_2000 : vector<16xf32>
          %mul3A_2039 = arith.mulf %get3A_2032, %get3A_1997 : vector<16xf32>
          %add3A_2040 = arith.addf %mul3A_2038, %mul3A_2039 : vector<16xf32>
          %add3A_2041 = arith.addf %get3A_1994, %add3A_2040 : vector<16xf32>
          %abs3A_2042 = math.absf %add3A_2041 : vector<16xf32>
          %add3A_2043 = arith.addf %abs3A_2037, %abs3A_2042 : vector<16xf32>
          %add3A_2044 = arith.addf %add3A_1922, %add3A_2043 : vector<16xf32>
          %add3A_2045 = arith.constant 2 : i32
          %add3A_2046 = arith.addi %mul3A_1384, %add3A_2045 : i32
          %get3A_2047 = arith.index_cast %add3A_2046 : i32 to index
          %get3A_2048 = arith.constant 80 : index
          %get3A_2049 = tpu.vector_load %arg25[%get3A_2047, %get3A_2048] {strides = array<i32>} : memref<50x128xf32, #tpu.memory_space<vmem>>, vector<1x16xf32>,
          %get3A_2050 = vector.shape_cast %get3A_2049 : vector<1x16xf32> to vector<16xf32>
          %get3A_2051 = arith.index_cast %add3A_2046 : i32 to index
          %get3A_2052 = arith.constant 80 : index
          %get3A_2053 = tpu.vector_load %arg26[%get3A_2051, %get3A_2052] {strides = array<i32>} : memref<50x128xf32, #tpu.memory_space<vmem>>, vector<1x16xf32>,
          %get3A_2054 = vector.shape_cast %get3A_2053 : vector<1x16xf32> to vector<16xf32>
          %mul3A_2055 = arith.mulf %get3A_2050, %get3A_1997 : vector<16xf32>
          %mul3A_2056 = arith.mulf %get3A_2054, %get3A_2000 : vector<16xf32>
          %sub3A_2057 = arith.subf %mul3A_2055, %mul3A_2056 : vector<16xf32>
          %sub3A_2058 = arith.subf %get3A_1991, %sub3A_2057 : vector<16xf32>
          %abs3A_2059 = math.absf %sub3A_2058 : vector<16xf32>
          %mul3A_2060 = arith.mulf %get3A_2050, %get3A_2000 : vector<16xf32>
          %mul3A_2061 = arith.mulf %get3A_2054, %get3A_1997 : vector<16xf32>
          %add3A_2062 = arith.addf %mul3A_2060, %mul3A_2061 : vector<16xf32>
          %add3A_2063 = arith.addf %get3A_1994, %add3A_2062 : vector<16xf32>
          %abs3A_2064 = math.absf %add3A_2063 : vector<16xf32>
          %add3A_2065 = arith.addf %abs3A_2059, %abs3A_2064 : vector<16xf32>
          %add3A_2066 = arith.addf %add3A_1944, %add3A_2065 : vector<16xf32>
          %add3A_2067 = arith.constant 3 : i32
          %add3A_2068 = arith.addi %mul3A_1384, %add3A_2067 : i32
          %get3A_2069 = arith.index_cast %add3A_2068 : i32 to index
          %get3A_2070 = arith.constant 80 : index
          %get3A_2071 = tpu.vector_load %arg25[%get3A_2069, %get3A_2070] {strides = array<i32>} : memref<50x128xf32, #tpu.memory_space<vmem>>, vector<1x16xf32>,
          %get3A_2072 = vector.shape_cast %get3A_2071 : vector<1x16xf32> to vector<16xf32>
          %get3A_2073 = arith.index_cast %add3A_2068 : i32 to index
          %get3A_2074 = arith.constant 80 : index
          %get3A_2075 = tpu.vector_load %arg26[%get3A_2073, %get3A_2074] {strides = array<i32>} : memref<50x128xf32, #tpu.memory_space<vmem>>, vector<1x16xf32>,
          %get3A_2076 = vector.shape_cast %get3A_2075 : vector<1x16xf32> to vector<16xf32>
          %mul3A_2077 = arith.mulf %get3A_2072, %get3A_1997 : vector<16xf32>
          %mul3A_2078 = arith.mulf %get3A_2076, %get3A_2000 : vector<16xf32>
          %sub3A_2079 = arith.subf %mul3A_2077, %mul3A_2078 : vector<16xf32>
          %sub3A_2080 = arith.subf %get3A_1991, %sub3A_2079 : vector<16xf32>
          %abs3A_2081 = math.absf %sub3A_2080 : vector<16xf32>
          %mul3A_2082 = arith.mulf %get3A_2072, %get3A_2000 : vector<16xf32>
          %mul3A_2083 = arith.mulf %get3A_2076, %get3A_1997 : vector<16xf32>
          %add3A_2084 = arith.addf %mul3A_2082, %mul3A_2083 : vector<16xf32>
          %add3A_2085 = arith.addf %get3A_1994, %add3A_2084 : vector<16xf32>
          %abs3A_2086 = math.absf %add3A_2085 : vector<16xf32>
          %add3A_2087 = arith.addf %abs3A_2081, %abs3A_2086 : vector<16xf32>
          %add3A_2088 = arith.addf %add3A_1966, %add3A_2087 : vector<16xf32>
          %add3A_2089 = arith.constant 4 : i32
          %add3A_2090 = arith.addi %mul3A_1384, %add3A_2089 : i32
          %get3A_2091 = arith.index_cast %add3A_2090 : i32 to index
          %get3A_2092 = arith.constant 80 : index
          %get3A_2093 = tpu.vector_load %arg25[%get3A_2091, %get3A_2092] {strides = array<i32>} : memref<50x128xf32, #tpu.memory_space<vmem>>, vector<1x16xf32>,
          %get3A_2094 = vector.shape_cast %get3A_2093 : vector<1x16xf32> to vector<16xf32>
          %get3A_2095 = arith.index_cast %add3A_2090 : i32 to index
          %get3A_2096 = arith.constant 80 : index
          %get3A_2097 = tpu.vector_load %arg26[%get3A_2095, %get3A_2096] {strides = array<i32>} : memref<50x128xf32, #tpu.memory_space<vmem>>, vector<1x16xf32>,
          %get3A_2098 = vector.shape_cast %get3A_2097 : vector<1x16xf32> to vector<16xf32>
          %mul3A_2099 = arith.mulf %get3A_2094, %get3A_1997 : vector<16xf32>
          %mul3A_2100 = arith.mulf %get3A_2098, %get3A_2000 : vector<16xf32>
          %sub3A_2101 = arith.subf %mul3A_2099, %mul3A_2100 : vector<16xf32>
          %sub3A_2102 = arith.subf %get3A_1991, %sub3A_2101 : vector<16xf32>
          %abs3A_2103 = math.absf %sub3A_2102 : vector<16xf32>
          %mul3A_2104 = arith.mulf %get3A_2094, %get3A_2000 : vector<16xf32>
          %mul3A_2105 = arith.mulf %get3A_2098, %get3A_1997 : vector<16xf32>
          %add3A_2106 = arith.addf %mul3A_2104, %mul3A_2105 : vector<16xf32>
          %add3A_2107 = arith.addf %get3A_1994, %add3A_2106 : vector<16xf32>
          %abs3A_2108 = math.absf %add3A_2107 : vector<16xf32>
          %add3A_2109 = arith.addf %abs3A_2103, %abs3A_2108 : vector<16xf32>
          %add3A_2110 = arith.addf %add3A_1988, %add3A_2109 : vector<16xf32>
          %get3A_2111 = arith.constant 96 : index
          %get3A_2112 = tpu.vector_load %arg28[%get3A_2111] {strides = array<i32>} : memref<128xf32, #tpu.memory_space<vmem>>, vector<16xf32>,
          %get3A_2113 = vector.shape_cast %get3A_2112 : vector<16xf32> to vector<16xf32>
          %get3A_2114 = arith.constant 96 : index
          %get3A_2115 = tpu.vector_load %arg29[%get3A_2114] {strides = array<i32>} : memref<128xf32, #tpu.memory_space<vmem>>, vector<16xf32>,
          %get3A_2116 = vector.shape_cast %get3A_2115 : vector<16xf32> to vector<16xf32>
          %get3A_2117 = arith.constant 96 : index
          %get3A_2118 = tpu.vector_load %arg30[%get3A_2117] {strides = array<i32>} : memref<128xf32, #tpu.memory_space<vmem>>, vector<16xf32>,
          %get3A_2119 = vector.shape_cast %get3A_2118 : vector<16xf32> to vector<16xf32>
          %get3A_2120 = arith.constant 96 : index
          %get3A_2121 = tpu.vector_load %arg31[%get3A_2120] {strides = array<i32>} : memref<128xf32, #tpu.memory_space<vmem>>, vector<16xf32>,
          %get3A_2122 = vector.shape_cast %get3A_2121 : vector<16xf32> to vector<16xf32>
          %add3A_2123 = arith.constant 0 : i32
          %add3A_2124 = arith.addi %mul3A_1384, %add3A_2123 : i32
          %get3A_2125 = arith.index_cast %add3A_2124 : i32 to index
          %get3A_2126 = arith.constant 96 : index
          %get3A_2127 = tpu.vector_load %arg25[%get3A_2125, %get3A_2126] {strides = array<i32>} : memref<50x128xf32, #tpu.memory_space<vmem>>, vector<1x16xf32>,
          %get3A_2128 = vector.shape_cast %get3A_2127 : vector<1x16xf32> to vector<16xf32>
          %get3A_2129 = arith.index_cast %add3A_2124 : i32 to index
          %get3A_2130 = arith.constant 96 : index
          %get3A_2131 = tpu.vector_load %arg26[%get3A_2129, %get3A_2130] {strides = array<i32>} : memref<50x128xf32, #tpu.memory_space<vmem>>, vector<1x16xf32>,
          %get3A_2132 = vector.shape_cast %get3A_2131 : vector<1x16xf32> to vector<16xf32>
          %mul3A_2133 = arith.mulf %get3A_2128, %get3A_2119 : vector<16xf32>
          %mul3A_2134 = arith.mulf %get3A_2132, %get3A_2122 : vector<16xf32>
          %sub3A_2135 = arith.subf %mul3A_2133, %mul3A_2134 : vector<16xf32>
          %sub3A_2136 = arith.subf %get3A_2113, %sub3A_2135 : vector<16xf32>
          %abs3A_2137 = math.absf %sub3A_2136 : vector<16xf32>
          %mul3A_2138 = arith.mulf %get3A_2128, %get3A_2122 : vector<16xf32>
          %mul3A_2139 = arith.mulf %get3A_2132, %get3A_2119 : vector<16xf32>
          %add3A_2140 = arith.addf %mul3A_2138, %mul3A_2139 : vector<16xf32>
          %add3A_2141 = arith.addf %get3A_2116, %add3A_2140 : vector<16xf32>
          %abs3A_2142 = math.absf %add3A_2141 : vector<16xf32>
          %add3A_2143 = arith.addf %abs3A_2137, %abs3A_2142 : vector<16xf32>
          %add3A_2144 = arith.addf %add3A_2022, %add3A_2143 : vector<16xf32>
          %add3A_2145 = arith.constant 1 : i32
          %add3A_2146 = arith.addi %mul3A_1384, %add3A_2145 : i32
          %get3A_2147 = arith.index_cast %add3A_2146 : i32 to index
          %get3A_2148 = arith.constant 96 : index
          %get3A_2149 = tpu.vector_load %arg25[%get3A_2147, %get3A_2148] {strides = array<i32>} : memref<50x128xf32, #tpu.memory_space<vmem>>, vector<1x16xf32>,
          %get3A_2150 = vector.shape_cast %get3A_2149 : vector<1x16xf32> to vector<16xf32>
          %get3A_2151 = arith.index_cast %add3A_2146 : i32 to index
          %get3A_2152 = arith.constant 96 : index
          %get3A_2153 = tpu.vector_load %arg26[%get3A_2151, %get3A_2152] {strides = array<i32>} : memref<50x128xf32, #tpu.memory_space<vmem>>, vector<1x16xf32>,
          %get3A_2154 = vector.shape_cast %get3A_2153 : vector<1x16xf32> to vector<16xf32>
          %mul3A_2155 = arith.mulf %get3A_2150, %get3A_2119 : vector<16xf32>
          %mul3A_2156 = arith.mulf %get3A_2154, %get3A_2122 : vector<16xf32>
          %sub3A_2157 = arith.subf %mul3A_2155, %mul3A_2156 : vector<16xf32>
          %sub3A_2158 = arith.subf %get3A_2113, %sub3A_2157 : vector<16xf32>
          %abs3A_2159 = math.absf %sub3A_2158 : vector<16xf32>
          %mul3A_2160 = arith.mulf %get3A_2150, %get3A_2122 : vector<16xf32>
          %mul3A_2161 = arith.mulf %get3A_2154, %get3A_2119 : vector<16xf32>
          %add3A_2162 = arith.addf %mul3A_2160, %mul3A_2161 : vector<16xf32>
          %add3A_2163 = arith.addf %get3A_2116, %add3A_2162 : vector<16xf32>
          %abs3A_2164 = math.absf %add3A_2163 : vector<16xf32>
          %add3A_2165 = arith.addf %abs3A_2159, %abs3A_2164 : vector<16xf32>
          %add3A_2166 = arith.addf %add3A_2044, %add3A_2165 : vector<16xf32>
          %add3A_2167 = arith.constant 2 : i32
          %add3A_2168 = arith.addi %mul3A_1384, %add3A_2167 : i32
          %get3A_2169 = arith.index_cast %add3A_2168 : i32 to index
          %get3A_2170 = arith.constant 96 : index
          %get3A_2171 = tpu.vector_load %arg25[%get3A_2169, %get3A_2170] {strides = array<i32>} : memref<50x128xf32, #tpu.memory_space<vmem>>, vector<1x16xf32>,
          %get3A_2172 = vector.shape_cast %get3A_2171 : vector<1x16xf32> to vector<16xf32>
          %get3A_2173 = arith.index_cast %add3A_2168 : i32 to index
          %get3A_2174 = arith.constant 96 : index
          %get3A_2175 = tpu.vector_load %arg26[%get3A_2173, %get3A_2174] {strides = array<i32>} : memref<50x128xf32, #tpu.memory_space<vmem>>, vector<1x16xf32>,
          %get3A_2176 = vector.shape_cast %get3A_2175 : vector<1x16xf32> to vector<16xf32>
          %mul3A_2177 = arith.mulf %get3A_2172, %get3A_2119 : vector<16xf32>
          %mul3A_2178 = arith.mulf %get3A_2176, %get3A_2122 : vector<16xf32>
          %sub3A_2179 = arith.subf %mul3A_2177, %mul3A_2178 : vector<16xf32>
          %sub3A_2180 = arith.subf %get3A_2113, %sub3A_2179 : vector<16xf32>
          %abs3A_2181 = math.absf %sub3A_2180 : vector<16xf32>
          %mul3A_2182 = arith.mulf %get3A_2172, %get3A_2122 : vector<16xf32>
          %mul3A_2183 = arith.mulf %get3A_2176, %get3A_2119 : vector<16xf32>
          %add3A_2184 = arith.addf %mul3A_2182, %mul3A_2183 : vector<16xf32>
          %add3A_2185 = arith.addf %get3A_2116, %add3A_2184 : vector<16xf32>
          %abs3A_2186 = math.absf %add3A_2185 : vector<16xf32>
          %add3A_2187 = arith.addf %abs3A_2181, %abs3A_2186 : vector<16xf32>
          %add3A_2188 = arith.addf %add3A_2066, %add3A_2187 : vector<16xf32>
          %add3A_2189 = arith.constant 3 : i32
          %add3A_2190 = arith.addi %mul3A_1384, %add3A_2189 : i32
          %get3A_2191 = arith.index_cast %add3A_2190 : i32 to index
          %get3A_2192 = arith.constant 96 : index
          %get3A_2193 = tpu.vector_load %arg25[%get3A_2191, %get3A_2192] {strides = array<i32>} : memref<50x128xf32, #tpu.memory_space<vmem>>, vector<1x16xf32>,
          %get3A_2194 = vector.shape_cast %get3A_2193 : vector<1x16xf32> to vector<16xf32>
          %get3A_2195 = arith.index_cast %add3A_2190 : i32 to index
          %get3A_2196 = arith.constant 96 : index
          %get3A_2197 = tpu.vector_load %arg26[%get3A_2195, %get3A_2196] {strides = array<i32>} : memref<50x128xf32, #tpu.memory_space<vmem>>, vector<1x16xf32>,
          %get3A_2198 = vector.shape_cast %get3A_2197 : vector<1x16xf32> to vector<16xf32>
          %mul3A_2199 = arith.mulf %get3A_2194, %get3A_2119 : vector<16xf32>
          %mul3A_2200 = arith.mulf %get3A_2198, %get3A_2122 : vector<16xf32>
          %sub3A_2201 = arith.subf %mul3A_2199, %mul3A_2200 : vector<16xf32>
          %sub3A_2202 = arith.subf %get3A_2113, %sub3A_2201 : vector<16xf32>
          %abs3A_2203 = math.absf %sub3A_2202 : vector<16xf32>
          %mul3A_2204 = arith.mulf %get3A_2194, %get3A_2122 : vector<16xf32>
          %mul3A_2205 = arith.mulf %get3A_2198, %get3A_2119 : vector<16xf32>
          %add3A_2206 = arith.addf %mul3A_2204, %mul3A_2205 : vector<16xf32>
          %add3A_2207 = arith.addf %get3A_2116, %add3A_2206 : vector<16xf32>
          %abs3A_2208 = math.absf %add3A_2207 : vector<16xf32>
          %add3A_2209 = arith.addf %abs3A_2203, %abs3A_2208 : vector<16xf32>
          %add3A_2210 = arith.addf %add3A_2088, %add3A_2209 : vector<16xf32>
          %add3A_2211 = arith.constant 4 : i32
          %add3A_2212 = arith.addi %mul3A_1384, %add3A_2211 : i32
          %get3A_2213 = arith.index_cast %add3A_2212 : i32 to index
          %get3A_2214 = arith.constant 96 : index
          %get3A_2215 = tpu.vector_load %arg25[%get3A_2213, %get3A_2214] {strides = array<i32>} : memref<50x128xf32, #tpu.memory_space<vmem>>, vector<1x16xf32>,
          %get3A_2216 = vector.shape_cast %get3A_2215 : vector<1x16xf32> to vector<16xf32>
          %get3A_2217 = arith.index_cast %add3A_2212 : i32 to index
          %get3A_2218 = arith.constant 96 : index
          %get3A_2219 = tpu.vector_load %arg26[%get3A_2217, %get3A_2218] {strides = array<i32>} : memref<50x128xf32, #tpu.memory_space<vmem>>, vector<1x16xf32>,
          %get3A_2220 = vector.shape_cast %get3A_2219 : vector<1x16xf32> to vector<16xf32>
          %mul3A_2221 = arith.mulf %get3A_2216, %get3A_2119 : vector<16xf32>
          %mul3A_2222 = arith.mulf %get3A_2220, %get3A_2122 : vector<16xf32>
          %sub3A_2223 = arith.subf %mul3A_2221, %mul3A_2222 : vector<16xf32>
          %sub3A_2224 = arith.subf %get3A_2113, %sub3A_2223 : vector<16xf32>
          %abs3A_2225 = math.absf %sub3A_2224 : vector<16xf32>
          %mul3A_2226 = arith.mulf %get3A_2216, %get3A_2122 : vector<16xf32>
          %mul3A_2227 = arith.mulf %get3A_2220, %get3A_2119 : vector<16xf32>
          %add3A_2228 = arith.addf %mul3A_2226, %mul3A_2227 : vector<16xf32>
          %add3A_2229 = arith.addf %get3A_2116, %add3A_2228 : vector<16xf32>
          %abs3A_2230 = math.absf %add3A_2229 : vector<16xf32>
          %add3A_2231 = arith.addf %abs3A_2225, %abs3A_2230 : vector<16xf32>
          %add3A_2232 = arith.addf %add3A_2110, %add3A_2231 : vector<16xf32>
          %get3A_2233 = arith.constant 112 : index
          %get3A_2234 = tpu.vector_load %arg28[%get3A_2233] {strides = array<i32>} : memref<128xf32, #tpu.memory_space<vmem>>, vector<16xf32>,
          %get3A_2235 = vector.shape_cast %get3A_2234 : vector<16xf32> to vector<16xf32>
          %get3A_2236 = arith.constant 112 : index
          %get3A_2237 = tpu.vector_load %arg29[%get3A_2236] {strides = array<i32>} : memref<128xf32, #tpu.memory_space<vmem>>, vector<16xf32>,
          %get3A_2238 = vector.shape_cast %get3A_2237 : vector<16xf32> to vector<16xf32>
          %get3A_2239 = arith.constant 112 : index
          %get3A_2240 = tpu.vector_load %arg30[%get3A_2239] {strides = array<i32>} : memref<128xf32, #tpu.memory_space<vmem>>, vector<16xf32>,
          %get3A_2241 = vector.shape_cast %get3A_2240 : vector<16xf32> to vector<16xf32>
          %get3A_2242 = arith.constant 112 : index
          %get3A_2243 = tpu.vector_load %arg31[%get3A_2242] {strides = array<i32>} : memref<128xf32, #tpu.memory_space<vmem>>, vector<16xf32>,
          %get3A_2244 = vector.shape_cast %get3A_2243 : vector<16xf32> to vector<16xf32>
          %add3A_2245 = arith.constant 0 : i32
          %add3A_2246 = arith.addi %mul3A_1384, %add3A_2245 : i32
          %get3A_2247 = arith.index_cast %add3A_2246 : i32 to index
          %get3A_2248 = arith.constant 112 : index
          %get3A_2249 = tpu.vector_load %arg25[%get3A_2247, %get3A_2248] {strides = array<i32>} : memref<50x128xf32, #tpu.memory_space<vmem>>, vector<1x16xf32>,
          %get3A_2250 = vector.shape_cast %get3A_2249 : vector<1x16xf32> to vector<16xf32>
          %get3A_2251 = arith.index_cast %add3A_2246 : i32 to index
          %get3A_2252 = arith.constant 112 : index
          %get3A_2253 = tpu.vector_load %arg26[%get3A_2251, %get3A_2252] {strides = array<i32>} : memref<50x128xf32, #tpu.memory_space<vmem>>, vector<1x16xf32>,
          %get3A_2254 = vector.shape_cast %get3A_2253 : vector<1x16xf32> to vector<16xf32>
          %mul3A_2255 = arith.mulf %get3A_2250, %get3A_2241 : vector<16xf32>
          %mul3A_2256 = arith.mulf %get3A_2254, %get3A_2244 : vector<16xf32>
          %sub3A_2257 = arith.subf %mul3A_2255, %mul3A_2256 : vector<16xf32>
          %sub3A_2258 = arith.subf %get3A_2235, %sub3A_2257 : vector<16xf32>
          %abs3A_2259 = math.absf %sub3A_2258 : vector<16xf32>
          %mul3A_2260 = arith.mulf %get3A_2250, %get3A_2244 : vector<16xf32>
          %mul3A_2261 = arith.mulf %get3A_2254, %get3A_2241 : vector<16xf32>
          %add3A_2262 = arith.addf %mul3A_2260, %mul3A_2261 : vector<16xf32>
          %add3A_2263 = arith.addf %get3A_2238, %add3A_2262 : vector<16xf32>
          %abs3A_2264 = math.absf %add3A_2263 : vector<16xf32>
          %add3A_2265 = arith.addf %abs3A_2259, %abs3A_2264 : vector<16xf32>
          %add3A_2266 = arith.addf %add3A_2144, %add3A_2265 : vector<16xf32>
          %add3A_2267 = arith.constant 1 : i32
          %add3A_2268 = arith.addi %mul3A_1384, %add3A_2267 : i32
          %get3A_2269 = arith.index_cast %add3A_2268 : i32 to index
          %get3A_2270 = arith.constant 112 : index
          %get3A_2271 = tpu.vector_load %arg25[%get3A_2269, %get3A_2270] {strides = array<i32>} : memref<50x128xf32, #tpu.memory_space<vmem>>, vector<1x16xf32>,
          %get3A_2272 = vector.shape_cast %get3A_2271 : vector<1x16xf32> to vector<16xf32>
          %get3A_2273 = arith.index_cast %add3A_2268 : i32 to index
          %get3A_2274 = arith.constant 112 : index
          %get3A_2275 = tpu.vector_load %arg26[%get3A_2273, %get3A_2274] {strides = array<i32>} : memref<50x128xf32, #tpu.memory_space<vmem>>, vector<1x16xf32>,
          %get3A_2276 = vector.shape_cast %get3A_2275 : vector<1x16xf32> to vector<16xf32>
          %mul3A_2277 = arith.mulf %get3A_2272, %get3A_2241 : vector<16xf32>
          %mul3A_2278 = arith.mulf %get3A_2276, %get3A_2244 : vector<16xf32>
          %sub3A_2279 = arith.subf %mul3A_2277, %mul3A_2278 : vector<16xf32>
          %sub3A_2280 = arith.subf %get3A_2235, %sub3A_2279 : vector<16xf32>
          %abs3A_2281 = math.absf %sub3A_2280 : vector<16xf32>
          %mul3A_2282 = arith.mulf %get3A_2272, %get3A_2244 : vector<16xf32>
          %mul3A_2283 = arith.mulf %get3A_2276, %get3A_2241 : vector<16xf32>
          %add3A_2284 = arith.addf %mul3A_2282, %mul3A_2283 : vector<16xf32>
          %add3A_2285 = arith.addf %get3A_2238, %add3A_2284 : vector<16xf32>
          %abs3A_2286 = math.absf %add3A_2285 : vector<16xf32>
          %add3A_2287 = arith.addf %abs3A_2281, %abs3A_2286 : vector<16xf32>
          %add3A_2288 = arith.addf %add3A_2166, %add3A_2287 : vector<16xf32>
          %add3A_2289 = arith.constant 2 : i32
          %add3A_2290 = arith.addi %mul3A_1384, %add3A_2289 : i32
          %get3A_2291 = arith.index_cast %add3A_2290 : i32 to index
          %get3A_2292 = arith.constant 112 : index
          %get3A_2293 = tpu.vector_load %arg25[%get3A_2291, %get3A_2292] {strides = array<i32>} : memref<50x128xf32, #tpu.memory_space<vmem>>, vector<1x16xf32>,
          %get3A_2294 = vector.shape_cast %get3A_2293 : vector<1x16xf32> to vector<16xf32>
          %get3A_2295 = arith.index_cast %add3A_2290 : i32 to index
          %get3A_2296 = arith.constant 112 : index
          %get3A_2297 = tpu.vector_load %arg26[%get3A_2295, %get3A_2296] {strides = array<i32>} : memref<50x128xf32, #tpu.memory_space<vmem>>, vector<1x16xf32>,
          %get3A_2298 = vector.shape_cast %get3A_2297 : vector<1x16xf32> to vector<16xf32>
          %mul3A_2299 = arith.mulf %get3A_2294, %get3A_2241 : vector<16xf32>
          %mul3A_2300 = arith.mulf %get3A_2298, %get3A_2244 : vector<16xf32>
          %sub3A_2301 = arith.subf %mul3A_2299, %mul3A_2300 : vector<16xf32>
          %sub3A_2302 = arith.subf %get3A_2235, %sub3A_2301 : vector<16xf32>
          %abs3A_2303 = math.absf %sub3A_2302 : vector<16xf32>
          %mul3A_2304 = arith.mulf %get3A_2294, %get3A_2244 : vector<16xf32>
          %mul3A_2305 = arith.mulf %get3A_2298, %get3A_2241 : vector<16xf32>
          %add3A_2306 = arith.addf %mul3A_2304, %mul3A_2305 : vector<16xf32>
          %add3A_2307 = arith.addf %get3A_2238, %add3A_2306 : vector<16xf32>
          %abs3A_2308 = math.absf %add3A_2307 : vector<16xf32>
          %add3A_2309 = arith.addf %abs3A_2303, %abs3A_2308 : vector<16xf32>
          %add3A_2310 = arith.addf %add3A_2188, %add3A_2309 : vector<16xf32>
          %add3A_2311 = arith.constant 3 : i32
          %add3A_2312 = arith.addi %mul3A_1384, %add3A_2311 : i32
          %get3A_2313 = arith.index_cast %add3A_2312 : i32 to index
          %get3A_2314 = arith.constant 112 : index
          %get3A_2315 = tpu.vector_load %arg25[%get3A_2313, %get3A_2314] {strides = array<i32>} : memref<50x128xf32, #tpu.memory_space<vmem>>, vector<1x16xf32>,
          %get3A_2316 = vector.shape_cast %get3A_2315 : vector<1x16xf32> to vector<16xf32>
          %get3A_2317 = arith.index_cast %add3A_2312 : i32 to index
          %get3A_2318 = arith.constant 112 : index
          %get3A_2319 = tpu.vector_load %arg26[%get3A_2317, %get3A_2318] {strides = array<i32>} : memref<50x128xf32, #tpu.memory_space<vmem>>, vector<1x16xf32>,
          %get3A_2320 = vector.shape_cast %get3A_2319 : vector<1x16xf32> to vector<16xf32>
          %mul3A_2321 = arith.mulf %get3A_2316, %get3A_2241 : vector<16xf32>
          %mul3A_2322 = arith.mulf %get3A_2320, %get3A_2244 : vector<16xf32>
          %sub3A_2323 = arith.subf %mul3A_2321, %mul3A_2322 : vector<16xf32>
          %sub3A_2324 = arith.subf %get3A_2235, %sub3A_2323 : vector<16xf32>
          %abs3A_2325 = math.absf %sub3A_2324 : vector<16xf32>
          %mul3A_2326 = arith.mulf %get3A_2316, %get3A_2244 : vector<16xf32>
          %mul3A_2327 = arith.mulf %get3A_2320, %get3A_2241 : vector<16xf32>
          %add3A_2328 = arith.addf %mul3A_2326, %mul3A_2327 : vector<16xf32>
          %add3A_2329 = arith.addf %get3A_2238, %add3A_2328 : vector<16xf32>
          %abs3A_2330 = math.absf %add3A_2329 : vector<16xf32>
          %add3A_2331 = arith.addf %abs3A_2325, %abs3A_2330 : vector<16xf32>
          %add3A_2332 = arith.addf %add3A_2210, %add3A_2331 : vector<16xf32>
          %add3A_2333 = arith.constant 4 : i32
          %add3A_2334 = arith.addi %mul3A_1384, %add3A_2333 : i32
          %get3A_2335 = arith.index_cast %add3A_2334 : i32 to index
          %get3A_2336 = arith.constant 112 : index
          %get3A_2337 = tpu.vector_load %arg25[%get3A_2335, %get3A_2336] {strides = array<i32>} : memref<50x128xf32, #tpu.memory_space<vmem>>, vector<1x16xf32>,
          %get3A_2338 = vector.shape_cast %get3A_2337 : vector<1x16xf32> to vector<16xf32>
          %get3A_2339 = arith.index_cast %add3A_2334 : i32 to index
          %get3A_2340 = arith.constant 112 : index
          %get3A_2341 = tpu.vector_load %arg26[%get3A_2339, %get3A_2340] {strides = array<i32>} : memref<50x128xf32, #tpu.memory_space<vmem>>, vector<1x16xf32>,
          %get3A_2342 = vector.shape_cast %get3A_2341 : vector<1x16xf32> to vector<16xf32>
          %mul3A_2343 = arith.mulf %get3A_2338, %get3A_2241 : vector<16xf32>
          %mul3A_2344 = arith.mulf %get3A_2342, %get3A_2244 : vector<16xf32>
          %sub3A_2345 = arith.subf %mul3A_2343, %mul3A_2344 : vector<16xf32>
          %sub3A_2346 = arith.subf %get3A_2235, %sub3A_2345 : vector<16xf32>
          %abs3A_2347 = math.absf %sub3A_2346 : vector<16xf32>
          %mul3A_2348 = arith.mulf %get3A_2338, %get3A_2244 : vector<16xf32>
          %mul3A_2349 = arith.mulf %get3A_2342, %get3A_2241 : vector<16xf32>
          %add3A_2350 = arith.addf %mul3A_2348, %mul3A_2349 : vector<16xf32>
          %add3A_2351 = arith.addf %get3A_2238, %add3A_2350 : vector<16xf32>
          %abs3A_2352 = math.absf %add3A_2351 : vector<16xf32>
          %add3A_2353 = arith.addf %abs3A_2347, %abs3A_2352 : vector<16xf32>
          %add3A_2354 = arith.addf %add3A_2232, %add3A_2353 : vector<16xf32>
          %swap3A_2355 = arith.constant 0 : index
          %swap3A_2356 = tpu.vector_load %arg32[%swap3A_2355] {strides = array<i32>} : memref<160xf32, #tpu.memory_space<vmem>>, vector<16xf32>,
          %swap3A_2357 = vector.shape_cast %swap3A_2356 : vector<16xf32> to vector<16xf32>
          %swap3A_2358 = vector.shape_cast %add3A_2266 : vector<16xf32> to vector<16xf32>
          tpu.vector_store %arg32[%swap3A_2355], %swap3A_2358 {strides = array<i32>} : memref<160xf32, #tpu.memory_space<vmem>>, vector<16xf32>,
          %get3A_2359 = arith.constant 8 : index
          %get3A_2360 = tpu.vector_load %arg32[%get3A_2359] {strides = array<i32>} : memref<160xf32, #tpu.memory_space<vmem>>, vector<16xf32>,
          %get3A_2361 = vector.shape_cast %get3A_2360 : vector<16xf32> to vector<16xf32>
          %add3A_2362 = arith.addf %add3A_2266, %get3A_2361 : vector<16xf32>
          %swap3A_2363 = arith.constant 0 : index
          %swap3A_2364 = tpu.vector_load %arg32[%swap3A_2363] {strides = array<i32>} : memref<160xf32, #tpu.memory_space<vmem>>, vector<16xf32>,
          %swap3A_2365 = vector.shape_cast %swap3A_2364 : vector<16xf32> to vector<16xf32>
          %swap3A_2366 = vector.shape_cast %add3A_2362 : vector<16xf32> to vector<16xf32>
          tpu.vector_store %arg32[%swap3A_2363], %swap3A_2366 {strides = array<i32>} : memref<160xf32, #tpu.memory_space<vmem>>, vector<16xf32>,
          %get3A_2367 = arith.constant 4 : index
          %get3A_2368 = tpu.vector_load %arg32[%get3A_2367] {strides = array<i32>} : memref<160xf32, #tpu.memory_space<vmem>>, vector<16xf32>,
          %get3A_2369 = vector.shape_cast %get3A_2368 : vector<16xf32> to vector<16xf32>
          %add3A_2370 = arith.addf %add3A_2362, %get3A_2369 : vector<16xf32>
          %swap3A_2371 = arith.constant 0 : index
          %swap3A_2372 = tpu.vector_load %arg32[%swap3A_2371] {strides = array<i32>} : memref<160xf32, #tpu.memory_space<vmem>>, vector<16xf32>,
          %swap3A_2373 = vector.shape_cast %swap3A_2372 : vector<16xf32> to vector<16xf32>
          %swap3A_2374 = vector.shape_cast %add3A_2370 : vector<16xf32> to vector<16xf32>
          tpu.vector_store %arg32[%swap3A_2371], %swap3A_2374 {strides = array<i32>} : memref<160xf32, #tpu.memory_space<vmem>>, vector<16xf32>,
          %get3A_2375 = arith.constant 2 : index
          %get3A_2376 = tpu.vector_load %arg32[%get3A_2375] {strides = array<i32>} : memref<160xf32, #tpu.memory_space<vmem>>, vector<16xf32>,
          %get3A_2377 = vector.shape_cast %get3A_2376 : vector<16xf32> to vector<16xf32>
          %add3A_2378 = arith.addf %add3A_2370, %get3A_2377 : vector<16xf32>
          %swap3A_2379 = arith.constant 0 : index
          %swap3A_2380 = tpu.vector_load %arg32[%swap3A_2379] {strides = array<i32>} : memref<160xf32, #tpu.memory_space<vmem>>, vector<16xf32>,
          %swap3A_2381 = vector.shape_cast %swap3A_2380 : vector<16xf32> to vector<16xf32>
          %swap3A_2382 = vector.shape_cast %add3A_2378 : vector<16xf32> to vector<16xf32>
          tpu.vector_store %arg32[%swap3A_2379], %swap3A_2382 {strides = array<i32>} : memref<160xf32, #tpu.memory_space<vmem>>, vector<16xf32>,
          %get3A_2383 = arith.constant 1 : index
          %get3A_2384 = tpu.vector_load %arg32[%get3A_2383] {strides = array<i32>} : memref<160xf32, #tpu.memory_space<vmem>>, vector<16xf32>,
          %get3A_2385 = vector.shape_cast %get3A_2384 : vector<16xf32> to vector<16xf32>
          %add3A_2386 = arith.addf %add3A_2378, %get3A_2385 : vector<16xf32>
          %swap3A_2387 = arith.constant 32 : index
          %swap3A_2388 = tpu.vector_load %arg32[%swap3A_2387] {strides = array<i32>} : memref<160xf32, #tpu.memory_space<vmem>>, vector<16xf32>,
          %swap3A_2389 = vector.shape_cast %swap3A_2388 : vector<16xf32> to vector<16xf32>
          %swap3A_2390 = vector.shape_cast %add3A_2288 : vector<16xf32> to vector<16xf32>
          tpu.vector_store %arg32[%swap3A_2387], %swap3A_2390 {strides = array<i32>} : memref<160xf32, #tpu.memory_space<vmem>>, vector<16xf32>,
          %get3A_2391 = arith.constant 40 : index
          %get3A_2392 = tpu.vector_load %arg32[%get3A_2391] {strides = array<i32>} : memref<160xf32, #tpu.memory_space<vmem>>, vector<16xf32>,
          %get3A_2393 = vector.shape_cast %get3A_2392 : vector<16xf32> to vector<16xf32>
          %add3A_2394 = arith.addf %add3A_2288, %get3A_2393 : vector<16xf32>
          %swap3A_2395 = arith.constant 32 : index
          %swap3A_2396 = tpu.vector_load %arg32[%swap3A_2395] {strides = array<i32>} : memref<160xf32, #tpu.memory_space<vmem>>, vector<16xf32>,
          %swap3A_2397 = vector.shape_cast %swap3A_2396 : vector<16xf32> to vector<16xf32>
          %swap3A_2398 = vector.shape_cast %add3A_2394 : vector<16xf32> to vector<16xf32>
          tpu.vector_store %arg32[%swap3A_2395], %swap3A_2398 {strides = array<i32>} : memref<160xf32, #tpu.memory_space<vmem>>, vector<16xf32>,
          %get3A_2399 = arith.constant 36 : index
          %get3A_2400 = tpu.vector_load %arg32[%get3A_2399] {strides = array<i32>} : memref<160xf32, #tpu.memory_space<vmem>>, vector<16xf32>,
          %get3A_2401 = vector.shape_cast %get3A_2400 : vector<16xf32> to vector<16xf32>
          %add3A_2402 = arith.addf %add3A_2394, %get3A_2401 : vector<16xf32>
          %swap3A_2403 = arith.constant 32 : index
          %swap3A_2404 = tpu.vector_load %arg32[%swap3A_2403] {strides = array<i32>} : memref<160xf32, #tpu.memory_space<vmem>>, vector<16xf32>,
          %swap3A_2405 = vector.shape_cast %swap3A_2404 : vector<16xf32> to vector<16xf32>
          %swap3A_2406 = vector.shape_cast %add3A_2402 : vector<16xf32> to vector<16xf32>
          tpu.vector_store %arg32[%swap3A_2403], %swap3A_2406 {strides = array<i32>} : memref<160xf32, #tpu.memory_space<vmem>>, vector<16xf32>,
          %get3A_2407 = arith.constant 34 : index
          %get3A_2408 = tpu.vector_load %arg32[%get3A_2407] {strides = array<i32>} : memref<160xf32, #tpu.memory_space<vmem>>, vector<16xf32>,
          %get3A_2409 = vector.shape_cast %get3A_2408 : vector<16xf32> to vector<16xf32>
          %add3A_2410 = arith.addf %add3A_2402, %get3A_2409 : vector<16xf32>
          %swap3A_2411 = arith.constant 32 : index
          %swap3A_2412 = tpu.vector_load %arg32[%swap3A_2411] {strides = array<i32>} : memref<160xf32, #tpu.memory_space<vmem>>, vector<16xf32>,
          %swap3A_2413 = vector.shape_cast %swap3A_2412 : vector<16xf32> to vector<16xf32>
          %swap3A_2414 = vector.shape_cast %add3A_2410 : vector<16xf32> to vector<16xf32>
          tpu.vector_store %arg32[%swap3A_2411], %swap3A_2414 {strides = array<i32>} : memref<160xf32, #tpu.memory_space<vmem>>, vector<16xf32>,
          %get3A_2415 = arith.constant 33 : index
          %get3A_2416 = tpu.vector_load %arg32[%get3A_2415] {strides = array<i32>} : memref<160xf32, #tpu.memory_space<vmem>>, vector<16xf32>,
          %get3A_2417 = vector.shape_cast %get3A_2416 : vector<16xf32> to vector<16xf32>
          %add3A_2418 = arith.addf %add3A_2410, %get3A_2417 : vector<16xf32>
          %swap3A_2419 = arith.constant 64 : index
          %swap3A_2420 = tpu.vector_load %arg32[%swap3A_2419] {strides = array<i32>} : memref<160xf32, #tpu.memory_space<vmem>>, vector<16xf32>,
          %swap3A_2421 = vector.shape_cast %swap3A_2420 : vector<16xf32> to vector<16xf32>
          %swap3A_2422 = vector.shape_cast %add3A_2310 : vector<16xf32> to vector<16xf32>
          tpu.vector_store %arg32[%swap3A_2419], %swap3A_2422 {strides = array<i32>} : memref<160xf32, #tpu.memory_space<vmem>>, vector<16xf32>,
          %get3A_2423 = arith.constant 72 : index
          %get3A_2424 = tpu.vector_load %arg32[%get3A_2423] {strides = array<i32>} : memref<160xf32, #tpu.memory_space<vmem>>, vector<16xf32>,
          %get3A_2425 = vector.shape_cast %get3A_2424 : vector<16xf32> to vector<16xf32>
          %add3A_2426 = arith.addf %add3A_2310, %get3A_2425 : vector<16xf32>
          %swap3A_2427 = arith.constant 64 : index
          %swap3A_2428 = tpu.vector_load %arg32[%swap3A_2427] {strides = array<i32>} : memref<160xf32, #tpu.memory_space<vmem>>, vector<16xf32>,
          %swap3A_2429 = vector.shape_cast %swap3A_2428 : vector<16xf32> to vector<16xf32>
          %swap3A_2430 = vector.shape_cast %add3A_2426 : vector<16xf32> to vector<16xf32>
          tpu.vector_store %arg32[%swap3A_2427], %swap3A_2430 {strides = array<i32>} : memref<160xf32, #tpu.memory_space<vmem>>, vector<16xf32>,
          %get3A_2431 = arith.constant 68 : index
          %get3A_2432 = tpu.vector_load %arg32[%get3A_2431] {strides = array<i32>} : memref<160xf32, #tpu.memory_space<vmem>>, vector<16xf32>,
          %get3A_2433 = vector.shape_cast %get3A_2432 : vector<16xf32> to vector<16xf32>
          %add3A_2434 = arith.addf %add3A_2426, %get3A_2433 : vector<16xf32>
          %swap3A_2435 = arith.constant 64 : index
          %swap3A_2436 = tpu.vector_load %arg32[%swap3A_2435] {strides = array<i32>} : memref<160xf32, #tpu.memory_space<vmem>>, vector<16xf32>,
          %swap3A_2437 = vector.shape_cast %swap3A_2436 : vector<16xf32> to vector<16xf32>
          %swap3A_2438 = vector.shape_cast %add3A_2434 : vector<16xf32> to vector<16xf32>
          tpu.vector_store %arg32[%swap3A_2435], %swap3A_2438 {strides = array<i32>} : memref<160xf32, #tpu.memory_space<vmem>>, vector<16xf32>,
          %get3A_2439 = arith.constant 66 : index
          %get3A_2440 = tpu.vector_load %arg32[%get3A_2439] {strides = array<i32>} : memref<160xf32, #tpu.memory_space<vmem>>, vector<16xf32>,
          %get3A_2441 = vector.shape_cast %get3A_2440 : vector<16xf32> to vector<16xf32>
          %add3A_2442 = arith.addf %add3A_2434, %get3A_2441 : vector<16xf32>
          %swap3A_2443 = arith.constant 64 : index
          %swap3A_2444 = tpu.vector_load %arg32[%swap3A_2443] {strides = array<i32>} : memref<160xf32, #tpu.memory_space<vmem>>, vector<16xf32>,
          %swap3A_2445 = vector.shape_cast %swap3A_2444 : vector<16xf32> to vector<16xf32>
          %swap3A_2446 = vector.shape_cast %add3A_2442 : vector<16xf32> to vector<16xf32>
          tpu.vector_store %arg32[%swap3A_2443], %swap3A_2446 {strides = array<i32>} : memref<160xf32, #tpu.memory_space<vmem>>, vector<16xf32>,
          %get3A_2447 = arith.constant 65 : index
          %get3A_2448 = tpu.vector_load %arg32[%get3A_2447] {strides = array<i32>} : memref<160xf32, #tpu.memory_space<vmem>>, vector<16xf32>,
          %get3A_2449 = vector.shape_cast %get3A_2448 : vector<16xf32> to vector<16xf32>
          %add3A_2450 = arith.addf %add3A_2442, %get3A_2449 : vector<16xf32>
          %swap3A_2451 = arith.constant 96 : index
          %swap3A_2452 = tpu.vector_load %arg32[%swap3A_2451] {strides = array<i32>} : memref<160xf32, #tpu.memory_space<vmem>>, vector<16xf32>,
          %swap3A_2453 = vector.shape_cast %swap3A_2452 : vector<16xf32> to vector<16xf32>
          %swap3A_2454 = vector.shape_cast %add3A_2332 : vector<16xf32> to vector<16xf32>
          tpu.vector_store %arg32[%swap3A_2451], %swap3A_2454 {strides = array<i32>} : memref<160xf32, #tpu.memory_space<vmem>>, vector<16xf32>,
          %get3A_2455 = arith.constant 104 : index
          %get3A_2456 = tpu.vector_load %arg32[%get3A_2455] {strides = array<i32>} : memref<160xf32, #tpu.memory_space<vmem>>, vector<16xf32>,
          %get3A_2457 = vector.shape_cast %get3A_2456 : vector<16xf32> to vector<16xf32>
          %add3A_2458 = arith.addf %add3A_2332, %get3A_2457 : vector<16xf32>
          %swap3A_2459 = arith.constant 96 : index
          %swap3A_2460 = tpu.vector_load %arg32[%swap3A_2459] {strides = array<i32>} : memref<160xf32, #tpu.memory_space<vmem>>, vector<16xf32>,
          %swap3A_2461 = vector.shape_cast %swap3A_2460 : vector<16xf32> to vector<16xf32>
          %swap3A_2462 = vector.shape_cast %add3A_2458 : vector<16xf32> to vector<16xf32>
          tpu.vector_store %arg32[%swap3A_2459], %swap3A_2462 {strides = array<i32>} : memref<160xf32, #tpu.memory_space<vmem>>, vector<16xf32>,
          %get3A_2463 = arith.constant 100 : index
          %get3A_2464 = tpu.vector_load %arg32[%get3A_2463] {strides = array<i32>} : memref<160xf32, #tpu.memory_space<vmem>>, vector<16xf32>,
          %get3A_2465 = vector.shape_cast %get3A_2464 : vector<16xf32> to vector<16xf32>
          %add3A_2466 = arith.addf %add3A_2458, %get3A_2465 : vector<16xf32>
          %swap3A_2467 = arith.constant 96 : index
          %swap3A_2468 = tpu.vector_load %arg32[%swap3A_2467] {strides = array<i32>} : memref<160xf32, #tpu.memory_space<vmem>>, vector<16xf32>,
          %swap3A_2469 = vector.shape_cast %swap3A_2468 : vector<16xf32> to vector<16xf32>
          %swap3A_2470 = vector.shape_cast %add3A_2466 : vector<16xf32> to vector<16xf32>
          tpu.vector_store %arg32[%swap3A_2467], %swap3A_2470 {strides = array<i32>} : memref<160xf32, #tpu.memory_space<vmem>>, vector<16xf32>,
          %get3A_2471 = arith.constant 98 : index
          %get3A_2472 = tpu.vector_load %arg32[%get3A_2471] {strides = array<i32>} : memref<160xf32, #tpu.memory_space<vmem>>, vector<16xf32>,
          %get3A_2473 = vector.shape_cast %get3A_2472 : vector<16xf32> to vector<16xf32>
          %add3A_2474 = arith.addf %add3A_2466, %get3A_2473 : vector<16xf32>
          %swap3A_2475 = arith.constant 96 : index
          %swap3A_2476 = tpu.vector_load %arg32[%swap3A_2475] {strides = array<i32>} : memref<160xf32, #tpu.memory_space<vmem>>, vector<16xf32>,
          %swap3A_2477 = vector.shape_cast %swap3A_2476 : vector<16xf32> to vector<16xf32>
          %swap3A_2478 = vector.shape_cast %add3A_2474 : vector<16xf32> to vector<16xf32>
          tpu.vector_store %arg32[%swap3A_2475], %swap3A_2478 {strides = array<i32>} : memref<160xf32, #tpu.memory_space<vmem>>, vector<16xf32>,
          %get3A_2479 = arith.constant 97 : index
          %get3A_2480 = tpu.vector_load %arg32[%get3A_2479] {strides = array<i32>} : memref<160xf32, #tpu.memory_space<vmem>>, vector<16xf32>,
          %get3A_2481 = vector.shape_cast %get3A_2480 : vector<16xf32> to vector<16xf32>
          %add3A_2482 = arith.addf %add3A_2474, %get3A_2481 : vector<16xf32>
          %swap3A_2483 = arith.constant 128 : index
          %swap3A_2484 = tpu.vector_load %arg32[%swap3A_2483] {strides = array<i32>} : memref<160xf32, #tpu.memory_space<vmem>>, vector<16xf32>,
          %swap3A_2485 = vector.shape_cast %swap3A_2484 : vector<16xf32> to vector<16xf32>
          %swap3A_2486 = vector.shape_cast %add3A_2354 : vector<16xf32> to vector<16xf32>
          tpu.vector_store %arg32[%swap3A_2483], %swap3A_2486 {strides = array<i32>} : memref<160xf32, #tpu.memory_space<vmem>>, vector<16xf32>,
          %get3A_2487 = arith.constant 136 : index
          %get3A_2488 = tpu.vector_load %arg32[%get3A_2487] {strides = array<i32>} : memref<160xf32, #tpu.memory_space<vmem>>, vector<16xf32>,
          %get3A_2489 = vector.shape_cast %get3A_2488 : vector<16xf32> to vector<16xf32>
          %add3A_2490 = arith.addf %add3A_2354, %get3A_2489 : vector<16xf32>
          %swap3A_2491 = arith.constant 128 : index
          %swap3A_2492 = tpu.vector_load %arg32[%swap3A_2491] {strides = array<i32>} : memref<160xf32, #tpu.memory_space<vmem>>, vector<16xf32>,
          %swap3A_2493 = vector.shape_cast %swap3A_2492 : vector<16xf32> to vector<16xf32>
          %swap3A_2494 = vector.shape_cast %add3A_2490 : vector<16xf32> to vector<16xf32>
          tpu.vector_store %arg32[%swap3A_2491], %swap3A_2494 {strides = array<i32>} : memref<160xf32, #tpu.memory_space<vmem>>, vector<16xf32>,
          %get3A_2495 = arith.constant 132 : index
          %get3A_2496 = tpu.vector_load %arg32[%get3A_2495] {strides = array<i32>} : memref<160xf32, #tpu.memory_space<vmem>>, vector<16xf32>,
          %get3A_2497 = vector.shape_cast %get3A_2496 : vector<16xf32> to vector<16xf32>
          %add3A_2498 = arith.addf %add3A_2490, %get3A_2497 : vector<16xf32>
          %swap3A_2499 = arith.constant 128 : index
          %swap3A_2500 = tpu.vector_load %arg32[%swap3A_2499] {strides = array<i32>} : memref<160xf32, #tpu.memory_space<vmem>>, vector<16xf32>,
          %swap3A_2501 = vector.shape_cast %swap3A_2500 : vector<16xf32> to vector<16xf32>
          %swap3A_2502 = vector.shape_cast %add3A_2498 : vector<16xf32> to vector<16xf32>
          tpu.vector_store %arg32[%swap3A_2499], %swap3A_2502 {strides = array<i32>} : memref<160xf32, #tpu.memory_space<vmem>>, vector<16xf32>,
          %get3A_2503 = arith.constant 130 : index
          %get3A_2504 = tpu.vector_load %arg32[%get3A_2503] {strides = array<i32>} : memref<160xf32, #tpu.memory_space<vmem>>, vector<16xf32>,
          %get3A_2505 = vector.shape_cast %get3A_2504 : vector<16xf32> to vector<16xf32>
          %add3A_2506 = arith.addf %add3A_2498, %get3A_2505 : vector<16xf32>
          %swap3A_2507 = arith.constant 128 : index
          %swap3A_2508 = tpu.vector_load %arg32[%swap3A_2507] {strides = array<i32>} : memref<160xf32, #tpu.memory_space<vmem>>, vector<16xf32>,
          %swap3A_2509 = vector.shape_cast %swap3A_2508 : vector<16xf32> to vector<16xf32>
          %swap3A_2510 = vector.shape_cast %add3A_2506 : vector<16xf32> to vector<16xf32>
          tpu.vector_store %arg32[%swap3A_2507], %swap3A_2510 {strides = array<i32>} : memref<160xf32, #tpu.memory_space<vmem>>, vector<16xf32>,
          %get3A_2511 = arith.constant 129 : index
          %get3A_2512 = tpu.vector_load %arg32[%get3A_2511] {strides = array<i32>} : memref<160xf32, #tpu.memory_space<vmem>>, vector<16xf32>,
          %get3A_2513 = vector.shape_cast %get3A_2512 : vector<16xf32> to vector<16xf32>
          %add3A_2514 = arith.addf %add3A_2506, %get3A_2513 : vector<16xf32>
          %eq3A_2515 = arith.constant 0 : i32
          %eq3A_2516 = vector.broadcast %eq3A_2515 : i32 to vector<16xi32>
          %eq3A_2517 = arith.cmpi eq, %iota3A, %eq3A_2516 : vector<16xi32>
          %jit3A = arith.constant 0.000000e+00 : f32
          %broadcast_in_dim3A_2518 = vector.broadcast %jit3A : f32 to vector<16xf32>
          %select_n3A_2519 = arith.select %eq3A_2517, %add3A_2386, %broadcast_in_dim3A_2518 : vector<16xi1>, vector<16xf32>
          %add3A_2520 = arith.constant 0 : i32
          %add3A_2521 = arith.addi %mul3A_1384, %add3A_2520 : i32
          %swap3A_2522 = arith.index_cast %add3A_769 : i32 to index
          %swap3A_2523 = arith.index_cast %add3A_2521 : i32 to index
          %swap3A_2524 = tpu.vector_load %arg27[%swap3A_2522, %swap3A_2523] {strides = array<i32>} : memref<128x80xf32, #tpu.memory_space<vmem>>, vector<1x16xf32>,
          %swap3A_2525 = vector.shape_cast %swap3A_2524 : vector<1x16xf32> to vector<16xf32>
          %swap3A_2526 = vector.shape_cast %select_n3A_2519 : vector<16xf32> to vector<1x16xf32>
          tpu.vector_store %arg27[%swap3A_2522, %swap3A_2523], %swap3A_2526 {strides = array<i32>} : memref<128x80xf32, #tpu.memory_space<vmem>>, vector<1x16xf32>,
          %eq3A_2527 = arith.constant 0 : i32
          %eq3A_2528 = vector.broadcast %eq3A_2527 : i32 to vector<16xi32>
          %eq3A_2529 = arith.cmpi eq, %iota3A, %eq3A_2528 : vector<16xi32>
          %jit3A_2530 = arith.constant 0.000000e+00 : f32
          %broadcast_in_dim3A_2531 = vector.broadcast %jit3A_2530 : f32 to vector<16xf32>
          %select_n3A_2532 = arith.select %eq3A_2529, %add3A_2418, %broadcast_in_dim3A_2531 : vector<16xi1>, vector<16xf32>
          %add3A_2533 = arith.constant 1 : i32
          %add3A_2534 = arith.addi %mul3A_1384, %add3A_2533 : i32
          %swap3A_2535 = arith.index_cast %add3A_769 : i32 to index
          %swap3A_2536 = arith.index_cast %add3A_2534 : i32 to index
          %swap3A_2537 = tpu.vector_load %arg27[%swap3A_2535, %swap3A_2536] {strides = array<i32>} : memref<128x80xf32, #tpu.memory_space<vmem>>, vector<1x16xf32>,
          %swap3A_2538 = vector.shape_cast %swap3A_2537 : vector<1x16xf32> to vector<16xf32>
          %swap3A_2539 = vector.shape_cast %select_n3A_2532 : vector<16xf32> to vector<1x16xf32>
          tpu.vector_store %arg27[%swap3A_2535, %swap3A_2536], %swap3A_2539 {strides = array<i32>} : memref<128x80xf32, #tpu.memory_space<vmem>>, vector<1x16xf32>,
          %eq3A_2540 = arith.constant 0 : i32
          %eq3A_2541 = vector.broadcast %eq3A_2540 : i32 to vector<16xi32>
          %eq3A_2542 = arith.cmpi eq, %iota3A, %eq3A_2541 : vector<16xi32>
          %jit3A_2543 = arith.constant 0.000000e+00 : f32
          %broadcast_in_dim3A_2544 = vector.broadcast %jit3A_2543 : f32 to vector<16xf32>
          %select_n3A_2545 = arith.select %eq3A_2542, %add3A_2450, %broadcast_in_dim3A_2544 : vector<16xi1>, vector<16xf32>
          %add3A_2546 = arith.constant 2 : i32
          %add3A_2547 = arith.addi %mul3A_1384, %add3A_2546 : i32
          %swap3A_2548 = arith.index_cast %add3A_769 : i32 to index
          %swap3A_2549 = arith.index_cast %add3A_2547 : i32 to index
          %swap3A_2550 = tpu.vector_load %arg27[%swap3A_2548, %swap3A_2549] {strides = array<i32>} : memref<128x80xf32, #tpu.memory_space<vmem>>, vector<1x16xf32>,
          %swap3A_2551 = vector.shape_cast %swap3A_2550 : vector<1x16xf32> to vector<16xf32>
          %swap3A_2552 = vector.shape_cast %select_n3A_2545 : vector<16xf32> to vector<1x16xf32>
          tpu.vector_store %arg27[%swap3A_2548, %swap3A_2549], %swap3A_2552 {strides = array<i32>} : memref<128x80xf32, #tpu.memory_space<vmem>>, vector<1x16xf32>,
          %eq3A_2553 = arith.constant 0 : i32
          %eq3A_2554 = vector.broadcast %eq3A_2553 : i32 to vector<16xi32>
          %eq3A_2555 = arith.cmpi eq, %iota3A, %eq3A_2554 : vector<16xi32>
          %jit3A_2556 = arith.constant 0.000000e+00 : f32
          %broadcast_in_dim3A_2557 = vector.broadcast %jit3A_2556 : f32 to vector<16xf32>
          %select_n3A_2558 = arith.select %eq3A_2555, %add3A_2482, %broadcast_in_dim3A_2557 : vector<16xi1>, vector<16xf32>
          %add3A_2559 = arith.constant 3 : i32
          %add3A_2560 = arith.addi %mul3A_1384, %add3A_2559 : i32
          %swap3A_2561 = arith.index_cast %add3A_769 : i32 to index
          %swap3A_2562 = arith.index_cast %add3A_2560 : i32 to index
          %swap3A_2563 = tpu.vector_load %arg27[%swap3A_2561, %swap3A_2562] {strides = array<i32>} : memref<128x80xf32, #tpu.memory_space<vmem>>, vector<1x16xf32>,
          %swap3A_2564 = vector.shape_cast %swap3A_2563 : vector<1x16xf32> to vector<16xf32>
          %swap3A_2565 = vector.shape_cast %select_n3A_2558 : vector<16xf32> to vector<1x16xf32>
          tpu.vector_store %arg27[%swap3A_2561, %swap3A_2562], %swap3A_2565 {strides = array<i32>} : memref<128x80xf32, #tpu.memory_space<vmem>>, vector<1x16xf32>,
          %eq3A_2566 = arith.constant 0 : i32
          %eq3A_2567 = vector.broadcast %eq3A_2566 : i32 to vector<16xi32>
          %eq3A_2568 = arith.cmpi eq, %iota3A, %eq3A_2567 : vector<16xi32>
          %jit3A_2569 = arith.constant 0.000000e+00 : f32
          %broadcast_in_dim3A_2570 = vector.broadcast %jit3A_2569 : f32 to vector<16xf32>
          %select_n3A_2571 = arith.select %eq3A_2568, %add3A_2514, %broadcast_in_dim3A_2570 : vector<16xi1>, vector<16xf32>
          %add3A_2572 = arith.constant 4 : i32
          %add3A_2573 = arith.addi %mul3A_1384, %add3A_2572 : i32
          %swap3A_2574 = arith.index_cast %add3A_769 : i32 to index
          %swap3A_2575 = arith.index_cast %add3A_2573 : i32 to index
          %swap3A_2576 = tpu.vector_load %arg27[%swap3A_2574, %swap3A_2575] {strides = array<i32>} : memref<128x80xf32, #tpu.memory_space<vmem>>, vector<1x16xf32>,
          %swap3A_2577 = vector.shape_cast %swap3A_2576 : vector<1x16xf32> to vector<16xf32>
          %swap3A_2578 = vector.shape_cast %select_n3A_2571 : vector<16xf32> to vector<1x16xf32>
          tpu.vector_store %arg27[%swap3A_2574, %swap3A_2575], %swap3A_2578 {strides = array<i32>} : memref<128x80xf32, #tpu.memory_space<vmem>>, vector<1x16xf32>,
        }
        %scan3A_1381 = arith.constant 10 : i32
      }
      %scan3A_102 = arith.constant 16 : i32
    }
    %scan3A_48 = arith.constant 4 : i32
    %dma_wait3A = arith.constant 127 : i32
    %dma_wait3A_49 = arith.constant 0 : i32
    %dma_wait3A_50 = tpu.memref_slice %arg18[%dma_wait3A, %dma_wait3A_49] : memref<128x50xi32, #tpu.memory_space<vmem>> -> memref<1x50xi32, #tpu.memory_space<vmem>>
    %dma_wait3A_51 = tpu.memref_squeeze %dma_wait3A_50 : memref<1x50xi32, #tpu.memory_space<vmem>> -> memref<50xi32, #tpu.memory_space<vmem>>
    %dma_wait3A_52 = arith.constant 0 : i32
    %dma_wait3A_53 = arith.constant 0 : i32
    %dma_wait3A_54 = tpu.memref_slice %arg8[%dma_wait3A_52, %dma_wait3A_53] : memref<100000x128xf32, #tpu.memory_space<hbm>> -> memref<100000x128xf32, #tpu.memory_space<hbm>>
    tpu.wait_indirect_dma semaphore(%arg34 : memref<!tpu.dma_semaphore, #tpu.memory_space<semaphore_mem>>) src(%dma_wait3A_54 : memref<100000x128xf32, #tpu.memory_space<hbm>>) dst(%arg23 : memref<50x128xf32, #tpu.memory_space<vmem>>)
    %dma_wait3A_55 = arith.constant 127 : i32
    %dma_wait3A_56 = arith.constant 0 : i32
    %dma_wait3A_57 = tpu.memref_slice %arg18[%dma_wait3A_55, %dma_wait3A_56] : memref<128x50xi32, #tpu.memory_space<vmem>> -> memref<1x50xi32, #tpu.memory_space<vmem>>
    %dma_wait3A_58 = tpu.memref_squeeze %dma_wait3A_57 : memref<1x50xi32, #tpu.memory_space<vmem>> -> memref<50xi32, #tpu.memory_space<vmem>>
    %dma_wait3A_59 = arith.constant 0 : i32
    %dma_wait3A_60 = arith.constant 0 : i32
    %dma_wait3A_61 = tpu.memref_slice %arg9[%dma_wait3A_59, %dma_wait3A_60] : memref<100000x128xf32, #tpu.memory_space<hbm>> -> memref<100000x128xf32, #tpu.memory_space<hbm>>
    tpu.wait_indirect_dma semaphore(%arg35 : memref<!tpu.dma_semaphore, #tpu.memory_space<semaphore_mem>>) src(%dma_wait3A_61 : memref<100000x128xf32, #tpu.memory_space<hbm>>) dst(%arg24 : memref<50x128xf32, #tpu.memory_space<vmem>>)
    "tpu.region"() ({
      %run_scoped3A = tpu.sem_alloc : memref<!tpu.dma_semaphore, #tpu.memory_space<semaphore_mem>>
      %dma_start3A_62 = arith.constant 0 : i32
      %dma_start3A_63 = tpu.memref_slice %arg12[%mul3A_2, %dma_start3A_62] : memref<4096x80xf32, #tpu.memory_space<hbm>> -> memref<128x80xf32, #tpu.memory_space<hbm>>
      %dma_start3A_64 = arith.constant 0 : i32
      %dma_start3A_65 = tpu.memref_slice %arg12[%mul3A_2, %dma_start3A_64] : memref<4096x80xf32, #tpu.memory_space<hbm>> -> memref<128x80xf32, #tpu.memory_space<hbm>>
      tpu.enqueue_dma source(%arg27 : memref<128x80xf32, #tpu.memory_space<vmem>>) target(%dma_start3A_65 : memref<128x80xf32, #tpu.memory_space<hbm>>) target_semaphore(%run_scoped3A : memref<!tpu.dma_semaphore, #tpu.memory_space<semaphore_mem>>)
      %dma_wait3A_66 = arith.constant 0 : i32
      %dma_wait3A_67 = tpu.memref_slice %arg12[%mul3A_2, %dma_wait3A_66] : memref<4096x80xf32, #tpu.memory_space<hbm>> -> memref<128x80xf32, #tpu.memory_space<hbm>>
      %dma_wait3A_68 = arith.constant 0 : i32
      %dma_wait3A_69 = tpu.memref_slice %arg12[%mul3A_2, %dma_wait3A_68] : memref<4096x80xf32, #tpu.memory_space<hbm>> -> memref<128x80xf32, #tpu.memory_space<hbm>>
      tpu.wait_dma2 semaphore(%run_scoped3A : memref<!tpu.dma_semaphore, #tpu.memory_space<semaphore_mem>>) src(%arg27 : memref<128x80xf32, #tpu.memory_space<vmem>>) dst(%dma_wait3A_69 : memref<128x80xf32, #tpu.memory_space<hbm>>)
      tpu.yield
    }) : () -> ()
    return
  }
}

module attributes {stable_mosaic.version = 14 : i64} {
  func.func @_trig_body(%arg0: memref<8x128xf32, #tpu.memory_space<vmem>>, %arg1: memref<8x128xf32, #tpu.memory_space<vmem>>, %arg2: memref<8x128xf32, #tpu.memory_space<vmem>>) attributes {dimension_semantics = [], scalar_prefetch = 0 : i64, scratch_operands = 0 : i64, tpu.core_type = #tpu.core_type<tc>} {
    %get3A = arith.constant 0 : index
    %get3A_0 = arith.constant 0 : index
    %get3A_1 = vector.load %arg0[%get3A, %get3A_0] : memref<8x128xf32, #tpu.memory_space<vmem>>, vector<8x128xf32>
    %cos3A = math.cos %get3A_1 : vector<8x128xf32>
    %swap3A = arith.constant 0 : index
    %swap3A_2 = arith.constant 0 : index
    %swap3A_3 = vector.load %arg1[%swap3A, %swap3A_2] : memref<8x128xf32, #tpu.memory_space<vmem>>, vector<8x128xf32>
    tpu.vector_store %arg1[%swap3A, %swap3A_2], %cos3A {strides = array<i32>} : memref<8x128xf32, #tpu.memory_space<vmem>>, vector<8x128xf32>,
    %sin3A = math.sin %get3A_1 : vector<8x128xf32>
    %swap3A_4 = arith.constant 0 : index
    %swap3A_5 = arith.constant 0 : index
    %swap3A_6 = vector.load %arg2[%swap3A_4, %swap3A_5] : memref<8x128xf32, #tpu.memory_space<vmem>>, vector<8x128xf32>
    tpu.vector_store %arg2[%swap3A_4, %swap3A_5], %sin3A {strides = array<i32>} : memref<8x128xf32, #tpu.memory_space<vmem>>, vector<8x128xf32>,
    return
  }
}

</mosaic_0001>

<sc_bundles>
// kernel: kernel.4.cloned.1.call-start
scs
__scs_entry_jumppad:
0x0: {  	(pc) =	sbr.rel $0x88, $3  }
0x1: {  	(tag) =	ssettag $0x0;
	lr =	simm.s32 $0x1  }
0x2: {  	[smem:$0x3F9A] =	sst lr;
	_ =	strace $0xD0000000  }
0x3: {  	_ = 	snop  }
0x4: {  	_ = 	snop  }
0x5: {  	_ = 	snop  }
0x6: {  	_ = 	snop  }
0x7: {  	_ = 	snop  }
__scs_overlays_trampoline_lowered:
0x8: {  	[smem:$0x3FA9] =	sst s0  }
0x9: {  	[smem:$0x3FAA] =	sst s1  }
0xa: {  	[smem:$0x3FAB] =	sst s2  }
0xb: {  	[smem:$0x3FAC] =	sst s3  }
0xc: {  	[smem:$0x3FAD] =	sst s4  }
0xd: {  	[smem:$0x3FAE] =	sst s5  }
0xe: {  	[smem:$0x3FAF] =	sst s6  }
0xf: {  	[smem:$0x3FB0] =	sst s7  }
0x10: {  	[smem:$0x3FB1] =	sst s8  }
0x11: {  	[smem:$0x3FB2] =	sst s9;
	s0 =	simm.s32 @!p0 $0x0  }
0x12: {  	s1 =	sld [smem:$0x3F98];
	s0 =	simm.s32 @p0 $0x1  }
0x13: {  	[smem:$0x3FB3] =	sst s0;
	s0 =	simm.s32 @!p1 $0x0  }
0x14: {  	s2 =	sld [smem:$0x3F97];
	s0 =	simm.s32 @p1 $0x1  }
0x15: {  	[smem:$0x3FB4] =	sst s0;
	s0 =	simm.s32 @!p2 $0x0  }
0x16: {  	s3 =	sld [smem:$0x3FDB];
	s0 =	simm.s32 @p2 $0x1  }
0x17: {  	s4 =	simm.s32 $0x1BF5;
	[smem:$0x3FB6] =	sst s0  }
0x18: {  	s0 =	sld [smem:$0x3F99];
	_ =	swait.ge [sflag:s4], $0x0  }
0x19: {  	s7 =	sld [smem:$0x3F9A]  }
0x1a: {  	s8 =	sadd.s32 $0xFFFFE003, lr  }
0x1b: {  	s9 =	sadd.s32 $0xFFFFFEF7, lr;
	s5 =	simm.s32 $0xFFFFFFFF;
	p2 =	slt.u32 s8, $0xFFFFF086  }
0x1c: {  	p1 =	slt.u32 s9, $0xF7A;
	s5 =	simm.s32 @!p2 $0x0  }
0x1d: {  	s5 =	simm.s32 @p1 $0x1;
	p0 =	seq.s32 s7, s2  }
0x1e: {  	s7 =	smul.u32 @!p0 $0xF7A, s2;
	p2 =	seq.s32 @!p0 s5, $0x0  }
0x1f: {  	s9 =	smul.u32 $0xF7A, s1;
	s8 =	simm.s32 @!p0 $0x1BF5;
	p2 =	por !p2, p0  }
0x20: {  	[sflag:s8] =	ssyncset.s32 @!p0 $0xFFFFF086;
	s6 =	sadd.s32 @!p0 s3, s7;
	s7 =	simm.s32 @!p0 $0x108  }
0x21: {  	s3 =	sadd.s32 s3, s9;
	s6 =	sadd.s32 @!p0 $0x88, s6;
	s7 =	simm.s32 @p2 $0x1082  }
0x22: {  	[simem:s7], [sflag:s8] =	dma.local @!p0 [hbm:s6], $0xF7A  }
0x23: {  	s9 =	sor.u32 $0xD0000000, s2;
	s6 =	simm.s32 $0x108;
	_ =	swait.ge @!p0 [sflag:s8], $0x0  }
0x24: {  	s3 =	sadd.s32 $0x88, s3;
	s6 =	simm.s32 @!p1 $0x1082;
	[sflag:s4] =	ssyncset.s32 $0xFFFFF086  }
0x25: {  	[simem:s6], [sflag:s4] =	dma.local [hbm:s3], $0xF7A  }
0x26: {  	[smem:$0x3F9A] =	sst s1;
	(tag) =	ssettag s2;
	_ =	strace s9  }
0x27: {  	s1 =	sld [smem:$0x3FAA]  }
0x28: {  	s2 =	sld [smem:$0x3FAB]  }
0x29: {  	s4 =	sld [smem:$0x3FAD]  }
0x2a: {  	p0 =	seq.s32 s5, $0x0;
	s5 =	sld [smem:$0x3FAE]  }
0x2b: {  	s6 =	sld [smem:$0x3FAF]  }
0x2c: {  	s7 =	sld [smem:$0x3FB0]  }
0x2d: {  	s3 =	simm.s32 $0x108;
	s8 =	sld [smem:$0x3FB1]  }
0x2e: {  	s3 =	simm.s32 @!p0 $0x1082;
	s9 =	sld [smem:$0x3FB2]  }
0x2f: {  	lr =	sadd.s32 s0, s3;
	s0 =	sld [smem:$0x3FA9]  }
0x30: {  	s3 =	sld [smem:$0x3FAC]  }
0x31: {  	[smem:$0x3FB5] =	sst s10  }
0x32: {  	s10 =	sld [smem:$0x3FB3];
	_ =	sdelay $0x3  }
0x33: {  	p0 =	seq.s32 s10, $0x1;
	s10 =	sld [smem:$0x3FB5];
	_ =	sdelay $0x3  }
0x34: {  	[smem:$0x3FB5] =	sst s10  }
0x35: {  	s10 =	sld [smem:$0x3FB4];
	_ =	sdelay $0x3  }
0x36: {  	p1 =	seq.s32 s10, $0x1;
	s10 =	sld [smem:$0x3FB5];
	_ =	sdelay $0x3  }
0x37: {  	[smem:$0x3FB5] =	sst s10  }
0x38: {  	s10 =	sld [smem:$0x3FB6]  }
0x39: {  	_ = 	snop;
	(pc) =	sbr.ind lr, $3  }
0x3a: {  	_ = 	snop  }
0x3b: {  	_ = 	snop  }
0x3c: {  	p2 =	seq.s32 s10, $0x1;
	s10 =	sld [smem:$0x3FB5]  }
0x3d: {  	_ =	shalt  }
0x3e: {  	_ =	shalt  }
0x3f: {  	_ =	shalt  }
0x40: {  	_ =	shalt  }
0x41: {  	_ =	shalt  }
0x42: {  	_ =	shalt  }
0x43: {  	_ =	shalt  }
0x44: {  	_ =	shalt  }
0x45: {  	_ =	shalt  }
0x46: {  	_ =	shalt  }
0x47: {  	_ =	shalt  }
0x48: {  	_ =	shalt  }
0x49: {  	_ =	shalt  }
0x4a: {  	_ =	shalt  }
0x4b: {  	_ =	shalt  }
0x4c: {  	_ =	shalt  }
0x4d: {  	_ =	shalt  }
0x4e: {  	_ =	shalt  }
0x4f: {  	_ =	shalt  }
0x50: {  	_ =	shalt  }
0x51: {  	_ =	shalt  }
0x52: {  	_ =	shalt  }
0x53: {  	_ =	shalt  }
0x54: {  	_ =	shalt  }
0x55: {  	_ =	shalt  }
0x56: {  	_ =	shalt  }
0x57: {  	_ =	shalt  }
0x58: {  	_ =	shalt  }
0x59: {  	_ =	shalt  }
0x5a: {  	_ =	shalt  }
0x5b: {  	_ =	shalt  }
0x5c: {  	_ =	shalt  }
0x5d: {  	_ =	shalt  }
0x5e: {  	_ =	shalt  }
0x5f: {  	_ =	shalt  }
0x60: {  	_ =	shalt  }
0x61: {  	_ =	shalt  }
0x62: {  	_ =	shalt  }
0x63: {  	_ =	shalt  }
0x64: {  	_ =	shalt  }
0x65: {  	_ =	shalt  }
0x66: {  	_ =	shalt  }
0x67: {  	_ =	shalt  }
0x68: {  	_ =	shalt  }
0x69: {  	_ =	shalt  }
0x6a: {  	_ =	shalt  }
0x6b: {  	_ =	shalt  }
0x6c: {  	_ =	shalt  }
0x6d: {  	_ =	shalt  }
0x6e: {  	_ =	shalt  }
0x6f: {  	_ =	shalt  }
0x70: {  	_ =	shalt  }
0x71: {  	_ =	shalt  }
0x72: {  	_ =	shalt  }
0x73: {  	_ =	shalt  }
0x74: {  	_ =	shalt  }
0x75: {  	_ =	shalt  }
0x76: {  	_ =	shalt  }
0x77: {  	_ =	shalt  }
0x78: {  	_ =	shalt  }
0x79: {  	_ =	shalt  }
0x7a: {  	_ =	shalt  }
0x7b: {  	_ =	shalt  }
0x7c: {  	_ =	shalt  }
0x7d: {  	_ =	shalt  }
0x7e: {  	_ =	shalt  }
0x7f: {  	_ =	shalt  }
0x80: {  	_ =	shalt  }
0x81: {  	_ =	shalt  }
0x82: {  	_ =	shalt  }
0x83: {  	_ =	shalt  }
0x84: {  	_ =	shalt  }
0x85: {  	_ =	shalt  }
0x86: {  	_ =	shalt  }
0x87: {  	_ =	shalt  }
.Lfunc_end0:
.L_simem_size_0:
called_computation_lowered:
.L_overlay_start_0:
0x88: {  	s2 =	sld [smem:$0x3FD9]  }
0x89: {  	s3 =	sld [smem:$0x3FFE];
	_ =	sdelay $0x1  }
0x8a: {  	s1 =	srdreg.scid  }
0x8b: {  	s0 =	sand.u32 $0x1, s1  }
0x8c: {  	s17 =	sshll.u32 s0, $0xA;
	s2 =	sadd.s32 s3, s2  }
0x8d: {  	s2 =	sadd.s32 s2, s17  }
0x8e: {  	[smem:$0x3FC1] =	sst s2  }
0x8f: {  	_ = 	snop  }
0x90: {  	s2 =	sld [smem:$0x3FC7]  }
0x91: {  	s18 =	sld [smem:$0x3FC6]  }
0x92: {  	s4 =	sld [smem:$0x3FC5]  }
0x93: {  	s5 =	sld [smem:$0x3FC4]  }
0x94: {  	s6 =	sld [smem:$0x3FD0];
	(tm) =	ssettm $0x1  }
0x95: {  	s7 =	sld [smem:$0x3FFB];
	_ =	sdelay $0x3  }
0x96: {  	_ =	strace s7  }
0x97: {  	s7 =	sld [smem:$0x3FFC];
	_ =	sdelay $0x3  }
0x98: {  	_ =	strace s7  }
0x99: {  	s7 =	sld [smem:$0x3FFD];
	_ =	sdelay $0x3  }
0x9a: {  	_ =	strace s7  }
0x9b: {  	_ =	strace $0x8FFFFFFF  }
0x9c: {  	s19 =	sld [smem:$0x3FDB];
	_ =	sdelay $0x1  }
0x9d: {  	s8 =	simm.s32 $_scs_section_size  }
0x9e: {  	s9 =	simm.s32 $_size__tile_overlayer_lowered;
	s10 =	simm.s32 $_tile_overlayer_lowered  }
0x9f: {  	s22 =	simm.s32 $0x1BFF;
	s21 =	sshll.u32 s10, $0x1;
	s7 =	sadd.s32 s8, s19  }
0xa0: {  	s11 =	simm.s32 $0x0;
	s20 =	sshll.u32 s9, $0x1;
	s9 =	sadd.s32 s21, s7  }
0xa1: {  	[timem:s11], [sflag:s22] =	dma.local [hbm:s9], s20  }
0xa2: {  	_ =	swait.ge [sflag:s22], s20  }
0xa3: {  	s8 =	ssub.s32 $0x0, s20;
	[sflag:s22] =	ssyncset.done $0x0  }
0xa4: {  	[sflag:s22] =	ssyncadd.s32 s8;
	_ =	sdelay $0x1  }
0xa5: {  	s23 =	simm.s32 $0x1B8B  }
0xa6: {  	_ =	swait.ge [sflag:s23], $0x1  }
0xa7: {  	[sflag:s23] =	ssyncset.done $0x0  }
0xa8: {  	s25 =	simm.s32 $0x1B8E;
	s24 =	sld [smem:$0x3FFE];
	[sflag:s23] =	ssyncadd.s32 $0xFFFFFFFF  }
0xa9: {  	s26 =	simm.s32 $execute0_lowered;
	[smem:$0x3FD2] =	sst s25  }
0xaa: {  	s9 =	sshll.u32 s26, $0x1;
	_ =	strace $0x80000046;
	[dreg:$0x1] =	wrdreg $0xFFFFFFFF  }
0xab: {  	s28 =	simm.s32 $_size_execute0_lowered;
	s7 =	sadd.s32 s7, s9;
	[dreg:$0x0] =	wrdreg $0x0  }
0xac: {  	s9 =	sshll.u32 s28, $0x1;
	[dreg:$0x2] =	wrdreg s7  }
0xad: {  	[dreg:$0x3] =	wrdreg s9  }
0xae: {  	[dreg:$0x4] =	wrdreg $0xC0  }
0xaf: {  	_ =	task [dreg:s11], $0x5FFFF  }
0xb0: {  	[dreg:$0x1] =	wrdreg $0xFFFFFFFF  }
0xb1: {  	[dreg:$0x0] =	wrdreg $0x60  }
0xb2: {  	[dreg:$0x2] =	wrdreg s24  }
0xb3: {  	[dreg:$0x3] =	wrdreg s6  }
0xb4: {  	[dreg:$0x4] =	wrdreg s2  }
0xb5: {  	[dreg:$0x5] =	wrdreg s18  }
0xb6: {  	[dreg:$0x6] =	wrdreg s4  }
0xb7: {  	[dreg:$0x7] =	wrdreg s5  }
0xb8: {  	[dreg:$0x8] =	wrdreg $0x9  }
0xb9: {  	_ =	task.clear_ibuf [dreg:s11], $0x9FFFF;
	_ =	strace $0x90000046  }
0xba: {  	s29 =	simm.s32 $0x9;
	_ =	strace $0x80000048  }
0xbb: {  	_ =	swait.ge [sflag:s29], $0x1  }
0xbc: {  	[sflag:s29] =	ssyncadd.s32 $0xFFFFFFFF  }
0xbd: {  	_ =	strace $0x90000048  }
0xbe: {  	_ =	sfence  }
0xbf: {  	s30 =	sld [smem:$0x0];
	_ =	sdelay $0x2  }
0xc0: {  	s31 =	sshll.u32 s1, $0xD;
	s1 =	sshrl.u32 s1, $0x2  }
0xc1: {  	s3 =	sand.u32 $0x4000, s31;
	s1 =	sadd.s32 s1, s30  }
0xc2: {  	s0 =	sor.u32 s3, s0;
	s1 =	sshll.u32 s1, $0x11  }
0xc3: {  	s0 =	sor.u32 s1, s0  }
0xc4: {  	s0 =	sadd.s32 $0x8F2B, s0  }
0xc5: {  	[sflag:s0] =	ssyncadd.remote.s32 $0x1  }
0xc6: {  	_ =	sfence.sel $0xFFFF  }
0xc7: {  	[dreg:$0x0] =	wrdreg $0xFFFFFFFF;
	(pc) =	sbr.abs _section_cstart, $3  }
0xc8: {  	[dreg:$0x1] =	wrdreg $0xFFFFFFFF  }
0xc9: {  	_ =	task.clear_ibuf [dreg:s11], $0x2FFFF;
	_ =	strace $0x9FFFFFFF  }
0xca: {  	(tm) =	ssettm $0x7FFFFFFF  }
0xcb: {  	_ =	shalt  }
tec
execute0_lowered:
.L_overlay_start_1:
0x0: {  	(tag) =	ssettag $0x1  }
0x1: {  	s0 =	rddreg [dreg:$0x0]  }
0x2: {  	s3 =	rddreg [dreg:$0x1]  }
0x3: {  	s1 =	rddreg [dreg:$0x2]  }
0x4: {  	s2 =	rddreg [dreg:$0x3];
	s4 =	srdreg.scid  }
0x5: {  	s9 =	simm.s32 $0x0;
	s5 =	stileid.u32;
	s4 =	sand.u32 $0x1, s4  }
0x6: {  	[smem:$0x7FF] =	sst s9;
	s5 =	sshll.u32 s5, $0x8;
	s7 =	sadd.s32 $0xC00, s0  }
0x7: {  	s24 =	sadd.s32 $0xE00, s0;
	s6 =	sshll.u32 s4, $0x7;
	_ =	strace $0x80000047  }
0x8: {  	[dreg:$0x7] =	wrdreg s7;
	s4 =	ssub.s32 $0x2, s4;
	s5 =	sor.u32 s6, s5  }
0x9: {  	[dreg:$0x8] =	wrdreg s24;
	s8 =	sshrl.u32 s4, $0x1;
	s25 =	sshrl.u32 s5, $0x3  }
0xa: {  	s5 =	sshll.u32 s5, $0x4;
	s4 =	ssub.s32 s4, s8;
	s3 =	sadd.s32 s3, s25  }
0xb: {  	s26 =	sadd.s32 s25, s0;
	s31 =	smax.u32 s4, $0x1;
	[dreg:$0xa] =	wrdreg s3  }
0xc: {  	s0 =	sadd.s32 s5, s0;
	s28 =	sadd.s32 $0x1000, s26;
	[dreg:$0xe] =	wrdreg s31  }
0xd: {  	s21 =	simm.s32 $0x32;
	s29 =	sadd.s32 $0x11200, s0;
	[dreg:$0x9] =	wrdreg s28  }
0xe: {  	s6 =	simm.s32 $0x0;
	s30 =	sadd.s32 $0x1200, s0;
	[dreg:$0xb] =	wrdreg s29  }
0xf: {  	s5 =	simm.s32 $0x6;
	s0 =	sadd.s32 $0x21200, s0;
	[dreg:$0xc] =	wrdreg s30  }
0x10: {  	v0 =	vimm.f32 $0.0e+00;
	vm0 =	vmmov $0x1;
	s4 =	simm.s32 $0x5;
	[dreg:$0xd] =	wrdreg s0;
	s0 =	simm.s32 $0x11D00  }
.LBB2_1:
0x11: {  	[dreg:$0xf] =	wrdreg s6  }
0x12: {  	s3 =	rddreg [dreg:$0x7]  }
0x13: {  	[tilespmem:s9], [sflag:$0x6] =	stream.linear.gather [hbm4b:s3+s9], $0x400, $0x38;
	[tilespmem:$0x17C00] =	vst v63  }
0x14: {  	_ =	swait.ge [sflag:s5], $0x400  }
0x15: {  	[sflag:s5] =	ssyncset.done $0x0  }
0x16: {  	s19 =	simm.s32 $0x400;
	s18 =	rddreg [dreg:$0x8];
	[sflag:s5] =	ssyncadd.s32 $0xFFFFFC00  }
0x17: {  	[tilespmem:s19], [sflag:$0x6] =	stream.linear.gather [hbm4b:s18+s9], $0x400, $0x38;
	[tilespmem:$0x17C00] =	vst v63  }
0x18: {  	_ =	swait.ge [sflag:s5], $0x400  }
0x19: {  	[sflag:s5] =	ssyncset.done $0x0  }
0x1a: {  	s22 =	simm.s32 $0x800;
	s20 =	rddreg [dreg:$0x9];
	[sflag:s5] =	ssyncadd.s32 $0xFFFFFC00  }
0x1b: {  	[tilespmem:s22], [sflag:$0x6] =	stream.linear.gather [hbm4b:s20+s9], $0x80, $0x38;
	[tilespmem:$0x17C00] =	vst v63  }
0x1c: {  	_ =	swait.ge [sflag:s5], $0x80  }
0x1d: {  	[sflag:s5] =	ssyncset.done $0x0  }
0x1e: {  	s24 =	simm.s32 $0x880;
	s23 =	rddreg [dreg:$0xa];
	[sflag:s5] =	ssyncadd.s32 $0xFFFFFF80  }
0x1f: {  	[tilespmem:s24], [sflag:$0x6] =	stream.linear.gather [hbm4b:s23+s9], $0x80, $0x38;
	[tilespmem:$0x17C00] =	vst v63  }
0x20: {  	_ =	swait.ge [sflag:s5], $0x80  }
0x21: {  	[sflag:s5] =	ssyncset.done $0x0  }
0x22: {  	s26 =	simm.s32 $0x900;
	s25 =	rddreg [dreg:$0xb];
	[sflag:s5] =	ssyncadd.s32 $0xFFFFFF80  }
0x23: {  	[tilespmem:s26], [sflag:$0x6] =	stream.linear.gather [hbm4b:s25+s9], $0x4000, $0x38;
	[tilespmem:$0x17C00] =	vst v63  }
0x24: {  	_ =	swait.ge [sflag:s5], $0x4000  }
0x25: {  	[sflag:s5] =	ssyncset.done $0x0  }
0x26: {  	s29 =	simm.s32 $0x4900;
	s28 =	rddreg [dreg:$0xc];
	[sflag:s5] =	ssyncadd.s32 $0xFFFFC000  }
0x27: {  	[tilespmem:s29], [sflag:$0x6] =	stream.linear.gather [hbm4b:s28+s9], $0x4000, $0x38;
	[tilespmem:$0x17C00] =	vst v63  }
0x28: {  	_ =	swait.ge [sflag:s5], $0x4000  }
0x29: {  	[sflag:s5] =	ssyncset.done $0x0  }
0x2a: {  	[sflag:s5] =	ssyncadd.s32 $0xFFFFC000  }
0x2b: {  	[tilespmem:$0x17B10] =	vst v0  }
0x2c: {  	[tilespmem:$0x17B30] =	vst v0  }
0x2d: {  	s30 =	simm.s32 $0xC900;
	s31 =	simm.s32 $0xE500;
	s15 =	simm.s32 $0x13902;
	[tilespmem:$0x17B50] =	vst v0  }
0x2e: {  	s10 =	simm.s32 $0x13981;
	s11 =	simm.s32 $0x13982;
	s12 =	simm.s32 $0x13983;
	[tilespmem:$0x17B70] =	vst v0  }
0x2f: {  	s13 =	simm.s32 $0x13984;
	s14 =	simm.s32 $0x13900;
	s3 =	simm.s32 $0x0;
	[tilespmem:$0x17B90] =	vst v0  }
0x30: {  	[tilespmem:s30], [sflag:$0x2] =	stream.indirect.gather [hbm4b:s1+s21], $0x80, s29, s21, $0xb8;
	[tilespmem:$0x17C00] =	vst v63  }
0x31: {  	s18 =	simm.s32 $0x13901;
	s19 =	simm.s32 $0x13903;
	s9 =	simm.s32 $0x13904  }
0x32: {  	[tilespmem:s31], [sflag:$0x3] =	stream.indirect.gather [hbm4b:s2+s21], $0x80, s29, s21, $0xb8;
	[tilespmem:$0x17C00] =	vst v63  }
.LBB2_2:
0x33: {  	[dreg:$0x19] =	wrdreg s3;
	s16 =	sshll.u32 s3, $0x5;
	s6 =	simm.s32 $0x20  }
0x34: {  	s5 =	simm.s32 $0x8900;
	s7 =	simm.s32 $0x1;
	s3 =	sadd.s32 $0x800, s16  }
0x35: {  	[tilespmem:s5], [sflag:$0x1] =	stream.indirect.gather [hbm4b:s1+s6], $0x80, s3, s6, $0xb8;
	[tilespmem:$0x17C00] =	vst v63  }
0x36: {  	_ =	swait.ge [sflag:s7], $0x1000  }
0x37: {  	[sflag:s7] =	ssyncset.done $0x0  }
0x38: {  	s26 =	simm.s32 $0x9900;
	[sflag:s7] =	ssyncadd.s32 $0xFFFFF000  }
0x39: {  	[tilespmem:s26], [sflag:$0x1] =	stream.indirect.gather [hbm4b:s2+s6], $0x80, s3, s6, $0xb8;
	[tilespmem:$0x17C00] =	vst v63  }
0x3a: {  	_ =	swait.ge [sflag:s7], $0x1000  }
0x3b: {  	[sflag:s7] =	ssyncset.done $0x0  }
0x3c: {  	[sflag:s7] =	ssyncadd.s32 $0xFFFFF000  }
0x3d: {  	s8 =	simm.s32 $0xA900;
	s28 =	sadd.s32 $0x880, s16;
	s29 =	rddreg [dreg:$0x4]  }
0x3e: {  	[tilespmem:s8], [sflag:$0x1] =	stream.indirect.gather [hbm4b:s29+s6], $0x80, s28, s6, $0xb8;
	[tilespmem:$0x17C00] =	vst v63  }
0x3f: {  	_ =	swait.ge [sflag:s7], $0x1000  }
0x40: {  	[sflag:s7] =	ssyncset.done $0x0  }
0x41: {  	[sflag:s7] =	ssyncadd.s32 $0xFFFFF000  }
0x42: {  	s31 =	simm.s32 $0xB900;
	s30 =	rddreg [dreg:$0x5]  }
0x43: {  	[tilespmem:s31], [sflag:$0x1] =	stream.indirect.gather [hbm4b:s30+s6], $0x80, s28, s6, $0xb8;
	[tilespmem:$0x17C00] =	vst v63  }
0x44: {  	_ =	swait.ge [sflag:s7], $0x1000;
	[dreg:$0x17] =	wrdreg s13  }
0x45: {  	[dreg:$0x16] =	wrdreg s12  }
0x46: {  	[dreg:$0x15] =	wrdreg s11  }
0x47: {  	[dreg:$0x14] =	wrdreg s10  }
0x48: {  	[dreg:$0x18] =	wrdreg s14  }
0x49: {  	[dreg:$0x13] =	wrdreg s9  }
0x4a: {  	s17 =	simm.s32 $0x0;
	[dreg:$0x12] =	wrdreg s19  }
0x4b: {  	s8 =	smov.u32 s19;
	[dreg:$0x11] =	wrdreg s15;
	[sflag:s7] =	ssyncset.done $0x0  }
0x4c: {  	[dreg:$0x10] =	wrdreg s18;
	[sflag:s7] =	ssyncadd.s32 $0xFFFFF000;
	s7 =	smov.u32 s15  }
.LBB2_3:
0x4d: {  	s3 =	sshll.u32 s17, $0x1  }
0x4e: {  	s26 =	sadd.s32 s16, s3  }
0x4f: {  	s3 =	sshll.u32 s26, $0x7  }
0x50: {  	s5 =	simm.s32 $0x10100;
	s6 =	sadd.s32 $0x4980, s3  }
0x51: {  	[tilespmem:s5], [sflag:$0x4] =	stream.indirect.gather [hbm4b:s1+s21], $0x80, s6, s21, $0xb8;
	[tilespmem:$0x17C00] =	vst v63  }
0x52: {  	s30 =	simm.s32 $0x2  }
0x53: {  	[tilespmem:s0], [sflag:$0x5] =	stream.indirect.gather [hbm4b:s2+s21], $0x80, s6, s21, $0xb8;
	[tilespmem:$0x17C00] =	vst v63  }
0x54: {  	_ =	swait.ge [sflag:s30], $0x1900  }
0x55: {  	[sflag:s30] =	ssyncset.done $0x0  }
0x56: {  	s29 =	simm.s32 $0x3;
	[sflag:s30] =	ssyncadd.s32 $0xFFFFE700  }
0x57: {  	_ =	swait.ge [sflag:s29], $0x1900  }
0x58: {  	[sflag:s29] =	ssyncset.done $0x0  }
0x59: {  	[sflag:s29] =	ssyncadd.s32 $0xFFFFE700  }
0x5a: {  	v1 =	vld [tilespmem:s3+$0x900]  }
0x5b: {  	v2 =	vld [tilespmem:$0x0]  }
0x5c: {  	v3 =	vld [tilespmem:$0x80]  }
0x5d: {  	v4 =	vld [tilespmem:$0x100]  }
0x5e: {  	v5 =	vld [tilespmem:$0x400]  }
0x5f: {  	v6 =	vld [tilespmem:$0x480]  }
0x60: {  	s24 =	sshll.u32 s17, $0x8;
	v7 =	vld [tilespmem:$0x500]  }
0x61: {  	v8 =	vld [tilespmem:s24+$0x8900]  }
0x62: {  	v9 =	vld [tilespmem:s24+$0x9900];
	_ =	sdelay $0x1  }
0x63: {  	vm2 =	veq.s32 v1, $0x1  }
0x64: {  	vm1 =	veq.s32 v1, $0x0;
	v1 =	vsel vm2, v3, v4;
	v3 =	vsel vm2, v6, v7  }
0x65: {  	v1 =	vsel vm1, v2, v1;
	v2 =	vsel vm1, v5, v3;
	v3 =	vld [tilespmem:s24+$0xA900]  }
0x66: {  	v57 =	vmul.f32 v8, v1;
	v5 =	vmul.f32 v2, v9;
	_ =	sdelay $0x1  }
0x67: {  	v4 =	vsub.f32 v57, v5;
	_ =	sdelay $0x1  }
0x68: {  	v3 =	vadd.f32 v4, v3;
	_ =	sdelay $0x1  }
0x69: {  	[tilespmem:$0x17900] =	vst v3  }
0x6a: {  	v3 =	vld [tilespmem:s24+$0xB900]  }
0x6b: {  	v58 =	vmul.f32 v2, v8;
	v59 =	vmul.f32 v9, v1  }
0x6c: {  	v60 =	vld [tilespmem:$0x10]  }
0x6d: {  	v61 =	vld [tilespmem:$0x90];
	v4 =	vadd.f32 v59, v58  }
0x6e: {  	v62 =	vld [tilespmem:$0x110]  }
0x6f: {  	[tilespmem:$0x17A00] =	vst v1;
	v1 =	vld [tilespmem:$0x490];
	v3 =	vadd.f32 v3, v4  }
0x70: {  	[tilespmem:$0x17A80] =	vst v2;
	v2 =	vld [tilespmem:$0x510]  }
0x71: {  	[tilespmem:$0x17980] =	vst v3;
	v3 =	vld [tilespmem:$0x410]  }
0x72: {  	v63 =	vld [tilespmem:s24+$0x8910]  }
0x73: {  	v12 =	vld [tilespmem:s24+$0x9910];
	_ =	sdelay $0x2  }
0x74: {  	v4 =	vsel vm2, v61, v62;
	v1 =	vsel vm2, v1, v2  }
0x75: {  	v2 =	vsel vm1, v60, v4;
	v1 =	vsel vm1, v3, v1;
	v3 =	vld [tilespmem:s24+$0xA910]  }
0x76: {  	v4 =	vmul.f32 v63, v2;
	v13 =	vmul.f32 v1, v12;
	_ =	sdelay $0x1  }
0x77: {  	v4 =	vsub.f32 v4, v13;
	_ =	sdelay $0x1  }
0x78: {  	v3 =	vadd.f32 v4, v3;
	_ =	sdelay $0x1  }
0x79: {  	[tilespmem:$0x17910] =	vst v3  }
0x7a: {  	v3 =	vld [tilespmem:s24+$0xB910]  }
0x7b: {  	v14 =	vmul.f32 v1, v63;
	v15 =	vmul.f32 v12, v2  }
0x7c: {  	v16 =	vld [tilespmem:$0x20]  }
0x7d: {  	v17 =	vld [tilespmem:$0xA0];
	v4 =	vadd.f32 v15, v14  }
0x7e: {  	v18 =	vld [tilespmem:$0x120]  }
0x7f: {  	[tilespmem:$0x17A10] =	vst v2;
	v2 =	vld [tilespmem:$0x4A0];
	v3 =	vadd.f32 v3, v4  }
0x80: {  	[tilespmem:$0x17A90] =	vst v1;
	v1 =	vld [tilespmem:$0x520]  }
0x81: {  	[tilespmem:$0x17990] =	vst v3;
	v3 =	vld [tilespmem:$0x420]  }
0x82: {  	v19 =	vld [tilespmem:s24+$0x8920]  }
0x83: {  	v20 =	vld [tilespmem:s24+$0x9920];
	_ =	sdelay $0x2  }
0x84: {  	v4 =	vsel vm2, v17, v18;
	v1 =	vsel vm2, v2, v1  }
0x85: {  	v2 =	vsel vm1, v16, v4;
	v1 =	vsel vm1, v3, v1;
	v3 =	vld [tilespmem:s24+$0xA920]  }
0x86: {  	v4 =	vmul.f32 v19, v2;
	v21 =	vmul.f32 v1, v20;
	_ =	sdelay $0x1  }
0x87: {  	v4 =	vsub.f32 v4, v21;
	_ =	sdelay $0x1  }
0x88: {  	v3 =	vadd.f32 v4, v3;
	_ =	sdelay $0x1  }
0x89: {  	[tilespmem:$0x17920] =	vst v3  }
0x8a: {  	v3 =	vld [tilespmem:s24+$0xB920]  }
0x8b: {  	v22 =	vmul.f32 v1, v19;
	v23 =	vmul.f32 v20, v2  }
0x8c: {  	v24 =	vld [tilespmem:$0x30]  }
0x8d: {  	v25 =	vld [tilespmem:$0xB0];
	v4 =	vadd.f32 v23, v22  }
0x8e: {  	v26 =	vld [tilespmem:$0x130]  }
0x8f: {  	[tilespmem:$0x17A20] =	vst v2;
	v2 =	vld [tilespmem:$0x4B0];
	v3 =	vadd.f32 v3, v4  }
0x90: {  	[tilespmem:$0x17AA0] =	vst v1;
	v1 =	vld [tilespmem:$0x530]  }
0x91: {  	[tilespmem:$0x179A0] =	vst v3;
	v3 =	vld [tilespmem:$0x430]  }
0x92: {  	v27 =	vld [tilespmem:s24+$0x8930]  }
0x93: {  	v28 =	vld [tilespmem:s24+$0x9930];
	_ =	sdelay $0x2  }
0x94: {  	v4 =	vsel vm2, v25, v26;
	v1 =	vsel vm2, v2, v1  }
0x95: {  	v2 =	vsel vm1, v24, v4;
	v1 =	vsel vm1, v3, v1;
	v3 =	vld [tilespmem:s24+$0xA930]  }
0x96: {  	v4 =	vmul.f32 v27, v2;
	v29 =	vmul.f32 v1, v28;
	_ =	sdelay $0x1  }
0x97: {  	v4 =	vsub.f32 v4, v29;
	_ =	sdelay $0x1  }
0x98: {  	v3 =	vadd.f32 v4, v3;
	_ =	sdelay $0x1  }
0x99: {  	[tilespmem:$0x17930] =	vst v3  }
0x9a: {  	v3 =	vld [tilespmem:s24+$0xB930]  }
0x9b: {  	v30 =	vmul.f32 v1, v27;
	v31 =	vmul.f32 v28, v2  }
0x9c: {  	v32 =	vld [tilespmem:$0x40]  }
0x9d: {  	v33 =	vld [tilespmem:$0xC0];
	v4 =	vadd.f32 v31, v30  }
0x9e: {  	v34 =	vld [tilespmem:$0x140]  }
0x9f: {  	[tilespmem:$0x17A30] =	vst v2;
	v2 =	vld [tilespmem:$0x4C0];
	v3 =	vadd.f32 v3, v4  }
0xa0: {  	[tilespmem:$0x17AB0] =	vst v1;
	v1 =	vld [tilespmem:$0x540]  }
0xa1: {  	[tilespmem:$0x179B0] =	vst v3;
	v3 =	vld [tilespmem:$0x440]  }
0xa2: {  	v35 =	vld [tilespmem:s24+$0x8940]  }
0xa3: {  	v36 =	vld [tilespmem:s24+$0x9940];
	_ =	sdelay $0x2  }
0xa4: {  	v4 =	vsel vm2, v33, v34;
	v1 =	vsel vm2, v2, v1  }
0xa5: {  	v2 =	vsel vm1, v32, v4;
	v1 =	vsel vm1, v3, v1;
	v3 =	vld [tilespmem:s24+$0xA940]  }
0xa6: {  	v4 =	vmul.f32 v35, v2;
	v37 =	vmul.f32 v1, v36;
	_ =	sdelay $0x1  }
0xa7: {  	v4 =	vsub.f32 v4, v37;
	_ =	sdelay $0x1  }
0xa8: {  	v3 =	vadd.f32 v4, v3;
	_ =	sdelay $0x1  }
0xa9: {  	[tilespmem:$0x17940] =	vst v3  }
0xaa: {  	v3 =	vld [tilespmem:s24+$0xB940]  }
0xab: {  	v38 =	vmul.f32 v1, v35;
	v39 =	vmul.f32 v36, v2  }
0xac: {  	v40 =	vld [tilespmem:$0x50]  }
0xad: {  	v41 =	vld [tilespmem:$0xD0];
	v4 =	vadd.f32 v39, v38  }
0xae: {  	v42 =	vld [tilespmem:$0x150]  }
0xaf: {  	[tilespmem:$0x17A40] =	vst v2;
	v2 =	vld [tilespmem:$0x4D0];
	v3 =	vadd.f32 v3, v4  }
0xb0: {  	[tilespmem:$0x17AC0] =	vst v1;
	v1 =	vld [tilespmem:$0x550]  }
0xb1: {  	[tilespmem:$0x179C0] =	vst v3;
	v3 =	vld [tilespmem:$0x450]  }
0xb2: {  	v43 =	vld [tilespmem:s24+$0x8950]  }
0xb3: {  	v44 =	vld [tilespmem:s24+$0x9950];
	_ =	sdelay $0x2  }
0xb4: {  	v4 =	vsel vm2, v41, v42;
	v1 =	vsel vm2, v2, v1  }
0xb5: {  	v2 =	vsel vm1, v40, v4;
	v1 =	vsel vm1, v3, v1;
	v3 =	vld [tilespmem:s24+$0xA950]  }
0xb6: {  	v4 =	vmul.f32 v43, v2;
	v45 =	vmul.f32 v1, v44;
	_ =	sdelay $0x1  }
0xb7: {  	v4 =	vsub.f32 v4, v45;
	_ =	sdelay $0x1  }
0xb8: {  	v3 =	vadd.f32 v4, v3;
	_ =	sdelay $0x1  }
0xb9: {  	[tilespmem:$0x17950] =	vst v3  }
0xba: {  	v3 =	vld [tilespmem:s24+$0xB950]  }
0xbb: {  	v46 =	vmul.f32 v1, v43;
	v47 =	vmul.f32 v44, v2  }
0xbc: {  	v48 =	vld [tilespmem:$0x60]  }
0xbd: {  	v49 =	vld [tilespmem:$0xE0];
	v4 =	vadd.f32 v47, v46  }
0xbe: {  	v50 =	vld [tilespmem:$0x160]  }
0xbf: {  	[tilespmem:$0x17A50] =	vst v2;
	v2 =	vld [tilespmem:$0x4E0];
	v3 =	vadd.f32 v3, v4  }
0xc0: {  	[tilespmem:$0x17AD0] =	vst v1;
	v1 =	vld [tilespmem:$0x560]  }
0xc1: {  	[tilespmem:$0x179D0] =	vst v3;
	v3 =	vld [tilespmem:$0x460]  }
0xc2: {  	v51 =	vld [tilespmem:s24+$0x8960]  }
0xc3: {  	v52 =	vld [tilespmem:s24+$0x9960];
	_ =	sdelay $0x2  }
0xc4: {  	v4 =	vsel vm2, v49, v50;
	v1 =	vsel vm2, v2, v1  }
0xc5: {  	v2 =	vsel vm1, v48, v4;
	v1 =	vsel vm1, v3, v1;
	v3 =	vld [tilespmem:s24+$0xA960]  }
0xc6: {  	v4 =	vmul.f32 v51, v2;
	v53 =	vmul.f32 v1, v52;
	_ =	sdelay $0x1  }
0xc7: {  	v4 =	vsub.f32 v4, v53;
	_ =	sdelay $0x1  }
0xc8: {  	v3 =	vadd.f32 v4, v3;
	_ =	sdelay $0x1  }
0xc9: {  	[tilespmem:$0x17960] =	vst v3  }
0xca: {  	v3 =	vld [tilespmem:s24+$0xB960]  }
0xcb: {  	v54 =	vmul.f32 v1, v51;
	v55 =	vmul.f32 v52, v2  }
0xcc: {  	v56 =	vld [tilespmem:$0x70]  }
0xcd: {  	v57 =	vld [tilespmem:$0xF0];
	v4 =	vadd.f32 v55, v54  }
0xce: {  	v58 =	vld [tilespmem:$0x170]  }
0xcf: {  	[tilespmem:$0x17A60] =	vst v2;
	v2 =	vld [tilespmem:$0x4F0];
	v3 =	vadd.f32 v3, v4  }
0xd0: {  	[tilespmem:$0x17AE0] =	vst v1;
	v1 =	vld [tilespmem:$0x570]  }
0xd1: {  	[tilespmem:$0x179E0] =	vst v3;
	v3 =	vld [tilespmem:$0x470]  }
0xd2: {  	v59 =	vld [tilespmem:s24+$0x8970]  }
0xd3: {  	v60 =	vld [tilespmem:s24+$0x9970];
	_ =	sdelay $0x2  }
0xd4: {  	v4 =	vsel vm2, v57, v58;
	v1 =	vsel vm2, v2, v1  }
0xd5: {  	v2 =	vsel vm1, v56, v4;
	v1 =	vsel vm1, v3, v1;
	v3 =	vld [tilespmem:s24+$0xA970]  }
0xd6: {  	v4 =	vmul.f32 v59, v2;
	v61 =	vmul.f32 v1, v60;
	_ =	sdelay $0x1  }
0xd7: {  	v4 =	vsub.f32 v4, v61;
	_ =	sdelay $0x1  }
0xd8: {  	v3 =	vadd.f32 v4, v3;
	_ =	sdelay $0x1  }
0xd9: {  	[tilespmem:$0x17970] =	vst v3  }
0xda: {  	v3 =	vld [tilespmem:s24+$0xB970]  }
0xdb: {  	v62 =	vmul.f32 v1, v59;
	v63 =	vmul.f32 v60, v2;
	_ =	sdelay $0x1  }
0xdc: {  	v4 =	vadd.f32 v63, v62;
	_ =	sdelay $0x1  }
0xdd: {  	[tilespmem:$0x17A70] =	vst v2;
	v3 =	vadd.f32 v3, v4  }
0xde: {  	s25 =	simm.s32 $0x4;
	s15 =	simm.s32 $0xCA40;
	s19 =	simm.s32 $0xE640;
	[tilespmem:$0x17AF0] =	vst v1  }
0xdf: {  	s28 =	sor.u32 $0x80, s3;
	s6 =	simm.s32 $0x0;
	s3 =	simm.s32 $0x1;
	v1 =	vmov s14;
	[tilespmem:$0x179F0] =	vst v3  }
.LBB2_4:
0xe0: {  	v2 =	vld [tilespmem:$0x17A00]  }
0xe1: {  	v3 =	vld [tilespmem:$0x17A80]  }
0xe2: {  	v4 =	vld [tilespmem:s15+$0xFFFFFEC0]  }
0xe3: {  	v5 =	vld [tilespmem:s19+$0xFFFFFEC0]  }
0xe4: {  	v8 =	vld [tilespmem:s15+$0xFFFFFF40]  }
0xe5: {  	v11 =	vld [tilespmem:s19+$0xFFFFFF40]  }
0xe6: {  	v53 =	vld [tilespmem:s15+$0xFFFFFFC0]  }
0xe7: {  	v54 =	vld [tilespmem:s19+$0xFFFFFFC0]  }
0xe8: {  	v14 =	vld [tilespmem:s15+$0x40]  }
0xe9: {  	v15 =	vld [tilespmem:s19+$0x40]  }
0xea: {  	v58 =	vld [tilespmem:s15+$0xC0]  }
0xeb: {  	v17 =	vld [tilespmem:s19+$0xC0]  }
0xec: {  	v62 =	vld [tilespmem:$0x17A10];
	v9 =	vmul.f32 v4, v2;
	v10 =	vmul.f32 v5, v3  }
0xed: {  	v63 =	vld [tilespmem:$0x17A90];
	v4 =	vmul.f32 v4, v3;
	v5 =	vmul.f32 v5, v2  }
0xee: {  	v24 =	vld [tilespmem:s15+$0xFFFFFED0];
	v12 =	vmul.f32 v8, v2;
	v13 =	vmul.f32 v11, v3  }
0xef: {  	v18 =	vld [tilespmem:s19+$0xFFFFFED0];
	v8 =	vmul.f32 v8, v3;
	v11 =	vmul.f32 v11, v2  }
0xf0: {  	v19 =	vld [tilespmem:s15+$0xFFFFFF50];
	v56 =	vmul.f32 v53, v2;
	v57 =	vmul.f32 v54, v3  }
0xf1: {  	v26 =	vld [tilespmem:s19+$0xFFFFFF50];
	v59 =	vmul.f32 v14, v2;
	v16 =	vmul.f32 v15, v3  }
0xf2: {  	v35 =	vld [tilespmem:s15+$0xFFFFFFD0];
	v60 =	vmul.f32 v14, v3;
	v61 =	vmul.f32 v15, v2  }
0xf3: {  	v36 =	vld [tilespmem:s19+$0xFFFFFFD0];
	v27 =	vmul.f32 v58, v2;
	v20 =	vmul.f32 v17, v3  }
0xf4: {  	v37 =	vld [tilespmem:s15+$0x50];
	v30 =	vmul.f32 v24, v62;
	v31 =	vmul.f32 v18, v63  }
0xf5: {  	v39 =	vld [tilespmem:s15+$0xD0];
	v14 =	vmul.f32 v24, v63;
	v18 =	vmul.f32 v18, v62  }
0xf6: {  	v41 =	vld [tilespmem:s19+$0xD0];
	v32 =	vmul.f32 v19, v62;
	v33 =	vmul.f32 v26, v63  }
0xf7: {  	v38 =	vld [tilespmem:s19+$0x50];
	v34 =	vmul.f32 v19, v63;
	v42 =	vmul.f32 v35, v62  }
0xf8: {  	v6 =	vld [tilespmem:$0x17900];
	v43 =	vmul.f32 v36, v63;
	v44 =	vmul.f32 v35, v63  }
0xf9: {  	v7 =	vld [tilespmem:$0x17980];
	v45 =	vmul.f32 v36, v62;
	v46 =	vmul.f32 v37, v62;
	v9 =	vsub.f32 v9, v10  }
0xfa: {  	v50 =	vmul.f32 v39, v62;
	v4 =	vadd.f32 v5, v4;
	v12 =	vsub.f32 v12, v13  }
0xfb: {  	v51 =	vmul.f32 v41, v63;
	v8 =	vadd.f32 v11, v8;
	v11 =	vsub.f32 v56, v57  }
0xfc: {  	v47 =	vmul.f32 v38, v63;
	v28 =	vsub.f32 v27, v20;
	v13 =	vsub.f32 v30, v31  }
0xfd: {  	v29 =	vld [tilespmem:$0x17910];
	v10 =	vmul.f32 v54, v2;
	v14 =	vadd.f32 v18, v14;
	v54 =	vsub.f32 v50, v51  }
0xfe: {  	v5 =	vmul.f32 v53, v3;
	v9 =	vsub.f32 v6, v9;
	v4 =	vadd.f32 v4, v7  }
0xff: {  	v3 =	vmul.f32 v58, v3;
	v55 =	vsub.f32 v6, v12;
	v8 =	vadd.f32 v8, v7  }
0x100: {  	v52 =	vld [tilespmem:$0x17A20];
	v2 =	vmul.f32 v17, v2;
	v5 =	vadd.f32 v10, v5;
	v11 =	vsub.f32 v6, v11  }
0x101: {  	v48 =	vmul.f32 v37, v63;
	v53 =	vld [tilespmem:$0x17AA0];
	v12 =	vsub.f32 v59, v16;
	v10 =	vadd.f32 v61, v60  }
0x102: {  	v49 =	vmul.f32 v38, v62;
	v56 =	vld [tilespmem:s19+$0xFFFFFEE0];
	v2 =	vadd.f32 v2, v3;
	v13 =	vsub.f32 v29, v13  }
0x103: {  	v9 =	vand.u32 $0x7FFFFFFF, v9;
	v4 =	vand.u32 $0x7FFFFFFF, v4;
	v5 =	vadd.f32 v5, v7  }
0x104: {  	v57 =	vld [tilespmem:s15+$0xFFFFFF60];
	v8 =	vand.u32 $0x7FFFFFFF, v8;
	v12 =	vsub.f32 v6, v12;
	v10 =	vadd.f32 v10, v7  }
0x105: {  	v3 =	vld [tilespmem:$0x17990];
	v11 =	vand.u32 $0x7FFFFFFF, v11;
	v6 =	vsub.f32 v6, v28;
	v2 =	vadd.f32 v2, v7  }
0x106: {  	v59 =	vld [tilespmem:s19+$0xFFFFFF60];
	v13 =	vand.u32 $0x7FFFFFFF, v13;
	v4 =	vadd.f32 v4, v9;
	v9 =	vand.u32 $0x7FFFFFFF, v55  }
0x107: {  	v61 =	vld [tilespmem:s15+$0xFFFFFFE0];
	v23 =	vmul.f32 v56, v53;
	v24 =	vmul.f32 v56, v52;
	v5 =	vand.u32 $0x7FFFFFFF, v5  }
0x108: {  	v8 =	vadd.f32 v8, v9;
	v25 =	vand.u32 $0x7FFFFFFF, v12;
	v10 =	vand.u32 $0x7FFFFFFF, v10  }
0x109: {  	v6 =	vand.u32 $0x7FFFFFFF, v6;
	v2 =	vand.u32 $0x7FFFFFFF, v2;
	v12 =	vsub.f32 v29, v54  }
0x10a: {  	v30 =	vld [tilespmem:s19+$0x60];
	v5 =	vadd.f32 v5, v11;
	v9 =	vadd.f32 v10, v25;
	v11 =	vmul.f32 v26, v62  }
0x10b: {  	v55 =	vld [tilespmem:s15+$0xFFFFFEE0];
	v10 =	vsub.f32 v32, v33;
	v14 =	vadd.f32 v14, v3;
	v25 =	vmul.f32 v57, v52  }
0x10c: {  	v21 =	vld [tilespmem:$0x17920];
	v2 =	vadd.f32 v2, v6;
	v26 =	vmul.f32 v59, v53;
	v27 =	vmul.f32 v61, v52  }
0x10d: {  	v19 =	vld [tilespmem:$0x17A30];
	v60 =	vand.u32 $0x7FFFFFFF, v12;
	v12 =	vmul.f32 v61, v53;
	v7 =	vadd.f32 v11, v34  }
0x10e: {  	v35 =	vld [tilespmem:s15+$0xFFFFFEF0];
	v10 =	vsub.f32 v29, v10;
	v14 =	vand.u32 $0x7FFFFFFF, v14;
	v11 =	vadd.f32 v49, v48  }
0x10f: {  	v31 =	vld [tilespmem:s15+$0xE0];
	v17 =	vsub.f32 v25, v26;
	v13 =	vadd.f32 v14, v13;
	v14 =	vmul.f32 v39, v63  }
0x110: {  	v32 =	vld [tilespmem:s19+$0xE0];
	v22 =	vmul.f32 v55, v52;
	v39 =	vmul.f32 v30, v53;
	v7 =	vadd.f32 v7, v3  }
0x111: {  	v48 =	vld [tilespmem:s15+$0xFFFFFF70];
	v10 =	vand.u32 $0x7FFFFFFF, v10;
	v11 =	vadd.f32 v11, v3;
	v17 =	vsub.f32 v21, v17  }
0x112: {  	v37 =	vld [tilespmem:s19+$0xFFFFFEF0];
	v4 =	vadd.f32 v13, v4;
	v13 =	vsub.f32 v46, v47;
	v7 =	vand.u32 $0x7FFFFFFF, v7  }
0x113: {  	v50 =	vld [tilespmem:s15+$0xFFFFFFF0];
	v11 =	vand.u32 $0x7FFFFFFF, v11;
	v33 =	vand.u32 $0x7FFFFFFF, v17;
	v40 =	vadd.f32 v7, v10  }
0x114: {  	v49 =	vld [tilespmem:s19+$0xFFFFFF70];
	v10 =	vsub.f32 v42, v43;
	v7 =	vmul.f32 v41, v62;
	v41 =	vmul.f32 v31, v52  }
0x115: {  	v17 =	vld [tilespmem:$0x17AB0];
	v13 =	vsub.f32 v29, v13;
	v42 =	vmul.f32 v32, v53;
	v43 =	vmul.f32 v32, v52  }
0x116: {  	v62 =	vld [tilespmem:s19+$0xFFFFFFE0];
	v56 =	vmul.f32 v48, v19;
	v6 =	vadd.f32 v40, v8;
	v8 =	vadd.f32 v45, v44  }
0x117: {  	v7 =	vadd.f32 v7, v14;
	v58 =	vand.u32 $0x7FFFFFFF, v13;
	v13 =	vmul.f32 v59, v52  }
0x118: {  	v10 =	vsub.f32 v29, v10;
	v45 =	vmul.f32 v35, v19;
	v59 =	vmul.f32 v50, v19  }
0x119: {  	v63 =	vld [tilespmem:$0x179A0];
	v8 =	vadd.f32 v8, v3;
	v3 =	vadd.f32 v7, v3;
	v7 =	vmul.f32 v57, v53  }
0x11a: {  	v29 =	vld [tilespmem:s15+$0x60];
	v10 =	vand.u32 $0x7FFFFFFF, v10;
	v46 =	vmul.f32 v37, v17;
	v57 =	vmul.f32 v49, v17  }
0x11b: {  	v28 =	vmul.f32 v62, v53;
	v8 =	vand.u32 $0x7FFFFFFF, v8;
	v7 =	vadd.f32 v13, v7  }
0x11c: {  	v3 =	vand.u32 $0x7FFFFFFF, v3;
	v47 =	vsub.f32 v45, v46;
	v8 =	vadd.f32 v8, v10  }
0x11d: {  	v54 =	vld [tilespmem:s15+$0x70];
	v61 =	vmul.f32 v50, v17;
	v10 =	vadd.f32 v11, v58;
	v3 =	vadd.f32 v3, v60  }
0x11e: {  	v13 =	vmul.f32 v30, v52;
	v11 =	vsub.f32 v22, v23;
	v14 =	vsub.f32 v27, v28  }
0x11f: {  	v38 =	vmul.f32 v29, v52;
	v40 =	vmul.f32 v29, v53;
	v7 =	vadd.f32 v7, v63  }
0x120: {  	v58 =	vmul.f32 v48, v17;
	v28 =	vld [tilespmem:$0x17AC0];
	v5 =	vadd.f32 v8, v5;
	v9 =	vadd.f32 v10, v9  }
0x121: {  	v29 =	vld [tilespmem:s15+$0xFFFFFF00];
	v2 =	vadd.f32 v3, v2;
	v3 =	vmul.f32 v55, v53;
	v8 =	vmul.f32 v62, v52  }
0x122: {  	v25 =	vld [tilespmem:s19+$0xF0];
	v11 =	vsub.f32 v21, v11;
	v14 =	vsub.f32 v21, v14;
	v62 =	vmul.f32 v54, v19  }
0x123: {  	v52 =	vld [tilespmem:s19+$0xFFFFFFF0];
	v7 =	vand.u32 $0x7FFFFFFF, v7;
	v3 =	vadd.f32 v24, v3;
	v8 =	vadd.f32 v8, v12  }
0x124: {  	v11 =	vand.u32 $0x7FFFFFFF, v11;
	v7 =	vadd.f32 v7, v33;
	v34 =	vand.u32 $0x7FFFFFFF, v14  }
0x125: {  	v12 =	vmul.f32 v31, v53;
	v14 =	vmul.f32 v35, v17;
	v3 =	vadd.f32 v3, v63  }
0x126: {  	v24 =	vld [tilespmem:s15+$0xF0];
	v20 =	vmul.f32 v29, v28;
	v8 =	vadd.f32 v8, v63;
	v6 =	vadd.f32 v7, v6  }
0x127: {  	v27 =	vld [tilespmem:$0x17A40];
	v7 =	vsub.f32 v38, v39;
	v12 =	vadd.f32 v43, v12;
	v38 =	vmul.f32 v25, v17  }
0x128: {  	v32 =	vld [tilespmem:s19+$0xFFFFFF00];
	v60 =	vmul.f32 v52, v17;
	v3 =	vand.u32 $0x7FFFFFFF, v3;
	v8 =	vand.u32 $0x7FFFFFFF, v8  }
0x129: {  	v44 =	vld [tilespmem:$0x17930];
	v7 =	vsub.f32 v21, v7;
	v10 =	vadd.f32 v12, v63;
	v12 =	vmul.f32 v49, v19  }
0x12a: {  	v3 =	vadd.f32 v3, v11;
	v36 =	vadd.f32 v8, v34;
	v8 =	vmul.f32 v37, v19  }
0x12b: {  	v55 =	vld [tilespmem:s19+$0x70];
	v11 =	vsub.f32 v41, v42;
	v37 =	vmul.f32 v24, v19;
	v39 =	vmul.f32 v24, v17  }
0x12c: {  	v16 =	vld [tilespmem:$0x179B0];
	v41 =	vmul.f32 v29, v27;
	v3 =	vadd.f32 v3, v4;
	v4 =	vadd.f32 v36, v5  }
0x12d: {  	v42 =	vmul.f32 v32, v28;
	v5 =	vadd.f32 v13, v40;
	v8 =	vadd.f32 v8, v14  }
0x12e: {  	v7 =	vand.u32 $0x7FFFFFFF, v7;
	v11 =	vsub.f32 v21, v11;
	v13 =	vsub.f32 v44, v47  }
0x12f: {  	v49 =	vld [tilespmem:s15+$0x80];
	v10 =	vand.u32 $0x7FFFFFFF, v10;
	v46 =	vsub.f32 v41, v42;
	v5 =	vadd.f32 v5, v63  }
0x130: {  	v36 =	vld [tilespmem:s19+$0xFFFFFF80];
	v51 =	vand.u32 $0x7FFFFFFF, v11;
	v11 =	vmul.f32 v52, v19;
	v63 =	vmul.f32 v55, v17  }
0x131: {  	v48 =	vld [tilespmem:s19+$0x0];
	v8 =	vadd.f32 v8, v16;
	v53 =	vand.u32 $0x7FFFFFFF, v13;
	v13 =	vmul.f32 v54, v17  }
0x132: {  	v5 =	vand.u32 $0x7FFFFFFF, v5;
	v11 =	vadd.f32 v11, v61;
	v26 =	vsub.f32 v62, v63  }
0x133: {  	v8 =	vand.u32 $0x7FFFFFFF, v8;
	v5 =	vadd.f32 v5, v7;
	v7 =	vadd.f32 v10, v51  }
0x134: {  	v47 =	vld [tilespmem:s15+$0x0];
	v62 =	vmul.f32 v49, v28;
	v8 =	vadd.f32 v8, v53;
	v10 =	vsub.f32 v59, v60  }
0x135: {  	v45 =	vmul.f32 v36, v28;
	v11 =	vadd.f32 v11, v16;
	v14 =	vsub.f32 v44, v26  }
0x136: {  	v59 =	vmul.f32 v48, v27;
	v5 =	vadd.f32 v5, v9;
	v2 =	vadd.f32 v7, v2  }
0x137: {  	v60 =	vmul.f32 v49, v27;
	v3 =	vadd.f32 v8, v3;
	v7 =	vsub.f32 v56, v57  }
0x138: {  	v8 =	vadd.f32 v12, v58;
	v9 =	vmul.f32 v55, v19;
	v12 =	vmul.f32 v25, v19  }
0x139: {  	v43 =	vld [tilespmem:$0x179C0];
	v10 =	vsub.f32 v44, v10;
	v56 =	vmul.f32 v47, v27;
	v57 =	vmul.f32 v48, v28  }
0x13a: {  	v34 =	vld [tilespmem:s15+$0xFFFFFF80];
	v58 =	vmul.f32 v47, v28;
	v31 =	vand.u32 $0x7FFFFFFF, v11;
	v9 =	vadd.f32 v9, v13  }
0x13b: {  	v51 =	vld [tilespmem:s19+$0x80];
	v11 =	vmul.f32 v32, v27;
	v7 =	vsub.f32 v44, v7;
	v8 =	vadd.f32 v8, v16  }
0x13c: {  	v33 =	vand.u32 $0x7FFFFFFF, v14;
	v30 =	vand.u32 $0x7FFFFFFF, v10;
	v9 =	vadd.f32 v9, v16  }
0x13d: {  	v11 =	vadd.f32 v11, v20;
	v7 =	vand.u32 $0x7FFFFFFF, v7;
	v8 =	vand.u32 $0x7FFFFFFF, v8  }
0x13e: {  	v53 =	vld [tilespmem:s15+$0x100];
	v7 =	vadd.f32 v8, v7;
	v8 =	vadd.f32 v31, v30;
	v9 =	vand.u32 $0x7FFFFFFF, v9  }
0x13f: {  	v40 =	vld [tilespmem:$0x17940];
	v14 =	vmul.f32 v34, v28;
	v11 =	vadd.f32 v11, v43;
	v35 =	vadd.f32 v9, v33  }
0x140: {  	v61 =	vmul.f32 v51, v28;
	v4 =	vadd.f32 v8, v4;
	v8 =	vsub.f32 v37, v38  }
0x141: {  	v29 =	vld [tilespmem:s15+$0xFFFFFF10];
	v6 =	vadd.f32 v7, v6;
	v7 =	vadd.f32 v12, v39;
	v9 =	vmul.f32 v36, v27  }
0x142: {  	v55 =	vld [tilespmem:s19+$0x100];
	v5 =	vadd.f32 v35, v5;
	v8 =	vsub.f32 v44, v8;
	v44 =	vmul.f32 v34, v27  }
0x143: {  	v26 =	vld [tilespmem:$0x17A50];
	v63 =	vmul.f32 v53, v27;
	v7 =	vadd.f32 v7, v16;
	v9 =	vadd.f32 v9, v14  }
0x144: {  	v30 =	vld [tilespmem:s19+$0xFFFFFF10];
	v11 =	vand.u32 $0x7FFFFFFF, v11;
	v16 =	vsub.f32 v40, v46;
	v15 =	vsub.f32 v44, v45  }
0x145: {  	v47 =	vld [tilespmem:s15+$0x90];
	v8 =	vand.u32 $0x7FFFFFFF, v8;
	v7 =	vand.u32 $0x7FFFFFFF, v7;
	v9 =	vadd.f32 v9, v43  }
0x146: {  	v35 =	vld [tilespmem:s15+$0x10];
	v50 =	vand.u32 $0x7FFFFFFF, v16;
	v16 =	vmul.f32 v51, v27;
	v7 =	vadd.f32 v7, v8  }
0x147: {  	v24 =	vmul.f32 v55, v28;
	v8 =	vadd.f32 v11, v50;
	v11 =	vsub.f32 v60, v61  }
0x148: {  	v49 =	vld [tilespmem:s15+$0x110];
	v39 =	vmul.f32 v29, v26;
	v15 =	vsub.f32 v40, v15;
	v14 =	vadd.f32 v16, v62  }
0x149: {  	v19 =	vld [tilespmem:$0x17A60];
	v42 =	vmul.f32 v30, v26;
	v2 =	vadd.f32 v7, v2;
	v3 =	vadd.f32 v8, v3  }
0x14a: {  	v34 =	vld [tilespmem:s19+$0xFFFFFF90];
	v9 =	vand.u32 $0x7FFFFFFF, v9;
	v8 =	vsub.f32 v56, v57;
	v7 =	vadd.f32 v59, v58  }
0x14b: {  	v50 =	vld [tilespmem:s19+$0x110];
	v11 =	vsub.f32 v40, v11;
	v45 =	vmul.f32 v35, v26;
	v56 =	vmul.f32 v47, v26  }
0x14c: {  	v31 =	vld [tilespmem:s15+$0xFFFFFF90];
	v52 =	vand.u32 $0x7FFFFFFF, v15;
	v15 =	vmul.f32 v53, v28;
	v28 =	vsub.f32 v63, v24  }
0x14d: {  	v59 =	vmul.f32 v49, v26;
	v14 =	vadd.f32 v14, v43;
	v53 =	vld [tilespmem:s15+$0xFFFFFF20];
	v54 =	vadd.f32 v9, v52  }
0x14e: {  	v24 =	vld [tilespmem:s15+$0xFFFFFFA0];
	v8 =	vsub.f32 v40, v8;
	v7 =	vadd.f32 v7, v43;
	v9 =	vmul.f32 v55, v27  }
0x14f: {  	v27 =	vld [tilespmem:$0x17AD0];
	v32 =	vand.u32 $0x7FFFFFFF, v11;
	v10 =	vsub.f32 v40, v28;
	v33 =	vand.u32 $0x7FFFFFFF, v14  }
0x150: {  	v14 =	vmul.f32 v34, v26;
	v13 =	vmul.f32 v50, v26;
	v6 =	vadd.f32 v54, v6  }
0x151: {  	v37 =	vld [tilespmem:s19+$0x10];
	v9 =	vadd.f32 v9, v15;
	v8 =	vand.u32 $0x7FFFFFFF, v8;
	v7 =	vand.u32 $0x7FFFFFFF, v7  }
0x152: {  	v7 =	vadd.f32 v7, v8;
	v8 =	vadd.f32 v33, v32;
	v10 =	vand.u32 $0x7FFFFFFF, v10  }
0x153: {  	v48 =	vld [tilespmem:s19+$0x90];
	v9 =	vadd.f32 v9, v43;
	v43 =	vmul.f32 v31, v26;
	v62 =	vmul.f32 v53, v19  }
0x154: {  	v33 =	vmul.f32 v24, v19;
	v4 =	vadd.f32 v7, v4;
	v40 =	vmul.f32 v30, v27  }
0x155: {  	v25 =	vld [tilespmem:$0x17950];
	v5 =	vadd.f32 v8, v5;
	v41 =	vmul.f32 v29, v27;
	v44 =	vmul.f32 v34, v27  }
0x156: {  	v38 =	vld [tilespmem:$0x179D0];
	v12 =	vmul.f32 v31, v27;
	v46 =	vmul.f32 v37, v27;
	v9 =	vand.u32 $0x7FFFFFFF, v9  }
0x157: {  	v11 =	vmul.f32 v35, v27;
	v36 =	vadd.f32 v9, v10;
	v10 =	vsub.f32 v39, v40  }
0x158: {  	v57 =	vmul.f32 v48, v27;
	v30 =	vld [tilespmem:s15+$0xA0];
	v7 =	vadd.f32 v42, v41;
	v17 =	vsub.f32 v43, v44  }
0x159: {  	v9 =	vmul.f32 v37, v26;
	v12 =	vadd.f32 v14, v12;
	v15 =	vsub.f32 v45, v46  }
0x15a: {  	v58 =	vmul.f32 v47, v27;
	v2 =	vadd.f32 v36, v2;
	v10 =	vsub.f32 v25, v10  }
0x15b: {  	v55 =	vld [tilespmem:s19+$0xFFFFFF20];
	v60 =	vmul.f32 v50, v27;
	v7 =	vadd.f32 v7, v38;
	v9 =	vadd.f32 v9, v11  }
0x15c: {  	v14 =	vmul.f32 v48, v26;
	v26 =	vld [tilespmem:s15+$0x20];
	v17 =	vsub.f32 v25, v17;
	v12 =	vadd.f32 v12, v38  }
0x15d: {  	v45 =	vld [tilespmem:$0x17AF0];
	v15 =	vsub.f32 v25, v15;
	v11 =	vmul.f32 v49, v27;
	v39 =	vmul.f32 v30, v19  }
0x15e: {  	v46 =	vld [tilespmem:s15+$0xFFFFFF30];
	v10 =	vand.u32 $0x7FFFFFFF, v10;
	v7 =	vand.u32 $0x7FFFFFFF, v7;
	v9 =	vadd.f32 v9, v38  }
0x15f: {  	v44 =	vld [tilespmem:$0x17A70];
	v51 =	vand.u32 $0x7FFFFFFF, v17;
	v12 =	vand.u32 $0x7FFFFFFF, v12;
	v11 =	vadd.f32 v13, v11  }
0x160: {  	v49 =	vld [tilespmem:s19+$0xFFFFFF30];
	v52 =	vand.u32 $0x7FFFFFFF, v15;
	v7 =	vadd.f32 v7, v10;
	v10 =	vadd.f32 v12, v51  }
0x161: {  	v17 =	vld [tilespmem:$0x17AE0];
	v12 =	vsub.f32 v59, v60;
	v9 =	vand.u32 $0x7FFFFFFF, v9;
	v8 =	vadd.f32 v11, v38  }
0x162: {  	v36 =	vmul.f32 v26, v19;
	v3 =	vadd.f32 v7, v3;
	v54 =	vadd.f32 v9, v52  }
0x163: {  	v28 =	vld [tilespmem:s19+$0x20];
	v20 =	vmul.f32 v46, v45;
	v6 =	vadd.f32 v10, v6;
	v10 =	vsub.f32 v56, v57  }
0x164: {  	v32 =	vld [tilespmem:s19+$0xA0];
	v7 =	vadd.f32 v14, v58;
	v9 =	vmul.f32 v55, v19;
	v12 =	vsub.f32 v25, v12  }
0x165: {  	v58 =	vmul.f32 v46, v44;
	v59 =	vmul.f32 v49, v45;
	v8 =	vand.u32 $0x7FFFFFFF, v8  }
0x166: {  	v61 =	vld [tilespmem:$0x17960];
	v4 =	vadd.f32 v54, v4;
	v63 =	vmul.f32 v55, v17;
	v10 =	vsub.f32 v25, v10  }
0x167: {  	v41 =	vld [tilespmem:s15+$0x120];
	v15 =	vmul.f32 v53, v17;
	v7 =	vadd.f32 v7, v38;
	v35 =	vmul.f32 v24, v17  }
0x168: {  	v42 =	vld [tilespmem:s19+$0x120];
	v27 =	vand.u32 $0x7FFFFFFF, v12;
	v37 =	vmul.f32 v28, v17;
	v38 =	vmul.f32 v26, v17  }
0x169: {  	v16 =	vld [tilespmem:$0x179E0];
	v12 =	vmul.f32 v28, v19;
	v40 =	vmul.f32 v32, v17;
	v8 =	vadd.f32 v8, v27  }
0x16a: {  	v25 =	vld [tilespmem:s19+$0xFFFFFFA0];
	v23 =	vsub.f32 v62, v63;
	v9 =	vadd.f32 v9, v15;
	v10 =	vand.u32 $0x7FFFFFFF, v10  }
0x16b: {  	v53 =	vld [tilespmem:s19+$0xFFFFFFB0];
	v7 =	vand.u32 $0x7FFFFFFF, v7;
	v43 =	vsub.f32 v39, v40;
	v63 =	vsub.f32 v58, v59  }
0x16c: {  	v21 =	vld [tilespmem:s15+$0x30];
	v54 =	vmul.f32 v41, v19;
	v7 =	vadd.f32 v7, v10;
	v2 =	vadd.f32 v8, v2  }
0x16d: {  	v51 =	vld [tilespmem:s15+$0xFFFFFFB0];
	v55 =	vmul.f32 v42, v17;
	v10 =	vsub.f32 v36, v37;
	v13 =	vsub.f32 v61, v23  }
0x16e: {  	v56 =	vmul.f32 v41, v17;
	v9 =	vadd.f32 v9, v16;
	v15 =	vsub.f32 v61, v43  }
0x16f: {  	v27 =	vld [tilespmem:s15+$0x130];
	v5 =	vadd.f32 v7, v5;
	v34 =	vmul.f32 v25, v17;
	v11 =	vmul.f32 v25, v19  }
0x170: {  	v10 =	vsub.f32 v61, v10;
	v62 =	vmul.f32 v53, v45;
	v29 =	vand.u32 $0x7FFFFFFF, v13  }
0x171: {  	v9 =	vand.u32 $0x7FFFFFFF, v9;
	v13 =	vmul.f32 v30, v17;
	v50 =	vand.u32 $0x7FFFFFFF, v15  }
0x172: {  	v15 =	vmul.f32 v51, v45;
	v30 =	vmul.f32 v21, v44;
	v8 =	vsub.f32 v33, v34  }
0x173: {  	v31 =	vadd.f32 v9, v29;
	v7 =	vadd.f32 v11, v35;
	v9 =	vmul.f32 v32, v19  }
0x174: {  	v22 =	vld [tilespmem:s19+$0x30];
	v37 =	vmul.f32 v27, v44;
	v11 =	vadd.f32 v12, v38;
	v8 =	vsub.f32 v61, v8  }
0x175: {  	v47 =	vand.u32 $0x7FFFFFFF, v10;
	v7 =	vadd.f32 v7, v16;
	v9 =	vadd.f32 v9, v13  }
0x176: {  	v12 =	vmul.f32 v42, v19;
	v29 =	vld [tilespmem:s19+$0x130];
	v32 =	vmul.f32 v21, v45;
	v11 =	vadd.f32 v11, v16  }
0x177: {  	v8 =	vand.u32 $0x7FFFFFFF, v8;
	v7 =	vand.u32 $0x7FFFFFFF, v7;
	v9 =	vadd.f32 v9, v16  }
0x178: {  	v60 =	vld [tilespmem:$0x179F0];
	v48 =	vand.u32 $0x7FFFFFFF, v11;
	v11 =	vmul.f32 v49, v44;
	v7 =	vadd.f32 v7, v8  }
0x179: {  	v23 =	vld [tilespmem:s15+$0xB0];
	v33 =	vmul.f32 v22, v44;
	v3 =	vadd.f32 v31, v3;
	v8 =	vadd.f32 v48, v47  }
0x17a: {  	v57 =	vld [tilespmem:$0x17970];
	v9 =	vand.u32 $0x7FFFFFFF, v9;
	v11 =	vadd.f32 v11, v20;
	v6 =	vadd.f32 v7, v6  }
0x17b: {  	v25 =	vld [tilespmem:s19+$0xB0];
	v38 =	vmul.f32 v29, v45;
	v52 =	vadd.f32 v9, v50;
	v4 =	vadd.f32 v8, v4  }
0x17c: {  	v31 =	vmul.f32 v22, v45;
	v8 =	vsub.f32 v54, v55;
	v7 =	vadd.f32 v12, v56  }
0x17d: {  	v9 =	vmul.f32 v53, v44;
	v39 =	vsub.f32 v37, v38;
	v11 =	vadd.f32 v11, v60  }
0x17e: {  	v34 =	vmul.f32 v23, v44;
	v5 =	vadd.f32 v52, v5;
	v8 =	vsub.f32 v61, v8  }
0x17f: {  	v61 =	vmul.f32 v51, v44;
	v7 =	vadd.f32 v7, v16;
	v9 =	vadd.f32 v9, v15  }
0x180: {  	v35 =	vmul.f32 v25, v45;
	v16 =	vsub.f32 v57, v63;
	v10 =	vsub.f32 v57, v39  }
0x181: {  	v11 =	vand.u32 $0x7FFFFFFF, v11;
	v14 =	vsub.f32 v61, v62;
	v8 =	vand.u32 $0x7FFFFFFF, v8  }
0x182: {  	v7 =	vand.u32 $0x7FFFFFFF, v7;
	v9 =	vadd.f32 v9, v60;
	v24 =	vand.u32 $0x7FFFFFFF, v16  }
0x183: {  	v36 =	vmul.f32 v23, v45;
	v7 =	vadd.f32 v7, v8;
	v8 =	vadd.f32 v11, v24  }
0x184: {  	v16 =	vmul.f32 v25, v44;
	v11 =	vsub.f32 v34, v35;
	v14 =	vsub.f32 v57, v14  }
0x185: {  	v9 =	vand.u32 $0x7FFFFFFF, v9;
	v2 =	vadd.f32 v7, v2;
	v3 =	vadd.f32 v8, v3  }
0x186: {  	v8 =	vsub.f32 v30, v31;
	v7 =	vadd.f32 v33, v32;
	v26 =	vand.u32 $0x7FFFFFFF, v14  }
0x187: {  	v14 =	vmul.f32 v27, v45;
	v28 =	vadd.f32 v9, v26;
	v9 =	vmul.f32 v29, v44  }
0x188: {  	v15 =	vadd.f32 v16, v36;
	v8 =	vsub.f32 v57, v8  }
0x189: {  	v7 =	vadd.f32 v7, v60;
	v9 =	vadd.f32 v9, v14  }
0x18a: {  	v10 =	vand.u32 $0x7FFFFFFF, v10;
	v11 =	vsub.f32 v57, v11;
	v40 =	vadd.f32 v15, v60  }
0x18b: {  	v8 =	vand.u32 $0x7FFFFFFF, v8;
	v7 =	vand.u32 $0x7FFFFFFF, v7;
	v9 =	vadd.f32 v9, v60  }
0x18c: {  	v41 =	vand.u32 $0x7FFFFFFF, v11;
	v42 =	vand.u32 $0x7FFFFFFF, v40;
	v7 =	vadd.f32 v7, v8  }
0x18d: {  	v6 =	vadd.f32 v28, v6;
	v8 =	vadd.f32 v42, v41;
	v9 =	vand.u32 $0x7FFFFFFF, v9  }
0x18e: {  	[tilespmem:$0x17B00] =	vst v3;
	v4 =	vadd.f32 v7, v4;
	v43 =	vadd.f32 v9, v10  }
0x18f: {  	v44 =	vld [tilespmem:$0x17B08];
	[tilespmem:$0x17B20] =	vst v6;
	v5 =	vadd.f32 v8, v5  }
0x190: {  	v45 =	vld [tilespmem:$0x17B28];
	[tilespmem:$0x17B40] =	vst v4;
	v2 =	vadd.f32 v43, v2  }
0x191: {  	[tilespmem:$0x17B60] =	vst v5;
	v46 =	vld [tilespmem:$0x17B48]  }
0x192: {  	v47 =	vld [tilespmem:$0x17B68];
	[tilespmem:$0x17B80] =	vst v2  }
0x193: {  	v48 =	vld [tilespmem:$0x17B88]  }
0x194: {  	v3 =	vadd.f32 v44, v3  }
0x195: {  	v6 =	vadd.f32 v45, v6  }
0x196: {  	[tilespmem:$0x17B00] =	vst v3;
	v4 =	vadd.f32 v46, v4  }
0x197: {  	v49 =	vld [tilespmem:$0x17B04];
	[tilespmem:$0x17B20] =	vst v6;
	v5 =	vadd.f32 v47, v5  }
0x198: {  	v50 =	vld [tilespmem:$0x17B24];
	[tilespmem:$0x17B40] =	vst v4;
	v2 =	vadd.f32 v48, v2  }
0x199: {  	[tilespmem:$0x17B60] =	vst v5;
	v51 =	vld [tilespmem:$0x17B44]  }
0x19a: {  	v52 =	vld [tilespmem:$0x17B64];
	[tilespmem:$0x17B80] =	vst v2  }
0x19b: {  	v53 =	vld [tilespmem:$0x17B84]  }
0x19c: {  	v3 =	vadd.f32 v49, v3  }
0x19d: {  	v6 =	vadd.f32 v50, v6  }
0x19e: {  	[tilespmem:$0x17B00] =	vst v3;
	v4 =	vadd.f32 v51, v4  }
0x19f: {  	v54 =	vld [tilespmem:$0x17B02];
	[tilespmem:$0x17B20] =	vst v6;
	v5 =	vadd.f32 v52, v5  }
0x1a0: {  	v55 =	vld [tilespmem:$0x17B22];
	[tilespmem:$0x17B40] =	vst v4;
	v2 =	vadd.f32 v53, v2  }
0x1a1: {  	[tilespmem:$0x17B60] =	vst v5;
	v56 =	vld [tilespmem:$0x17B42]  }
0x1a2: {  	v57 =	vld [tilespmem:$0x17B62];
	[tilespmem:$0x17B80] =	vst v2  }
0x1a3: {  	v58 =	vld [tilespmem:$0x17B82]  }
0x1a4: {  	v3 =	vadd.f32 v54, v3  }
0x1a5: {  	v6 =	vadd.f32 v55, v6  }
0x1a6: {  	[tilespmem:$0x17B00] =	vst v3;
	v4 =	vadd.f32 v56, v4  }
0x1a7: {  	v59 =	vld [tilespmem:$0x17B01];
	[tilespmem:$0x17B20] =	vst v6;
	v5 =	vadd.f32 v57, v5  }
0x1a8: {  	v60 =	vld [tilespmem:$0x17B21];
	[tilespmem:$0x17B40] =	vst v4;
	v2 =	vadd.f32 v58, v2  }
0x1a9: {  	[tilespmem:$0x17B60] =	vst v5;
	v61 =	vld [tilespmem:$0x17B41]  }
0x1aa: {  	v62 =	vld [tilespmem:$0x17B61];
	[tilespmem:$0x17B80] =	vst v2  }
0x1ab: {  	v63 =	vld [tilespmem:$0x17B81]  }
0x1ac: {  	s5 =	sand.u32 $0x3FFFFF80, s3;
	v3 =	vadd.f32 v59, v3  }
0x1ad: {  	s20 =	sand.u32 $0x3FFFFF80, s30;
	s22 =	sand.u32 $0x3FFFFF80, s29;
	s23 =	sshra.s32 s6, $0x2;
	v6 =	vadd.f32 v60, v6  }
0x1ae: {  	s31 =	sand.u32 $0x3FFFFF80, s25;
	p0 =	sne.s32 s6, $0xB4;
	s5 =	sadd.s32 s5, s18;
	v3 =	vnsel vm0, $0x0, v3;
	v4 =	vadd.f32 v61, v4  }
.Ltmp0:
0x1af: {  	s20 =	sadd.s32 s20, s7;
	s5 =	sadd.s32 s23, s5;
	[tilespmem:v1+s23+$0x0 ss:$0x1] =	vst.idx.msk $0xffff, v3;
	v3 =	vnsel vm0, $0x0, v6;
	v5 =	vadd.f32 v62, v5;
	(pc) =	sbr.rel @p0 .LBB2_4-.Ltmp0, $4  }
0x1b0: {  	s25 =	sadd.s32 $0x5, s25;
	s22 =	sadd.s32 s22, s8;
	s20 =	sadd.s32 s23, s20;
	[tilespmem:s5+$0x0] =	vst v3;
	v3 =	vnsel vm0, $0x0, v4;
	v2 =	vadd.f32 v63, v2  }
0x1b1: {  	s3 =	sadd.s32 $0x5, s3;
	s31 =	sadd.s32 s31, s9;
	s22 =	sadd.s32 s23, s22;
	[tilespmem:s20+$0x0] =	vst v3;
	v3 =	vnsel vm0, $0x0, v5  }
0x1b2: {  	s30 =	sadd.s32 $0x5, s30;
	s29 =	sadd.s32 $0x5, s29;
	s31 =	sadd.s32 s23, s31;
	[tilespmem:s22+$0x0] =	vst v3;
	v2 =	vnsel vm0, $0x0, v2  }
0x1b3: {  	s6 =	sadd.s32 $0x14, s6;
	s15 =	sadd.s32 $0x280, s15;
	s19 =	sadd.s32 $0x280, s19;
	[tilespmem:s31+$0x0] =	vst v2  }
0x1b4: {  	s3 =	smin.u32 s26, $0x7D  }
0x1b5: {  	s3 =	sshll.u32 s3, $0x7  }
0x1b6: {  	s5 =	simm.s32 $0xC900;
	s3 =	sadd.s32 $0x4A00, s3  }
0x1b7: {  	[tilespmem:s5], [sflag:$0x2] =	stream.indirect.gather [hbm4b:s1+s21], $0x80, s3, s21, $0xb8;
	[tilespmem:$0x17C00] =	vst v63  }
0x1b8: {  	s31 =	simm.s32 $0xE500;
	s26 =	simm.s32 $0x4  }
0x1b9: {  	[tilespmem:s31], [sflag:$0x3] =	stream.indirect.gather [hbm4b:s2+s21], $0x80, s3, s21, $0xb8;
	[tilespmem:$0x17C00] =	vst v63  }
0x1ba: {  	_ =	swait.ge [sflag:s26], $0x1900  }
0x1bb: {  	[sflag:s26] =	ssyncset.done $0x0  }
0x1bc: {  	[sflag:s26] =	ssyncadd.s32 $0xFFFFE700  }
0x1bd: {  	_ =	swait.ge [sflag:s4], $0x1900  }
0x1be: {  	[sflag:s4] =	ssyncset.done $0x0  }
0x1bf: {  	[sflag:s4] =	ssyncadd.s32 $0xFFFFE700  }
0x1c0: {  	v2 =	vld [tilespmem:s28+$0x900]  }
0x1c1: {  	v3 =	vld [tilespmem:$0x0]  }
0x1c2: {  	v4 =	vld [tilespmem:$0x80]  }
0x1c3: {  	v5 =	vld [tilespmem:$0x100]  }
0x1c4: {  	v6 =	vld [tilespmem:$0x400]  }
0x1c5: {  	v7 =	vld [tilespmem:$0x480]  }
0x1c6: {  	v8 =	vld [tilespmem:$0x500]  }
0x1c7: {  	v9 =	vld [tilespmem:s24+$0x8980]  }
0x1c8: {  	v10 =	vld [tilespmem:s24+$0x9980];
	_ =	sdelay $0x1  }
0x1c9: {  	vm2 =	veq.s32 v2, $0x1  }
0x1ca: {  	vm1 =	veq.s32 v2, $0x0;
	v2 =	vsel vm2, v4, v5;
	v43 =	vsel vm2, v7, v8  }
0x1cb: {  	v44 =	vld [tilespmem:s24+$0xA980];
	v2 =	vsel vm1, v3, v2;
	v3 =	vsel vm1, v6, v43  }
0x1cc: {  	v45 =	vmul.f32 v9, v2;
	v6 =	vmul.f32 v3, v10;
	_ =	sdelay $0x1  }
0x1cd: {  	v5 =	vsub.f32 v45, v6;
	_ =	sdelay $0x1  }
0x1ce: {  	v4 =	vadd.f32 v5, v44;
	_ =	sdelay $0x1  }
0x1cf: {  	[tilespmem:$0x17900] =	vst v4  }
0x1d0: {  	v4 =	vld [tilespmem:s24+$0xB980]  }
0x1d1: {  	v46 =	vmul.f32 v3, v9;
	v47 =	vmul.f32 v10, v2  }
0x1d2: {  	v48 =	vld [tilespmem:$0x10]  }
0x1d3: {  	v49 =	vld [tilespmem:$0x90];
	v5 =	vadd.f32 v47, v46  }
0x1d4: {  	v50 =	vld [tilespmem:$0x110]  }
0x1d5: {  	v51 =	vld [tilespmem:$0x410];
	[tilespmem:$0x17A00] =	vst v2;
	v4 =	vadd.f32 v4, v5  }
0x1d6: {  	v2 =	vld [tilespmem:$0x490];
	[tilespmem:$0x17A80] =	vst v3  }
0x1d7: {  	v3 =	vld [tilespmem:$0x510];
	[tilespmem:$0x17980] =	vst v4  }
0x1d8: {  	v52 =	vld [tilespmem:s24+$0x8990]  }
0x1d9: {  	v53 =	vld [tilespmem:s24+$0x9990];
	_ =	sdelay $0x2  }
0x1da: {  	v5 =	vsel vm2, v49, v50;
	v2 =	vsel vm2, v2, v3  }
0x1db: {  	v3 =	vsel vm1, v48, v5;
	v2 =	vsel vm1, v51, v2;
	v54 =	vld [tilespmem:s24+$0xA990]  }
0x1dc: {  	v5 =	vmul.f32 v52, v3;
	v55 =	vmul.f32 v2, v53;
	_ =	sdelay $0x1  }
0x1dd: {  	v5 =	vsub.f32 v5, v55;
	_ =	sdelay $0x1  }
0x1de: {  	v4 =	vadd.f32 v5, v54;
	_ =	sdelay $0x1  }
0x1df: {  	[tilespmem:$0x17910] =	vst v4  }
0x1e0: {  	v4 =	vld [tilespmem:s24+$0xB990]  }
0x1e1: {  	v56 =	vmul.f32 v2, v52;
	v57 =	vmul.f32 v53, v3  }
0x1e2: {  	v58 =	vld [tilespmem:$0x20]  }
0x1e3: {  	v59 =	vld [tilespmem:$0xA0];
	v5 =	vadd.f32 v57, v56  }
0x1e4: {  	v60 =	vld [tilespmem:$0x120]  }
0x1e5: {  	v61 =	vld [tilespmem:$0x420];
	[tilespmem:$0x17A10] =	vst v3;
	v4 =	vadd.f32 v4, v5  }
0x1e6: {  	v3 =	vld [tilespmem:$0x4A0];
	[tilespmem:$0x17A90] =	vst v2  }
0x1e7: {  	v2 =	vld [tilespmem:$0x520];
	[tilespmem:$0x17990] =	vst v4  }
0x1e8: {  	v62 =	vld [tilespmem:s24+$0x89A0]  }
0x1e9: {  	v63 =	vld [tilespmem:s24+$0x99A0];
	_ =	sdelay $0x2  }
0x1ea: {  	v5 =	vsel vm2, v59, v60;
	v2 =	vsel vm2, v3, v2  }
0x1eb: {  	v3 =	vsel vm1, v58, v5;
	v2 =	vsel vm1, v61, v2;
	v10 =	vld [tilespmem:s24+$0xA9A0]  }
0x1ec: {  	v5 =	vmul.f32 v62, v3;
	v11 =	vmul.f32 v2, v63;
	_ =	sdelay $0x1  }
0x1ed: {  	v5 =	vsub.f32 v5, v11;
	_ =	sdelay $0x1  }
0x1ee: {  	v4 =	vadd.f32 v5, v10;
	_ =	sdelay $0x1  }
0x1ef: {  	[tilespmem:$0x17920] =	vst v4  }
0x1f0: {  	v4 =	vld [tilespmem:s24+$0xB9A0]  }
0x1f1: {  	v12 =	vmul.f32 v2, v62;
	v13 =	vmul.f32 v63, v3  }
0x1f2: {  	v14 =	vld [tilespmem:$0x30]  }
0x1f3: {  	v15 =	vld [tilespmem:$0xB0];
	v5 =	vadd.f32 v13, v12  }
0x1f4: {  	v16 =	vld [tilespmem:$0x130]  }
0x1f5: {  	v17 =	vld [tilespmem:$0x430];
	[tilespmem:$0x17A20] =	vst v3;
	v4 =	vadd.f32 v4, v5  }
0x1f6: {  	v3 =	vld [tilespmem:$0x4B0];
	[tilespmem:$0x17AA0] =	vst v2  }
0x1f7: {  	v2 =	vld [tilespmem:$0x530];
	[tilespmem:$0x179A0] =	vst v4  }
0x1f8: {  	v18 =	vld [tilespmem:s24+$0x89B0]  }
0x1f9: {  	v19 =	vld [tilespmem:s24+$0x99B0];
	_ =	sdelay $0x2  }
0x1fa: {  	v5 =	vsel vm2, v15, v16;
	v2 =	vsel vm2, v3, v2  }
0x1fb: {  	v3 =	vsel vm1, v14, v5;
	v2 =	vsel vm1, v17, v2;
	v20 =	vld [tilespmem:s24+$0xA9B0]  }
0x1fc: {  	v5 =	vmul.f32 v18, v3;
	v21 =	vmul.f32 v2, v19;
	_ =	sdelay $0x1  }
0x1fd: {  	v5 =	vsub.f32 v5, v21;
	_ =	sdelay $0x1  }
0x1fe: {  	v4 =	vadd.f32 v5, v20;
	_ =	sdelay $0x1  }
0x1ff: {  	[tilespmem:$0x17930] =	vst v4  }
0x200: {  	v4 =	vld [tilespmem:s24+$0xB9B0]  }
0x201: {  	v22 =	vmul.f32 v2, v18;
	v23 =	vmul.f32 v19, v3  }
0x202: {  	v24 =	vld [tilespmem:$0x40]  }
0x203: {  	v25 =	vld [tilespmem:$0xC0];
	v5 =	vadd.f32 v23, v22  }
0x204: {  	v26 =	vld [tilespmem:$0x140]  }
0x205: {  	v27 =	vld [tilespmem:$0x440];
	[tilespmem:$0x17A30] =	vst v3;
	v4 =	vadd.f32 v4, v5  }
0x206: {  	v3 =	vld [tilespmem:$0x4C0];
	[tilespmem:$0x17AB0] =	vst v2  }
0x207: {  	v2 =	vld [tilespmem:$0x540];
	[tilespmem:$0x179B0] =	vst v4  }
0x208: {  	v28 =	vld [tilespmem:s24+$0x89C0]  }
0x209: {  	v29 =	vld [tilespmem:s24+$0x99C0];
	_ =	sdelay $0x2  }
0x20a: {  	v5 =	vsel vm2, v25, v26;
	v2 =	vsel vm2, v3, v2  }
0x20b: {  	v3 =	vsel vm1, v24, v5;
	v2 =	vsel vm1, v27, v2;
	v30 =	vld [tilespmem:s24+$0xA9C0]  }
0x20c: {  	v5 =	vmul.f32 v28, v3;
	v31 =	vmul.f32 v2, v29;
	_ =	sdelay $0x1  }
0x20d: {  	v5 =	vsub.f32 v5, v31;
	_ =	sdelay $0x1  }
0x20e: {  	v4 =	vadd.f32 v5, v30;
	_ =	sdelay $0x1  }
0x20f: {  	[tilespmem:$0x17940] =	vst v4  }
0x210: {  	v4 =	vld [tilespmem:s24+$0xB9C0]  }
0x211: {  	v32 =	vmul.f32 v2, v28;
	v33 =	vmul.f32 v29, v3  }
0x212: {  	v34 =	vld [tilespmem:$0x50]  }
0x213: {  	v35 =	vld [tilespmem:$0xD0];
	v5 =	vadd.f32 v33, v32  }
0x214: {  	v36 =	vld [tilespmem:$0x150]  }
0x215: {  	v37 =	vld [tilespmem:$0x450];
	[tilespmem:$0x17A40] =	vst v3;
	v4 =	vadd.f32 v4, v5  }
0x216: {  	v3 =	vld [tilespmem:$0x4D0];
	[tilespmem:$0x17AC0] =	vst v2  }
0x217: {  	v2 =	vld [tilespmem:$0x550];
	[tilespmem:$0x179C0] =	vst v4  }
0x218: {  	v38 =	vld [tilespmem:s24+$0x89D0]  }
0x219: {  	v39 =	vld [tilespmem:s24+$0x99D0];
	_ =	sdelay $0x2  }
0x21a: {  	v5 =	vsel vm2, v35, v36;
	v2 =	vsel vm2, v3, v2  }
0x21b: {  	v3 =	vsel vm1, v34, v5;
	v2 =	vsel vm1, v37, v2;
	v40 =	vld [tilespmem:s24+$0xA9D0]  }
0x21c: {  	v5 =	vmul.f32 v38, v3;
	v41 =	vmul.f32 v2, v39;
	_ =	sdelay $0x1  }
0x21d: {  	v5 =	vsub.f32 v5, v41;
	_ =	sdelay $0x1  }
0x21e: {  	v4 =	vadd.f32 v5, v40;
	_ =	sdelay $0x1  }
0x21f: {  	[tilespmem:$0x17950] =	vst v4  }
0x220: {  	v4 =	vld [tilespmem:s24+$0xB9D0]  }
0x221: {  	v42 =	vmul.f32 v2, v38;
	v43 =	vmul.f32 v39, v3  }
0x222: {  	v45 =	vld [tilespmem:$0xE0]  }
0x223: {  	v44 =	vld [tilespmem:$0x60];
	v5 =	vadd.f32 v43, v42  }
0x224: {  	v46 =	vld [tilespmem:$0x160]  }
0x225: {  	v47 =	vld [tilespmem:$0x460];
	[tilespmem:$0x17A50] =	vst v3;
	v4 =	vadd.f32 v4, v5  }
0x226: {  	v3 =	vld [tilespmem:$0x4E0];
	[tilespmem:$0x17AD0] =	vst v2  }
0x227: {  	v2 =	vld [tilespmem:$0x560];
	[tilespmem:$0x179D0] =	vst v4  }
0x228: {  	v48 =	vld [tilespmem:s24+$0x89E0]  }
0x229: {  	v49 =	vld [tilespmem:s24+$0x99E0];
	_ =	sdelay $0x2  }
0x22a: {  	v5 =	vsel vm2, v45, v46;
	v2 =	vsel vm2, v3, v2  }
0x22b: {  	v3 =	vsel vm1, v44, v5;
	v2 =	vsel vm1, v47, v2;
	v50 =	vld [tilespmem:s24+$0xA9E0]  }
0x22c: {  	v5 =	vmul.f32 v48, v3;
	v51 =	vmul.f32 v2, v49;
	_ =	sdelay $0x1  }
0x22d: {  	v5 =	vsub.f32 v5, v51;
	_ =	sdelay $0x1  }
0x22e: {  	v4 =	vadd.f32 v5, v50;
	_ =	sdelay $0x1  }
0x22f: {  	[tilespmem:$0x17960] =	vst v4  }
0x230: {  	v4 =	vld [tilespmem:s24+$0xB9E0]  }
0x231: {  	v52 =	vmul.f32 v2, v48;
	v53 =	vmul.f32 v49, v3  }
0x232: {  	v55 =	vld [tilespmem:$0xF0]  }
0x233: {  	v54 =	vld [tilespmem:$0x70];
	v5 =	vadd.f32 v53, v52  }
0x234: {  	v56 =	vld [tilespmem:$0x170]  }
0x235: {  	v57 =	vld [tilespmem:$0x470];
	[tilespmem:$0x17A60] =	vst v3;
	v4 =	vadd.f32 v4, v5  }
0x236: {  	v3 =	vld [tilespmem:$0x4F0];
	[tilespmem:$0x17AE0] =	vst v2  }
0x237: {  	v2 =	vld [tilespmem:$0x570];
	[tilespmem:$0x179E0] =	vst v4  }
0x238: {  	v58 =	vld [tilespmem:s24+$0x89F0]  }
0x239: {  	v59 =	vld [tilespmem:s24+$0x99F0];
	_ =	sdelay $0x2  }
0x23a: {  	v5 =	vsel vm2, v55, v56;
	v2 =	vsel vm2, v3, v2  }
0x23b: {  	v3 =	vsel vm1, v54, v5;
	v2 =	vsel vm1, v57, v2;
	v60 =	vld [tilespmem:s24+$0xA9F0]  }
0x23c: {  	v5 =	vmul.f32 v58, v3;
	v61 =	vmul.f32 v2, v59;
	_ =	sdelay $0x1  }
0x23d: {  	v5 =	vsub.f32 v5, v61;
	_ =	sdelay $0x1  }
0x23e: {  	v4 =	vadd.f32 v5, v60;
	_ =	sdelay $0x1  }
0x23f: {  	[tilespmem:$0x17970] =	vst v4  }
0x240: {  	v4 =	vld [tilespmem:s24+$0xB9F0]  }
0x241: {  	v62 =	vmul.f32 v2, v58;
	v63 =	vmul.f32 v59, v3;
	_ =	sdelay $0x1  }
0x242: {  	v5 =	vadd.f32 v63, v62;
	_ =	sdelay $0x1  }
0x243: {  	[tilespmem:$0x17A70] =	vst v3;
	v4 =	vadd.f32 v4, v5  }
0x244: {  	s25 =	simm.s32 $0x2;
	s15 =	simm.s32 $0x3;
	s19 =	simm.s32 $0x10240;
	[tilespmem:$0x17AF0] =	vst v2  }
0x245: {  	s6 =	simm.s32 $0x11E40;
	s3 =	simm.s32 $0x1;
	s24 =	simm.s32 $0x0;
	[tilespmem:$0x179F0] =	vst v4  }
.LBB2_6:
0x246: {  	v2 =	vld [tilespmem:$0x17A00]  }
0x247: {  	v3 =	vld [tilespmem:$0x17A80]  }
0x248: {  	v4 =	vld [tilespmem:s19+$0xFFFFFEC0]  }
0x249: {  	v5 =	vld [tilespmem:s6+$0xFFFFFEC0]  }
0x24a: {  	v8 =	vld [tilespmem:s19+$0xFFFFFF40]  }
0x24b: {  	v11 =	vld [tilespmem:s6+$0xFFFFFF40]  }
0x24c: {  	v53 =	vld [tilespmem:s19+$0xFFFFFFC0]  }
0x24d: {  	v54 =	vld [tilespmem:s6+$0xFFFFFFC0]  }
0x24e: {  	v14 =	vld [tilespmem:s19+$0x40]  }
0x24f: {  	v15 =	vld [tilespmem:s6+$0x40]  }
0x250: {  	v58 =	vld [tilespmem:s19+$0xC0]  }
0x251: {  	v17 =	vld [tilespmem:s6+$0xC0]  }
0x252: {  	v62 =	vld [tilespmem:$0x17A10];
	v9 =	vmul.f32 v4, v2;
	v10 =	vmul.f32 v5, v3  }
0x253: {  	v63 =	vld [tilespmem:$0x17A90];
	v4 =	vmul.f32 v4, v3;
	v5 =	vmul.f32 v5, v2  }
0x254: {  	v24 =	vld [tilespmem:s19+$0xFFFFFED0];
	v12 =	vmul.f32 v8, v2;
	v13 =	vmul.f32 v11, v3  }
0x255: {  	v18 =	vld [tilespmem:s6+$0xFFFFFED0];
	v8 =	vmul.f32 v8, v3;
	v11 =	vmul.f32 v11, v2  }
0x256: {  	v19 =	vld [tilespmem:s19+$0xFFFFFF50];
	v56 =	vmul.f32 v53, v2;
	v57 =	vmul.f32 v54, v3  }
0x257: {  	v26 =	vld [tilespmem:s6+$0xFFFFFF50];
	v59 =	vmul.f32 v14, v2;
	v16 =	vmul.f32 v15, v3  }
0x258: {  	v35 =	vld [tilespmem:s19+$0xFFFFFFD0];
	v60 =	vmul.f32 v14, v3;
	v61 =	vmul.f32 v15, v2  }
0x259: {  	v36 =	vld [tilespmem:s6+$0xFFFFFFD0];
	v27 =	vmul.f32 v58, v2;
	v20 =	vmul.f32 v17, v3  }
0x25a: {  	v37 =	vld [tilespmem:s19+$0x50];
	v30 =	vmul.f32 v24, v62;
	v31 =	vmul.f32 v18, v63  }
0x25b: {  	v39 =	vld [tilespmem:s19+$0xD0];
	v14 =	vmul.f32 v24, v63;
	v18 =	vmul.f32 v18, v62  }
0x25c: {  	v41 =	vld [tilespmem:s6+$0xD0];
	v32 =	vmul.f32 v19, v62;
	v33 =	vmul.f32 v26, v63  }
0x25d: {  	v38 =	vld [tilespmem:s6+$0x50];
	v34 =	vmul.f32 v19, v63;
	v42 =	vmul.f32 v35, v62  }
0x25e: {  	v6 =	vld [tilespmem:$0x17900];
	v43 =	vmul.f32 v36, v63;
	v44 =	vmul.f32 v35, v63  }
0x25f: {  	v7 =	vld [tilespmem:$0x17980];
	v45 =	vmul.f32 v36, v62;
	v46 =	vmul.f32 v37, v62;
	v9 =	vsub.f32 v9, v10  }
0x260: {  	v50 =	vmul.f32 v39, v62;
	v4 =	vadd.f32 v5, v4;
	v12 =	vsub.f32 v12, v13  }
0x261: {  	v51 =	vmul.f32 v41, v63;
	v8 =	vadd.f32 v11, v8;
	v11 =	vsub.f32 v56, v57  }
0x262: {  	v47 =	vmul.f32 v38, v63;
	v28 =	vsub.f32 v27, v20;
	v13 =	vsub.f32 v30, v31  }
0x263: {  	v29 =	vld [tilespmem:$0x17910];
	v10 =	vmul.f32 v54, v2;
	v14 =	vadd.f32 v18, v14;
	v54 =	vsub.f32 v50, v51  }
0x264: {  	v5 =	vmul.f32 v53, v3;
	v9 =	vsub.f32 v6, v9;
	v4 =	vadd.f32 v4, v7  }
0x265: {  	v3 =	vmul.f32 v58, v3;
	v55 =	vsub.f32 v6, v12;
	v8 =	vadd.f32 v8, v7  }
0x266: {  	v52 =	vld [tilespmem:$0x17A20];
	v2 =	vmul.f32 v17, v2;
	v5 =	vadd.f32 v10, v5;
	v11 =	vsub.f32 v6, v11  }
0x267: {  	v48 =	vmul.f32 v37, v63;
	v53 =	vld [tilespmem:$0x17AA0];
	v12 =	vsub.f32 v59, v16;
	v10 =	vadd.f32 v61, v60  }
0x268: {  	v49 =	vmul.f32 v38, v62;
	v56 =	vld [tilespmem:s6+$0xFFFFFEE0];
	v2 =	vadd.f32 v2, v3;
	v13 =	vsub.f32 v29, v13  }
0x269: {  	v9 =	vand.u32 $0x7FFFFFFF, v9;
	v4 =	vand.u32 $0x7FFFFFFF, v4;
	v5 =	vadd.f32 v5, v7  }
0x26a: {  	v57 =	vld [tilespmem:s19+$0xFFFFFF60];
	v8 =	vand.u32 $0x7FFFFFFF, v8;
	v12 =	vsub.f32 v6, v12;
	v10 =	vadd.f32 v10, v7  }
0x26b: {  	v3 =	vld [tilespmem:$0x17990];
	v11 =	vand.u32 $0x7FFFFFFF, v11;
	v6 =	vsub.f32 v6, v28;
	v2 =	vadd.f32 v2, v7  }
0x26c: {  	v59 =	vld [tilespmem:s6+$0xFFFFFF60];
	v13 =	vand.u32 $0x7FFFFFFF, v13;
	v4 =	vadd.f32 v4, v9;
	v9 =	vand.u32 $0x7FFFFFFF, v55  }
0x26d: {  	v61 =	vld [tilespmem:s19+$0xFFFFFFE0];
	v23 =	vmul.f32 v56, v53;
	v24 =	vmul.f32 v56, v52;
	v5 =	vand.u32 $0x7FFFFFFF, v5  }
0x26e: {  	v8 =	vadd.f32 v8, v9;
	v25 =	vand.u32 $0x7FFFFFFF, v12;
	v10 =	vand.u32 $0x7FFFFFFF, v10  }
0x26f: {  	v6 =	vand.u32 $0x7FFFFFFF, v6;
	v2 =	vand.u32 $0x7FFFFFFF, v2;
	v12 =	vsub.f32 v29, v54  }
0x270: {  	v30 =	vld [tilespmem:s6+$0x60];
	v5 =	vadd.f32 v5, v11;
	v9 =	vadd.f32 v10, v25;
	v11 =	vmul.f32 v26, v62  }
0x271: {  	v55 =	vld [tilespmem:s19+$0xFFFFFEE0];
	v10 =	vsub.f32 v32, v33;
	v14 =	vadd.f32 v14, v3;
	v25 =	vmul.f32 v57, v52  }
0x272: {  	v21 =	vld [tilespmem:$0x17920];
	v2 =	vadd.f32 v2, v6;
	v26 =	vmul.f32 v59, v53;
	v27 =	vmul.f32 v61, v52  }
0x273: {  	v19 =	vld [tilespmem:$0x17A30];
	v60 =	vand.u32 $0x7FFFFFFF, v12;
	v12 =	vmul.f32 v61, v53;
	v7 =	vadd.f32 v11, v34  }
0x274: {  	v35 =	vld [tilespmem:s19+$0xFFFFFEF0];
	v10 =	vsub.f32 v29, v10;
	v14 =	vand.u32 $0x7FFFFFFF, v14;
	v11 =	vadd.f32 v49, v48  }
0x275: {  	v31 =	vld [tilespmem:s19+$0xE0];
	v17 =	vsub.f32 v25, v26;
	v13 =	vadd.f32 v14, v13;
	v14 =	vmul.f32 v39, v63  }
0x276: {  	v32 =	vld [tilespmem:s6+$0xE0];
	v22 =	vmul.f32 v55, v52;
	v39 =	vmul.f32 v30, v53;
	v7 =	vadd.f32 v7, v3  }
0x277: {  	v48 =	vld [tilespmem:s19+$0xFFFFFF70];
	v10 =	vand.u32 $0x7FFFFFFF, v10;
	v11 =	vadd.f32 v11, v3;
	v17 =	vsub.f32 v21, v17  }
0x278: {  	v37 =	vld [tilespmem:s6+$0xFFFFFEF0];
	v4 =	vadd.f32 v13, v4;
	v13 =	vsub.f32 v46, v47;
	v7 =	vand.u32 $0x7FFFFFFF, v7  }
0x279: {  	v50 =	vld [tilespmem:s19+$0xFFFFFFF0];
	v11 =	vand.u32 $0x7FFFFFFF, v11;
	v33 =	vand.u32 $0x7FFFFFFF, v17;
	v40 =	vadd.f32 v7, v10  }
0x27a: {  	v49 =	vld [tilespmem:s6+$0xFFFFFF70];
	v10 =	vsub.f32 v42, v43;
	v7 =	vmul.f32 v41, v62;
	v41 =	vmul.f32 v31, v52  }
0x27b: {  	v17 =	vld [tilespmem:$0x17AB0];
	v13 =	vsub.f32 v29, v13;
	v42 =	vmul.f32 v32, v53;
	v43 =	vmul.f32 v32, v52  }
0x27c: {  	v62 =	vld [tilespmem:s6+$0xFFFFFFE0];
	v56 =	vmul.f32 v48, v19;
	v6 =	vadd.f32 v40, v8;
	v8 =	vadd.f32 v45, v44  }
0x27d: {  	v7 =	vadd.f32 v7, v14;
	v58 =	vand.u32 $0x7FFFFFFF, v13;
	v13 =	vmul.f32 v59, v52  }
0x27e: {  	v10 =	vsub.f32 v29, v10;
	v45 =	vmul.f32 v35, v19;
	v59 =	vmul.f32 v50, v19  }
0x27f: {  	v63 =	vld [tilespmem:$0x179A0];
	v8 =	vadd.f32 v8, v3;
	v3 =	vadd.f32 v7, v3;
	v7 =	vmul.f32 v57, v53  }
0x280: {  	v29 =	vld [tilespmem:s19+$0x60];
	v10 =	vand.u32 $0x7FFFFFFF, v10;
	v46 =	vmul.f32 v37, v17;
	v57 =	vmul.f32 v49, v17  }
0x281: {  	v28 =	vmul.f32 v62, v53;
	v8 =	vand.u32 $0x7FFFFFFF, v8;
	v7 =	vadd.f32 v13, v7  }
0x282: {  	v3 =	vand.u32 $0x7FFFFFFF, v3;
	v47 =	vsub.f32 v45, v46;
	v8 =	vadd.f32 v8, v10  }
0x283: {  	v54 =	vld [tilespmem:s19+$0x70];
	v61 =	vmul.f32 v50, v17;
	v10 =	vadd.f32 v11, v58;
	v3 =	vadd.f32 v3, v60  }
0x284: {  	v13 =	vmul.f32 v30, v52;
	v11 =	vsub.f32 v22, v23;
	v14 =	vsub.f32 v27, v28  }
0x285: {  	v38 =	vmul.f32 v29, v52;
	v40 =	vmul.f32 v29, v53;
	v7 =	vadd.f32 v7, v63  }
0x286: {  	v58 =	vmul.f32 v48, v17;
	v28 =	vld [tilespmem:$0x17AC0];
	v5 =	vadd.f32 v8, v5;
	v9 =	vadd.f32 v10, v9  }
0x287: {  	v29 =	vld [tilespmem:s19+$0xFFFFFF00];
	v2 =	vadd.f32 v3, v2;
	v3 =	vmul.f32 v55, v53;
	v8 =	vmul.f32 v62, v52  }
0x288: {  	v25 =	vld [tilespmem:s6+$0xF0];
	v11 =	vsub.f32 v21, v11;
	v14 =	vsub.f32 v21, v14;
	v62 =	vmul.f32 v54, v19  }
0x289: {  	v52 =	vld [tilespmem:s6+$0xFFFFFFF0];
	v7 =	vand.u32 $0x7FFFFFFF, v7;
	v3 =	vadd.f32 v24, v3;
	v8 =	vadd.f32 v8, v12  }
0x28a: {  	v11 =	vand.u32 $0x7FFFFFFF, v11;
	v7 =	vadd.f32 v7, v33;
	v34 =	vand.u32 $0x7FFFFFFF, v14  }
0x28b: {  	v12 =	vmul.f32 v31, v53;
	v14 =	vmul.f32 v35, v17;
	v3 =	vadd.f32 v3, v63  }
0x28c: {  	v24 =	vld [tilespmem:s19+$0xF0];
	v20 =	vmul.f32 v29, v28;
	v8 =	vadd.f32 v8, v63;
	v6 =	vadd.f32 v7, v6  }
0x28d: {  	v27 =	vld [tilespmem:$0x17A40];
	v7 =	vsub.f32 v38, v39;
	v12 =	vadd.f32 v43, v12;
	v38 =	vmul.f32 v25, v17  }
0x28e: {  	v32 =	vld [tilespmem:s6+$0xFFFFFF00];
	v60 =	vmul.f32 v52, v17;
	v3 =	vand.u32 $0x7FFFFFFF, v3;
	v8 =	vand.u32 $0x7FFFFFFF, v8  }
0x28f: {  	v44 =	vld [tilespmem:$0x17930];
	v7 =	vsub.f32 v21, v7;
	v10 =	vadd.f32 v12, v63;
	v12 =	vmul.f32 v49, v19  }
0x290: {  	v3 =	vadd.f32 v3, v11;
	v36 =	vadd.f32 v8, v34;
	v8 =	vmul.f32 v37, v19  }
0x291: {  	v55 =	vld [tilespmem:s6+$0x70];
	v11 =	vsub.f32 v41, v42;
	v37 =	vmul.f32 v24, v19;
	v39 =	vmul.f32 v24, v17  }
0x292: {  	v16 =	vld [tilespmem:$0x179B0];
	v41 =	vmul.f32 v29, v27;
	v3 =	vadd.f32 v3, v4;
	v4 =	vadd.f32 v36, v5  }
0x293: {  	v42 =	vmul.f32 v32, v28;
	v5 =	vadd.f32 v13, v40;
	v8 =	vadd.f32 v8, v14  }
0x294: {  	v7 =	vand.u32 $0x7FFFFFFF, v7;
	v11 =	vsub.f32 v21, v11;
	v13 =	vsub.f32 v44, v47  }
0x295: {  	v49 =	vld [tilespmem:s19+$0x80];
	v10 =	vand.u32 $0x7FFFFFFF, v10;
	v46 =	vsub.f32 v41, v42;
	v5 =	vadd.f32 v5, v63  }
0x296: {  	v36 =	vld [tilespmem:s6+$0xFFFFFF80];
	v51 =	vand.u32 $0x7FFFFFFF, v11;
	v11 =	vmul.f32 v52, v19;
	v63 =	vmul.f32 v55, v17  }
0x297: {  	v48 =	vld [tilespmem:s6+$0x0];
	v8 =	vadd.f32 v8, v16;
	v53 =	vand.u32 $0x7FFFFFFF, v13;
	v13 =	vmul.f32 v54, v17  }
0x298: {  	v5 =	vand.u32 $0x7FFFFFFF, v5;
	v11 =	vadd.f32 v11, v61;
	v26 =	vsub.f32 v62, v63  }
0x299: {  	v8 =	vand.u32 $0x7FFFFFFF, v8;
	v5 =	vadd.f32 v5, v7;
	v7 =	vadd.f32 v10, v51  }
0x29a: {  	v47 =	vld [tilespmem:s19+$0x0];
	v62 =	vmul.f32 v49, v28;
	v8 =	vadd.f32 v8, v53;
	v10 =	vsub.f32 v59, v60  }
0x29b: {  	v45 =	vmul.f32 v36, v28;
	v11 =	vadd.f32 v11, v16;
	v14 =	vsub.f32 v44, v26  }
0x29c: {  	v59 =	vmul.f32 v48, v27;
	v5 =	vadd.f32 v5, v9;
	v2 =	vadd.f32 v7, v2  }
0x29d: {  	v60 =	vmul.f32 v49, v27;
	v3 =	vadd.f32 v8, v3;
	v7 =	vsub.f32 v56, v57  }
0x29e: {  	v8 =	vadd.f32 v12, v58;
	v9 =	vmul.f32 v55, v19;
	v12 =	vmul.f32 v25, v19  }
0x29f: {  	v43 =	vld [tilespmem:$0x179C0];
	v10 =	vsub.f32 v44, v10;
	v56 =	vmul.f32 v47, v27;
	v57 =	vmul.f32 v48, v28  }
0x2a0: {  	v34 =	vld [tilespmem:s19+$0xFFFFFF80];
	v58 =	vmul.f32 v47, v28;
	v31 =	vand.u32 $0x7FFFFFFF, v11;
	v9 =	vadd.f32 v9, v13  }
0x2a1: {  	v51 =	vld [tilespmem:s6+$0x80];
	v11 =	vmul.f32 v32, v27;
	v7 =	vsub.f32 v44, v7;
	v8 =	vadd.f32 v8, v16  }
0x2a2: {  	v33 =	vand.u32 $0x7FFFFFFF, v14;
	v30 =	vand.u32 $0x7FFFFFFF, v10;
	v9 =	vadd.f32 v9, v16  }
0x2a3: {  	v11 =	vadd.f32 v11, v20;
	v7 =	vand.u32 $0x7FFFFFFF, v7;
	v8 =	vand.u32 $0x7FFFFFFF, v8  }
0x2a4: {  	v53 =	vld [tilespmem:s19+$0x100];
	v7 =	vadd.f32 v8, v7;
	v8 =	vadd.f32 v31, v30;
	v9 =	vand.u32 $0x7FFFFFFF, v9  }
0x2a5: {  	v40 =	vld [tilespmem:$0x17940];
	v14 =	vmul.f32 v34, v28;
	v11 =	vadd.f32 v11, v43;
	v35 =	vadd.f32 v9, v33  }
0x2a6: {  	v61 =	vmul.f32 v51, v28;
	v4 =	vadd.f32 v8, v4;
	v8 =	vsub.f32 v37, v38  }
0x2a7: {  	v29 =	vld [tilespmem:s19+$0xFFFFFF10];
	v6 =	vadd.f32 v7, v6;
	v7 =	vadd.f32 v12, v39;
	v9 =	vmul.f32 v36, v27  }
0x2a8: {  	v55 =	vld [tilespmem:s6+$0x100];
	v5 =	vadd.f32 v35, v5;
	v8 =	vsub.f32 v44, v8;
	v44 =	vmul.f32 v34, v27  }
0x2a9: {  	v26 =	vld [tilespmem:$0x17A50];
	v63 =	vmul.f32 v53, v27;
	v7 =	vadd.f32 v7, v16;
	v9 =	vadd.f32 v9, v14  }
0x2aa: {  	v30 =	vld [tilespmem:s6+$0xFFFFFF10];
	v11 =	vand.u32 $0x7FFFFFFF, v11;
	v16 =	vsub.f32 v40, v46;
	v15 =	vsub.f32 v44, v45  }
0x2ab: {  	v47 =	vld [tilespmem:s19+$0x90];
	v8 =	vand.u32 $0x7FFFFFFF, v8;
	v7 =	vand.u32 $0x7FFFFFFF, v7;
	v9 =	vadd.f32 v9, v43  }
0x2ac: {  	v35 =	vld [tilespmem:s19+$0x10];
	v50 =	vand.u32 $0x7FFFFFFF, v16;
	v16 =	vmul.f32 v51, v27;
	v7 =	vadd.f32 v7, v8  }
0x2ad: {  	v24 =	vmul.f32 v55, v28;
	v8 =	vadd.f32 v11, v50;
	v11 =	vsub.f32 v60, v61  }
0x2ae: {  	v49 =	vld [tilespmem:s19+$0x110];
	v39 =	vmul.f32 v29, v26;
	v15 =	vsub.f32 v40, v15;
	v14 =	vadd.f32 v16, v62  }
0x2af: {  	v19 =	vld [tilespmem:$0x17A60];
	v42 =	vmul.f32 v30, v26;
	v2 =	vadd.f32 v7, v2;
	v3 =	vadd.f32 v8, v3  }
0x2b0: {  	v34 =	vld [tilespmem:s6+$0xFFFFFF90];
	v9 =	vand.u32 $0x7FFFFFFF, v9;
	v8 =	vsub.f32 v56, v57;
	v7 =	vadd.f32 v59, v58  }
0x2b1: {  	v50 =	vld [tilespmem:s6+$0x110];
	v11 =	vsub.f32 v40, v11;
	v45 =	vmul.f32 v35, v26;
	v56 =	vmul.f32 v47, v26  }
0x2b2: {  	v31 =	vld [tilespmem:s19+$0xFFFFFF90];
	v52 =	vand.u32 $0x7FFFFFFF, v15;
	v15 =	vmul.f32 v53, v28;
	v28 =	vsub.f32 v63, v24  }
0x2b3: {  	v59 =	vmul.f32 v49, v26;
	v14 =	vadd.f32 v14, v43;
	v53 =	vld [tilespmem:s19+$0xFFFFFF20];
	v54 =	vadd.f32 v9, v52  }
0x2b4: {  	v24 =	vld [tilespmem:s19+$0xFFFFFFA0];
	v8 =	vsub.f32 v40, v8;
	v7 =	vadd.f32 v7, v43;
	v9 =	vmul.f32 v55, v27  }
0x2b5: {  	v27 =	vld [tilespmem:$0x17AD0];
	v32 =	vand.u32 $0x7FFFFFFF, v11;
	v10 =	vsub.f32 v40, v28;
	v33 =	vand.u32 $0x7FFFFFFF, v14  }
0x2b6: {  	v14 =	vmul.f32 v34, v26;
	v13 =	vmul.f32 v50, v26;
	v6 =	vadd.f32 v54, v6  }
0x2b7: {  	v37 =	vld [tilespmem:s6+$0x10];
	v9 =	vadd.f32 v9, v15;
	v8 =	vand.u32 $0x7FFFFFFF, v8;
	v7 =	vand.u32 $0x7FFFFFFF, v7  }
0x2b8: {  	v7 =	vadd.f32 v7, v8;
	v8 =	vadd.f32 v33, v32;
	v10 =	vand.u32 $0x7FFFFFFF, v10  }
0x2b9: {  	v48 =	vld [tilespmem:s6+$0x90];
	v9 =	vadd.f32 v9, v43;
	v43 =	vmul.f32 v31, v26;
	v62 =	vmul.f32 v53, v19  }
0x2ba: {  	v33 =	vmul.f32 v24, v19;
	v4 =	vadd.f32 v7, v4;
	v40 =	vmul.f32 v30, v27  }
0x2bb: {  	v25 =	vld [tilespmem:$0x17950];
	v5 =	vadd.f32 v8, v5;
	v41 =	vmul.f32 v29, v27;
	v44 =	vmul.f32 v34, v27  }
0x2bc: {  	v38 =	vld [tilespmem:$0x179D0];
	v12 =	vmul.f32 v31, v27;
	v46 =	vmul.f32 v37, v27;
	v9 =	vand.u32 $0x7FFFFFFF, v9  }
0x2bd: {  	v11 =	vmul.f32 v35, v27;
	v36 =	vadd.f32 v9, v10;
	v10 =	vsub.f32 v39, v40  }
0x2be: {  	v57 =	vmul.f32 v48, v27;
	v30 =	vld [tilespmem:s19+$0xA0];
	v7 =	vadd.f32 v42, v41;
	v17 =	vsub.f32 v43, v44  }
0x2bf: {  	v9 =	vmul.f32 v37, v26;
	v12 =	vadd.f32 v14, v12;
	v15 =	vsub.f32 v45, v46  }
0x2c0: {  	v58 =	vmul.f32 v47, v27;
	v2 =	vadd.f32 v36, v2;
	v10 =	vsub.f32 v25, v10  }
0x2c1: {  	v55 =	vld [tilespmem:s6+$0xFFFFFF20];
	v60 =	vmul.f32 v50, v27;
	v7 =	vadd.f32 v7, v38;
	v9 =	vadd.f32 v9, v11  }
0x2c2: {  	v14 =	vmul.f32 v48, v26;
	v26 =	vld [tilespmem:s19+$0x20];
	v17 =	vsub.f32 v25, v17;
	v12 =	vadd.f32 v12, v38  }
0x2c3: {  	v45 =	vld [tilespmem:$0x17AF0];
	v15 =	vsub.f32 v25, v15;
	v11 =	vmul.f32 v49, v27;
	v39 =	vmul.f32 v30, v19  }
0x2c4: {  	v46 =	vld [tilespmem:s19+$0xFFFFFF30];
	v10 =	vand.u32 $0x7FFFFFFF, v10;
	v7 =	vand.u32 $0x7FFFFFFF, v7;
	v9 =	vadd.f32 v9, v38  }
0x2c5: {  	v44 =	vld [tilespmem:$0x17A70];
	v51 =	vand.u32 $0x7FFFFFFF, v17;
	v12 =	vand.u32 $0x7FFFFFFF, v12;
	v11 =	vadd.f32 v13, v11  }
0x2c6: {  	v49 =	vld [tilespmem:s6+$0xFFFFFF30];
	v52 =	vand.u32 $0x7FFFFFFF, v15;
	v7 =	vadd.f32 v7, v10;
	v10 =	vadd.f32 v12, v51  }
0x2c7: {  	v17 =	vld [tilespmem:$0x17AE0];
	v12 =	vsub.f32 v59, v60;
	v9 =	vand.u32 $0x7FFFFFFF, v9;
	v8 =	vadd.f32 v11, v38  }
0x2c8: {  	v36 =	vmul.f32 v26, v19;
	v3 =	vadd.f32 v7, v3;
	v54 =	vadd.f32 v9, v52  }
0x2c9: {  	v28 =	vld [tilespmem:s6+$0x20];
	v20 =	vmul.f32 v46, v45;
	v6 =	vadd.f32 v10, v6;
	v10 =	vsub.f32 v56, v57  }
0x2ca: {  	v32 =	vld [tilespmem:s6+$0xA0];
	v7 =	vadd.f32 v14, v58;
	v9 =	vmul.f32 v55, v19;
	v12 =	vsub.f32 v25, v12  }
0x2cb: {  	v58 =	vmul.f32 v46, v44;
	v59 =	vmul.f32 v49, v45;
	v8 =	vand.u32 $0x7FFFFFFF, v8  }
0x2cc: {  	v61 =	vld [tilespmem:$0x17960];
	v4 =	vadd.f32 v54, v4;
	v63 =	vmul.f32 v55, v17;
	v10 =	vsub.f32 v25, v10  }
0x2cd: {  	v41 =	vld [tilespmem:s19+$0x120];
	v15 =	vmul.f32 v53, v17;
	v7 =	vadd.f32 v7, v38;
	v35 =	vmul.f32 v24, v17  }
0x2ce: {  	v42 =	vld [tilespmem:s6+$0x120];
	v27 =	vand.u32 $0x7FFFFFFF, v12;
	v37 =	vmul.f32 v28, v17;
	v38 =	vmul.f32 v26, v17  }
0x2cf: {  	v16 =	vld [tilespmem:$0x179E0];
	v12 =	vmul.f32 v28, v19;
	v40 =	vmul.f32 v32, v17;
	v8 =	vadd.f32 v8, v27  }
0x2d0: {  	v25 =	vld [tilespmem:s6+$0xFFFFFFA0];
	v23 =	vsub.f32 v62, v63;
	v9 =	vadd.f32 v9, v15;
	v10 =	vand.u32 $0x7FFFFFFF, v10  }
0x2d1: {  	v53 =	vld [tilespmem:s6+$0xFFFFFFB0];
	v7 =	vand.u32 $0x7FFFFFFF, v7;
	v43 =	vsub.f32 v39, v40;
	v63 =	vsub.f32 v58, v59  }
0x2d2: {  	v21 =	vld [tilespmem:s19+$0x30];
	v54 =	vmul.f32 v41, v19;
	v7 =	vadd.f32 v7, v10;
	v2 =	vadd.f32 v8, v2  }
0x2d3: {  	v51 =	vld [tilespmem:s19+$0xFFFFFFB0];
	v55 =	vmul.f32 v42, v17;
	v10 =	vsub.f32 v36, v37;
	v13 =	vsub.f32 v61, v23  }
0x2d4: {  	v56 =	vmul.f32 v41, v17;
	v9 =	vadd.f32 v9, v16;
	v15 =	vsub.f32 v61, v43  }
0x2d5: {  	v27 =	vld [tilespmem:s19+$0x130];
	v5 =	vadd.f32 v7, v5;
	v34 =	vmul.f32 v25, v17;
	v11 =	vmul.f32 v25, v19  }
0x2d6: {  	v10 =	vsub.f32 v61, v10;
	v62 =	vmul.f32 v53, v45;
	v29 =	vand.u32 $0x7FFFFFFF, v13  }
0x2d7: {  	v9 =	vand.u32 $0x7FFFFFFF, v9;
	v13 =	vmul.f32 v30, v17;
	v50 =	vand.u32 $0x7FFFFFFF, v15  }
0x2d8: {  	v15 =	vmul.f32 v51, v45;
	v30 =	vmul.f32 v21, v44;
	v8 =	vsub.f32 v33, v34  }
0x2d9: {  	v31 =	vadd.f32 v9, v29;
	v7 =	vadd.f32 v11, v35;
	v9 =	vmul.f32 v32, v19  }
0x2da: {  	v22 =	vld [tilespmem:s6+$0x30];
	v37 =	vmul.f32 v27, v44;
	v11 =	vadd.f32 v12, v38;
	v8 =	vsub.f32 v61, v8  }
0x2db: {  	v47 =	vand.u32 $0x7FFFFFFF, v10;
	v7 =	vadd.f32 v7, v16;
	v9 =	vadd.f32 v9, v13  }
0x2dc: {  	v12 =	vmul.f32 v42, v19;
	v29 =	vld [tilespmem:s6+$0x130];
	v32 =	vmul.f32 v21, v45;
	v11 =	vadd.f32 v11, v16  }
0x2dd: {  	v8 =	vand.u32 $0x7FFFFFFF, v8;
	v7 =	vand.u32 $0x7FFFFFFF, v7;
	v9 =	vadd.f32 v9, v16  }
0x2de: {  	v60 =	vld [tilespmem:$0x179F0];
	v48 =	vand.u32 $0x7FFFFFFF, v11;
	v11 =	vmul.f32 v49, v44;
	v7 =	vadd.f32 v7, v8  }
0x2df: {  	v23 =	vld [tilespmem:s19+$0xB0];
	v33 =	vmul.f32 v22, v44;
	v3 =	vadd.f32 v31, v3;
	v8 =	vadd.f32 v48, v47  }
0x2e0: {  	v57 =	vld [tilespmem:$0x17970];
	v9 =	vand.u32 $0x7FFFFFFF, v9;
	v11 =	vadd.f32 v11, v20;
	v6 =	vadd.f32 v7, v6  }
0x2e1: {  	v25 =	vld [tilespmem:s6+$0xB0];
	v38 =	vmul.f32 v29, v45;
	v52 =	vadd.f32 v9, v50;
	v4 =	vadd.f32 v8, v4  }
0x2e2: {  	v31 =	vmul.f32 v22, v45;
	v8 =	vsub.f32 v54, v55;
	v7 =	vadd.f32 v12, v56  }
0x2e3: {  	v9 =	vmul.f32 v53, v44;
	v39 =	vsub.f32 v37, v38;
	v11 =	vadd.f32 v11, v60  }
0x2e4: {  	v34 =	vmul.f32 v23, v44;
	v5 =	vadd.f32 v52, v5;
	v8 =	vsub.f32 v61, v8  }
0x2e5: {  	v61 =	vmul.f32 v51, v44;
	v7 =	vadd.f32 v7, v16;
	v9 =	vadd.f32 v9, v15  }
0x2e6: {  	v35 =	vmul.f32 v25, v45;
	v16 =	vsub.f32 v57, v63;
	v10 =	vsub.f32 v57, v39  }
0x2e7: {  	v11 =	vand.u32 $0x7FFFFFFF, v11;
	v14 =	vsub.f32 v61, v62;
	v8 =	vand.u32 $0x7FFFFFFF, v8  }
0x2e8: {  	v7 =	vand.u32 $0x7FFFFFFF, v7;
	v9 =	vadd.f32 v9, v60;
	v24 =	vand.u32 $0x7FFFFFFF, v16  }
0x2e9: {  	v36 =	vmul.f32 v23, v45;
	v7 =	vadd.f32 v7, v8;
	v8 =	vadd.f32 v11, v24  }
0x2ea: {  	v16 =	vmul.f32 v25, v44;
	v11 =	vsub.f32 v34, v35;
	v14 =	vsub.f32 v57, v14  }
0x2eb: {  	v9 =	vand.u32 $0x7FFFFFFF, v9;
	v2 =	vadd.f32 v7, v2;
	v3 =	vadd.f32 v8, v3  }
0x2ec: {  	v8 =	vsub.f32 v30, v31;
	v7 =	vadd.f32 v33, v32;
	v26 =	vand.u32 $0x7FFFFFFF, v14  }
0x2ed: {  	v14 =	vmul.f32 v27, v45;
	v28 =	vadd.f32 v9, v26;
	v9 =	vmul.f32 v29, v44  }
0x2ee: {  	v15 =	vadd.f32 v16, v36;
	v8 =	vsub.f32 v57, v8  }
0x2ef: {  	v7 =	vadd.f32 v7, v60;
	v9 =	vadd.f32 v9, v14  }
0x2f0: {  	v10 =	vand.u32 $0x7FFFFFFF, v10;
	v11 =	vsub.f32 v57, v11;
	v40 =	vadd.f32 v15, v60  }
0x2f1: {  	v8 =	vand.u32 $0x7FFFFFFF, v8;
	v7 =	vand.u32 $0x7FFFFFFF, v7;
	v9 =	vadd.f32 v9, v60  }
0x2f2: {  	v41 =	vand.u32 $0x7FFFFFFF, v11;
	v42 =	vand.u32 $0x7FFFFFFF, v40;
	v7 =	vadd.f32 v7, v8  }
0x2f3: {  	v6 =	vadd.f32 v28, v6;
	v8 =	vadd.f32 v42, v41;
	v9 =	vand.u32 $0x7FFFFFFF, v9  }
0x2f4: {  	[tilespmem:$0x17B00] =	vst v3;
	v4 =	vadd.f32 v7, v4;
	v43 =	vadd.f32 v9, v10  }
0x2f5: {  	v44 =	vld [tilespmem:$0x17B08];
	[tilespmem:$0x17B20] =	vst v6;
	v5 =	vadd.f32 v8, v5  }
0x2f6: {  	v45 =	vld [tilespmem:$0x17B28];
	[tilespmem:$0x17B40] =	vst v4;
	v2 =	vadd.f32 v43, v2  }
0x2f7: {  	[tilespmem:$0x17B60] =	vst v5;
	v46 =	vld [tilespmem:$0x17B48]  }
0x2f8: {  	v47 =	vld [tilespmem:$0x17B68];
	[tilespmem:$0x17B80] =	vst v2  }
0x2f9: {  	v48 =	vld [tilespmem:$0x17B88]  }
0x2fa: {  	v3 =	vadd.f32 v44, v3  }
0x2fb: {  	v6 =	vadd.f32 v45, v6  }
0x2fc: {  	[tilespmem:$0x17B00] =	vst v3;
	v4 =	vadd.f32 v46, v4  }
0x2fd: {  	v49 =	vld [tilespmem:$0x17B04];
	[tilespmem:$0x17B20] =	vst v6;
	v5 =	vadd.f32 v47, v5  }
0x2fe: {  	v50 =	vld [tilespmem:$0x17B24];
	[tilespmem:$0x17B40] =	vst v4;
	v2 =	vadd.f32 v48, v2  }
0x2ff: {  	[tilespmem:$0x17B60] =	vst v5;
	v51 =	vld [tilespmem:$0x17B44]  }
0x300: {  	v52 =	vld [tilespmem:$0x17B64];
	[tilespmem:$0x17B80] =	vst v2  }
0x301: {  	v53 =	vld [tilespmem:$0x17B84]  }
0x302: {  	v3 =	vadd.f32 v49, v3  }
0x303: {  	v6 =	vadd.f32 v50, v6  }
0x304: {  	[tilespmem:$0x17B00] =	vst v3;
	v4 =	vadd.f32 v51, v4  }
0x305: {  	v54 =	vld [tilespmem:$0x17B02];
	[tilespmem:$0x17B20] =	vst v6;
	v5 =	vadd.f32 v52, v5  }
0x306: {  	v55 =	vld [tilespmem:$0x17B22];
	[tilespmem:$0x17B40] =	vst v4;
	v2 =	vadd.f32 v53, v2  }
0x307: {  	[tilespmem:$0x17B60] =	vst v5;
	v56 =	vld [tilespmem:$0x17B42]  }
0x308: {  	v57 =	vld [tilespmem:$0x17B62];
	[tilespmem:$0x17B80] =	vst v2  }
0x309: {  	v58 =	vld [tilespmem:$0x17B82]  }
0x30a: {  	v3 =	vadd.f32 v54, v3  }
0x30b: {  	v6 =	vadd.f32 v55, v6  }
0x30c: {  	[tilespmem:$0x17B00] =	vst v3;
	v4 =	vadd.f32 v56, v4  }
0x30d: {  	v59 =	vld [tilespmem:$0x17B01];
	[tilespmem:$0x17B20] =	vst v6;
	v5 =	vadd.f32 v57, v5  }
0x30e: {  	v60 =	vld [tilespmem:$0x17B21];
	[tilespmem:$0x17B40] =	vst v4;
	v2 =	vadd.f32 v58, v2  }
0x30f: {  	[tilespmem:$0x17B60] =	vst v5;
	v61 =	vld [tilespmem:$0x17B41]  }
0x310: {  	v62 =	vld [tilespmem:$0x17B61];
	[tilespmem:$0x17B80] =	vst v2  }
0x311: {  	v63 =	vld [tilespmem:$0x17B81]  }
0x312: {  	s5 =	sand.u32 $0x3FFFFF80, s3;
	v3 =	vadd.f32 v59, v3  }
0x313: {  	s20 =	sand.u32 $0x3FFFFF80, s25;
	s22 =	sand.u32 $0x3FFFFF80, s15;
	s23 =	sshra.s32 s24, $0x2;
	v6 =	vadd.f32 v60, v6  }
0x314: {  	s28 =	sand.u32 $0x3FFFFF80, s26;
	p0 =	sne.s32 s24, $0xB4;
	s5 =	sadd.s32 s5, s10;
	v3 =	vnsel vm0, $0x0, v3;
	v4 =	vadd.f32 v61, v4  }
.Ltmp1:
0x315: {  	s20 =	sadd.s32 s20, s11;
	s5 =	sadd.s32 s23, s5;
	[tilespmem:v1+s23+$0x80 ss:$0x1] =	vst.idx.msk $0xffff, v3;
	v3 =	vnsel vm0, $0x0, v6;
	v5 =	vadd.f32 v62, v5;
	(pc) =	sbr.rel @p0 .LBB2_6-.Ltmp1, $4  }
0x316: {  	s26 =	sadd.s32 $0x5, s26;
	s22 =	sadd.s32 s22, s12;
	s29 =	sadd.s32 s23, s20;
	[tilespmem:s5+$0x0] =	vst v3;
	v3 =	vnsel vm0, $0x0, v4;
	v2 =	vadd.f32 v63, v2  }
0x317: {  	s3 =	sadd.s32 $0x5, s3;
	s28 =	sadd.s32 s28, s13;
	s30 =	sadd.s32 s23, s22;
	[tilespmem:s29+$0x0] =	vst v3;
	v3 =	vnsel vm0, $0x0, v5  }
0x318: {  	s25 =	sadd.s32 $0x5, s25;
	s15 =	sadd.s32 $0x5, s15;
	s31 =	sadd.s32 s23, s28;
	[tilespmem:s30+$0x0] =	vst v3;
	v2 =	vnsel vm0, $0x0, v2  }
0x319: {  	s24 =	sadd.s32 $0x14, s24;
	s19 =	sadd.s32 $0x280, s19;
	s6 =	sadd.s32 $0x280, s6;
	[tilespmem:s31+$0x0] =	vst v2  }
0x31a: {  	s17 =	sadd.s32 $0x1, s17  }
0x31b: {  	p0 =	sne.s32 s17, $0x10  }
.Ltmp2:
0x31c: {  	_ = 	snop;
	(pc) =	sbr.rel @p0 .LBB2_3-.Ltmp2, $4  }
0x31d: {  	_ = 	snop  }
0x31e: {  	s18 =	sadd.s32 $0x100, s18;
	s7 =	sadd.s32 $0x100, s7;
	s8 =	sadd.s32 $0x100, s8  }
0x31f: {  	s9 =	sadd.s32 $0x100, s9;
	s14 =	sadd.s32 $0x100, s14;
	s10 =	sadd.s32 $0x100, s10  }
0x320: {  	s11 =	sadd.s32 $0x100, s11;
	s12 =	sadd.s32 $0x100, s12;
	s13 =	sadd.s32 $0x100, s13  }
0x321: {  	s3 =	rddreg [dreg:$0x19]  }
0x322: {  	s18 =	rddreg [dreg:$0x10]  }
0x323: {  	s15 =	rddreg [dreg:$0x11]  }
0x324: {  	s19 =	rddreg [dreg:$0x12]  }
0x325: {  	s9 =	rddreg [dreg:$0x13]  }
0x326: {  	s14 =	rddreg [dreg:$0x18]  }
0x327: {  	s10 =	rddreg [dreg:$0x14];
	s3 =	sadd.s32 $0x1, s3  }
0x328: {  	s11 =	rddreg [dreg:$0x15];
	p0 =	sne.s32 s3, $0x4  }
.Ltmp3:
0x329: {  	s12 =	rddreg [dreg:$0x16];
	(pc) =	sbr.rel @p0 .LBB2_2-.Ltmp3, $4  }
0x32a: {  	s13 =	rddreg [dreg:$0x17]  }
0x32b: {  	s18 =	sadd.s32 $0x1000, s18;
	s15 =	sadd.s32 $0x1000, s15;
	s19 =	sadd.s32 $0x1000, s19  }
0x32c: {  	s9 =	sadd.s32 $0x1000, s9;
	s14 =	sadd.s32 $0x1000, s14;
	s10 =	sadd.s32 $0x1000, s10  }
0x32d: {  	s11 =	sadd.s32 $0x1000, s11;
	s12 =	sadd.s32 $0x1000, s12;
	s13 =	sadd.s32 $0x1000, s13  }
0x32e: {  	s3 =	simm.s32 $0x2  }
0x32f: {  	_ =	swait.ge [sflag:s3], $0x1900  }
0x330: {  	[sflag:s3] =	ssyncset.done $0x0  }
0x331: {  	s29 =	simm.s32 $0x3;
	[sflag:s3] =	ssyncadd.s32 $0xFFFFE700  }
0x332: {  	_ =	swait.ge [sflag:s29], $0x1900  }
0x333: {  	s9 =	simm.s32 $0x0;
	[sflag:s29] =	ssyncset.done $0x0  }
0x334: {  	s5 =	simm.s32 $0x13900;
	s30 =	rddreg [dreg:$0xd];
	[sflag:s29] =	ssyncadd.s32 $0xFFFFE700  }
0x335: {  	[hbm4b:s30+s9] =	stream.linear.scatter [tilespmem:s5], [sflag:$0x6], $0x4000, $0x38;
	[tilespmem:$0x17C00] =	vst v63  }
0x336: {  	s5 =	simm.s32 $0x6  }
0x337: {  	_ =	swait.ge [sflag:s5], $0x4000  }
0x338: {  	s6 =	rddreg [dreg:$0xf]  }
0x339: {  	s31 =	rddreg [dreg:$0xe];
	s6 =	sadd.s32 $0x1, s6  }
0x33a: {  	p0 =	sne.s32 s6, s31  }
.Ltmp4:
0x33b: {  	_ = 	snop;
	(pc) =	sbr.rel @p0 .LBB2_1-.Ltmp4, $3  }
0x33c: {  	_ =	sdelay $0x1  }
0x33d: {  	[sflag:s5] =	ssyncset.done $0x0  }
0x33e: {  	[sflag:s5] =	ssyncadd.s32 $0xFFFFC000  }
0x33f: {  	_ =	sfence.sel $0x180000  }
0x340: {  	[bflag:$0x0] =	sbarrier.arrive $0xFFFF  }
0x341: {  	_ =	strace $0x90000047  }
0x342: {  	s0 =	stileid.u32;
	[bflag:$0x2] =	sbarrier.arrive $0xFFFF  }
0x343: {  	p0 =	sne.s32 s0, $0x0;
	s0 =	rddreg [dreg:$0x6]  }
0x344: {  	s0 =	sadd.s32 @!p0 $0x100000, s0  }
0x345: {  	[sflag:s0] =	ssyncadd.tile.s32 @!p0 $0x1;
	_ =	shalt  }
.Lfunc_end2:
_tile_overlayer_lowered:
.L_overlay_start_2:
0x346: {  	(tag) =	ssettag $0x2  }
0x347: {  	s0 =	rddreg [dreg:$0x0];
	s2 =	stileid.u32  }
0x348: {  	s1 =	rddreg [dreg:$0x1];
	p0 =	sne.s32 s2, $0x0  }
0x349: {  	s3 =	rddreg [dreg:$0x2];
	[bflag:$0x3] =	sbarrier.arrive $0xFFFF;
	s2 =	simm.s32 @!p0 $0x1C06  }
0x34a: {  	[timem:s3], [sflag:s2] =	dma.local @!p0 [hbm:s0], s1  }
0x34b: {  	s0 =	simm.s32 @!p0 $0x6  }
0x34c: {  	_ =	swait.ge @!p0 [sflag:s0], s1  }
0x34d: {  	s1 =	ssub.s32 @!p0 $0x0, s1;
	[sflag:s0] =	ssyncset.done @!p0 $0x0  }
0x34e: {  	[sflag:s0] =	ssyncadd.s32 @!p0 s1  }
0x34f: {  	[bflag:$0x3] =	sbarrier.arrive $0xFFFF  }
0x350: {  	_ =	shalt  }

</sc_bundles>
